<compile_context>
chip_gen: v7x
topology: tpu7x:2x2x1
jax: 0.10.2.dev20260603
libtpu: 0.0.44.dev20260713+nightly
codegen_flags: <defaults>
</compile_context>

<pallas_src>
import jax
import jax.numpy as jnp
from jax import lax
from jax.experimental import pallas as pl
from jax.experimental.pallas import tpu as pltpu
from jax.experimental.pallas import tpu_sc as plsc

N = 10000
D = 128
E = 320000

NC = 2
NS = 16
NW = NC * NS
K = 64
CH = 160
EPW = K * CH
EPAD = EPW * NW
NPAD = 10240
SINK = NPAD - N
ZROWS = NPAD // NS
OROWS = 624
DW = 16
NBUF = 4
LAG = 4

_mesh = plsc.VectorSubcoreMesh(core_axis_name="c", subcore_axis_name="s")


def _deg_body(dst_hbm, out_hbm, dbuf_v, hist_v, tmp_v, res_v, hists_sh):
    c = lax.axis_index("c")
    s = lax.axis_index("s")
    wid = s * NC + c
    seg = NPAD // NS

    pltpu.sync_copy(dst_hbm.at[pl.ds(wid * EPW, EPW)], dbuf_v)

    def _z(i, carry):
        hist_v[pl.ds(i * 16, 16)] = jnp.zeros((16,), jnp.float32)
        return carry

    lax.fori_loop(0, NPAD // 16, _z, 0)

    ones16 = jnp.ones((16,), jnp.float32)

    def _hrow(r, carry):
        for q in range(4):
            idx = dbuf_v[pl.ds((r * 4 + q) * 16, 16)]
            plsc.addupdate_scatter(hist_v, [idx], ones16)
        return carry

    lax.fori_loop(0, EPW // 64, _hrow, 0)

    pltpu.sync_copy(hist_v, hists_sh.at[s])
    plsc.subcore_barrier()
    for t in range(NS):
        pltpu.sync_copy(hists_sh.at[t, pl.ds(s * seg, seg)], tmp_v.at[t])

    def _r(v, carry):
        acc = jnp.zeros((16,), jnp.float32)
        for t in range(NS):
            acc = acc + tmp_v[t, pl.ds(v * 16, 16)]
        res_v[pl.ds(v * 16, 16)] = acc
        return carry

    lax.fori_loop(0, seg // 16, _r, 0)
    pltpu.sync_copy(res_v, out_hbm.at[c, s])


_deg_kernel = pl.kernel(
    _deg_body,
    out_type=jax.ShapeDtypeStruct((NC, NS, NPAD // NS), jnp.float32),
    mesh=_mesh,
    scratch_types=[
        pltpu.VMEM((EPW,), jnp.int32),
        pltpu.VMEM((NPAD,), jnp.float32),
        pltpu.VMEM((NS, NPAD // NS), jnp.float32),
        pltpu.VMEM((NPAD // NS,), jnp.float32),
        pltpu.VMEM_SHARED((NS, NPAD), jnp.float32),
    ],
    compiler_params=pltpu.CompilerParams(needs_layout_passes=False),
)


def _edge_body(g_hbm, src_hbm, dst_hbm, out_hbm, sbuf, dbuf,
               rows_v, acc_sh, isem0, isem1, isem2, isem3, gsem0, gsem1,
               gsem2, gsem3, ssem0, ssem1, ssem2, ssem3, zsem):
    isem = (isem0, isem1, isem2, isem3)
    gsem = (gsem0, gsem1, gsem2, gsem3)
    ssem = (ssem0, ssem1, ssem2, ssem3)
    c = lax.axis_index("c")
    s = lax.axis_index("s")

    wid = 2 * s + c

    def _zrow(i, carry):
        for j in range(D // 16):
            rows_v[0, i, pl.ds(j * 16, 16)] = jnp.zeros((16,), jnp.float32)
        return carry

    lax.fori_loop(0, K, _zrow, 0)
    for m in range(ZROWS // K):
        pltpu.async_copy(rows_v.at[0], acc_sh.at[pl.ds(s * ZROWS + m * K, K)],
                         zsem)
    for m in range(ZROWS // K):
        pltpu.make_async_copy(rows_v.at[0],
                              acc_sh.at[pl.ds(s * ZROWS + m * K, K)],
                              zsem).wait()
    plsc.subcore_barrier()

    _run_pipeline(g_hbm, src_hbm, dst_hbm, sbuf, dbuf, rows_v, acc_sh,
                  isem, gsem, ssem, wid * EPW, CH)

    _edge_out(out_hbm, acc_sh, c, s)


def _run_pipeline(g_hbm, src_hbm, dst_hbm, sbuf, dbuf, rows_v, acc_sh,
                  isem, gsem, ssem, ebase, nch):
    def _idx_start(j, b):
        pltpu.async_copy(src_hbm.at[pl.ds(ebase + j * K, K)], sbuf.at[b],
                         isem[b])
        pltpu.async_copy(dst_hbm.at[pl.ds(ebase + j * K, K)], dbuf.at[b],
                         isem[b])

    def _idx_wait(j, b):
        pltpu.make_async_copy(src_hbm.at[pl.ds(ebase + j * K, K)], sbuf.at[b],
                              isem[b]).wait()
        pltpu.make_async_copy(dst_hbm.at[pl.ds(ebase + j * K, K)], dbuf.at[b],
                              isem[b]).wait()

    for b in range(NBUF):
        _idx_start(b, b)
    for b in range(NBUF):
        _idx_wait(b, b)
        pltpu.async_copy(g_hbm.at[sbuf.at[b]], rows_v.at[b], gsem[b])

    def _cycle(g, carry):
        for b in range(NBUF):
            pltpu.make_async_copy(g_hbm.at[sbuf.at[b]], rows_v.at[b],
                                  gsem[b]).wait()
            pltpu.async_copy(rows_v.at[b], acc_sh.at[dbuf.at[b]], ssem[b],
                             add=True)

        for b in range(NBUF):
            jn = (g + 1) * NBUF + b

            @pl.when(jn < nch)
            def _(b=b, jn=jn):
                pltpu.make_async_copy(rows_v.at[b], acc_sh.at[dbuf.at[b]],
                                      ssem[b]).wait()
                _idx_start(jn, b)
                _idx_wait(jn, b)
                pltpu.async_copy(g_hbm.at[sbuf.at[b]], rows_v.at[b], gsem[b])

        return carry

    lax.fori_loop(0, nch // NBUF, _cycle, 0)
    for b in range(NBUF):
        pltpu.make_async_copy(rows_v.at[b], acc_sh.at[dbuf.at[b]],
                              ssem[b]).wait()


def _edge_out(out_hbm, acc_sh, c, s):
    plsc.subcore_barrier()

    pltpu.sync_copy(acc_sh.at[pl.ds(s * OROWS, OROWS)],
                    out_hbm.at[c, pl.ds(s * OROWS, OROWS)])

    @pl.when(s == NS - 1)
    def _tail():
        pltpu.sync_copy(acc_sh.at[pl.ds(NS * OROWS, N - NS * OROWS)],
                        out_hbm.at[c, pl.ds(NS * OROWS, N - NS * OROWS)])


_edge_kernel = pl.kernel(
    _edge_body,
    out_type=jax.ShapeDtypeStruct((NC, N, D), jnp.float32),
    mesh=_mesh,
    scratch_types=[
        pltpu.VMEM((NBUF, K), jnp.int32),
        pltpu.VMEM((NBUF, K), jnp.int32),
        pltpu.VMEM((NBUF, K, D), jnp.float32),
        pltpu.VMEM_SHARED((NPAD, D), jnp.float32),
    ] + [pltpu.SemaphoreType.DMA] * (3 * NBUF + 1),
)


R = 1000


def _tc1_body(x_ref, w1_ref, p_ref, h_ref, g_ref, dinv_ref):
    p = p_ref[...]
    deg = 1.0 + p[0, :, 0:1] + p[1, :, 0:1]
    dinv = lax.rsqrt(deg)
    h = jnp.dot(x_ref[...], w1_ref[...], preferred_element_type=jnp.float32)
    h_ref[...] = h
    g_ref[...] = h * dinv
    dinv_ref[...] = dinv


def _tc1(x, W1, p):
    return pl.pallas_call(
        _tc1_body,
        grid=(N // R,),
        in_specs=[
            pl.BlockSpec((R, D), lambda i: (i, 0)),
            pl.BlockSpec((D, D), lambda i: (0, 0)),
            pl.BlockSpec((NC, R, 1), lambda i: (0, i, 0)),
        ],
        out_specs=[
            pl.BlockSpec((R, D), lambda i: (i, 0)),
            pl.BlockSpec((R, D), lambda i: (i, 0)),
            pl.BlockSpec((R, 1), lambda i: (i, 0)),
        ],
        out_shape=[
            jax.ShapeDtypeStruct((N, D), jnp.float32),
            jax.ShapeDtypeStruct((N, D), jnp.float32),
            jax.ShapeDtypeStruct((N, 1), jnp.float32),
        ],
    )(x, W1, p)


def _tc2_body(acc_ref, h1_ref, dinv_ref, b1_ref, w2_ref, h2_ref, g2_ref):
    dinv = dinv_ref[...]
    a = acc_ref[0] + acc_ref[1]
    z = jnp.maximum(a * dinv + h1_ref[...] * (dinv * dinv) + b1_ref[...], 0.0)
    h2 = jnp.dot(z, w2_ref[...], preferred_element_type=jnp.float32)
    h2_ref[...] = h2
    g2_ref[...] = h2 * dinv


def _tc2(acc, h1, dinv, b1, W2):
    return pl.pallas_call(
        _tc2_body,
        grid=(N // R,),
        in_specs=[
            pl.BlockSpec((NC, R, D), lambda i: (0, i, 0)),
            pl.BlockSpec((R, D), lambda i: (i, 0)),
            pl.BlockSpec((R, 1), lambda i: (i, 0)),
            pl.BlockSpec((1, D), lambda i: (0, 0)),
            pl.BlockSpec((D, D), lambda i: (0, 0)),
        ],
        out_specs=[
            pl.BlockSpec((R, D), lambda i: (i, 0)),
            pl.BlockSpec((R, D), lambda i: (i, 0)),
        ],
        out_shape=[
            jax.ShapeDtypeStruct((N, D), jnp.float32),
            jax.ShapeDtypeStruct((N, D), jnp.float32),
        ],
    )(acc, h1, dinv, b1, W2)


def _tc3_body(acc_ref, h2_ref, dinv_ref, b2_ref, fw1_ref, fb1_ref, fw2_ref,
              fb2_ref, out_ref):
    dinv = dinv_ref[...]
    a = acc_ref[0] + acc_ref[1]
    z = jnp.maximum(a * dinv + h2_ref[...] * (dinv * dinv) + b2_ref[...], 0.0)
    t = jnp.maximum(
        jnp.dot(z, fw1_ref[...], preferred_element_type=jnp.float32)
        + fb1_ref[...], 0.0)
    out_ref[...] = (
        jnp.dot(t, fw2_ref[...], preferred_element_type=jnp.float32)
        + fb2_ref[...])


def _tc3(acc, h2, dinv, b2, fcW1, fcb1, fcW2, fcb2):
    return pl.pallas_call(
        _tc3_body,
        grid=(N // R,),
        in_specs=[
            pl.BlockSpec((NC, R, D), lambda i: (0, i, 0)),
            pl.BlockSpec((R, D), lambda i: (i, 0)),
            pl.BlockSpec((R, 1), lambda i: (i, 0)),
            pl.BlockSpec((1, D), lambda i: (0, 0)),
            pl.BlockSpec((D, D), lambda i: (0, 0)),
            pl.BlockSpec((1, D), lambda i: (0, 0)),
            pl.BlockSpec((D, D), lambda i: (0, 0)),
            pl.BlockSpec((1, D), lambda i: (0, 0)),
        ],
        out_specs=pl.BlockSpec((R, D), lambda i: (i, 0)),
        out_shape=jax.ShapeDtypeStruct((N, D), jnp.float32),
    )(acc, h2, dinv, b2, fcW1, fcb1, fcW2, fcb2)


def kernel(x, edge_index, W1, b1, W2, b2, fcW1, fcb1, fcW2, fcb2):
    src = edge_index[0]
    dst = edge_index[1]
    pad = EPAD - E
    ar = jnp.arange(pad, dtype=jnp.int32)
    src_p = jnp.concatenate([src, ar % N])
    dst_p = jnp.concatenate([dst, N + ar % SINK])
    dst3 = dst_p.reshape(NW, CH, K)

    p = _deg_kernel(dst_p)
    p = p.reshape(NC, NPAD)[:, :N].reshape(NC, N, 1)
    h1, g1, dinv = _tc1(x, W1, p)
    acc1 = _edge_kernel(g1, src_p, dst_p)
    h2, g2 = _tc2(acc1, h1, dinv, b1.reshape(1, D), W2)
    acc2 = _edge_kernel(g2, src_p, dst_p)
    return _tc3(acc2, h2, dinv, b2.reshape(1, D), fcW1, fcb1.reshape(1, D),
                fcW2, fcb2.reshape(1, D))

# --- scband reference (transcript-rebuilt; emitter-appended) ---
"""Pipeline reference for scband-gcnlink-prediction-50723563765964 (READ-ONLY COPY).

The authoritative reference and input builder live on the scoring server;
editing this copy changes nothing except your own understanding.
"""

import jax, jax.numpy as jnp
import numpy as np

N_NODES = 10000
N_EDGES = 320000
FEAT_DIM = 128
HIDDEN_DIM = 128
EMBED_DIM = 128


def _xavier(key, shape):
    fan_in, fan_out = shape[0], shape[1]
    limit = float(np.sqrt(6.0 / (fan_in + fan_out)))
    return jax.random.uniform(key, shape, minval=-limit, maxval=limit, dtype=jnp.float32)


def setup_inputs(seed: int = 0) -> dict:
    key = jax.random.key(seed)
    ks = jax.random.split(key, 8)
    x = jax.random.normal(ks[0], (N_NODES, FEAT_DIM), dtype=jnp.float32)
    edge_index = jax.random.randint(ks[1], (2, N_EDGES), 0, N_NODES, dtype=jnp.int64 if jax.config.jax_enable_x64 else jnp.int32).astype(jnp.int32)
    # GCNConv weights (in, out) convention: h = x @ W + b
    W1 = _xavier(ks[2], (FEAT_DIM, HIDDEN_DIM))
    b1 = jnp.zeros((HIDDEN_DIM,), dtype=jnp.float32)
    W2 = _xavier(ks[3], (HIDDEN_DIM, EMBED_DIM))
    b2 = jnp.zeros((EMBED_DIM,), dtype=jnp.float32)
    # fc: Linear(embed, hidden) -> ReLU -> Linear(hidden, embed)
    fcW1 = _xavier(ks[4], (EMBED_DIM, HIDDEN_DIM))
    fcb1 = jnp.zeros((HIDDEN_DIM,), dtype=jnp.float32)
    fcW2 = _xavier(ks[5], (HIDDEN_DIM, EMBED_DIM))
    fcb2 = jnp.zeros((EMBED_DIM,), dtype=jnp.float32)
    return {"x": x, "edge_index": edge_index, "W1": W1, "b1": b1, "W2": W2, "b2": b2,
            "fcW1": fcW1, "fcb1": fcb1, "fcW2": fcW2, "fcb2": fcb2}


def _gcn_conv(x, src, dst, W, b, n_nodes):
    # PyG GCNConv: linear transform, add self-loops, symmetric normalization, scatter-add, bias
    h = x @ W
    loops = jnp.arange(n_nodes, dtype=src.dtype)
    src2 = jnp.concatenate([src, loops])
    dst2 = jnp.concatenate([dst, loops])
    ones = jnp.ones(src2.shape[0], dtype=x.dtype)
    deg = jnp.zeros((n_nodes,), dtype=x.dtype).at[dst2].add(ones)
    dinv = jnp.where(deg > 0, jax.lax.rsqrt(deg), 0.0)
    norm = dinv[src2] * dinv[dst2]
    msg = h[src2] * norm[:, None]
    out = jnp.zeros((n_nodes, h.shape[1]), dtype=x.dtype).at[dst2].add(msg)
    return out + b


def reference(x, edge_index, W1, b1, W2, b2, fcW1, fcb1, fcW2, fcb2):
    n = x.shape[0]
    src, dst = edge_index[0], edge_index[1]
    # input GCN layer + ReLU (dropout is identity in eval mode)
    h = jax.nn.relu(_gcn_conv(x, src, dst, W1, b1, n))
    # output GCN layer + ReLU
    h = jax.nn.relu(_gcn_conv(h, src, dst, W2, b2, n))
    # fc head: Linear -> ReLU -> Linear
    h = jax.nn.relu(h @ fcW1 + fcb1)
    out = h @ fcW2 + fcb2
    return out

if __name__ == "__main__":
    import jax
    _d = setup_inputs()
    print(jax.jit(kernel)(*tuple(_d.values())))

</pallas_src>

<mosaic_0001>
#map = affine_map<(d0, d1) -> (0, 0)>
#map1 = affine_map<(d0, d1) -> (0)>
#map2 = affine_map<(d0, d1) -> (0, 0, 0)>
module attributes {stable_mosaic.version = 14 : i64} {
  func.func @_edge_body(%arg0: i32, %arg1: i32, %arg2: memref<10000x128xf32, #tpu.memory_space<hbm>>, %arg3: memref<327680xi32, #tpu.memory_space<hbm>>, %arg4: memref<327680xi32, #tpu.memory_space<hbm>>, %arg5: memref<2x10000x128xf32, #tpu.memory_space<hbm>>, %arg6: memref<4x64xi32, #tpu.memory_space<vmem>>, %arg7: memref<4x64xi32, #tpu.memory_space<vmem>>, %arg8: memref<4x64x128xf32, #tpu.memory_space<vmem>>, %arg9: memref<10240x128xf32, #tpu.memory_space<vmem_shared>>, %arg10: memref<!tpu.dma_semaphore, #tpu.memory_space<semaphore_mem>>, %arg11: memref<!tpu.dma_semaphore, #tpu.memory_space<semaphore_mem>>, %arg12: memref<!tpu.dma_semaphore, #tpu.memory_space<semaphore_mem>>, %arg13: memref<!tpu.dma_semaphore, #tpu.memory_space<semaphore_mem>>, %arg14: memref<!tpu.dma_semaphore, #tpu.memory_space<semaphore_mem>>, %arg15: memref<!tpu.dma_semaphore, #tpu.memory_space<semaphore_mem>>, %arg16: memref<!tpu.dma_semaphore, #tpu.memory_space<semaphore_mem>>, %arg17: memref<!tpu.dma_semaphore, #tpu.memory_space<semaphore_mem>>, %arg18: memref<!tpu.dma_semaphore, #tpu.memory_space<semaphore_mem>>, %arg19: memref<!tpu.dma_semaphore, #tpu.memory_space<semaphore_mem>>, %arg20: memref<!tpu.dma_semaphore, #tpu.memory_space<semaphore_mem>>, %arg21: memref<!tpu.dma_semaphore, #tpu.memory_space<semaphore_mem>>, %arg22: memref<!tpu.dma_semaphore, #tpu.memory_space<semaphore_mem>>) attributes {dimension_semantics = [#tpu.dimension_semantics<core_parallel>, #tpu.dimension_semantics<subcore_parallel>], iteration_bounds = array<i64: 2, 16>, scalar_prefetch = 0 : i64, scratch_operands = 17 : i64, tpu.core_type = #tpu.core_type<sc_vector_subcore>, window_params = [{transform_indices = #map}, {transform_indices = #map1}, {transform_indices = #map1}, {transform_indices = #map2}]} {
    %mul3A = arith.constant 2 : i32
    %mul3A_0 = arith.muli %mul3A, %arg1 : i32
    %add3A = arith.addi %mul3A_0, %arg0 : i32
    %scan3A = arith.constant 0 : i32
    %scan3A_1 = arith.constant 0 : i32
    %scan3A_2 = arith.constant 64 : i32
    %scan3A_3 = arith.addi %scan3A_1, %scan3A_2 : i32
    %scan3A_4 = arith.constant 1 : i32
    scf.for %scan3A_631 = %scan3A_1 to %scan3A_3 step %scan3A_4  : i32 {
      %broadcast_in_dim3A = arith.constant 0.000000e+00 : f32
      %broadcast_in_dim3A_632 = vector.broadcast %broadcast_in_dim3A : f32 to vector<16xf32>
      %swap3A = arith.constant 0 : i32
      %swap3A_633 = arith.index_cast %swap3A : i32 to index
      %swap3A_634 = arith.index_cast %scan3A_631 : i32 to index
      %swap3A_635 = arith.constant 0 : index
      %swap3A_636 = tpu.vector_load %arg8[%swap3A_633, %swap3A_634, %swap3A_635] {strides = array<i32>} : memref<4x64x128xf32, #tpu.memory_space<vmem>>, vector<1x1x16xf32>,
      %swap3A_637 = vector.shape_cast %swap3A_636 : vector<1x1x16xf32> to vector<16xf32>
      %swap3A_638 = vector.shape_cast %broadcast_in_dim3A_632 : vector<16xf32> to vector<1x1x16xf32>
      tpu.vector_store %arg8[%swap3A_633, %swap3A_634, %swap3A_635], %swap3A_638 {strides = array<i32>} : memref<4x64x128xf32, #tpu.memory_space<vmem>>, vector<1x1x16xf32>,
      %broadcast_in_dim3A_639 = arith.constant 0.000000e+00 : f32
      %broadcast_in_dim3A_640 = vector.broadcast %broadcast_in_dim3A_639 : f32 to vector<16xf32>
      %swap3A_641 = arith.constant 0 : i32
      %swap3A_642 = arith.index_cast %swap3A_641 : i32 to index
      %swap3A_643 = arith.index_cast %scan3A_631 : i32 to index
      %swap3A_644 = arith.constant 16 : index
      %swap3A_645 = tpu.vector_load %arg8[%swap3A_642, %swap3A_643, %swap3A_644] {strides = array<i32>} : memref<4x64x128xf32, #tpu.memory_space<vmem>>, vector<1x1x16xf32>,
      %swap3A_646 = vector.shape_cast %swap3A_645 : vector<1x1x16xf32> to vector<16xf32>
      %swap3A_647 = vector.shape_cast %broadcast_in_dim3A_640 : vector<16xf32> to vector<1x1x16xf32>
      tpu.vector_store %arg8[%swap3A_642, %swap3A_643, %swap3A_644], %swap3A_647 {strides = array<i32>} : memref<4x64x128xf32, #tpu.memory_space<vmem>>, vector<1x1x16xf32>,
      %broadcast_in_dim3A_648 = arith.constant 0.000000e+00 : f32
      %broadcast_in_dim3A_649 = vector.broadcast %broadcast_in_dim3A_648 : f32 to vector<16xf32>
      %swap3A_650 = arith.constant 0 : i32
      %swap3A_651 = arith.index_cast %swap3A_650 : i32 to index
      %swap3A_652 = arith.index_cast %scan3A_631 : i32 to index
      %swap3A_653 = arith.constant 32 : index
      %swap3A_654 = tpu.vector_load %arg8[%swap3A_651, %swap3A_652, %swap3A_653] {strides = array<i32>} : memref<4x64x128xf32, #tpu.memory_space<vmem>>, vector<1x1x16xf32>,
      %swap3A_655 = vector.shape_cast %swap3A_654 : vector<1x1x16xf32> to vector<16xf32>
      %swap3A_656 = vector.shape_cast %broadcast_in_dim3A_649 : vector<16xf32> to vector<1x1x16xf32>
      tpu.vector_store %arg8[%swap3A_651, %swap3A_652, %swap3A_653], %swap3A_656 {strides = array<i32>} : memref<4x64x128xf32, #tpu.memory_space<vmem>>, vector<1x1x16xf32>,
      %broadcast_in_dim3A_657 = arith.constant 0.000000e+00 : f32
      %broadcast_in_dim3A_658 = vector.broadcast %broadcast_in_dim3A_657 : f32 to vector<16xf32>
      %swap3A_659 = arith.constant 0 : i32
      %swap3A_660 = arith.index_cast %swap3A_659 : i32 to index
      %swap3A_661 = arith.index_cast %scan3A_631 : i32 to index
      %swap3A_662 = arith.constant 48 : index
      %swap3A_663 = tpu.vector_load %arg8[%swap3A_660, %swap3A_661, %swap3A_662] {strides = array<i32>} : memref<4x64x128xf32, #tpu.memory_space<vmem>>, vector<1x1x16xf32>,
      %swap3A_664 = vector.shape_cast %swap3A_663 : vector<1x1x16xf32> to vector<16xf32>
      %swap3A_665 = vector.shape_cast %broadcast_in_dim3A_658 : vector<16xf32> to vector<1x1x16xf32>
      tpu.vector_store %arg8[%swap3A_660, %swap3A_661, %swap3A_662], %swap3A_665 {strides = array<i32>} : memref<4x64x128xf32, #tpu.memory_space<vmem>>, vector<1x1x16xf32>,
      %broadcast_in_dim3A_666 = arith.constant 0.000000e+00 : f32
      %broadcast_in_dim3A_667 = vector.broadcast %broadcast_in_dim3A_666 : f32 to vector<16xf32>
      %swap3A_668 = arith.constant 0 : i32
      %swap3A_669 = arith.index_cast %swap3A_668 : i32 to index
      %swap3A_670 = arith.index_cast %scan3A_631 : i32 to index
      %swap3A_671 = arith.constant 64 : index
      %swap3A_672 = tpu.vector_load %arg8[%swap3A_669, %swap3A_670, %swap3A_671] {strides = array<i32>} : memref<4x64x128xf32, #tpu.memory_space<vmem>>, vector<1x1x16xf32>,
      %swap3A_673 = vector.shape_cast %swap3A_672 : vector<1x1x16xf32> to vector<16xf32>
      %swap3A_674 = vector.shape_cast %broadcast_in_dim3A_667 : vector<16xf32> to vector<1x1x16xf32>
      tpu.vector_store %arg8[%swap3A_669, %swap3A_670, %swap3A_671], %swap3A_674 {strides = array<i32>} : memref<4x64x128xf32, #tpu.memory_space<vmem>>, vector<1x1x16xf32>,
      %broadcast_in_dim3A_675 = arith.constant 0.000000e+00 : f32
      %broadcast_in_dim3A_676 = vector.broadcast %broadcast_in_dim3A_675 : f32 to vector<16xf32>
      %swap3A_677 = arith.constant 0 : i32
      %swap3A_678 = arith.index_cast %swap3A_677 : i32 to index
      %swap3A_679 = arith.index_cast %scan3A_631 : i32 to index
      %swap3A_680 = arith.constant 80 : index
      %swap3A_681 = tpu.vector_load %arg8[%swap3A_678, %swap3A_679, %swap3A_680] {strides = array<i32>} : memref<4x64x128xf32, #tpu.memory_space<vmem>>, vector<1x1x16xf32>,
      %swap3A_682 = vector.shape_cast %swap3A_681 : vector<1x1x16xf32> to vector<16xf32>
      %swap3A_683 = vector.shape_cast %broadcast_in_dim3A_676 : vector<16xf32> to vector<1x1x16xf32>
      tpu.vector_store %arg8[%swap3A_678, %swap3A_679, %swap3A_680], %swap3A_683 {strides = array<i32>} : memref<4x64x128xf32, #tpu.memory_space<vmem>>, vector<1x1x16xf32>,
      %broadcast_in_dim3A_684 = arith.constant 0.000000e+00 : f32
      %broadcast_in_dim3A_685 = vector.broadcast %broadcast_in_dim3A_684 : f32 to vector<16xf32>
      %swap3A_686 = arith.constant 0 : i32
      %swap3A_687 = arith.index_cast %swap3A_686 : i32 to index
      %swap3A_688 = arith.index_cast %scan3A_631 : i32 to index
      %swap3A_689 = arith.constant 96 : index
      %swap3A_690 = tpu.vector_load %arg8[%swap3A_687, %swap3A_688, %swap3A_689] {strides = array<i32>} : memref<4x64x128xf32, #tpu.memory_space<vmem>>, vector<1x1x16xf32>,
      %swap3A_691 = vector.shape_cast %swap3A_690 : vector<1x1x16xf32> to vector<16xf32>
      %swap3A_692 = vector.shape_cast %broadcast_in_dim3A_685 : vector<16xf32> to vector<1x1x16xf32>
      tpu.vector_store %arg8[%swap3A_687, %swap3A_688, %swap3A_689], %swap3A_692 {strides = array<i32>} : memref<4x64x128xf32, #tpu.memory_space<vmem>>, vector<1x1x16xf32>,
      %broadcast_in_dim3A_693 = arith.constant 0.000000e+00 : f32
      %broadcast_in_dim3A_694 = vector.broadcast %broadcast_in_dim3A_693 : f32 to vector<16xf32>
      %swap3A_695 = arith.constant 0 : i32
      %swap3A_696 = arith.index_cast %swap3A_695 : i32 to index
      %swap3A_697 = arith.index_cast %scan3A_631 : i32 to index
      %swap3A_698 = arith.constant 112 : index
      %swap3A_699 = tpu.vector_load %arg8[%swap3A_696, %swap3A_697, %swap3A_698] {strides = array<i32>} : memref<4x64x128xf32, #tpu.memory_space<vmem>>, vector<1x1x16xf32>,
      %swap3A_700 = vector.shape_cast %swap3A_699 : vector<1x1x16xf32> to vector<16xf32>
      %swap3A_701 = vector.shape_cast %broadcast_in_dim3A_694 : vector<16xf32> to vector<1x1x16xf32>
      tpu.vector_store %arg8[%swap3A_696, %swap3A_697, %swap3A_698], %swap3A_701 {strides = array<i32>} : memref<4x64x128xf32, #tpu.memory_space<vmem>>, vector<1x1x16xf32>,
    }
    %scan3A_5 = arith.constant 64 : i32
    %mul3A_6 = arith.constant 640 : i32
    %mul3A_7 = arith.muli %arg1, %mul3A_6 : i32
    %add3A_8 = arith.constant 0 : i32
    %add3A_9 = arith.addi %mul3A_7, %add3A_8 : i32
    %dma_start3A = arith.constant 0 : i32
    %dma_start3A_10 = arith.constant 0 : i32
    %dma_start3A_11 = arith.constant 0 : i32
    %dma_start3A_12 = tpu.memref_slice %arg8[%dma_start3A, %dma_start3A_10, %dma_start3A_11] : memref<4x64x128xf32, #tpu.memory_space<vmem>> -> memref<1x64x128xf32, #tpu.memory_space<vmem>>
    %dma_start3A_13 = tpu.memref_squeeze %dma_start3A_12 : memref<1x64x128xf32, #tpu.memory_space<vmem>> -> memref<64x128xf32, #tpu.memory_space<vmem>>
    %dma_start3A_14 = arith.constant 0 : i32
    %dma_start3A_15 = tpu.memref_slice %arg9[%add3A_9, %dma_start3A_14] : memref<10240x128xf32, #tpu.memory_space<vmem_shared>> -> memref<64x128xf32, #tpu.memory_space<vmem_shared>>
    %dma_start3A_16 = arith.constant 0 : i32
    %dma_start3A_17 = tpu.memref_slice %arg9[%add3A_9, %dma_start3A_16] : memref<10240x128xf32, #tpu.memory_space<vmem_shared>> -> memref<64x128xf32, #tpu.memory_space<vmem_shared>>
    %dma_start3A_18 = arith.constant 0 : i32
    %dma_start3A_19 = arith.constant 0 : i32
    %dma_start3A_20 = tpu.memref_slice %arg8[%dma_start3A, %dma_start3A_18, %dma_start3A_19] : memref<4x64x128xf32, #tpu.memory_space<vmem>> -> memref<1x64x128xf32, #tpu.memory_space<vmem>>
    %dma_start3A_21 = tpu.memref_squeeze %dma_start3A_20 : memref<1x64x128xf32, #tpu.memory_space<vmem>> -> memref<64x128xf32, #tpu.memory_space<vmem>>
    tpu.enqueue_dma source(%dma_start3A_21 : memref<64x128xf32, #tpu.memory_space<vmem>>) target(%dma_start3A_17 : memref<64x128xf32, #tpu.memory_space<vmem_shared>>) target_semaphore(%arg22 : memref<!tpu.dma_semaphore, #tpu.memory_space<semaphore_mem>>)
    %mul3A_22 = arith.constant 640 : i32
    %mul3A_23 = arith.muli %arg1, %mul3A_22 : i32
    %add3A_24 = arith.constant 64 : i32
    %add3A_25 = arith.addi %mul3A_23, %add3A_24 : i32
    %dma_start3A_26 = arith.constant 0 : i32
    %dma_start3A_27 = arith.constant 0 : i32
    %dma_start3A_28 = arith.constant 0 : i32
    %dma_start3A_29 = tpu.memref_slice %arg8[%dma_start3A_26, %dma_start3A_27, %dma_start3A_28] : memref<4x64x128xf32, #tpu.memory_space<vmem>> -> memref<1x64x128xf32, #tpu.memory_space<vmem>>
    %dma_start3A_30 = tpu.memref_squeeze %dma_start3A_29 : memref<1x64x128xf32, #tpu.memory_space<vmem>> -> memref<64x128xf32, #tpu.memory_space<vmem>>
    %dma_start3A_31 = arith.constant 0 : i32
    %dma_start3A_32 = tpu.memref_slice %arg9[%add3A_25, %dma_start3A_31] : memref<10240x128xf32, #tpu.memory_space<vmem_shared>> -> memref<64x128xf32, #tpu.memory_space<vmem_shared>>
    %dma_start3A_33 = arith.constant 0 : i32
    %dma_start3A_34 = tpu.memref_slice %arg9[%add3A_25, %dma_start3A_33] : memref<10240x128xf32, #tpu.memory_space<vmem_shared>> -> memref<64x128xf32, #tpu.memory_space<vmem_shared>>
    %dma_start3A_35 = arith.constant 0 : i32
    %dma_start3A_36 = arith.constant 0 : i32
    %dma_start3A_37 = tpu.memref_slice %arg8[%dma_start3A_26, %dma_start3A_35, %dma_start3A_36] : memref<4x64x128xf32, #tpu.memory_space<vmem>> -> memref<1x64x128xf32, #tpu.memory_space<vmem>>
    %dma_start3A_38 = tpu.memref_squeeze %dma_start3A_37 : memref<1x64x128xf32, #tpu.memory_space<vmem>> -> memref<64x128xf32, #tpu.memory_space<vmem>>
    tpu.enqueue_dma source(%dma_start3A_38 : memref<64x128xf32, #tpu.memory_space<vmem>>) target(%dma_start3A_34 : memref<64x128xf32, #tpu.memory_space<vmem_shared>>) target_semaphore(%arg22 : memref<!tpu.dma_semaphore, #tpu.memory_space<semaphore_mem>>)
    %mul3A_39 = arith.constant 640 : i32
    %mul3A_40 = arith.muli %arg1, %mul3A_39 : i32
    %add3A_41 = arith.constant 128 : i32
    %add3A_42 = arith.addi %mul3A_40, %add3A_41 : i32
    %dma_start3A_43 = arith.constant 0 : i32
    %dma_start3A_44 = arith.constant 0 : i32
    %dma_start3A_45 = arith.constant 0 : i32
    %dma_start3A_46 = tpu.memref_slice %arg8[%dma_start3A_43, %dma_start3A_44, %dma_start3A_45] : memref<4x64x128xf32, #tpu.memory_space<vmem>> -> memref<1x64x128xf32, #tpu.memory_space<vmem>>
    %dma_start3A_47 = tpu.memref_squeeze %dma_start3A_46 : memref<1x64x128xf32, #tpu.memory_space<vmem>> -> memref<64x128xf32, #tpu.memory_space<vmem>>
    %dma_start3A_48 = arith.constant 0 : i32
    %dma_start3A_49 = tpu.memref_slice %arg9[%add3A_42, %dma_start3A_48] : memref<10240x128xf32, #tpu.memory_space<vmem_shared>> -> memref<64x128xf32, #tpu.memory_space<vmem_shared>>
    %dma_start3A_50 = arith.constant 0 : i32
    %dma_start3A_51 = tpu.memref_slice %arg9[%add3A_42, %dma_start3A_50] : memref<10240x128xf32, #tpu.memory_space<vmem_shared>> -> memref<64x128xf32, #tpu.memory_space<vmem_shared>>
    %dma_start3A_52 = arith.constant 0 : i32
    %dma_start3A_53 = arith.constant 0 : i32
    %dma_start3A_54 = tpu.memref_slice %arg8[%dma_start3A_43, %dma_start3A_52, %dma_start3A_53] : memref<4x64x128xf32, #tpu.memory_space<vmem>> -> memref<1x64x128xf32, #tpu.memory_space<vmem>>
    %dma_start3A_55 = tpu.memref_squeeze %dma_start3A_54 : memref<1x64x128xf32, #tpu.memory_space<vmem>> -> memref<64x128xf32, #tpu.memory_space<vmem>>
    tpu.enqueue_dma source(%dma_start3A_55 : memref<64x128xf32, #tpu.memory_space<vmem>>) target(%dma_start3A_51 : memref<64x128xf32, #tpu.memory_space<vmem_shared>>) target_semaphore(%arg22 : memref<!tpu.dma_semaphore, #tpu.memory_space<semaphore_mem>>)
    %mul3A_56 = arith.constant 640 : i32
    %mul3A_57 = arith.muli %arg1, %mul3A_56 : i32
    %add3A_58 = arith.constant 192 : i32
    %add3A_59 = arith.addi %mul3A_57, %add3A_58 : i32
    %dma_start3A_60 = arith.constant 0 : i32
    %dma_start3A_61 = arith.constant 0 : i32
    %dma_start3A_62 = arith.constant 0 : i32
    %dma_start3A_63 = tpu.memref_slice %arg8[%dma_start3A_60, %dma_start3A_61, %dma_start3A_62] : memref<4x64x128xf32, #tpu.memory_space<vmem>> -> memref<1x64x128xf32, #tpu.memory_space<vmem>>
    %dma_start3A_64 = tpu.memref_squeeze %dma_start3A_63 : memref<1x64x128xf32, #tpu.memory_space<vmem>> -> memref<64x128xf32, #tpu.memory_space<vmem>>
    %dma_start3A_65 = arith.constant 0 : i32
    %dma_start3A_66 = tpu.memref_slice %arg9[%add3A_59, %dma_start3A_65] : memref<10240x128xf32, #tpu.memory_space<vmem_shared>> -> memref<64x128xf32, #tpu.memory_space<vmem_shared>>
    %dma_start3A_67 = arith.constant 0 : i32
    %dma_start3A_68 = tpu.memref_slice %arg9[%add3A_59, %dma_start3A_67] : memref<10240x128xf32, #tpu.memory_space<vmem_shared>> -> memref<64x128xf32, #tpu.memory_space<vmem_shared>>
    %dma_start3A_69 = arith.constant 0 : i32
    %dma_start3A_70 = arith.constant 0 : i32
    %dma_start3A_71 = tpu.memref_slice %arg8[%dma_start3A_60, %dma_start3A_69, %dma_start3A_70] : memref<4x64x128xf32, #tpu.memory_space<vmem>> -> memref<1x64x128xf32, #tpu.memory_space<vmem>>
    %dma_start3A_72 = tpu.memref_squeeze %dma_start3A_71 : memref<1x64x128xf32, #tpu.memory_space<vmem>> -> memref<64x128xf32, #tpu.memory_space<vmem>>
    tpu.enqueue_dma source(%dma_start3A_72 : memref<64x128xf32, #tpu.memory_space<vmem>>) target(%dma_start3A_68 : memref<64x128xf32, #tpu.memory_space<vmem_shared>>) target_semaphore(%arg22 : memref<!tpu.dma_semaphore, #tpu.memory_space<semaphore_mem>>)
    %mul3A_73 = arith.constant 640 : i32
    %mul3A_74 = arith.muli %arg1, %mul3A_73 : i32
    %add3A_75 = arith.constant 256 : i32
    %add3A_76 = arith.addi %mul3A_74, %add3A_75 : i32
    %dma_start3A_77 = arith.constant 0 : i32
    %dma_start3A_78 = arith.constant 0 : i32
    %dma_start3A_79 = arith.constant 0 : i32
    %dma_start3A_80 = tpu.memref_slice %arg8[%dma_start3A_77, %dma_start3A_78, %dma_start3A_79] : memref<4x64x128xf32, #tpu.memory_space<vmem>> -> memref<1x64x128xf32, #tpu.memory_space<vmem>>
    %dma_start3A_81 = tpu.memref_squeeze %dma_start3A_80 : memref<1x64x128xf32, #tpu.memory_space<vmem>> -> memref<64x128xf32, #tpu.memory_space<vmem>>
    %dma_start3A_82 = arith.constant 0 : i32
    %dma_start3A_83 = tpu.memref_slice %arg9[%add3A_76, %dma_start3A_82] : memref<10240x128xf32, #tpu.memory_space<vmem_shared>> -> memref<64x128xf32, #tpu.memory_space<vmem_shared>>
    %dma_start3A_84 = arith.constant 0 : i32
    %dma_start3A_85 = tpu.memref_slice %arg9[%add3A_76, %dma_start3A_84] : memref<10240x128xf32, #tpu.memory_space<vmem_shared>> -> memref<64x128xf32, #tpu.memory_space<vmem_shared>>
    %dma_start3A_86 = arith.constant 0 : i32
    %dma_start3A_87 = arith.constant 0 : i32
    %dma_start3A_88 = tpu.memref_slice %arg8[%dma_start3A_77, %dma_start3A_86, %dma_start3A_87] : memref<4x64x128xf32, #tpu.memory_space<vmem>> -> memref<1x64x128xf32, #tpu.memory_space<vmem>>
    %dma_start3A_89 = tpu.memref_squeeze %dma_start3A_88 : memref<1x64x128xf32, #tpu.memory_space<vmem>> -> memref<64x128xf32, #tpu.memory_space<vmem>>
    tpu.enqueue_dma source(%dma_start3A_89 : memref<64x128xf32, #tpu.memory_space<vmem>>) target(%dma_start3A_85 : memref<64x128xf32, #tpu.memory_space<vmem_shared>>) target_semaphore(%arg22 : memref<!tpu.dma_semaphore, #tpu.memory_space<semaphore_mem>>)
    %mul3A_90 = arith.constant 640 : i32
    %mul3A_91 = arith.muli %arg1, %mul3A_90 : i32
    %add3A_92 = arith.constant 320 : i32
    %add3A_93 = arith.addi %mul3A_91, %add3A_92 : i32
    %dma_start3A_94 = arith.constant 0 : i32
    %dma_start3A_95 = arith.constant 0 : i32
    %dma_start3A_96 = arith.constant 0 : i32
    %dma_start3A_97 = tpu.memref_slice %arg8[%dma_start3A_94, %dma_start3A_95, %dma_start3A_96] : memref<4x64x128xf32, #tpu.memory_space<vmem>> -> memref<1x64x128xf32, #tpu.memory_space<vmem>>
    %dma_start3A_98 = tpu.memref_squeeze %dma_start3A_97 : memref<1x64x128xf32, #tpu.memory_space<vmem>> -> memref<64x128xf32, #tpu.memory_space<vmem>>
    %dma_start3A_99 = arith.constant 0 : i32
    %dma_start3A_100 = tpu.memref_slice %arg9[%add3A_93, %dma_start3A_99] : memref<10240x128xf32, #tpu.memory_space<vmem_shared>> -> memref<64x128xf32, #tpu.memory_space<vmem_shared>>
    %dma_start3A_101 = arith.constant 0 : i32
    %dma_start3A_102 = tpu.memref_slice %arg9[%add3A_93, %dma_start3A_101] : memref<10240x128xf32, #tpu.memory_space<vmem_shared>> -> memref<64x128xf32, #tpu.memory_space<vmem_shared>>
    %dma_start3A_103 = arith.constant 0 : i32
    %dma_start3A_104 = arith.constant 0 : i32
    %dma_start3A_105 = tpu.memref_slice %arg8[%dma_start3A_94, %dma_start3A_103, %dma_start3A_104] : memref<4x64x128xf32, #tpu.memory_space<vmem>> -> memref<1x64x128xf32, #tpu.memory_space<vmem>>
    %dma_start3A_106 = tpu.memref_squeeze %dma_start3A_105 : memref<1x64x128xf32, #tpu.memory_space<vmem>> -> memref<64x128xf32, #tpu.memory_space<vmem>>
    tpu.enqueue_dma source(%dma_start3A_106 : memref<64x128xf32, #tpu.memory_space<vmem>>) target(%dma_start3A_102 : memref<64x128xf32, #tpu.memory_space<vmem_shared>>) target_semaphore(%arg22 : memref<!tpu.dma_semaphore, #tpu.memory_space<semaphore_mem>>)
    %mul3A_107 = arith.constant 640 : i32
    %mul3A_108 = arith.muli %arg1, %mul3A_107 : i32
    %add3A_109 = arith.constant 384 : i32
    %add3A_110 = arith.addi %mul3A_108, %add3A_109 : i32
    %dma_start3A_111 = arith.constant 0 : i32
    %dma_start3A_112 = arith.constant 0 : i32
    %dma_start3A_113 = arith.constant 0 : i32
    %dma_start3A_114 = tpu.memref_slice %arg8[%dma_start3A_111, %dma_start3A_112, %dma_start3A_113] : memref<4x64x128xf32, #tpu.memory_space<vmem>> -> memref<1x64x128xf32, #tpu.memory_space<vmem>>
    %dma_start3A_115 = tpu.memref_squeeze %dma_start3A_114 : memref<1x64x128xf32, #tpu.memory_space<vmem>> -> memref<64x128xf32, #tpu.memory_space<vmem>>
    %dma_start3A_116 = arith.constant 0 : i32
    %dma_start3A_117 = tpu.memref_slice %arg9[%add3A_110, %dma_start3A_116] : memref<10240x128xf32, #tpu.memory_space<vmem_shared>> -> memref<64x128xf32, #tpu.memory_space<vmem_shared>>
    %dma_start3A_118 = arith.constant 0 : i32
    %dma_start3A_119 = tpu.memref_slice %arg9[%add3A_110, %dma_start3A_118] : memref<10240x128xf32, #tpu.memory_space<vmem_shared>> -> memref<64x128xf32, #tpu.memory_space<vmem_shared>>
    %dma_start3A_120 = arith.constant 0 : i32
    %dma_start3A_121 = arith.constant 0 : i32
    %dma_start3A_122 = tpu.memref_slice %arg8[%dma_start3A_111, %dma_start3A_120, %dma_start3A_121] : memref<4x64x128xf32, #tpu.memory_space<vmem>> -> memref<1x64x128xf32, #tpu.memory_space<vmem>>
    %dma_start3A_123 = tpu.memref_squeeze %dma_start3A_122 : memref<1x64x128xf32, #tpu.memory_space<vmem>> -> memref<64x128xf32, #tpu.memory_space<vmem>>
    tpu.enqueue_dma source(%dma_start3A_123 : memref<64x128xf32, #tpu.memory_space<vmem>>) target(%dma_start3A_119 : memref<64x128xf32, #tpu.memory_space<vmem_shared>>) target_semaphore(%arg22 : memref<!tpu.dma_semaphore, #tpu.memory_space<semaphore_mem>>)
    %mul3A_124 = arith.constant 640 : i32
    %mul3A_125 = arith.muli %arg1, %mul3A_124 : i32
    %add3A_126 = arith.constant 448 : i32
    %add3A_127 = arith.addi %mul3A_125, %add3A_126 : i32
    %dma_start3A_128 = arith.constant 0 : i32
    %dma_start3A_129 = arith.constant 0 : i32
    %dma_start3A_130 = arith.constant 0 : i32
    %dma_start3A_131 = tpu.memref_slice %arg8[%dma_start3A_128, %dma_start3A_129, %dma_start3A_130] : memref<4x64x128xf32, #tpu.memory_space<vmem>> -> memref<1x64x128xf32, #tpu.memory_space<vmem>>
    %dma_start3A_132 = tpu.memref_squeeze %dma_start3A_131 : memref<1x64x128xf32, #tpu.memory_space<vmem>> -> memref<64x128xf32, #tpu.memory_space<vmem>>
    %dma_start3A_133 = arith.constant 0 : i32
    %dma_start3A_134 = tpu.memref_slice %arg9[%add3A_127, %dma_start3A_133] : memref<10240x128xf32, #tpu.memory_space<vmem_shared>> -> memref<64x128xf32, #tpu.memory_space<vmem_shared>>
    %dma_start3A_135 = arith.constant 0 : i32
    %dma_start3A_136 = tpu.memref_slice %arg9[%add3A_127, %dma_start3A_135] : memref<10240x128xf32, #tpu.memory_space<vmem_shared>> -> memref<64x128xf32, #tpu.memory_space<vmem_shared>>
    %dma_start3A_137 = arith.constant 0 : i32
    %dma_start3A_138 = arith.constant 0 : i32
    %dma_start3A_139 = tpu.memref_slice %arg8[%dma_start3A_128, %dma_start3A_137, %dma_start3A_138] : memref<4x64x128xf32, #tpu.memory_space<vmem>> -> memref<1x64x128xf32, #tpu.memory_space<vmem>>
    %dma_start3A_140 = tpu.memref_squeeze %dma_start3A_139 : memref<1x64x128xf32, #tpu.memory_space<vmem>> -> memref<64x128xf32, #tpu.memory_space<vmem>>
    tpu.enqueue_dma source(%dma_start3A_140 : memref<64x128xf32, #tpu.memory_space<vmem>>) target(%dma_start3A_136 : memref<64x128xf32, #tpu.memory_space<vmem_shared>>) target_semaphore(%arg22 : memref<!tpu.dma_semaphore, #tpu.memory_space<semaphore_mem>>)
    %mul3A_141 = arith.constant 640 : i32
    %mul3A_142 = arith.muli %arg1, %mul3A_141 : i32
    %add3A_143 = arith.constant 512 : i32
    %add3A_144 = arith.addi %mul3A_142, %add3A_143 : i32
    %dma_start3A_145 = arith.constant 0 : i32
    %dma_start3A_146 = arith.constant 0 : i32
    %dma_start3A_147 = arith.constant 0 : i32
    %dma_start3A_148 = tpu.memref_slice %arg8[%dma_start3A_145, %dma_start3A_146, %dma_start3A_147] : memref<4x64x128xf32, #tpu.memory_space<vmem>> -> memref<1x64x128xf32, #tpu.memory_space<vmem>>
    %dma_start3A_149 = tpu.memref_squeeze %dma_start3A_148 : memref<1x64x128xf32, #tpu.memory_space<vmem>> -> memref<64x128xf32, #tpu.memory_space<vmem>>
    %dma_start3A_150 = arith.constant 0 : i32
    %dma_start3A_151 = tpu.memref_slice %arg9[%add3A_144, %dma_start3A_150] : memref<10240x128xf32, #tpu.memory_space<vmem_shared>> -> memref<64x128xf32, #tpu.memory_space<vmem_shared>>
    %dma_start3A_152 = arith.constant 0 : i32
    %dma_start3A_153 = tpu.memref_slice %arg9[%add3A_144, %dma_start3A_152] : memref<10240x128xf32, #tpu.memory_space<vmem_shared>> -> memref<64x128xf32, #tpu.memory_space<vmem_shared>>
    %dma_start3A_154 = arith.constant 0 : i32
    %dma_start3A_155 = arith.constant 0 : i32
    %dma_start3A_156 = tpu.memref_slice %arg8[%dma_start3A_145, %dma_start3A_154, %dma_start3A_155] : memref<4x64x128xf32, #tpu.memory_space<vmem>> -> memref<1x64x128xf32, #tpu.memory_space<vmem>>
    %dma_start3A_157 = tpu.memref_squeeze %dma_start3A_156 : memref<1x64x128xf32, #tpu.memory_space<vmem>> -> memref<64x128xf32, #tpu.memory_space<vmem>>
    tpu.enqueue_dma source(%dma_start3A_157 : memref<64x128xf32, #tpu.memory_space<vmem>>) target(%dma_start3A_153 : memref<64x128xf32, #tpu.memory_space<vmem_shared>>) target_semaphore(%arg22 : memref<!tpu.dma_semaphore, #tpu.memory_space<semaphore_mem>>)
    %mul3A_158 = arith.constant 640 : i32
    %mul3A_159 = arith.muli %arg1, %mul3A_158 : i32
    %add3A_160 = arith.constant 576 : i32
    %add3A_161 = arith.addi %mul3A_159, %add3A_160 : i32
    %dma_start3A_162 = arith.constant 0 : i32
    %dma_start3A_163 = arith.constant 0 : i32
    %dma_start3A_164 = arith.constant 0 : i32
    %dma_start3A_165 = tpu.memref_slice %arg8[%dma_start3A_162, %dma_start3A_163, %dma_start3A_164] : memref<4x64x128xf32, #tpu.memory_space<vmem>> -> memref<1x64x128xf32, #tpu.memory_space<vmem>>
    %dma_start3A_166 = tpu.memref_squeeze %dma_start3A_165 : memref<1x64x128xf32, #tpu.memory_space<vmem>> -> memref<64x128xf32, #tpu.memory_space<vmem>>
    %dma_start3A_167 = arith.constant 0 : i32
    %dma_start3A_168 = tpu.memref_slice %arg9[%add3A_161, %dma_start3A_167] : memref<10240x128xf32, #tpu.memory_space<vmem_shared>> -> memref<64x128xf32, #tpu.memory_space<vmem_shared>>
    %dma_start3A_169 = arith.constant 0 : i32
    %dma_start3A_170 = tpu.memref_slice %arg9[%add3A_161, %dma_start3A_169] : memref<10240x128xf32, #tpu.memory_space<vmem_shared>> -> memref<64x128xf32, #tpu.memory_space<vmem_shared>>
    %dma_start3A_171 = arith.constant 0 : i32
    %dma_start3A_172 = arith.constant 0 : i32
    %dma_start3A_173 = tpu.memref_slice %arg8[%dma_start3A_162, %dma_start3A_171, %dma_start3A_172] : memref<4x64x128xf32, #tpu.memory_space<vmem>> -> memref<1x64x128xf32, #tpu.memory_space<vmem>>
    %dma_start3A_174 = tpu.memref_squeeze %dma_start3A_173 : memref<1x64x128xf32, #tpu.memory_space<vmem>> -> memref<64x128xf32, #tpu.memory_space<vmem>>
    tpu.enqueue_dma source(%dma_start3A_174 : memref<64x128xf32, #tpu.memory_space<vmem>>) target(%dma_start3A_170 : memref<64x128xf32, #tpu.memory_space<vmem_shared>>) target_semaphore(%arg22 : memref<!tpu.dma_semaphore, #tpu.memory_space<semaphore_mem>>)
    %mul3A_175 = arith.constant 640 : i32
    %mul3A_176 = arith.muli %arg1, %mul3A_175 : i32
    %add3A_177 = arith.constant 0 : i32
    %add3A_178 = arith.addi %mul3A_176, %add3A_177 : i32
    %dma_wait3A = arith.constant 0 : i32
    %dma_wait3A_179 = arith.constant 0 : i32
    %dma_wait3A_180 = arith.constant 0 : i32
    %dma_wait3A_181 = tpu.memref_slice %arg8[%dma_wait3A, %dma_wait3A_179, %dma_wait3A_180] : memref<4x64x128xf32, #tpu.memory_space<vmem>> -> memref<1x64x128xf32, #tpu.memory_space<vmem>>
    %dma_wait3A_182 = tpu.memref_squeeze %dma_wait3A_181 : memref<1x64x128xf32, #tpu.memory_space<vmem>> -> memref<64x128xf32, #tpu.memory_space<vmem>>
    %dma_wait3A_183 = arith.constant 0 : i32
    %dma_wait3A_184 = tpu.memref_slice %arg9[%add3A_178, %dma_wait3A_183] : memref<10240x128xf32, #tpu.memory_space<vmem_shared>> -> memref<64x128xf32, #tpu.memory_space<vmem_shared>>
    %dma_wait3A_185 = arith.constant 0 : i32
    %dma_wait3A_186 = tpu.memref_slice %arg9[%add3A_178, %dma_wait3A_185] : memref<10240x128xf32, #tpu.memory_space<vmem_shared>> -> memref<64x128xf32, #tpu.memory_space<vmem_shared>>
    %dma_wait3A_187 = arith.constant 0 : i32
    %dma_wait3A_188 = arith.constant 0 : i32
    %dma_wait3A_189 = tpu.memref_slice %arg8[%dma_wait3A, %dma_wait3A_187, %dma_wait3A_188] : memref<4x64x128xf32, #tpu.memory_space<vmem>> -> memref<1x64x128xf32, #tpu.memory_space<vmem>>
    %dma_wait3A_190 = tpu.memref_squeeze %dma_wait3A_189 : memref<1x64x128xf32, #tpu.memory_space<vmem>> -> memref<64x128xf32, #tpu.memory_space<vmem>>
    tpu.wait_dma2 semaphore(%arg22 : memref<!tpu.dma_semaphore, #tpu.memory_space<semaphore_mem>>) src(%dma_wait3A_190 : memref<64x128xf32, #tpu.memory_space<vmem>>) dst(%dma_wait3A_186 : memref<64x128xf32, #tpu.memory_space<vmem_shared>>)
    %mul3A_191 = arith.constant 640 : i32
    %mul3A_192 = arith.muli %arg1, %mul3A_191 : i32
    %add3A_193 = arith.constant 64 : i32
    %add3A_194 = arith.addi %mul3A_192, %add3A_193 : i32
    %dma_wait3A_195 = arith.constant 0 : i32
    %dma_wait3A_196 = arith.constant 0 : i32
    %dma_wait3A_197 = arith.constant 0 : i32
    %dma_wait3A_198 = tpu.memref_slice %arg8[%dma_wait3A_195, %dma_wait3A_196, %dma_wait3A_197] : memref<4x64x128xf32, #tpu.memory_space<vmem>> -> memref<1x64x128xf32, #tpu.memory_space<vmem>>
    %dma_wait3A_199 = tpu.memref_squeeze %dma_wait3A_198 : memref<1x64x128xf32, #tpu.memory_space<vmem>> -> memref<64x128xf32, #tpu.memory_space<vmem>>
    %dma_wait3A_200 = arith.constant 0 : i32
    %dma_wait3A_201 = tpu.memref_slice %arg9[%add3A_194, %dma_wait3A_200] : memref<10240x128xf32, #tpu.memory_space<vmem_shared>> -> memref<64x128xf32, #tpu.memory_space<vmem_shared>>
    %dma_wait3A_202 = arith.constant 0 : i32
    %dma_wait3A_203 = tpu.memref_slice %arg9[%add3A_194, %dma_wait3A_202] : memref<10240x128xf32, #tpu.memory_space<vmem_shared>> -> memref<64x128xf32, #tpu.memory_space<vmem_shared>>
    %dma_wait3A_204 = arith.constant 0 : i32
    %dma_wait3A_205 = arith.constant 0 : i32
    %dma_wait3A_206 = tpu.memref_slice %arg8[%dma_wait3A_195, %dma_wait3A_204, %dma_wait3A_205] : memref<4x64x128xf32, #tpu.memory_space<vmem>> -> memref<1x64x128xf32, #tpu.memory_space<vmem>>
    %dma_wait3A_207 = tpu.memref_squeeze %dma_wait3A_206 : memref<1x64x128xf32, #tpu.memory_space<vmem>> -> memref<64x128xf32, #tpu.memory_space<vmem>>
    tpu.wait_dma2 semaphore(%arg22 : memref<!tpu.dma_semaphore, #tpu.memory_space<semaphore_mem>>) src(%dma_wait3A_207 : memref<64x128xf32, #tpu.memory_space<vmem>>) dst(%dma_wait3A_203 : memref<64x128xf32, #tpu.memory_space<vmem_shared>>)
    %mul3A_208 = arith.constant 640 : i32
    %mul3A_209 = arith.muli %arg1, %mul3A_208 : i32
    %add3A_210 = arith.constant 128 : i32
    %add3A_211 = arith.addi %mul3A_209, %add3A_210 : i32
    %dma_wait3A_212 = arith.constant 0 : i32
    %dma_wait3A_213 = arith.constant 0 : i32
    %dma_wait3A_214 = arith.constant 0 : i32
    %dma_wait3A_215 = tpu.memref_slice %arg8[%dma_wait3A_212, %dma_wait3A_213, %dma_wait3A_214] : memref<4x64x128xf32, #tpu.memory_space<vmem>> -> memref<1x64x128xf32, #tpu.memory_space<vmem>>
    %dma_wait3A_216 = tpu.memref_squeeze %dma_wait3A_215 : memref<1x64x128xf32, #tpu.memory_space<vmem>> -> memref<64x128xf32, #tpu.memory_space<vmem>>
    %dma_wait3A_217 = arith.constant 0 : i32
    %dma_wait3A_218 = tpu.memref_slice %arg9[%add3A_211, %dma_wait3A_217] : memref<10240x128xf32, #tpu.memory_space<vmem_shared>> -> memref<64x128xf32, #tpu.memory_space<vmem_shared>>
    %dma_wait3A_219 = arith.constant 0 : i32
    %dma_wait3A_220 = tpu.memref_slice %arg9[%add3A_211, %dma_wait3A_219] : memref<10240x128xf32, #tpu.memory_space<vmem_shared>> -> memref<64x128xf32, #tpu.memory_space<vmem_shared>>
    %dma_wait3A_221 = arith.constant 0 : i32
    %dma_wait3A_222 = arith.constant 0 : i32
    %dma_wait3A_223 = tpu.memref_slice %arg8[%dma_wait3A_212, %dma_wait3A_221, %dma_wait3A_222] : memref<4x64x128xf32, #tpu.memory_space<vmem>> -> memref<1x64x128xf32, #tpu.memory_space<vmem>>
    %dma_wait3A_224 = tpu.memref_squeeze %dma_wait3A_223 : memref<1x64x128xf32, #tpu.memory_space<vmem>> -> memref<64x128xf32, #tpu.memory_space<vmem>>
    tpu.wait_dma2 semaphore(%arg22 : memref<!tpu.dma_semaphore, #tpu.memory_space<semaphore_mem>>) src(%dma_wait3A_224 : memref<64x128xf32, #tpu.memory_space<vmem>>) dst(%dma_wait3A_220 : memref<64x128xf32, #tpu.memory_space<vmem_shared>>)
    %mul3A_225 = arith.constant 640 : i32
    %mul3A_226 = arith.muli %arg1, %mul3A_225 : i32
    %add3A_227 = arith.constant 192 : i32
    %add3A_228 = arith.addi %mul3A_226, %add3A_227 : i32
    %dma_wait3A_229 = arith.constant 0 : i32
    %dma_wait3A_230 = arith.constant 0 : i32
    %dma_wait3A_231 = arith.constant 0 : i32
    %dma_wait3A_232 = tpu.memref_slice %arg8[%dma_wait3A_229, %dma_wait3A_230, %dma_wait3A_231] : memref<4x64x128xf32, #tpu.memory_space<vmem>> -> memref<1x64x128xf32, #tpu.memory_space<vmem>>
    %dma_wait3A_233 = tpu.memref_squeeze %dma_wait3A_232 : memref<1x64x128xf32, #tpu.memory_space<vmem>> -> memref<64x128xf32, #tpu.memory_space<vmem>>
    %dma_wait3A_234 = arith.constant 0 : i32
    %dma_wait3A_235 = tpu.memref_slice %arg9[%add3A_228, %dma_wait3A_234] : memref<10240x128xf32, #tpu.memory_space<vmem_shared>> -> memref<64x128xf32, #tpu.memory_space<vmem_shared>>
    %dma_wait3A_236 = arith.constant 0 : i32
    %dma_wait3A_237 = tpu.memref_slice %arg9[%add3A_228, %dma_wait3A_236] : memref<10240x128xf32, #tpu.memory_space<vmem_shared>> -> memref<64x128xf32, #tpu.memory_space<vmem_shared>>
    %dma_wait3A_238 = arith.constant 0 : i32
    %dma_wait3A_239 = arith.constant 0 : i32
    %dma_wait3A_240 = tpu.memref_slice %arg8[%dma_wait3A_229, %dma_wait3A_238, %dma_wait3A_239] : memref<4x64x128xf32, #tpu.memory_space<vmem>> -> memref<1x64x128xf32, #tpu.memory_space<vmem>>
    %dma_wait3A_241 = tpu.memref_squeeze %dma_wait3A_240 : memref<1x64x128xf32, #tpu.memory_space<vmem>> -> memref<64x128xf32, #tpu.memory_space<vmem>>
    tpu.wait_dma2 semaphore(%arg22 : memref<!tpu.dma_semaphore, #tpu.memory_space<semaphore_mem>>) src(%dma_wait3A_241 : memref<64x128xf32, #tpu.memory_space<vmem>>) dst(%dma_wait3A_237 : memref<64x128xf32, #tpu.memory_space<vmem_shared>>)
    %mul3A_242 = arith.constant 640 : i32
    %mul3A_243 = arith.muli %arg1, %mul3A_242 : i32
    %add3A_244 = arith.constant 256 : i32
    %add3A_245 = arith.addi %mul3A_243, %add3A_244 : i32
    %dma_wait3A_246 = arith.constant 0 : i32
    %dma_wait3A_247 = arith.constant 0 : i32
    %dma_wait3A_248 = arith.constant 0 : i32
    %dma_wait3A_249 = tpu.memref_slice %arg8[%dma_wait3A_246, %dma_wait3A_247, %dma_wait3A_248] : memref<4x64x128xf32, #tpu.memory_space<vmem>> -> memref<1x64x128xf32, #tpu.memory_space<vmem>>
    %dma_wait3A_250 = tpu.memref_squeeze %dma_wait3A_249 : memref<1x64x128xf32, #tpu.memory_space<vmem>> -> memref<64x128xf32, #tpu.memory_space<vmem>>
    %dma_wait3A_251 = arith.constant 0 : i32
    %dma_wait3A_252 = tpu.memref_slice %arg9[%add3A_245, %dma_wait3A_251] : memref<10240x128xf32, #tpu.memory_space<vmem_shared>> -> memref<64x128xf32, #tpu.memory_space<vmem_shared>>
    %dma_wait3A_253 = arith.constant 0 : i32
    %dma_wait3A_254 = tpu.memref_slice %arg9[%add3A_245, %dma_wait3A_253] : memref<10240x128xf32, #tpu.memory_space<vmem_shared>> -> memref<64x128xf32, #tpu.memory_space<vmem_shared>>
    %dma_wait3A_255 = arith.constant 0 : i32
    %dma_wait3A_256 = arith.constant 0 : i32
    %dma_wait3A_257 = tpu.memref_slice %arg8[%dma_wait3A_246, %dma_wait3A_255, %dma_wait3A_256] : memref<4x64x128xf32, #tpu.memory_space<vmem>> -> memref<1x64x128xf32, #tpu.memory_space<vmem>>
    %dma_wait3A_258 = tpu.memref_squeeze %dma_wait3A_257 : memref<1x64x128xf32, #tpu.memory_space<vmem>> -> memref<64x128xf32, #tpu.memory_space<vmem>>
    tpu.wait_dma2 semaphore(%arg22 : memref<!tpu.dma_semaphore, #tpu.memory_space<semaphore_mem>>) src(%dma_wait3A_258 : memref<64x128xf32, #tpu.memory_space<vmem>>) dst(%dma_wait3A_254 : memref<64x128xf32, #tpu.memory_space<vmem_shared>>)
    %mul3A_259 = arith.constant 640 : i32
    %mul3A_260 = arith.muli %arg1, %mul3A_259 : i32
    %add3A_261 = arith.constant 320 : i32
    %add3A_262 = arith.addi %mul3A_260, %add3A_261 : i32
    %dma_wait3A_263 = arith.constant 0 : i32
    %dma_wait3A_264 = arith.constant 0 : i32
    %dma_wait3A_265 = arith.constant 0 : i32
    %dma_wait3A_266 = tpu.memref_slice %arg8[%dma_wait3A_263, %dma_wait3A_264, %dma_wait3A_265] : memref<4x64x128xf32, #tpu.memory_space<vmem>> -> memref<1x64x128xf32, #tpu.memory_space<vmem>>
    %dma_wait3A_267 = tpu.memref_squeeze %dma_wait3A_266 : memref<1x64x128xf32, #tpu.memory_space<vmem>> -> memref<64x128xf32, #tpu.memory_space<vmem>>
    %dma_wait3A_268 = arith.constant 0 : i32
    %dma_wait3A_269 = tpu.memref_slice %arg9[%add3A_262, %dma_wait3A_268] : memref<10240x128xf32, #tpu.memory_space<vmem_shared>> -> memref<64x128xf32, #tpu.memory_space<vmem_shared>>
    %dma_wait3A_270 = arith.constant 0 : i32
    %dma_wait3A_271 = tpu.memref_slice %arg9[%add3A_262, %dma_wait3A_270] : memref<10240x128xf32, #tpu.memory_space<vmem_shared>> -> memref<64x128xf32, #tpu.memory_space<vmem_shared>>
    %dma_wait3A_272 = arith.constant 0 : i32
    %dma_wait3A_273 = arith.constant 0 : i32
    %dma_wait3A_274 = tpu.memref_slice %arg8[%dma_wait3A_263, %dma_wait3A_272, %dma_wait3A_273] : memref<4x64x128xf32, #tpu.memory_space<vmem>> -> memref<1x64x128xf32, #tpu.memory_space<vmem>>
    %dma_wait3A_275 = tpu.memref_squeeze %dma_wait3A_274 : memref<1x64x128xf32, #tpu.memory_space<vmem>> -> memref<64x128xf32, #tpu.memory_space<vmem>>
    tpu.wait_dma2 semaphore(%arg22 : memref<!tpu.dma_semaphore, #tpu.memory_space<semaphore_mem>>) src(%dma_wait3A_275 : memref<64x128xf32, #tpu.memory_space<vmem>>) dst(%dma_wait3A_271 : memref<64x128xf32, #tpu.memory_space<vmem_shared>>)
    %mul3A_276 = arith.constant 640 : i32
    %mul3A_277 = arith.muli %arg1, %mul3A_276 : i32
    %add3A_278 = arith.constant 384 : i32
    %add3A_279 = arith.addi %mul3A_277, %add3A_278 : i32
    %dma_wait3A_280 = arith.constant 0 : i32
    %dma_wait3A_281 = arith.constant 0 : i32
    %dma_wait3A_282 = arith.constant 0 : i32
    %dma_wait3A_283 = tpu.memref_slice %arg8[%dma_wait3A_280, %dma_wait3A_281, %dma_wait3A_282] : memref<4x64x128xf32, #tpu.memory_space<vmem>> -> memref<1x64x128xf32, #tpu.memory_space<vmem>>
    %dma_wait3A_284 = tpu.memref_squeeze %dma_wait3A_283 : memref<1x64x128xf32, #tpu.memory_space<vmem>> -> memref<64x128xf32, #tpu.memory_space<vmem>>
    %dma_wait3A_285 = arith.constant 0 : i32
    %dma_wait3A_286 = tpu.memref_slice %arg9[%add3A_279, %dma_wait3A_285] : memref<10240x128xf32, #tpu.memory_space<vmem_shared>> -> memref<64x128xf32, #tpu.memory_space<vmem_shared>>
    %dma_wait3A_287 = arith.constant 0 : i32
    %dma_wait3A_288 = tpu.memref_slice %arg9[%add3A_279, %dma_wait3A_287] : memref<10240x128xf32, #tpu.memory_space<vmem_shared>> -> memref<64x128xf32, #tpu.memory_space<vmem_shared>>
    %dma_wait3A_289 = arith.constant 0 : i32
    %dma_wait3A_290 = arith.constant 0 : i32
    %dma_wait3A_291 = tpu.memref_slice %arg8[%dma_wait3A_280, %dma_wait3A_289, %dma_wait3A_290] : memref<4x64x128xf32, #tpu.memory_space<vmem>> -> memref<1x64x128xf32, #tpu.memory_space<vmem>>
    %dma_wait3A_292 = tpu.memref_squeeze %dma_wait3A_291 : memref<1x64x128xf32, #tpu.memory_space<vmem>> -> memref<64x128xf32, #tpu.memory_space<vmem>>
    tpu.wait_dma2 semaphore(%arg22 : memref<!tpu.dma_semaphore, #tpu.memory_space<semaphore_mem>>) src(%dma_wait3A_292 : memref<64x128xf32, #tpu.memory_space<vmem>>) dst(%dma_wait3A_288 : memref<64x128xf32, #tpu.memory_space<vmem_shared>>)
    %mul3A_293 = arith.constant 640 : i32
    %mul3A_294 = arith.muli %arg1, %mul3A_293 : i32
    %add3A_295 = arith.constant 448 : i32
    %add3A_296 = arith.addi %mul3A_294, %add3A_295 : i32
    %dma_wait3A_297 = arith.constant 0 : i32
    %dma_wait3A_298 = arith.constant 0 : i32
    %dma_wait3A_299 = arith.constant 0 : i32
    %dma_wait3A_300 = tpu.memref_slice %arg8[%dma_wait3A_297, %dma_wait3A_298, %dma_wait3A_299] : memref<4x64x128xf32, #tpu.memory_space<vmem>> -> memref<1x64x128xf32, #tpu.memory_space<vmem>>
    %dma_wait3A_301 = tpu.memref_squeeze %dma_wait3A_300 : memref<1x64x128xf32, #tpu.memory_space<vmem>> -> memref<64x128xf32, #tpu.memory_space<vmem>>
    %dma_wait3A_302 = arith.constant 0 : i32
    %dma_wait3A_303 = tpu.memref_slice %arg9[%add3A_296, %dma_wait3A_302] : memref<10240x128xf32, #tpu.memory_space<vmem_shared>> -> memref<64x128xf32, #tpu.memory_space<vmem_shared>>
    %dma_wait3A_304 = arith.constant 0 : i32
    %dma_wait3A_305 = tpu.memref_slice %arg9[%add3A_296, %dma_wait3A_304] : memref<10240x128xf32, #tpu.memory_space<vmem_shared>> -> memref<64x128xf32, #tpu.memory_space<vmem_shared>>
    %dma_wait3A_306 = arith.constant 0 : i32
    %dma_wait3A_307 = arith.constant 0 : i32
    %dma_wait3A_308 = tpu.memref_slice %arg8[%dma_wait3A_297, %dma_wait3A_306, %dma_wait3A_307] : memref<4x64x128xf32, #tpu.memory_space<vmem>> -> memref<1x64x128xf32, #tpu.memory_space<vmem>>
    %dma_wait3A_309 = tpu.memref_squeeze %dma_wait3A_308 : memref<1x64x128xf32, #tpu.memory_space<vmem>> -> memref<64x128xf32, #tpu.memory_space<vmem>>
    tpu.wait_dma2 semaphore(%arg22 : memref<!tpu.dma_semaphore, #tpu.memory_space<semaphore_mem>>) src(%dma_wait3A_309 : memref<64x128xf32, #tpu.memory_space<vmem>>) dst(%dma_wait3A_305 : memref<64x128xf32, #tpu.memory_space<vmem_shared>>)
    %mul3A_310 = arith.constant 640 : i32
    %mul3A_311 = arith.muli %arg1, %mul3A_310 : i32
    %add3A_312 = arith.constant 512 : i32
    %add3A_313 = arith.addi %mul3A_311, %add3A_312 : i32
    %dma_wait3A_314 = arith.constant 0 : i32
    %dma_wait3A_315 = arith.constant 0 : i32
    %dma_wait3A_316 = arith.constant 0 : i32
    %dma_wait3A_317 = tpu.memref_slice %arg8[%dma_wait3A_314, %dma_wait3A_315, %dma_wait3A_316] : memref<4x64x128xf32, #tpu.memory_space<vmem>> -> memref<1x64x128xf32, #tpu.memory_space<vmem>>
    %dma_wait3A_318 = tpu.memref_squeeze %dma_wait3A_317 : memref<1x64x128xf32, #tpu.memory_space<vmem>> -> memref<64x128xf32, #tpu.memory_space<vmem>>
    %dma_wait3A_319 = arith.constant 0 : i32
    %dma_wait3A_320 = tpu.memref_slice %arg9[%add3A_313, %dma_wait3A_319] : memref<10240x128xf32, #tpu.memory_space<vmem_shared>> -> memref<64x128xf32, #tpu.memory_space<vmem_shared>>
    %dma_wait3A_321 = arith.constant 0 : i32
    %dma_wait3A_322 = tpu.memref_slice %arg9[%add3A_313, %dma_wait3A_321] : memref<10240x128xf32, #tpu.memory_space<vmem_shared>> -> memref<64x128xf32, #tpu.memory_space<vmem_shared>>
    %dma_wait3A_323 = arith.constant 0 : i32
    %dma_wait3A_324 = arith.constant 0 : i32
    %dma_wait3A_325 = tpu.memref_slice %arg8[%dma_wait3A_314, %dma_wait3A_323, %dma_wait3A_324] : memref<4x64x128xf32, #tpu.memory_space<vmem>> -> memref<1x64x128xf32, #tpu.memory_space<vmem>>
    %dma_wait3A_326 = tpu.memref_squeeze %dma_wait3A_325 : memref<1x64x128xf32, #tpu.memory_space<vmem>> -> memref<64x128xf32, #tpu.memory_space<vmem>>
    tpu.wait_dma2 semaphore(%arg22 : memref<!tpu.dma_semaphore, #tpu.memory_space<semaphore_mem>>) src(%dma_wait3A_326 : memref<64x128xf32, #tpu.memory_space<vmem>>) dst(%dma_wait3A_322 : memref<64x128xf32, #tpu.memory_space<vmem_shared>>)
    %mul3A_327 = arith.constant 640 : i32
    %mul3A_328 = arith.muli %arg1, %mul3A_327 : i32
    %add3A_329 = arith.constant 576 : i32
    %add3A_330 = arith.addi %mul3A_328, %add3A_329 : i32
    %dma_wait3A_331 = arith.constant 0 : i32
    %dma_wait3A_332 = arith.constant 0 : i32
    %dma_wait3A_333 = arith.constant 0 : i32
    %dma_wait3A_334 = tpu.memref_slice %arg8[%dma_wait3A_331, %dma_wait3A_332, %dma_wait3A_333] : memref<4x64x128xf32, #tpu.memory_space<vmem>> -> memref<1x64x128xf32, #tpu.memory_space<vmem>>
    %dma_wait3A_335 = tpu.memref_squeeze %dma_wait3A_334 : memref<1x64x128xf32, #tpu.memory_space<vmem>> -> memref<64x128xf32, #tpu.memory_space<vmem>>
    %dma_wait3A_336 = arith.constant 0 : i32
    %dma_wait3A_337 = tpu.memref_slice %arg9[%add3A_330, %dma_wait3A_336] : memref<10240x128xf32, #tpu.memory_space<vmem_shared>> -> memref<64x128xf32, #tpu.memory_space<vmem_shared>>
    %dma_wait3A_338 = arith.constant 0 : i32
    %dma_wait3A_339 = tpu.memref_slice %arg9[%add3A_330, %dma_wait3A_338] : memref<10240x128xf32, #tpu.memory_space<vmem_shared>> -> memref<64x128xf32, #tpu.memory_space<vmem_shared>>
    %dma_wait3A_340 = arith.constant 0 : i32
    %dma_wait3A_341 = arith.constant 0 : i32
    %dma_wait3A_342 = tpu.memref_slice %arg8[%dma_wait3A_331, %dma_wait3A_340, %dma_wait3A_341] : memref<4x64x128xf32, #tpu.memory_space<vmem>> -> memref<1x64x128xf32, #tpu.memory_space<vmem>>
    %dma_wait3A_343 = tpu.memref_squeeze %dma_wait3A_342 : memref<1x64x128xf32, #tpu.memory_space<vmem>> -> memref<64x128xf32, #tpu.memory_space<vmem>>
    tpu.wait_dma2 semaphore(%arg22 : memref<!tpu.dma_semaphore, #tpu.memory_space<semaphore_mem>>) src(%dma_wait3A_343 : memref<64x128xf32, #tpu.memory_space<vmem>>) dst(%dma_wait3A_339 : memref<64x128xf32, #tpu.memory_space<vmem_shared>>)
    %barrier3A = arith.constant 0 : index
    tpu.barrier barrier_id(%barrier3A)
    %mul3A_344 = arith.constant 10240 : i32
    %mul3A_345 = arith.muli %add3A, %mul3A_344 : i32
    %add3A_346 = arith.constant 0 : i32
    %add3A_347 = arith.addi %mul3A_345, %add3A_346 : i32
    %dma_start3A_348 = arith.constant 0 : i32
    %dma_start3A_349 = arith.constant 0 : i32
    %dma_start3A_350 = tpu.memref_slice %arg6[%dma_start3A_348, %dma_start3A_349] : memref<4x64xi32, #tpu.memory_space<vmem>> -> memref<1x64xi32, #tpu.memory_space<vmem>>
    %dma_start3A_351 = tpu.memref_squeeze %dma_start3A_350 : memref<1x64xi32, #tpu.memory_space<vmem>> -> memref<64xi32, #tpu.memory_space<vmem>>
    %dma_start3A_352 = tpu.memref_slice %arg3[%add3A_347] : memref<327680xi32, #tpu.memory_space<hbm>> -> memref<64xi32, #tpu.memory_space<hbm>>
    %dma_start3A_353 = arith.constant 0 : i32
    %dma_start3A_354 = tpu.memref_slice %arg6[%dma_start3A_348, %dma_start3A_353] : memref<4x64xi32, #tpu.memory_space<vmem>> -> memref<1x64xi32, #tpu.memory_space<vmem>>
    %dma_start3A_355 = tpu.memref_squeeze %dma_start3A_354 : memref<1x64xi32, #tpu.memory_space<vmem>> -> memref<64xi32, #tpu.memory_space<vmem>>
    %dma_start3A_356 = tpu.memref_slice %arg3[%add3A_347] : memref<327680xi32, #tpu.memory_space<hbm>> -> memref<64xi32, #tpu.memory_space<hbm>>
    tpu.enqueue_dma source(%dma_start3A_356 : memref<64xi32, #tpu.memory_space<hbm>>) target(%dma_start3A_355 : memref<64xi32, #tpu.memory_space<vmem>>) target_semaphore(%arg10 : memref<!tpu.dma_semaphore, #tpu.memory_space<semaphore_mem>>)
    %add3A_357 = arith.constant 0 : i32
    %add3A_358 = arith.addi %mul3A_345, %add3A_357 : i32
    %dma_start3A_359 = arith.constant 0 : i32
    %dma_start3A_360 = arith.constant 0 : i32
    %dma_start3A_361 = tpu.memref_slice %arg7[%dma_start3A_359, %dma_start3A_360] : memref<4x64xi32, #tpu.memory_space<vmem>> -> memref<1x64xi32, #tpu.memory_space<vmem>>
    %dma_start3A_362 = tpu.memref_squeeze %dma_start3A_361 : memref<1x64xi32, #tpu.memory_space<vmem>> -> memref<64xi32, #tpu.memory_space<vmem>>
    %dma_start3A_363 = tpu.memref_slice %arg4[%add3A_358] : memref<327680xi32, #tpu.memory_space<hbm>> -> memref<64xi32, #tpu.memory_space<hbm>>
    %dma_start3A_364 = arith.constant 0 : i32
    %dma_start3A_365 = tpu.memref_slice %arg7[%dma_start3A_359, %dma_start3A_364] : memref<4x64xi32, #tpu.memory_space<vmem>> -> memref<1x64xi32, #tpu.memory_space<vmem>>
    %dma_start3A_366 = tpu.memref_squeeze %dma_start3A_365 : memref<1x64xi32, #tpu.memory_space<vmem>> -> memref<64xi32, #tpu.memory_space<vmem>>
    %dma_start3A_367 = tpu.memref_slice %arg4[%add3A_358] : memref<327680xi32, #tpu.memory_space<hbm>> -> memref<64xi32, #tpu.memory_space<hbm>>
    tpu.enqueue_dma source(%dma_start3A_367 : memref<64xi32, #tpu.memory_space<hbm>>) target(%dma_start3A_366 : memref<64xi32, #tpu.memory_space<vmem>>) target_semaphore(%arg10 : memref<!tpu.dma_semaphore, #tpu.memory_space<semaphore_mem>>)
    %add3A_368 = arith.constant 64 : i32
    %add3A_369 = arith.addi %mul3A_345, %add3A_368 : i32
    %dma_start3A_370 = arith.constant 1 : i32
    %dma_start3A_371 = arith.constant 0 : i32
    %dma_start3A_372 = tpu.memref_slice %arg6[%dma_start3A_370, %dma_start3A_371] : memref<4x64xi32, #tpu.memory_space<vmem>> -> memref<1x64xi32, #tpu.memory_space<vmem>>
    %dma_start3A_373 = tpu.memref_squeeze %dma_start3A_372 : memref<1x64xi32, #tpu.memory_space<vmem>> -> memref<64xi32, #tpu.memory_space<vmem>>
    %dma_start3A_374 = tpu.memref_slice %arg3[%add3A_369] : memref<327680xi32, #tpu.memory_space<hbm>> -> memref<64xi32, #tpu.memory_space<hbm>>
    %dma_start3A_375 = arith.constant 0 : i32
    %dma_start3A_376 = tpu.memref_slice %arg6[%dma_start3A_370, %dma_start3A_375] : memref<4x64xi32, #tpu.memory_space<vmem>> -> memref<1x64xi32, #tpu.memory_space<vmem>>
    %dma_start3A_377 = tpu.memref_squeeze %dma_start3A_376 : memref<1x64xi32, #tpu.memory_space<vmem>> -> memref<64xi32, #tpu.memory_space<vmem>>
    %dma_start3A_378 = tpu.memref_slice %arg3[%add3A_369] : memref<327680xi32, #tpu.memory_space<hbm>> -> memref<64xi32, #tpu.memory_space<hbm>>
    tpu.enqueue_dma source(%dma_start3A_378 : memref<64xi32, #tpu.memory_space<hbm>>) target(%dma_start3A_377 : memref<64xi32, #tpu.memory_space<vmem>>) target_semaphore(%arg11 : memref<!tpu.dma_semaphore, #tpu.memory_space<semaphore_mem>>)
    %add3A_379 = arith.constant 64 : i32
    %add3A_380 = arith.addi %mul3A_345, %add3A_379 : i32
    %dma_start3A_381 = arith.constant 1 : i32
    %dma_start3A_382 = arith.constant 0 : i32
    %dma_start3A_383 = tpu.memref_slice %arg7[%dma_start3A_381, %dma_start3A_382] : memref<4x64xi32, #tpu.memory_space<vmem>> -> memref<1x64xi32, #tpu.memory_space<vmem>>
    %dma_start3A_384 = tpu.memref_squeeze %dma_start3A_383 : memref<1x64xi32, #tpu.memory_space<vmem>> -> memref<64xi32, #tpu.memory_space<vmem>>
    %dma_start3A_385 = tpu.memref_slice %arg4[%add3A_380] : memref<327680xi32, #tpu.memory_space<hbm>> -> memref<64xi32, #tpu.memory_space<hbm>>
    %dma_start3A_386 = arith.constant 0 : i32
    %dma_start3A_387 = tpu.memref_slice %arg7[%dma_start3A_381, %dma_start3A_386] : memref<4x64xi32, #tpu.memory_space<vmem>> -> memref<1x64xi32, #tpu.memory_space<vmem>>
    %dma_start3A_388 = tpu.memref_squeeze %dma_start3A_387 : memref<1x64xi32, #tpu.memory_space<vmem>> -> memref<64xi32, #tpu.memory_space<vmem>>
    %dma_start3A_389 = tpu.memref_slice %arg4[%add3A_380] : memref<327680xi32, #tpu.memory_space<hbm>> -> memref<64xi32, #tpu.memory_space<hbm>>
    tpu.enqueue_dma source(%dma_start3A_389 : memref<64xi32, #tpu.memory_space<hbm>>) target(%dma_start3A_388 : memref<64xi32, #tpu.memory_space<vmem>>) target_semaphore(%arg11 : memref<!tpu.dma_semaphore, #tpu.memory_space<semaphore_mem>>)
    %add3A_390 = arith.constant 128 : i32
    %add3A_391 = arith.addi %mul3A_345, %add3A_390 : i32
    %dma_start3A_392 = arith.constant 2 : i32
    %dma_start3A_393 = arith.constant 0 : i32
    %dma_start3A_394 = tpu.memref_slice %arg6[%dma_start3A_392, %dma_start3A_393] : memref<4x64xi32, #tpu.memory_space<vmem>> -> memref<1x64xi32, #tpu.memory_space<vmem>>
    %dma_start3A_395 = tpu.memref_squeeze %dma_start3A_394 : memref<1x64xi32, #tpu.memory_space<vmem>> -> memref<64xi32, #tpu.memory_space<vmem>>
    %dma_start3A_396 = tpu.memref_slice %arg3[%add3A_391] : memref<327680xi32, #tpu.memory_space<hbm>> -> memref<64xi32, #tpu.memory_space<hbm>>
    %dma_start3A_397 = arith.constant 0 : i32
    %dma_start3A_398 = tpu.memref_slice %arg6[%dma_start3A_392, %dma_start3A_397] : memref<4x64xi32, #tpu.memory_space<vmem>> -> memref<1x64xi32, #tpu.memory_space<vmem>>
    %dma_start3A_399 = tpu.memref_squeeze %dma_start3A_398 : memref<1x64xi32, #tpu.memory_space<vmem>> -> memref<64xi32, #tpu.memory_space<vmem>>
    %dma_start3A_400 = tpu.memref_slice %arg3[%add3A_391] : memref<327680xi32, #tpu.memory_space<hbm>> -> memref<64xi32, #tpu.memory_space<hbm>>
    tpu.enqueue_dma source(%dma_start3A_400 : memref<64xi32, #tpu.memory_space<hbm>>) target(%dma_start3A_399 : memref<64xi32, #tpu.memory_space<vmem>>) target_semaphore(%arg12 : memref<!tpu.dma_semaphore, #tpu.memory_space<semaphore_mem>>)
    %add3A_401 = arith.constant 128 : i32
    %add3A_402 = arith.addi %mul3A_345, %add3A_401 : i32
    %dma_start3A_403 = arith.constant 2 : i32
    %dma_start3A_404 = arith.constant 0 : i32
    %dma_start3A_405 = tpu.memref_slice %arg7[%dma_start3A_403, %dma_start3A_404] : memref<4x64xi32, #tpu.memory_space<vmem>> -> memref<1x64xi32, #tpu.memory_space<vmem>>
    %dma_start3A_406 = tpu.memref_squeeze %dma_start3A_405 : memref<1x64xi32, #tpu.memory_space<vmem>> -> memref<64xi32, #tpu.memory_space<vmem>>
    %dma_start3A_407 = tpu.memref_slice %arg4[%add3A_402] : memref<327680xi32, #tpu.memory_space<hbm>> -> memref<64xi32, #tpu.memory_space<hbm>>
    %dma_start3A_408 = arith.constant 0 : i32
    %dma_start3A_409 = tpu.memref_slice %arg7[%dma_start3A_403, %dma_start3A_408] : memref<4x64xi32, #tpu.memory_space<vmem>> -> memref<1x64xi32, #tpu.memory_space<vmem>>
    %dma_start3A_410 = tpu.memref_squeeze %dma_start3A_409 : memref<1x64xi32, #tpu.memory_space<vmem>> -> memref<64xi32, #tpu.memory_space<vmem>>
    %dma_start3A_411 = tpu.memref_slice %arg4[%add3A_402] : memref<327680xi32, #tpu.memory_space<hbm>> -> memref<64xi32, #tpu.memory_space<hbm>>
    tpu.enqueue_dma source(%dma_start3A_411 : memref<64xi32, #tpu.memory_space<hbm>>) target(%dma_start3A_410 : memref<64xi32, #tpu.memory_space<vmem>>) target_semaphore(%arg12 : memref<!tpu.dma_semaphore, #tpu.memory_space<semaphore_mem>>)
    %add3A_412 = arith.constant 192 : i32
    %add3A_413 = arith.addi %mul3A_345, %add3A_412 : i32
    %dma_start3A_414 = arith.constant 3 : i32
    %dma_start3A_415 = arith.constant 0 : i32
    %dma_start3A_416 = tpu.memref_slice %arg6[%dma_start3A_414, %dma_start3A_415] : memref<4x64xi32, #tpu.memory_space<vmem>> -> memref<1x64xi32, #tpu.memory_space<vmem>>
    %dma_start3A_417 = tpu.memref_squeeze %dma_start3A_416 : memref<1x64xi32, #tpu.memory_space<vmem>> -> memref<64xi32, #tpu.memory_space<vmem>>
    %dma_start3A_418 = tpu.memref_slice %arg3[%add3A_413] : memref<327680xi32, #tpu.memory_space<hbm>> -> memref<64xi32, #tpu.memory_space<hbm>>
    %dma_start3A_419 = arith.constant 0 : i32
    %dma_start3A_420 = tpu.memref_slice %arg6[%dma_start3A_414, %dma_start3A_419] : memref<4x64xi32, #tpu.memory_space<vmem>> -> memref<1x64xi32, #tpu.memory_space<vmem>>
    %dma_start3A_421 = tpu.memref_squeeze %dma_start3A_420 : memref<1x64xi32, #tpu.memory_space<vmem>> -> memref<64xi32, #tpu.memory_space<vmem>>
    %dma_start3A_422 = tpu.memref_slice %arg3[%add3A_413] : memref<327680xi32, #tpu.memory_space<hbm>> -> memref<64xi32, #tpu.memory_space<hbm>>
    tpu.enqueue_dma source(%dma_start3A_422 : memref<64xi32, #tpu.memory_space<hbm>>) target(%dma_start3A_421 : memref<64xi32, #tpu.memory_space<vmem>>) target_semaphore(%arg13 : memref<!tpu.dma_semaphore, #tpu.memory_space<semaphore_mem>>)
    %add3A_423 = arith.constant 192 : i32
    %add3A_424 = arith.addi %mul3A_345, %add3A_423 : i32
    %dma_start3A_425 = arith.constant 3 : i32
    %dma_start3A_426 = arith.constant 0 : i32
    %dma_start3A_427 = tpu.memref_slice %arg7[%dma_start3A_425, %dma_start3A_426] : memref<4x64xi32, #tpu.memory_space<vmem>> -> memref<1x64xi32, #tpu.memory_space<vmem>>
    %dma_start3A_428 = tpu.memref_squeeze %dma_start3A_427 : memref<1x64xi32, #tpu.memory_space<vmem>> -> memref<64xi32, #tpu.memory_space<vmem>>
    %dma_start3A_429 = tpu.memref_slice %arg4[%add3A_424] : memref<327680xi32, #tpu.memory_space<hbm>> -> memref<64xi32, #tpu.memory_space<hbm>>
    %dma_start3A_430 = arith.constant 0 : i32
    %dma_start3A_431 = tpu.memref_slice %arg7[%dma_start3A_425, %dma_start3A_430] : memref<4x64xi32, #tpu.memory_space<vmem>> -> memref<1x64xi32, #tpu.memory_space<vmem>>
    %dma_start3A_432 = tpu.memref_squeeze %dma_start3A_431 : memref<1x64xi32, #tpu.memory_space<vmem>> -> memref<64xi32, #tpu.memory_space<vmem>>
    %dma_start3A_433 = tpu.memref_slice %arg4[%add3A_424] : memref<327680xi32, #tpu.memory_space<hbm>> -> memref<64xi32, #tpu.memory_space<hbm>>
    tpu.enqueue_dma source(%dma_start3A_433 : memref<64xi32, #tpu.memory_space<hbm>>) target(%dma_start3A_432 : memref<64xi32, #tpu.memory_space<vmem>>) target_semaphore(%arg13 : memref<!tpu.dma_semaphore, #tpu.memory_space<semaphore_mem>>)
    %add3A_434 = arith.constant 0 : i32
    %add3A_435 = arith.addi %mul3A_345, %add3A_434 : i32
    %dma_wait3A_436 = arith.constant 0 : i32
    %dma_wait3A_437 = arith.constant 0 : i32
    %dma_wait3A_438 = tpu.memref_slice %arg6[%dma_wait3A_436, %dma_wait3A_437] : memref<4x64xi32, #tpu.memory_space<vmem>> -> memref<1x64xi32, #tpu.memory_space<vmem>>
    %dma_wait3A_439 = tpu.memref_squeeze %dma_wait3A_438 : memref<1x64xi32, #tpu.memory_space<vmem>> -> memref<64xi32, #tpu.memory_space<vmem>>
    %dma_wait3A_440 = tpu.memref_slice %arg3[%add3A_435] : memref<327680xi32, #tpu.memory_space<hbm>> -> memref<64xi32, #tpu.memory_space<hbm>>
    %dma_wait3A_441 = arith.constant 0 : i32
    %dma_wait3A_442 = tpu.memref_slice %arg6[%dma_wait3A_436, %dma_wait3A_441] : memref<4x64xi32, #tpu.memory_space<vmem>> -> memref<1x64xi32, #tpu.memory_space<vmem>>
    %dma_wait3A_443 = tpu.memref_squeeze %dma_wait3A_442 : memref<1x64xi32, #tpu.memory_space<vmem>> -> memref<64xi32, #tpu.memory_space<vmem>>
    %dma_wait3A_444 = tpu.memref_slice %arg3[%add3A_435] : memref<327680xi32, #tpu.memory_space<hbm>> -> memref<64xi32, #tpu.memory_space<hbm>>
    tpu.wait_dma2 semaphore(%arg10 : memref<!tpu.dma_semaphore, #tpu.memory_space<semaphore_mem>>) src(%dma_wait3A_444 : memref<64xi32, #tpu.memory_space<hbm>>) dst(%dma_wait3A_443 : memref<64xi32, #tpu.memory_space<vmem>>)
    %add3A_445 = arith.constant 0 : i32
    %add3A_446 = arith.addi %mul3A_345, %add3A_445 : i32
    %dma_wait3A_447 = arith.constant 0 : i32
    %dma_wait3A_448 = arith.constant 0 : i32
    %dma_wait3A_449 = tpu.memref_slice %arg7[%dma_wait3A_447, %dma_wait3A_448] : memref<4x64xi32, #tpu.memory_space<vmem>> -> memref<1x64xi32, #tpu.memory_space<vmem>>
    %dma_wait3A_450 = tpu.memref_squeeze %dma_wait3A_449 : memref<1x64xi32, #tpu.memory_space<vmem>> -> memref<64xi32, #tpu.memory_space<vmem>>
    %dma_wait3A_451 = tpu.memref_slice %arg4[%add3A_446] : memref<327680xi32, #tpu.memory_space<hbm>> -> memref<64xi32, #tpu.memory_space<hbm>>
    %dma_wait3A_452 = arith.constant 0 : i32
    %dma_wait3A_453 = tpu.memref_slice %arg7[%dma_wait3A_447, %dma_wait3A_452] : memref<4x64xi32, #tpu.memory_space<vmem>> -> memref<1x64xi32, #tpu.memory_space<vmem>>
    %dma_wait3A_454 = tpu.memref_squeeze %dma_wait3A_453 : memref<1x64xi32, #tpu.memory_space<vmem>> -> memref<64xi32, #tpu.memory_space<vmem>>
    %dma_wait3A_455 = tpu.memref_slice %arg4[%add3A_446] : memref<327680xi32, #tpu.memory_space<hbm>> -> memref<64xi32, #tpu.memory_space<hbm>>
    tpu.wait_dma2 semaphore(%arg10 : memref<!tpu.dma_semaphore, #tpu.memory_space<semaphore_mem>>) src(%dma_wait3A_455 : memref<64xi32, #tpu.memory_space<hbm>>) dst(%dma_wait3A_454 : memref<64xi32, #tpu.memory_space<vmem>>)
    %dma_start3A_456 = arith.constant 0 : i32
    %dma_start3A_457 = arith.constant 0 : i32
    %dma_start3A_458 = arith.constant 0 : i32
    %dma_start3A_459 = arith.constant 0 : i32
    %dma_start3A_460 = tpu.memref_slice %arg8[%dma_start3A_457, %dma_start3A_458, %dma_start3A_459] : memref<4x64x128xf32, #tpu.memory_space<vmem>> -> memref<1x64x128xf32, #tpu.memory_space<vmem>>
    %dma_start3A_461 = tpu.memref_squeeze %dma_start3A_460 : memref<1x64x128xf32, #tpu.memory_space<vmem>> -> memref<64x128xf32, #tpu.memory_space<vmem>>
    %dma_start3A_462 = arith.constant 0 : i32
    %dma_start3A_463 = tpu.memref_slice %arg6[%dma_start3A_456, %dma_start3A_462] : memref<4x64xi32, #tpu.memory_space<vmem>> -> memref<1x64xi32, #tpu.memory_space<vmem>>
    %dma_start3A_464 = tpu.memref_squeeze %dma_start3A_463 : memref<1x64xi32, #tpu.memory_space<vmem>> -> memref<64xi32, #tpu.memory_space<vmem>>
    %dma_start3A_465 = arith.constant 0 : i32
    %dma_start3A_466 = arith.constant 0 : i32
    %dma_start3A_467 = tpu.memref_slice %arg2[%dma_start3A_465, %dma_start3A_466] : memref<10000x128xf32, #tpu.memory_space<hbm>> -> memref<10000x128xf32, #tpu.memory_space<hbm>>
    tpu.enqueue_indirect_dma source(%dma_start3A_467 : memref<10000x128xf32, #tpu.memory_space<hbm>>) target(%dma_start3A_461 : memref<64x128xf32, #tpu.memory_space<vmem>>) offsets(%dma_start3A_464 : memref<64xi32, #tpu.memory_space<vmem>>) semaphore(%arg14 : memref<!tpu.dma_semaphore, #tpu.memory_space<semaphore_mem>>)
    %add3A_468 = arith.constant 64 : i32
    %add3A_469 = arith.addi %mul3A_345, %add3A_468 : i32
    %dma_wait3A_470 = arith.constant 1 : i32
    %dma_wait3A_471 = arith.constant 0 : i32
    %dma_wait3A_472 = tpu.memref_slice %arg6[%dma_wait3A_470, %dma_wait3A_471] : memref<4x64xi32, #tpu.memory_space<vmem>> -> memref<1x64xi32, #tpu.memory_space<vmem>>
    %dma_wait3A_473 = tpu.memref_squeeze %dma_wait3A_472 : memref<1x64xi32, #tpu.memory_space<vmem>> -> memref<64xi32, #tpu.memory_space<vmem>>
    %dma_wait3A_474 = tpu.memref_slice %arg3[%add3A_469] : memref<327680xi32, #tpu.memory_space<hbm>> -> memref<64xi32, #tpu.memory_space<hbm>>
    %dma_wait3A_475 = arith.constant 0 : i32
    %dma_wait3A_476 = tpu.memref_slice %arg6[%dma_wait3A_470, %dma_wait3A_475] : memref<4x64xi32, #tpu.memory_space<vmem>> -> memref<1x64xi32, #tpu.memory_space<vmem>>
    %dma_wait3A_477 = tpu.memref_squeeze %dma_wait3A_476 : memref<1x64xi32, #tpu.memory_space<vmem>> -> memref<64xi32, #tpu.memory_space<vmem>>
    %dma_wait3A_478 = tpu.memref_slice %arg3[%add3A_469] : memref<327680xi32, #tpu.memory_space<hbm>> -> memref<64xi32, #tpu.memory_space<hbm>>
    tpu.wait_dma2 semaphore(%arg11 : memref<!tpu.dma_semaphore, #tpu.memory_space<semaphore_mem>>) src(%dma_wait3A_478 : memref<64xi32, #tpu.memory_space<hbm>>) dst(%dma_wait3A_477 : memref<64xi32, #tpu.memory_space<vmem>>)
    %add3A_479 = arith.constant 64 : i32
    %add3A_480 = arith.addi %mul3A_345, %add3A_479 : i32
    %dma_wait3A_481 = arith.constant 1 : i32
    %dma_wait3A_482 = arith.constant 0 : i32
    %dma_wait3A_483 = tpu.memref_slice %arg7[%dma_wait3A_481, %dma_wait3A_482] : memref<4x64xi32, #tpu.memory_space<vmem>> -> memref<1x64xi32, #tpu.memory_space<vmem>>
    %dma_wait3A_484 = tpu.memref_squeeze %dma_wait3A_483 : memref<1x64xi32, #tpu.memory_space<vmem>> -> memref<64xi32, #tpu.memory_space<vmem>>
    %dma_wait3A_485 = tpu.memref_slice %arg4[%add3A_480] : memref<327680xi32, #tpu.memory_space<hbm>> -> memref<64xi32, #tpu.memory_space<hbm>>
    %dma_wait3A_486 = arith.constant 0 : i32
    %dma_wait3A_487 = tpu.memref_slice %arg7[%dma_wait3A_481, %dma_wait3A_486] : memref<4x64xi32, #tpu.memory_space<vmem>> -> memref<1x64xi32, #tpu.memory_space<vmem>>
    %dma_wait3A_488 = tpu.memref_squeeze %dma_wait3A_487 : memref<1x64xi32, #tpu.memory_space<vmem>> -> memref<64xi32, #tpu.memory_space<vmem>>
    %dma_wait3A_489 = tpu.memref_slice %arg4[%add3A_480] : memref<327680xi32, #tpu.memory_space<hbm>> -> memref<64xi32, #tpu.memory_space<hbm>>
    tpu.wait_dma2 semaphore(%arg11 : memref<!tpu.dma_semaphore, #tpu.memory_space<semaphore_mem>>) src(%dma_wait3A_489 : memref<64xi32, #tpu.memory_space<hbm>>) dst(%dma_wait3A_488 : memref<64xi32, #tpu.memory_space<vmem>>)
    %dma_start3A_490 = arith.constant 1 : i32
    %dma_start3A_491 = arith.constant 1 : i32
    %dma_start3A_492 = arith.constant 0 : i32
    %dma_start3A_493 = arith.constant 0 : i32
    %dma_start3A_494 = tpu.memref_slice %arg8[%dma_start3A_491, %dma_start3A_492, %dma_start3A_493] : memref<4x64x128xf32, #tpu.memory_space<vmem>> -> memref<1x64x128xf32, #tpu.memory_space<vmem>>
    %dma_start3A_495 = tpu.memref_squeeze %dma_start3A_494 : memref<1x64x128xf32, #tpu.memory_space<vmem>> -> memref<64x128xf32, #tpu.memory_space<vmem>>
    %dma_start3A_496 = arith.constant 0 : i32
    %dma_start3A_497 = tpu.memref_slice %arg6[%dma_start3A_490, %dma_start3A_496] : memref<4x64xi32, #tpu.memory_space<vmem>> -> memref<1x64xi32, #tpu.memory_space<vmem>>
    %dma_start3A_498 = tpu.memref_squeeze %dma_start3A_497 : memref<1x64xi32, #tpu.memory_space<vmem>> -> memref<64xi32, #tpu.memory_space<vmem>>
    %dma_start3A_499 = arith.constant 0 : i32
    %dma_start3A_500 = arith.constant 0 : i32
    %dma_start3A_501 = tpu.memref_slice %arg2[%dma_start3A_499, %dma_start3A_500] : memref<10000x128xf32, #tpu.memory_space<hbm>> -> memref<10000x128xf32, #tpu.memory_space<hbm>>
    tpu.enqueue_indirect_dma source(%dma_start3A_501 : memref<10000x128xf32, #tpu.memory_space<hbm>>) target(%dma_start3A_495 : memref<64x128xf32, #tpu.memory_space<vmem>>) offsets(%dma_start3A_498 : memref<64xi32, #tpu.memory_space<vmem>>) semaphore(%arg15 : memref<!tpu.dma_semaphore, #tpu.memory_space<semaphore_mem>>)
    %add3A_502 = arith.constant 128 : i32
    %add3A_503 = arith.addi %mul3A_345, %add3A_502 : i32
    %dma_wait3A_504 = arith.constant 2 : i32
    %dma_wait3A_505 = arith.constant 0 : i32
    %dma_wait3A_506 = tpu.memref_slice %arg6[%dma_wait3A_504, %dma_wait3A_505] : memref<4x64xi32, #tpu.memory_space<vmem>> -> memref<1x64xi32, #tpu.memory_space<vmem>>
    %dma_wait3A_507 = tpu.memref_squeeze %dma_wait3A_506 : memref<1x64xi32, #tpu.memory_space<vmem>> -> memref<64xi32, #tpu.memory_space<vmem>>
    %dma_wait3A_508 = tpu.memref_slice %arg3[%add3A_503] : memref<327680xi32, #tpu.memory_space<hbm>> -> memref<64xi32, #tpu.memory_space<hbm>>
    %dma_wait3A_509 = arith.constant 0 : i32
    %dma_wait3A_510 = tpu.memref_slice %arg6[%dma_wait3A_504, %dma_wait3A_509] : memref<4x64xi32, #tpu.memory_space<vmem>> -> memref<1x64xi32, #tpu.memory_space<vmem>>
    %dma_wait3A_511 = tpu.memref_squeeze %dma_wait3A_510 : memref<1x64xi32, #tpu.memory_space<vmem>> -> memref<64xi32, #tpu.memory_space<vmem>>
    %dma_wait3A_512 = tpu.memref_slice %arg3[%add3A_503] : memref<327680xi32, #tpu.memory_space<hbm>> -> memref<64xi32, #tpu.memory_space<hbm>>
    tpu.wait_dma2 semaphore(%arg12 : memref<!tpu.dma_semaphore, #tpu.memory_space<semaphore_mem>>) src(%dma_wait3A_512 : memref<64xi32, #tpu.memory_space<hbm>>) dst(%dma_wait3A_511 : memref<64xi32, #tpu.memory_space<vmem>>)
    %add3A_513 = arith.constant 128 : i32
    %add3A_514 = arith.addi %mul3A_345, %add3A_513 : i32
    %dma_wait3A_515 = arith.constant 2 : i32
    %dma_wait3A_516 = arith.constant 0 : i32
    %dma_wait3A_517 = tpu.memref_slice %arg7[%dma_wait3A_515, %dma_wait3A_516] : memref<4x64xi32, #tpu.memory_space<vmem>> -> memref<1x64xi32, #tpu.memory_space<vmem>>
    %dma_wait3A_518 = tpu.memref_squeeze %dma_wait3A_517 : memref<1x64xi32, #tpu.memory_space<vmem>> -> memref<64xi32, #tpu.memory_space<vmem>>
    %dma_wait3A_519 = tpu.memref_slice %arg4[%add3A_514] : memref<327680xi32, #tpu.memory_space<hbm>> -> memref<64xi32, #tpu.memory_space<hbm>>
    %dma_wait3A_520 = arith.constant 0 : i32
    %dma_wait3A_521 = tpu.memref_slice %arg7[%dma_wait3A_515, %dma_wait3A_520] : memref<4x64xi32, #tpu.memory_space<vmem>> -> memref<1x64xi32, #tpu.memory_space<vmem>>
    %dma_wait3A_522 = tpu.memref_squeeze %dma_wait3A_521 : memref<1x64xi32, #tpu.memory_space<vmem>> -> memref<64xi32, #tpu.memory_space<vmem>>
    %dma_wait3A_523 = tpu.memref_slice %arg4[%add3A_514] : memref<327680xi32, #tpu.memory_space<hbm>> -> memref<64xi32, #tpu.memory_space<hbm>>
    tpu.wait_dma2 semaphore(%arg12 : memref<!tpu.dma_semaphore, #tpu.memory_space<semaphore_mem>>) src(%dma_wait3A_523 : memref<64xi32, #tpu.memory_space<hbm>>) dst(%dma_wait3A_522 : memref<64xi32, #tpu.memory_space<vmem>>)
    %dma_start3A_524 = arith.constant 2 : i32
    %dma_start3A_525 = arith.constant 2 : i32
    %dma_start3A_526 = arith.constant 0 : i32
    %dma_start3A_527 = arith.constant 0 : i32
    %dma_start3A_528 = tpu.memref_slice %arg8[%dma_start3A_525, %dma_start3A_526, %dma_start3A_527] : memref<4x64x128xf32, #tpu.memory_space<vmem>> -> memref<1x64x128xf32, #tpu.memory_space<vmem>>
    %dma_start3A_529 = tpu.memref_squeeze %dma_start3A_528 : memref<1x64x128xf32, #tpu.memory_space<vmem>> -> memref<64x128xf32, #tpu.memory_space<vmem>>
    %dma_start3A_530 = arith.constant 0 : i32
    %dma_start3A_531 = tpu.memref_slice %arg6[%dma_start3A_524, %dma_start3A_530] : memref<4x64xi32, #tpu.memory_space<vmem>> -> memref<1x64xi32, #tpu.memory_space<vmem>>
    %dma_start3A_532 = tpu.memref_squeeze %dma_start3A_531 : memref<1x64xi32, #tpu.memory_space<vmem>> -> memref<64xi32, #tpu.memory_space<vmem>>
    %dma_start3A_533 = arith.constant 0 : i32
    %dma_start3A_534 = arith.constant 0 : i32
    %dma_start3A_535 = tpu.memref_slice %arg2[%dma_start3A_533, %dma_start3A_534] : memref<10000x128xf32, #tpu.memory_space<hbm>> -> memref<10000x128xf32, #tpu.memory_space<hbm>>
    tpu.enqueue_indirect_dma source(%dma_start3A_535 : memref<10000x128xf32, #tpu.memory_space<hbm>>) target(%dma_start3A_529 : memref<64x128xf32, #tpu.memory_space<vmem>>) offsets(%dma_start3A_532 : memref<64xi32, #tpu.memory_space<vmem>>) semaphore(%arg16 : memref<!tpu.dma_semaphore, #tpu.memory_space<semaphore_mem>>)
    %add3A_536 = arith.constant 192 : i32
    %add3A_537 = arith.addi %mul3A_345, %add3A_536 : i32
    %dma_wait3A_538 = arith.constant 3 : i32
    %dma_wait3A_539 = arith.constant 0 : i32
    %dma_wait3A_540 = tpu.memref_slice %arg6[%dma_wait3A_538, %dma_wait3A_539] : memref<4x64xi32, #tpu.memory_space<vmem>> -> memref<1x64xi32, #tpu.memory_space<vmem>>
    %dma_wait3A_541 = tpu.memref_squeeze %dma_wait3A_540 : memref<1x64xi32, #tpu.memory_space<vmem>> -> memref<64xi32, #tpu.memory_space<vmem>>
    %dma_wait3A_542 = tpu.memref_slice %arg3[%add3A_537] : memref<327680xi32, #tpu.memory_space<hbm>> -> memref<64xi32, #tpu.memory_space<hbm>>
    %dma_wait3A_543 = arith.constant 0 : i32
    %dma_wait3A_544 = tpu.memref_slice %arg6[%dma_wait3A_538, %dma_wait3A_543] : memref<4x64xi32, #tpu.memory_space<vmem>> -> memref<1x64xi32, #tpu.memory_space<vmem>>
    %dma_wait3A_545 = tpu.memref_squeeze %dma_wait3A_544 : memref<1x64xi32, #tpu.memory_space<vmem>> -> memref<64xi32, #tpu.memory_space<vmem>>
    %dma_wait3A_546 = tpu.memref_slice %arg3[%add3A_537] : memref<327680xi32, #tpu.memory_space<hbm>> -> memref<64xi32, #tpu.memory_space<hbm>>
    tpu.wait_dma2 semaphore(%arg13 : memref<!tpu.dma_semaphore, #tpu.memory_space<semaphore_mem>>) src(%dma_wait3A_546 : memref<64xi32, #tpu.memory_space<hbm>>) dst(%dma_wait3A_545 : memref<64xi32, #tpu.memory_space<vmem>>)
    %add3A_547 = arith.constant 192 : i32
    %add3A_548 = arith.addi %mul3A_345, %add3A_547 : i32
    %dma_wait3A_549 = arith.constant 3 : i32
    %dma_wait3A_550 = arith.constant 0 : i32
    %dma_wait3A_551 = tpu.memref_slice %arg7[%dma_wait3A_549, %dma_wait3A_550] : memref<4x64xi32, #tpu.memory_space<vmem>> -> memref<1x64xi32, #tpu.memory_space<vmem>>
    %dma_wait3A_552 = tpu.memref_squeeze %dma_wait3A_551 : memref<1x64xi32, #tpu.memory_space<vmem>> -> memref<64xi32, #tpu.memory_space<vmem>>
    %dma_wait3A_553 = tpu.memref_slice %arg4[%add3A_548] : memref<327680xi32, #tpu.memory_space<hbm>> -> memref<64xi32, #tpu.memory_space<hbm>>
    %dma_wait3A_554 = arith.constant 0 : i32
    %dma_wait3A_555 = tpu.memref_slice %arg7[%dma_wait3A_549, %dma_wait3A_554] : memref<4x64xi32, #tpu.memory_space<vmem>> -> memref<1x64xi32, #tpu.memory_space<vmem>>
    %dma_wait3A_556 = tpu.memref_squeeze %dma_wait3A_555 : memref<1x64xi32, #tpu.memory_space<vmem>> -> memref<64xi32, #tpu.memory_space<vmem>>
    %dma_wait3A_557 = tpu.memref_slice %arg4[%add3A_548] : memref<327680xi32, #tpu.memory_space<hbm>> -> memref<64xi32, #tpu.memory_space<hbm>>
    tpu.wait_dma2 semaphore(%arg13 : memref<!tpu.dma_semaphore, #tpu.memory_space<semaphore_mem>>) src(%dma_wait3A_557 : memref<64xi32, #tpu.memory_space<hbm>>) dst(%dma_wait3A_556 : memref<64xi32, #tpu.memory_space<vmem>>)
    %dma_start3A_558 = arith.constant 3 : i32
    %dma_start3A_559 = arith.constant 3 : i32
    %dma_start3A_560 = arith.constant 0 : i32
    %dma_start3A_561 = arith.constant 0 : i32
    %dma_start3A_562 = tpu.memref_slice %arg8[%dma_start3A_559, %dma_start3A_560, %dma_start3A_561] : memref<4x64x128xf32, #tpu.memory_space<vmem>> -> memref<1x64x128xf32, #tpu.memory_space<vmem>>
    %dma_start3A_563 = tpu.memref_squeeze %dma_start3A_562 : memref<1x64x128xf32, #tpu.memory_space<vmem>> -> memref<64x128xf32, #tpu.memory_space<vmem>>
    %dma_start3A_564 = arith.constant 0 : i32
    %dma_start3A_565 = tpu.memref_slice %arg6[%dma_start3A_558, %dma_start3A_564] : memref<4x64xi32, #tpu.memory_space<vmem>> -> memref<1x64xi32, #tpu.memory_space<vmem>>
    %dma_start3A_566 = tpu.memref_squeeze %dma_start3A_565 : memref<1x64xi32, #tpu.memory_space<vmem>> -> memref<64xi32, #tpu.memory_space<vmem>>
    %dma_start3A_567 = arith.constant 0 : i32
    %dma_start3A_568 = arith.constant 0 : i32
    %dma_start3A_569 = tpu.memref_slice %arg2[%dma_start3A_567, %dma_start3A_568] : memref<10000x128xf32, #tpu.memory_space<hbm>> -> memref<10000x128xf32, #tpu.memory_space<hbm>>
    tpu.enqueue_indirect_dma source(%dma_start3A_569 : memref<10000x128xf32, #tpu.memory_space<hbm>>) target(%dma_start3A_563 : memref<64x128xf32, #tpu.memory_space<vmem>>) offsets(%dma_start3A_566 : memref<64xi32, #tpu.memory_space<vmem>>) semaphore(%arg17 : memref<!tpu.dma_semaphore, #tpu.memory_space<semaphore_mem>>)
    %scan3A_570 = arith.constant 0 : i32
    %scan3A_571 = arith.constant 0 : i32
    %scan3A_572 = arith.constant 40 : i32
    %scan3A_573 = arith.addi %scan3A_571, %scan3A_572 : i32
    %scan3A_574 = arith.constant 1 : i32
    scf.for %scan3A_631 = %scan3A_571 to %scan3A_573 step %scan3A_574  : i32 {
      %dma_wait3A_632 = arith.constant 0 : i32
      %dma_wait3A_633 = arith.constant 0 : i32
      %dma_wait3A_634 = arith.constant 0 : i32
      %dma_wait3A_635 = arith.constant 0 : i32
      %dma_wait3A_636 = tpu.memref_slice %arg8[%dma_wait3A_633, %dma_wait3A_634, %dma_wait3A_635] : memref<4x64x128xf32, #tpu.memory_space<vmem>> -> memref<1x64x128xf32, #tpu.memory_space<vmem>>
      %dma_wait3A_637 = tpu.memref_squeeze %dma_wait3A_636 : memref<1x64x128xf32, #tpu.memory_space<vmem>> -> memref<64x128xf32, #tpu.memory_space<vmem>>
      %dma_wait3A_638 = arith.constant 0 : i32
      %dma_wait3A_639 = tpu.memref_slice %arg6[%dma_wait3A_632, %dma_wait3A_638] : memref<4x64xi32, #tpu.memory_space<vmem>> -> memref<1x64xi32, #tpu.memory_space<vmem>>
      %dma_wait3A_640 = tpu.memref_squeeze %dma_wait3A_639 : memref<1x64xi32, #tpu.memory_space<vmem>> -> memref<64xi32, #tpu.memory_space<vmem>>
      %dma_wait3A_641 = arith.constant 0 : i32
      %dma_wait3A_642 = arith.constant 0 : i32
      %dma_wait3A_643 = tpu.memref_slice %arg2[%dma_wait3A_641, %dma_wait3A_642] : memref<10000x128xf32, #tpu.memory_space<hbm>> -> memref<10000x128xf32, #tpu.memory_space<hbm>>
      tpu.wait_indirect_dma semaphore(%arg14 : memref<!tpu.dma_semaphore, #tpu.memory_space<semaphore_mem>>) src(%dma_wait3A_643 : memref<10000x128xf32, #tpu.memory_space<hbm>>) dst(%dma_wait3A_637 : memref<64x128xf32, #tpu.memory_space<vmem>>)
      %dma_start3A_644 = arith.constant 0 : i32
      %dma_start3A_645 = arith.constant 0 : i32
      %dma_start3A_646 = arith.constant 0 : i32
      %dma_start3A_647 = arith.constant 0 : i32
      %dma_start3A_648 = tpu.memref_slice %arg8[%dma_start3A_644, %dma_start3A_646, %dma_start3A_647] : memref<4x64x128xf32, #tpu.memory_space<vmem>> -> memref<1x64x128xf32, #tpu.memory_space<vmem>>
      %dma_start3A_649 = tpu.memref_squeeze %dma_start3A_648 : memref<1x64x128xf32, #tpu.memory_space<vmem>> -> memref<64x128xf32, #tpu.memory_space<vmem>>
      %dma_start3A_650 = arith.constant 0 : i32
      %dma_start3A_651 = tpu.memref_slice %arg7[%dma_start3A_645, %dma_start3A_650] : memref<4x64xi32, #tpu.memory_space<vmem>> -> memref<1x64xi32, #tpu.memory_space<vmem>>
      %dma_start3A_652 = tpu.memref_squeeze %dma_start3A_651 : memref<1x64xi32, #tpu.memory_space<vmem>> -> memref<64xi32, #tpu.memory_space<vmem>>
      %dma_start3A_653 = arith.constant 0 : i32
      %dma_start3A_654 = arith.constant 0 : i32
      %dma_start3A_655 = tpu.memref_slice %arg9[%dma_start3A_653, %dma_start3A_654] : memref<10240x128xf32, #tpu.memory_space<vmem_shared>> -> memref<10240x128xf32, #tpu.memory_space<vmem_shared>>
      tpu.enqueue_indirect_dma source(%dma_start3A_649 : memref<64x128xf32, #tpu.memory_space<vmem>>) target(%dma_start3A_655 : memref<10240x128xf32, #tpu.memory_space<vmem_shared>>) offsets(%dma_start3A_652 : memref<64xi32, #tpu.memory_space<vmem>>) semaphore(%arg18 : memref<!tpu.dma_semaphore, #tpu.memory_space<semaphore_mem>>) {add = true}
      %dma_wait3A_656 = arith.constant 1 : i32
      %dma_wait3A_657 = arith.constant 1 : i32
      %dma_wait3A_658 = arith.constant 0 : i32
      %dma_wait3A_659 = arith.constant 0 : i32
      %dma_wait3A_660 = tpu.memref_slice %arg8[%dma_wait3A_657, %dma_wait3A_658, %dma_wait3A_659] : memref<4x64x128xf32, #tpu.memory_space<vmem>> -> memref<1x64x128xf32, #tpu.memory_space<vmem>>
      %dma_wait3A_661 = tpu.memref_squeeze %dma_wait3A_660 : memref<1x64x128xf32, #tpu.memory_space<vmem>> -> memref<64x128xf32, #tpu.memory_space<vmem>>
      %dma_wait3A_662 = arith.constant 0 : i32
      %dma_wait3A_663 = tpu.memref_slice %arg6[%dma_wait3A_656, %dma_wait3A_662] : memref<4x64xi32, #tpu.memory_space<vmem>> -> memref<1x64xi32, #tpu.memory_space<vmem>>
      %dma_wait3A_664 = tpu.memref_squeeze %dma_wait3A_663 : memref<1x64xi32, #tpu.memory_space<vmem>> -> memref<64xi32, #tpu.memory_space<vmem>>
      %dma_wait3A_665 = arith.constant 0 : i32
      %dma_wait3A_666 = arith.constant 0 : i32
      %dma_wait3A_667 = tpu.memref_slice %arg2[%dma_wait3A_665, %dma_wait3A_666] : memref<10000x128xf32, #tpu.memory_space<hbm>> -> memref<10000x128xf32, #tpu.memory_space<hbm>>
      tpu.wait_indirect_dma semaphore(%arg15 : memref<!tpu.dma_semaphore, #tpu.memory_space<semaphore_mem>>) src(%dma_wait3A_667 : memref<10000x128xf32, #tpu.memory_space<hbm>>) dst(%dma_wait3A_661 : memref<64x128xf32, #tpu.memory_space<vmem>>)
      %dma_start3A_668 = arith.constant 1 : i32
      %dma_start3A_669 = arith.constant 1 : i32
      %dma_start3A_670 = arith.constant 0 : i32
      %dma_start3A_671 = arith.constant 0 : i32
      %dma_start3A_672 = tpu.memref_slice %arg8[%dma_start3A_668, %dma_start3A_670, %dma_start3A_671] : memref<4x64x128xf32, #tpu.memory_space<vmem>> -> memref<1x64x128xf32, #tpu.memory_space<vmem>>
      %dma_start3A_673 = tpu.memref_squeeze %dma_start3A_672 : memref<1x64x128xf32, #tpu.memory_space<vmem>> -> memref<64x128xf32, #tpu.memory_space<vmem>>
      %dma_start3A_674 = arith.constant 0 : i32
      %dma_start3A_675 = tpu.memref_slice %arg7[%dma_start3A_669, %dma_start3A_674] : memref<4x64xi32, #tpu.memory_space<vmem>> -> memref<1x64xi32, #tpu.memory_space<vmem>>
      %dma_start3A_676 = tpu.memref_squeeze %dma_start3A_675 : memref<1x64xi32, #tpu.memory_space<vmem>> -> memref<64xi32, #tpu.memory_space<vmem>>
      %dma_start3A_677 = arith.constant 0 : i32
      %dma_start3A_678 = arith.constant 0 : i32
      %dma_start3A_679 = tpu.memref_slice %arg9[%dma_start3A_677, %dma_start3A_678] : memref<10240x128xf32, #tpu.memory_space<vmem_shared>> -> memref<10240x128xf32, #tpu.memory_space<vmem_shared>>
      tpu.enqueue_indirect_dma source(%dma_start3A_673 : memref<64x128xf32, #tpu.memory_space<vmem>>) target(%dma_start3A_679 : memref<10240x128xf32, #tpu.memory_space<vmem_shared>>) offsets(%dma_start3A_676 : memref<64xi32, #tpu.memory_space<vmem>>) semaphore(%arg19 : memref<!tpu.dma_semaphore, #tpu.memory_space<semaphore_mem>>) {add = true}
      %dma_wait3A_680 = arith.constant 2 : i32
      %dma_wait3A_681 = arith.constant 2 : i32
      %dma_wait3A_682 = arith.constant 0 : i32
      %dma_wait3A_683 = arith.constant 0 : i32
      %dma_wait3A_684 = tpu.memref_slice %arg8[%dma_wait3A_681, %dma_wait3A_682, %dma_wait3A_683] : memref<4x64x128xf32, #tpu.memory_space<vmem>> -> memref<1x64x128xf32, #tpu.memory_space<vmem>>
      %dma_wait3A_685 = tpu.memref_squeeze %dma_wait3A_684 : memref<1x64x128xf32, #tpu.memory_space<vmem>> -> memref<64x128xf32, #tpu.memory_space<vmem>>
      %dma_wait3A_686 = arith.constant 0 : i32
      %dma_wait3A_687 = tpu.memref_slice %arg6[%dma_wait3A_680, %dma_wait3A_686] : memref<4x64xi32, #tpu.memory_space<vmem>> -> memref<1x64xi32, #tpu.memory_space<vmem>>
      %dma_wait3A_688 = tpu.memref_squeeze %dma_wait3A_687 : memref<1x64xi32, #tpu.memory_space<vmem>> -> memref<64xi32, #tpu.memory_space<vmem>>
      %dma_wait3A_689 = arith.constant 0 : i32
      %dma_wait3A_690 = arith.constant 0 : i32
      %dma_wait3A_691 = tpu.memref_slice %arg2[%dma_wait3A_689, %dma_wait3A_690] : memref<10000x128xf32, #tpu.memory_space<hbm>> -> memref<10000x128xf32, #tpu.memory_space<hbm>>
      tpu.wait_indirect_dma semaphore(%arg16 : memref<!tpu.dma_semaphore, #tpu.memory_space<semaphore_mem>>) src(%dma_wait3A_691 : memref<10000x128xf32, #tpu.memory_space<hbm>>) dst(%dma_wait3A_685 : memref<64x128xf32, #tpu.memory_space<vmem>>)
      %dma_start3A_692 = arith.constant 2 : i32
      %dma_start3A_693 = arith.constant 2 : i32
      %dma_start3A_694 = arith.constant 0 : i32
      %dma_start3A_695 = arith.constant 0 : i32
      %dma_start3A_696 = tpu.memref_slice %arg8[%dma_start3A_692, %dma_start3A_694, %dma_start3A_695] : memref<4x64x128xf32, #tpu.memory_space<vmem>> -> memref<1x64x128xf32, #tpu.memory_space<vmem>>
      %dma_start3A_697 = tpu.memref_squeeze %dma_start3A_696 : memref<1x64x128xf32, #tpu.memory_space<vmem>> -> memref<64x128xf32, #tpu.memory_space<vmem>>
      %dma_start3A_698 = arith.constant 0 : i32
      %dma_start3A_699 = tpu.memref_slice %arg7[%dma_start3A_693, %dma_start3A_698] : memref<4x64xi32, #tpu.memory_space<vmem>> -> memref<1x64xi32, #tpu.memory_space<vmem>>
      %dma_start3A_700 = tpu.memref_squeeze %dma_start3A_699 : memref<1x64xi32, #tpu.memory_space<vmem>> -> memref<64xi32, #tpu.memory_space<vmem>>
      %dma_start3A_701 = arith.constant 0 : i32
      %dma_start3A_702 = arith.constant 0 : i32
      %dma_start3A_703 = tpu.memref_slice %arg9[%dma_start3A_701, %dma_start3A_702] : memref<10240x128xf32, #tpu.memory_space<vmem_shared>> -> memref<10240x128xf32, #tpu.memory_space<vmem_shared>>
      tpu.enqueue_indirect_dma source(%dma_start3A_697 : memref<64x128xf32, #tpu.memory_space<vmem>>) target(%dma_start3A_703 : memref<10240x128xf32, #tpu.memory_space<vmem_shared>>) offsets(%dma_start3A_700 : memref<64xi32, #tpu.memory_space<vmem>>) semaphore(%arg20 : memref<!tpu.dma_semaphore, #tpu.memory_space<semaphore_mem>>) {add = true}
      %dma_wait3A_704 = arith.constant 3 : i32
      %dma_wait3A_705 = arith.constant 3 : i32
      %dma_wait3A_706 = arith.constant 0 : i32
      %dma_wait3A_707 = arith.constant 0 : i32
      %dma_wait3A_708 = tpu.memref_slice %arg8[%dma_wait3A_705, %dma_wait3A_706, %dma_wait3A_707] : memref<4x64x128xf32, #tpu.memory_space<vmem>> -> memref<1x64x128xf32, #tpu.memory_space<vmem>>
      %dma_wait3A_709 = tpu.memref_squeeze %dma_wait3A_708 : memref<1x64x128xf32, #tpu.memory_space<vmem>> -> memref<64x128xf32, #tpu.memory_space<vmem>>
      %dma_wait3A_710 = arith.constant 0 : i32
      %dma_wait3A_711 = tpu.memref_slice %arg6[%dma_wait3A_704, %dma_wait3A_710] : memref<4x64xi32, #tpu.memory_space<vmem>> -> memref<1x64xi32, #tpu.memory_space<vmem>>
      %dma_wait3A_712 = tpu.memref_squeeze %dma_wait3A_711 : memref<1x64xi32, #tpu.memory_space<vmem>> -> memref<64xi32, #tpu.memory_space<vmem>>
      %dma_wait3A_713 = arith.constant 0 : i32
      %dma_wait3A_714 = arith.constant 0 : i32
      %dma_wait3A_715 = tpu.memref_slice %arg2[%dma_wait3A_713, %dma_wait3A_714] : memref<10000x128xf32, #tpu.memory_space<hbm>> -> memref<10000x128xf32, #tpu.memory_space<hbm>>
      tpu.wait_indirect_dma semaphore(%arg17 : memref<!tpu.dma_semaphore, #tpu.memory_space<semaphore_mem>>) src(%dma_wait3A_715 : memref<10000x128xf32, #tpu.memory_space<hbm>>) dst(%dma_wait3A_709 : memref<64x128xf32, #tpu.memory_space<vmem>>)
      %dma_start3A_716 = arith.constant 3 : i32
      %dma_start3A_717 = arith.constant 3 : i32
      %dma_start3A_718 = arith.constant 0 : i32
      %dma_start3A_719 = arith.constant 0 : i32
      %dma_start3A_720 = tpu.memref_slice %arg8[%dma_start3A_716, %dma_start3A_718, %dma_start3A_719] : memref<4x64x128xf32, #tpu.memory_space<vmem>> -> memref<1x64x128xf32, #tpu.memory_space<vmem>>
      %dma_start3A_721 = tpu.memref_squeeze %dma_start3A_720 : memref<1x64x128xf32, #tpu.memory_space<vmem>> -> memref<64x128xf32, #tpu.memory_space<vmem>>
      %dma_start3A_722 = arith.constant 0 : i32
      %dma_start3A_723 = tpu.memref_slice %arg7[%dma_start3A_717, %dma_start3A_722] : memref<4x64xi32, #tpu.memory_space<vmem>> -> memref<1x64xi32, #tpu.memory_space<vmem>>
      %dma_start3A_724 = tpu.memref_squeeze %dma_start3A_723 : memref<1x64xi32, #tpu.memory_space<vmem>> -> memref<64xi32, #tpu.memory_space<vmem>>
      %dma_start3A_725 = arith.constant 0 : i32
      %dma_start3A_726 = arith.constant 0 : i32
      %dma_start3A_727 = tpu.memref_slice %arg9[%dma_start3A_725, %dma_start3A_726] : memref<10240x128xf32, #tpu.memory_space<vmem_shared>> -> memref<10240x128xf32, #tpu.memory_space<vmem_shared>>
      tpu.enqueue_indirect_dma source(%dma_start3A_721 : memref<64x128xf32, #tpu.memory_space<vmem>>) target(%dma_start3A_727 : memref<10240x128xf32, #tpu.memory_space<vmem_shared>>) offsets(%dma_start3A_724 : memref<64xi32, #tpu.memory_space<vmem>>) semaphore(%arg21 : memref<!tpu.dma_semaphore, #tpu.memory_space<semaphore_mem>>) {add = true}
      %add3A_728 = arith.constant 1 : i32
      %add3A_729 = arith.addi %scan3A_631, %add3A_728 : i32
      %mul3A_730 = arith.constant 4 : i32
      %mul3A_731 = arith.muli %add3A_729, %mul3A_730 : i32
      %add3A_732 = arith.constant 0 : i32
      %add3A_733 = arith.addi %mul3A_731, %add3A_732 : i32
      %lt3A = arith.constant 160 : i32
      %lt3A_734 = arith.cmpi slt, %add3A_733, %lt3A : i32
      %convert_element_type3A_735 = arith.extui %lt3A_734 : i1 to i32
      %cond3A_736 = arith.constant 0 : i32
      %cond3A_737 = arith.cmpi ne, %convert_element_type3A_735, %cond3A_736 : i32
      scf.if %cond3A_737 {
        %dma_wait3A_771 = arith.constant 0 : i32
        %dma_wait3A_772 = arith.constant 0 : i32
        %dma_wait3A_773 = arith.constant 0 : i32
        %dma_wait3A_774 = arith.constant 0 : i32
        %dma_wait3A_775 = tpu.memref_slice %arg8[%dma_wait3A_771, %dma_wait3A_773, %dma_wait3A_774] : memref<4x64x128xf32, #tpu.memory_space<vmem>> -> memref<1x64x128xf32, #tpu.memory_space<vmem>>
        %dma_wait3A_776 = tpu.memref_squeeze %dma_wait3A_775 : memref<1x64x128xf32, #tpu.memory_space<vmem>> -> memref<64x128xf32, #tpu.memory_space<vmem>>
        %dma_wait3A_777 = arith.constant 0 : i32
        %dma_wait3A_778 = tpu.memref_slice %arg7[%dma_wait3A_772, %dma_wait3A_777] : memref<4x64xi32, #tpu.memory_space<vmem>> -> memref<1x64xi32, #tpu.memory_space<vmem>>
        %dma_wait3A_779 = tpu.memref_squeeze %dma_wait3A_778 : memref<1x64xi32, #tpu.memory_space<vmem>> -> memref<64xi32, #tpu.memory_space<vmem>>
        %dma_wait3A_780 = arith.constant 0 : i32
        %dma_wait3A_781 = arith.constant 0 : i32
        %dma_wait3A_782 = tpu.memref_slice %arg9[%dma_wait3A_780, %dma_wait3A_781] : memref<10240x128xf32, #tpu.memory_space<vmem_shared>> -> memref<10240x128xf32, #tpu.memory_space<vmem_shared>>
        tpu.wait_indirect_dma semaphore(%arg18 : memref<!tpu.dma_semaphore, #tpu.memory_space<semaphore_mem>>) src(%dma_wait3A_776 : memref<64x128xf32, #tpu.memory_space<vmem>>) dst(%dma_wait3A_782 : memref<10240x128xf32, #tpu.memory_space<vmem_shared>>)
        %mul3A_783 = arith.constant 64 : i32
        %mul3A_784 = arith.muli %add3A_733, %mul3A_783 : i32
        %add3A_785 = arith.addi %mul3A_345, %mul3A_784 : i32
        %dma_start3A_786 = arith.constant 0 : i32
        %dma_start3A_787 = arith.constant 0 : i32
        %dma_start3A_788 = tpu.memref_slice %arg6[%dma_start3A_786, %dma_start3A_787] : memref<4x64xi32, #tpu.memory_space<vmem>> -> memref<1x64xi32, #tpu.memory_space<vmem>>
        %dma_start3A_789 = tpu.memref_squeeze %dma_start3A_788 : memref<1x64xi32, #tpu.memory_space<vmem>> -> memref<64xi32, #tpu.memory_space<vmem>>
        %dma_start3A_790 = tpu.memref_slice %arg3[%add3A_785] : memref<327680xi32, #tpu.memory_space<hbm>> -> memref<64xi32, #tpu.memory_space<hbm>>
        %dma_start3A_791 = arith.constant 0 : i32
        %dma_start3A_792 = tpu.memref_slice %arg6[%dma_start3A_786, %dma_start3A_791] : memref<4x64xi32, #tpu.memory_space<vmem>> -> memref<1x64xi32, #tpu.memory_space<vmem>>
        %dma_start3A_793 = tpu.memref_squeeze %dma_start3A_792 : memref<1x64xi32, #tpu.memory_space<vmem>> -> memref<64xi32, #tpu.memory_space<vmem>>
        %dma_start3A_794 = tpu.memref_slice %arg3[%add3A_785] : memref<327680xi32, #tpu.memory_space<hbm>> -> memref<64xi32, #tpu.memory_space<hbm>>
        tpu.enqueue_dma source(%dma_start3A_794 : memref<64xi32, #tpu.memory_space<hbm>>) target(%dma_start3A_793 : memref<64xi32, #tpu.memory_space<vmem>>) target_semaphore(%arg10 : memref<!tpu.dma_semaphore, #tpu.memory_space<semaphore_mem>>)
        %mul3A_795 = arith.constant 64 : i32
        %mul3A_796 = arith.muli %add3A_733, %mul3A_795 : i32
        %add3A_797 = arith.addi %mul3A_345, %mul3A_796 : i32
        %dma_start3A_798 = arith.constant 0 : i32
        %dma_start3A_799 = arith.constant 0 : i32
        %dma_start3A_800 = tpu.memref_slice %arg7[%dma_start3A_798, %dma_start3A_799] : memref<4x64xi32, #tpu.memory_space<vmem>> -> memref<1x64xi32, #tpu.memory_space<vmem>>
        %dma_start3A_801 = tpu.memref_squeeze %dma_start3A_800 : memref<1x64xi32, #tpu.memory_space<vmem>> -> memref<64xi32, #tpu.memory_space<vmem>>
        %dma_start3A_802 = tpu.memref_slice %arg4[%add3A_797] : memref<327680xi32, #tpu.memory_space<hbm>> -> memref<64xi32, #tpu.memory_space<hbm>>
        %dma_start3A_803 = arith.constant 0 : i32
        %dma_start3A_804 = tpu.memref_slice %arg7[%dma_start3A_798, %dma_start3A_803] : memref<4x64xi32, #tpu.memory_space<vmem>> -> memref<1x64xi32, #tpu.memory_space<vmem>>
        %dma_start3A_805 = tpu.memref_squeeze %dma_start3A_804 : memref<1x64xi32, #tpu.memory_space<vmem>> -> memref<64xi32, #tpu.memory_space<vmem>>
        %dma_start3A_806 = tpu.memref_slice %arg4[%add3A_797] : memref<327680xi32, #tpu.memory_space<hbm>> -> memref<64xi32, #tpu.memory_space<hbm>>
        tpu.enqueue_dma source(%dma_start3A_806 : memref<64xi32, #tpu.memory_space<hbm>>) target(%dma_start3A_805 : memref<64xi32, #tpu.memory_space<vmem>>) target_semaphore(%arg10 : memref<!tpu.dma_semaphore, #tpu.memory_space<semaphore_mem>>)
        %mul3A_807 = arith.constant 64 : i32
        %mul3A_808 = arith.muli %add3A_733, %mul3A_807 : i32
        %add3A_809 = arith.addi %mul3A_345, %mul3A_808 : i32
        %dma_wait3A_810 = arith.constant 0 : i32
        %dma_wait3A_811 = arith.constant 0 : i32
        %dma_wait3A_812 = tpu.memref_slice %arg6[%dma_wait3A_810, %dma_wait3A_811] : memref<4x64xi32, #tpu.memory_space<vmem>> -> memref<1x64xi32, #tpu.memory_space<vmem>>
        %dma_wait3A_813 = tpu.memref_squeeze %dma_wait3A_812 : memref<1x64xi32, #tpu.memory_space<vmem>> -> memref<64xi32, #tpu.memory_space<vmem>>
        %dma_wait3A_814 = tpu.memref_slice %arg3[%add3A_809] : memref<327680xi32, #tpu.memory_space<hbm>> -> memref<64xi32, #tpu.memory_space<hbm>>
        %dma_wait3A_815 = arith.constant 0 : i32
        %dma_wait3A_816 = tpu.memref_slice %arg6[%dma_wait3A_810, %dma_wait3A_815] : memref<4x64xi32, #tpu.memory_space<vmem>> -> memref<1x64xi32, #tpu.memory_space<vmem>>
        %dma_wait3A_817 = tpu.memref_squeeze %dma_wait3A_816 : memref<1x64xi32, #tpu.memory_space<vmem>> -> memref<64xi32, #tpu.memory_space<vmem>>
        %dma_wait3A_818 = tpu.memref_slice %arg3[%add3A_809] : memref<327680xi32, #tpu.memory_space<hbm>> -> memref<64xi32, #tpu.memory_space<hbm>>
        tpu.wait_dma2 semaphore(%arg10 : memref<!tpu.dma_semaphore, #tpu.memory_space<semaphore_mem>>) src(%dma_wait3A_818 : memref<64xi32, #tpu.memory_space<hbm>>) dst(%dma_wait3A_817 : memref<64xi32, #tpu.memory_space<vmem>>)
        %mul3A_819 = arith.constant 64 : i32
        %mul3A_820 = arith.muli %add3A_733, %mul3A_819 : i32
        %add3A_821 = arith.addi %mul3A_345, %mul3A_820 : i32
        %dma_wait3A_822 = arith.constant 0 : i32
        %dma_wait3A_823 = arith.constant 0 : i32
        %dma_wait3A_824 = tpu.memref_slice %arg7[%dma_wait3A_822, %dma_wait3A_823] : memref<4x64xi32, #tpu.memory_space<vmem>> -> memref<1x64xi32, #tpu.memory_space<vmem>>
        %dma_wait3A_825 = tpu.memref_squeeze %dma_wait3A_824 : memref<1x64xi32, #tpu.memory_space<vmem>> -> memref<64xi32, #tpu.memory_space<vmem>>
        %dma_wait3A_826 = tpu.memref_slice %arg4[%add3A_821] : memref<327680xi32, #tpu.memory_space<hbm>> -> memref<64xi32, #tpu.memory_space<hbm>>
        %dma_wait3A_827 = arith.constant 0 : i32
        %dma_wait3A_828 = tpu.memref_slice %arg7[%dma_wait3A_822, %dma_wait3A_827] : memref<4x64xi32, #tpu.memory_space<vmem>> -> memref<1x64xi32, #tpu.memory_space<vmem>>
        %dma_wait3A_829 = tpu.memref_squeeze %dma_wait3A_828 : memref<1x64xi32, #tpu.memory_space<vmem>> -> memref<64xi32, #tpu.memory_space<vmem>>
        %dma_wait3A_830 = tpu.memref_slice %arg4[%add3A_821] : memref<327680xi32, #tpu.memory_space<hbm>> -> memref<64xi32, #tpu.memory_space<hbm>>
        tpu.wait_dma2 semaphore(%arg10 : memref<!tpu.dma_semaphore, #tpu.memory_space<semaphore_mem>>) src(%dma_wait3A_830 : memref<64xi32, #tpu.memory_space<hbm>>) dst(%dma_wait3A_829 : memref<64xi32, #tpu.memory_space<vmem>>)
        %dma_start3A_831 = arith.constant 0 : i32
        %dma_start3A_832 = arith.constant 0 : i32
        %dma_start3A_833 = arith.constant 0 : i32
        %dma_start3A_834 = arith.constant 0 : i32
        %dma_start3A_835 = tpu.memref_slice %arg8[%dma_start3A_832, %dma_start3A_833, %dma_start3A_834] : memref<4x64x128xf32, #tpu.memory_space<vmem>> -> memref<1x64x128xf32, #tpu.memory_space<vmem>>
        %dma_start3A_836 = tpu.memref_squeeze %dma_start3A_835 : memref<1x64x128xf32, #tpu.memory_space<vmem>> -> memref<64x128xf32, #tpu.memory_space<vmem>>
        %dma_start3A_837 = arith.constant 0 : i32
        %dma_start3A_838 = tpu.memref_slice %arg6[%dma_start3A_831, %dma_start3A_837] : memref<4x64xi32, #tpu.memory_space<vmem>> -> memref<1x64xi32, #tpu.memory_space<vmem>>
        %dma_start3A_839 = tpu.memref_squeeze %dma_start3A_838 : memref<1x64xi32, #tpu.memory_space<vmem>> -> memref<64xi32, #tpu.memory_space<vmem>>
        %dma_start3A_840 = arith.constant 0 : i32
        %dma_start3A_841 = arith.constant 0 : i32
        %dma_start3A_842 = tpu.memref_slice %arg2[%dma_start3A_840, %dma_start3A_841] : memref<10000x128xf32, #tpu.memory_space<hbm>> -> memref<10000x128xf32, #tpu.memory_space<hbm>>
        tpu.enqueue_indirect_dma source(%dma_start3A_842 : memref<10000x128xf32, #tpu.memory_space<hbm>>) target(%dma_start3A_836 : memref<64x128xf32, #tpu.memory_space<vmem>>) offsets(%dma_start3A_839 : memref<64xi32, #tpu.memory_space<vmem>>) semaphore(%arg14 : memref<!tpu.dma_semaphore, #tpu.memory_space<semaphore_mem>>)
      } else {
      }
      %add3A_738 = arith.constant 1 : i32
      %add3A_739 = arith.addi %scan3A_631, %add3A_738 : i32
      %mul3A_740 = arith.constant 4 : i32
      %mul3A_741 = arith.muli %add3A_739, %mul3A_740 : i32
      %add3A_742 = arith.constant 1 : i32
      %add3A_743 = arith.addi %mul3A_741, %add3A_742 : i32
      %lt3A_744 = arith.constant 160 : i32
      %lt3A_745 = arith.cmpi slt, %add3A_743, %lt3A_744 : i32
      %convert_element_type3A_746 = arith.extui %lt3A_745 : i1 to i32
      %cond3A_747 = arith.constant 0 : i32
      %cond3A_748 = arith.cmpi ne, %convert_element_type3A_746, %cond3A_747 : i32
      scf.if %cond3A_748 {
        %dma_wait3A_771 = arith.constant 1 : i32
        %dma_wait3A_772 = arith.constant 1 : i32
        %dma_wait3A_773 = arith.constant 0 : i32
        %dma_wait3A_774 = arith.constant 0 : i32
        %dma_wait3A_775 = tpu.memref_slice %arg8[%dma_wait3A_771, %dma_wait3A_773, %dma_wait3A_774] : memref<4x64x128xf32, #tpu.memory_space<vmem>> -> memref<1x64x128xf32, #tpu.memory_space<vmem>>
        %dma_wait3A_776 = tpu.memref_squeeze %dma_wait3A_775 : memref<1x64x128xf32, #tpu.memory_space<vmem>> -> memref<64x128xf32, #tpu.memory_space<vmem>>
        %dma_wait3A_777 = arith.constant 0 : i32
        %dma_wait3A_778 = tpu.memref_slice %arg7[%dma_wait3A_772, %dma_wait3A_777] : memref<4x64xi32, #tpu.memory_space<vmem>> -> memref<1x64xi32, #tpu.memory_space<vmem>>
        %dma_wait3A_779 = tpu.memref_squeeze %dma_wait3A_778 : memref<1x64xi32, #tpu.memory_space<vmem>> -> memref<64xi32, #tpu.memory_space<vmem>>
        %dma_wait3A_780 = arith.constant 0 : i32
        %dma_wait3A_781 = arith.constant 0 : i32
        %dma_wait3A_782 = tpu.memref_slice %arg9[%dma_wait3A_780, %dma_wait3A_781] : memref<10240x128xf32, #tpu.memory_space<vmem_shared>> -> memref<10240x128xf32, #tpu.memory_space<vmem_shared>>
        tpu.wait_indirect_dma semaphore(%arg19 : memref<!tpu.dma_semaphore, #tpu.memory_space<semaphore_mem>>) src(%dma_wait3A_776 : memref<64x128xf32, #tpu.memory_space<vmem>>) dst(%dma_wait3A_782 : memref<10240x128xf32, #tpu.memory_space<vmem_shared>>)
        %mul3A_783 = arith.constant 64 : i32
        %mul3A_784 = arith.muli %add3A_743, %mul3A_783 : i32
        %add3A_785 = arith.addi %mul3A_345, %mul3A_784 : i32
        %dma_start3A_786 = arith.constant 1 : i32
        %dma_start3A_787 = arith.constant 0 : i32
        %dma_start3A_788 = tpu.memref_slice %arg6[%dma_start3A_786, %dma_start3A_787] : memref<4x64xi32, #tpu.memory_space<vmem>> -> memref<1x64xi32, #tpu.memory_space<vmem>>
        %dma_start3A_789 = tpu.memref_squeeze %dma_start3A_788 : memref<1x64xi32, #tpu.memory_space<vmem>> -> memref<64xi32, #tpu.memory_space<vmem>>
        %dma_start3A_790 = tpu.memref_slice %arg3[%add3A_785] : memref<327680xi32, #tpu.memory_space<hbm>> -> memref<64xi32, #tpu.memory_space<hbm>>
        %dma_start3A_791 = arith.constant 0 : i32
        %dma_start3A_792 = tpu.memref_slice %arg6[%dma_start3A_786, %dma_start3A_791] : memref<4x64xi32, #tpu.memory_space<vmem>> -> memref<1x64xi32, #tpu.memory_space<vmem>>
        %dma_start3A_793 = tpu.memref_squeeze %dma_start3A_792 : memref<1x64xi32, #tpu.memory_space<vmem>> -> memref<64xi32, #tpu.memory_space<vmem>>
        %dma_start3A_794 = tpu.memref_slice %arg3[%add3A_785] : memref<327680xi32, #tpu.memory_space<hbm>> -> memref<64xi32, #tpu.memory_space<hbm>>
        tpu.enqueue_dma source(%dma_start3A_794 : memref<64xi32, #tpu.memory_space<hbm>>) target(%dma_start3A_793 : memref<64xi32, #tpu.memory_space<vmem>>) target_semaphore(%arg11 : memref<!tpu.dma_semaphore, #tpu.memory_space<semaphore_mem>>)
        %mul3A_795 = arith.constant 64 : i32
        %mul3A_796 = arith.muli %add3A_743, %mul3A_795 : i32
        %add3A_797 = arith.addi %mul3A_345, %mul3A_796 : i32
        %dma_start3A_798 = arith.constant 1 : i32
        %dma_start3A_799 = arith.constant 0 : i32
        %dma_start3A_800 = tpu.memref_slice %arg7[%dma_start3A_798, %dma_start3A_799] : memref<4x64xi32, #tpu.memory_space<vmem>> -> memref<1x64xi32, #tpu.memory_space<vmem>>
        %dma_start3A_801 = tpu.memref_squeeze %dma_start3A_800 : memref<1x64xi32, #tpu.memory_space<vmem>> -> memref<64xi32, #tpu.memory_space<vmem>>
        %dma_start3A_802 = tpu.memref_slice %arg4[%add3A_797] : memref<327680xi32, #tpu.memory_space<hbm>> -> memref<64xi32, #tpu.memory_space<hbm>>
        %dma_start3A_803 = arith.constant 0 : i32
        %dma_start3A_804 = tpu.memref_slice %arg7[%dma_start3A_798, %dma_start3A_803] : memref<4x64xi32, #tpu.memory_space<vmem>> -> memref<1x64xi32, #tpu.memory_space<vmem>>
        %dma_start3A_805 = tpu.memref_squeeze %dma_start3A_804 : memref<1x64xi32, #tpu.memory_space<vmem>> -> memref<64xi32, #tpu.memory_space<vmem>>
        %dma_start3A_806 = tpu.memref_slice %arg4[%add3A_797] : memref<327680xi32, #tpu.memory_space<hbm>> -> memref<64xi32, #tpu.memory_space<hbm>>
        tpu.enqueue_dma source(%dma_start3A_806 : memref<64xi32, #tpu.memory_space<hbm>>) target(%dma_start3A_805 : memref<64xi32, #tpu.memory_space<vmem>>) target_semaphore(%arg11 : memref<!tpu.dma_semaphore, #tpu.memory_space<semaphore_mem>>)
        %mul3A_807 = arith.constant 64 : i32
        %mul3A_808 = arith.muli %add3A_743, %mul3A_807 : i32
        %add3A_809 = arith.addi %mul3A_345, %mul3A_808 : i32
        %dma_wait3A_810 = arith.constant 1 : i32
        %dma_wait3A_811 = arith.constant 0 : i32
        %dma_wait3A_812 = tpu.memref_slice %arg6[%dma_wait3A_810, %dma_wait3A_811] : memref<4x64xi32, #tpu.memory_space<vmem>> -> memref<1x64xi32, #tpu.memory_space<vmem>>
        %dma_wait3A_813 = tpu.memref_squeeze %dma_wait3A_812 : memref<1x64xi32, #tpu.memory_space<vmem>> -> memref<64xi32, #tpu.memory_space<vmem>>
        %dma_wait3A_814 = tpu.memref_slice %arg3[%add3A_809] : memref<327680xi32, #tpu.memory_space<hbm>> -> memref<64xi32, #tpu.memory_space<hbm>>
        %dma_wait3A_815 = arith.constant 0 : i32
        %dma_wait3A_816 = tpu.memref_slice %arg6[%dma_wait3A_810, %dma_wait3A_815] : memref<4x64xi32, #tpu.memory_space<vmem>> -> memref<1x64xi32, #tpu.memory_space<vmem>>
        %dma_wait3A_817 = tpu.memref_squeeze %dma_wait3A_816 : memref<1x64xi32, #tpu.memory_space<vmem>> -> memref<64xi32, #tpu.memory_space<vmem>>
        %dma_wait3A_818 = tpu.memref_slice %arg3[%add3A_809] : memref<327680xi32, #tpu.memory_space<hbm>> -> memref<64xi32, #tpu.memory_space<hbm>>
        tpu.wait_dma2 semaphore(%arg11 : memref<!tpu.dma_semaphore, #tpu.memory_space<semaphore_mem>>) src(%dma_wait3A_818 : memref<64xi32, #tpu.memory_space<hbm>>) dst(%dma_wait3A_817 : memref<64xi32, #tpu.memory_space<vmem>>)
        %mul3A_819 = arith.constant 64 : i32
        %mul3A_820 = arith.muli %add3A_743, %mul3A_819 : i32
        %add3A_821 = arith.addi %mul3A_345, %mul3A_820 : i32
        %dma_wait3A_822 = arith.constant 1 : i32
        %dma_wait3A_823 = arith.constant 0 : i32
        %dma_wait3A_824 = tpu.memref_slice %arg7[%dma_wait3A_822, %dma_wait3A_823] : memref<4x64xi32, #tpu.memory_space<vmem>> -> memref<1x64xi32, #tpu.memory_space<vmem>>
        %dma_wait3A_825 = tpu.memref_squeeze %dma_wait3A_824 : memref<1x64xi32, #tpu.memory_space<vmem>> -> memref<64xi32, #tpu.memory_space<vmem>>
        %dma_wait3A_826 = tpu.memref_slice %arg4[%add3A_821] : memref<327680xi32, #tpu.memory_space<hbm>> -> memref<64xi32, #tpu.memory_space<hbm>>
        %dma_wait3A_827 = arith.constant 0 : i32
        %dma_wait3A_828 = tpu.memref_slice %arg7[%dma_wait3A_822, %dma_wait3A_827] : memref<4x64xi32, #tpu.memory_space<vmem>> -> memref<1x64xi32, #tpu.memory_space<vmem>>
        %dma_wait3A_829 = tpu.memref_squeeze %dma_wait3A_828 : memref<1x64xi32, #tpu.memory_space<vmem>> -> memref<64xi32, #tpu.memory_space<vmem>>
        %dma_wait3A_830 = tpu.memref_slice %arg4[%add3A_821] : memref<327680xi32, #tpu.memory_space<hbm>> -> memref<64xi32, #tpu.memory_space<hbm>>
        tpu.wait_dma2 semaphore(%arg11 : memref<!tpu.dma_semaphore, #tpu.memory_space<semaphore_mem>>) src(%dma_wait3A_830 : memref<64xi32, #tpu.memory_space<hbm>>) dst(%dma_wait3A_829 : memref<64xi32, #tpu.memory_space<vmem>>)
        %dma_start3A_831 = arith.constant 1 : i32
        %dma_start3A_832 = arith.constant 1 : i32
        %dma_start3A_833 = arith.constant 0 : i32
        %dma_start3A_834 = arith.constant 0 : i32
        %dma_start3A_835 = tpu.memref_slice %arg8[%dma_start3A_832, %dma_start3A_833, %dma_start3A_834] : memref<4x64x128xf32, #tpu.memory_space<vmem>> -> memref<1x64x128xf32, #tpu.memory_space<vmem>>
        %dma_start3A_836 = tpu.memref_squeeze %dma_start3A_835 : memref<1x64x128xf32, #tpu.memory_space<vmem>> -> memref<64x128xf32, #tpu.memory_space<vmem>>
        %dma_start3A_837 = arith.constant 0 : i32
        %dma_start3A_838 = tpu.memref_slice %arg6[%dma_start3A_831, %dma_start3A_837] : memref<4x64xi32, #tpu.memory_space<vmem>> -> memref<1x64xi32, #tpu.memory_space<vmem>>
        %dma_start3A_839 = tpu.memref_squeeze %dma_start3A_838 : memref<1x64xi32, #tpu.memory_space<vmem>> -> memref<64xi32, #tpu.memory_space<vmem>>
        %dma_start3A_840 = arith.constant 0 : i32
        %dma_start3A_841 = arith.constant 0 : i32
        %dma_start3A_842 = tpu.memref_slice %arg2[%dma_start3A_840, %dma_start3A_841] : memref<10000x128xf32, #tpu.memory_space<hbm>> -> memref<10000x128xf32, #tpu.memory_space<hbm>>
        tpu.enqueue_indirect_dma source(%dma_start3A_842 : memref<10000x128xf32, #tpu.memory_space<hbm>>) target(%dma_start3A_836 : memref<64x128xf32, #tpu.memory_space<vmem>>) offsets(%dma_start3A_839 : memref<64xi32, #tpu.memory_space<vmem>>) semaphore(%arg15 : memref<!tpu.dma_semaphore, #tpu.memory_space<semaphore_mem>>)
      } else {
      }
      %add3A_749 = arith.constant 1 : i32
      %add3A_750 = arith.addi %scan3A_631, %add3A_749 : i32
      %mul3A_751 = arith.constant 4 : i32
      %mul3A_752 = arith.muli %add3A_750, %mul3A_751 : i32
      %add3A_753 = arith.constant 2 : i32
      %add3A_754 = arith.addi %mul3A_752, %add3A_753 : i32
      %lt3A_755 = arith.constant 160 : i32
      %lt3A_756 = arith.cmpi slt, %add3A_754, %lt3A_755 : i32
      %convert_element_type3A_757 = arith.extui %lt3A_756 : i1 to i32
      %cond3A_758 = arith.constant 0 : i32
      %cond3A_759 = arith.cmpi ne, %convert_element_type3A_757, %cond3A_758 : i32
      scf.if %cond3A_759 {
        %dma_wait3A_771 = arith.constant 2 : i32
        %dma_wait3A_772 = arith.constant 2 : i32
        %dma_wait3A_773 = arith.constant 0 : i32
        %dma_wait3A_774 = arith.constant 0 : i32
        %dma_wait3A_775 = tpu.memref_slice %arg8[%dma_wait3A_771, %dma_wait3A_773, %dma_wait3A_774] : memref<4x64x128xf32, #tpu.memory_space<vmem>> -> memref<1x64x128xf32, #tpu.memory_space<vmem>>
        %dma_wait3A_776 = tpu.memref_squeeze %dma_wait3A_775 : memref<1x64x128xf32, #tpu.memory_space<vmem>> -> memref<64x128xf32, #tpu.memory_space<vmem>>
        %dma_wait3A_777 = arith.constant 0 : i32
        %dma_wait3A_778 = tpu.memref_slice %arg7[%dma_wait3A_772, %dma_wait3A_777] : memref<4x64xi32, #tpu.memory_space<vmem>> -> memref<1x64xi32, #tpu.memory_space<vmem>>
        %dma_wait3A_779 = tpu.memref_squeeze %dma_wait3A_778 : memref<1x64xi32, #tpu.memory_space<vmem>> -> memref<64xi32, #tpu.memory_space<vmem>>
        %dma_wait3A_780 = arith.constant 0 : i32
        %dma_wait3A_781 = arith.constant 0 : i32
        %dma_wait3A_782 = tpu.memref_slice %arg9[%dma_wait3A_780, %dma_wait3A_781] : memref<10240x128xf32, #tpu.memory_space<vmem_shared>> -> memref<10240x128xf32, #tpu.memory_space<vmem_shared>>
        tpu.wait_indirect_dma semaphore(%arg20 : memref<!tpu.dma_semaphore, #tpu.memory_space<semaphore_mem>>) src(%dma_wait3A_776 : memref<64x128xf32, #tpu.memory_space<vmem>>) dst(%dma_wait3A_782 : memref<10240x128xf32, #tpu.memory_space<vmem_shared>>)
        %mul3A_783 = arith.constant 64 : i32
        %mul3A_784 = arith.muli %add3A_754, %mul3A_783 : i32
        %add3A_785 = arith.addi %mul3A_345, %mul3A_784 : i32
        %dma_start3A_786 = arith.constant 2 : i32
        %dma_start3A_787 = arith.constant 0 : i32
        %dma_start3A_788 = tpu.memref_slice %arg6[%dma_start3A_786, %dma_start3A_787] : memref<4x64xi32, #tpu.memory_space<vmem>> -> memref<1x64xi32, #tpu.memory_space<vmem>>
        %dma_start3A_789 = tpu.memref_squeeze %dma_start3A_788 : memref<1x64xi32, #tpu.memory_space<vmem>> -> memref<64xi32, #tpu.memory_space<vmem>>
        %dma_start3A_790 = tpu.memref_slice %arg3[%add3A_785] : memref<327680xi32, #tpu.memory_space<hbm>> -> memref<64xi32, #tpu.memory_space<hbm>>
        %dma_start3A_791 = arith.constant 0 : i32
        %dma_start3A_792 = tpu.memref_slice %arg6[%dma_start3A_786, %dma_start3A_791] : memref<4x64xi32, #tpu.memory_space<vmem>> -> memref<1x64xi32, #tpu.memory_space<vmem>>
        %dma_start3A_793 = tpu.memref_squeeze %dma_start3A_792 : memref<1x64xi32, #tpu.memory_space<vmem>> -> memref<64xi32, #tpu.memory_space<vmem>>
        %dma_start3A_794 = tpu.memref_slice %arg3[%add3A_785] : memref<327680xi32, #tpu.memory_space<hbm>> -> memref<64xi32, #tpu.memory_space<hbm>>
        tpu.enqueue_dma source(%dma_start3A_794 : memref<64xi32, #tpu.memory_space<hbm>>) target(%dma_start3A_793 : memref<64xi32, #tpu.memory_space<vmem>>) target_semaphore(%arg12 : memref<!tpu.dma_semaphore, #tpu.memory_space<semaphore_mem>>)
        %mul3A_795 = arith.constant 64 : i32
        %mul3A_796 = arith.muli %add3A_754, %mul3A_795 : i32
        %add3A_797 = arith.addi %mul3A_345, %mul3A_796 : i32
        %dma_start3A_798 = arith.constant 2 : i32
        %dma_start3A_799 = arith.constant 0 : i32
        %dma_start3A_800 = tpu.memref_slice %arg7[%dma_start3A_798, %dma_start3A_799] : memref<4x64xi32, #tpu.memory_space<vmem>> -> memref<1x64xi32, #tpu.memory_space<vmem>>
        %dma_start3A_801 = tpu.memref_squeeze %dma_start3A_800 : memref<1x64xi32, #tpu.memory_space<vmem>> -> memref<64xi32, #tpu.memory_space<vmem>>
        %dma_start3A_802 = tpu.memref_slice %arg4[%add3A_797] : memref<327680xi32, #tpu.memory_space<hbm>> -> memref<64xi32, #tpu.memory_space<hbm>>
        %dma_start3A_803 = arith.constant 0 : i32
        %dma_start3A_804 = tpu.memref_slice %arg7[%dma_start3A_798, %dma_start3A_803] : memref<4x64xi32, #tpu.memory_space<vmem>> -> memref<1x64xi32, #tpu.memory_space<vmem>>
        %dma_start3A_805 = tpu.memref_squeeze %dma_start3A_804 : memref<1x64xi32, #tpu.memory_space<vmem>> -> memref<64xi32, #tpu.memory_space<vmem>>
        %dma_start3A_806 = tpu.memref_slice %arg4[%add3A_797] : memref<327680xi32, #tpu.memory_space<hbm>> -> memref<64xi32, #tpu.memory_space<hbm>>
        tpu.enqueue_dma source(%dma_start3A_806 : memref<64xi32, #tpu.memory_space<hbm>>) target(%dma_start3A_805 : memref<64xi32, #tpu.memory_space<vmem>>) target_semaphore(%arg12 : memref<!tpu.dma_semaphore, #tpu.memory_space<semaphore_mem>>)
        %mul3A_807 = arith.constant 64 : i32
        %mul3A_808 = arith.muli %add3A_754, %mul3A_807 : i32
        %add3A_809 = arith.addi %mul3A_345, %mul3A_808 : i32
        %dma_wait3A_810 = arith.constant 2 : i32
        %dma_wait3A_811 = arith.constant 0 : i32
        %dma_wait3A_812 = tpu.memref_slice %arg6[%dma_wait3A_810, %dma_wait3A_811] : memref<4x64xi32, #tpu.memory_space<vmem>> -> memref<1x64xi32, #tpu.memory_space<vmem>>
        %dma_wait3A_813 = tpu.memref_squeeze %dma_wait3A_812 : memref<1x64xi32, #tpu.memory_space<vmem>> -> memref<64xi32, #tpu.memory_space<vmem>>
        %dma_wait3A_814 = tpu.memref_slice %arg3[%add3A_809] : memref<327680xi32, #tpu.memory_space<hbm>> -> memref<64xi32, #tpu.memory_space<hbm>>
        %dma_wait3A_815 = arith.constant 0 : i32
        %dma_wait3A_816 = tpu.memref_slice %arg6[%dma_wait3A_810, %dma_wait3A_815] : memref<4x64xi32, #tpu.memory_space<vmem>> -> memref<1x64xi32, #tpu.memory_space<vmem>>
        %dma_wait3A_817 = tpu.memref_squeeze %dma_wait3A_816 : memref<1x64xi32, #tpu.memory_space<vmem>> -> memref<64xi32, #tpu.memory_space<vmem>>
        %dma_wait3A_818 = tpu.memref_slice %arg3[%add3A_809] : memref<327680xi32, #tpu.memory_space<hbm>> -> memref<64xi32, #tpu.memory_space<hbm>>
        tpu.wait_dma2 semaphore(%arg12 : memref<!tpu.dma_semaphore, #tpu.memory_space<semaphore_mem>>) src(%dma_wait3A_818 : memref<64xi32, #tpu.memory_space<hbm>>) dst(%dma_wait3A_817 : memref<64xi32, #tpu.memory_space<vmem>>)
        %mul3A_819 = arith.constant 64 : i32
        %mul3A_820 = arith.muli %add3A_754, %mul3A_819 : i32
        %add3A_821 = arith.addi %mul3A_345, %mul3A_820 : i32
        %dma_wait3A_822 = arith.constant 2 : i32
        %dma_wait3A_823 = arith.constant 0 : i32
        %dma_wait3A_824 = tpu.memref_slice %arg7[%dma_wait3A_822, %dma_wait3A_823] : memref<4x64xi32, #tpu.memory_space<vmem>> -> memref<1x64xi32, #tpu.memory_space<vmem>>
        %dma_wait3A_825 = tpu.memref_squeeze %dma_wait3A_824 : memref<1x64xi32, #tpu.memory_space<vmem>> -> memref<64xi32, #tpu.memory_space<vmem>>
        %dma_wait3A_826 = tpu.memref_slice %arg4[%add3A_821] : memref<327680xi32, #tpu.memory_space<hbm>> -> memref<64xi32, #tpu.memory_space<hbm>>
        %dma_wait3A_827 = arith.constant 0 : i32
        %dma_wait3A_828 = tpu.memref_slice %arg7[%dma_wait3A_822, %dma_wait3A_827] : memref<4x64xi32, #tpu.memory_space<vmem>> -> memref<1x64xi32, #tpu.memory_space<vmem>>
        %dma_wait3A_829 = tpu.memref_squeeze %dma_wait3A_828 : memref<1x64xi32, #tpu.memory_space<vmem>> -> memref<64xi32, #tpu.memory_space<vmem>>
        %dma_wait3A_830 = tpu.memref_slice %arg4[%add3A_821] : memref<327680xi32, #tpu.memory_space<hbm>> -> memref<64xi32, #tpu.memory_space<hbm>>
        tpu.wait_dma2 semaphore(%arg12 : memref<!tpu.dma_semaphore, #tpu.memory_space<semaphore_mem>>) src(%dma_wait3A_830 : memref<64xi32, #tpu.memory_space<hbm>>) dst(%dma_wait3A_829 : memref<64xi32, #tpu.memory_space<vmem>>)
        %dma_start3A_831 = arith.constant 2 : i32
        %dma_start3A_832 = arith.constant 2 : i32
        %dma_start3A_833 = arith.constant 0 : i32
        %dma_start3A_834 = arith.constant 0 : i32
        %dma_start3A_835 = tpu.memref_slice %arg8[%dma_start3A_832, %dma_start3A_833, %dma_start3A_834] : memref<4x64x128xf32, #tpu.memory_space<vmem>> -> memref<1x64x128xf32, #tpu.memory_space<vmem>>
        %dma_start3A_836 = tpu.memref_squeeze %dma_start3A_835 : memref<1x64x128xf32, #tpu.memory_space<vmem>> -> memref<64x128xf32, #tpu.memory_space<vmem>>
        %dma_start3A_837 = arith.constant 0 : i32
        %dma_start3A_838 = tpu.memref_slice %arg6[%dma_start3A_831, %dma_start3A_837] : memref<4x64xi32, #tpu.memory_space<vmem>> -> memref<1x64xi32, #tpu.memory_space<vmem>>
        %dma_start3A_839 = tpu.memref_squeeze %dma_start3A_838 : memref<1x64xi32, #tpu.memory_space<vmem>> -> memref<64xi32, #tpu.memory_space<vmem>>
        %dma_start3A_840 = arith.constant 0 : i32
        %dma_start3A_841 = arith.constant 0 : i32
        %dma_start3A_842 = tpu.memref_slice %arg2[%dma_start3A_840, %dma_start3A_841] : memref<10000x128xf32, #tpu.memory_space<hbm>> -> memref<10000x128xf32, #tpu.memory_space<hbm>>
        tpu.enqueue_indirect_dma source(%dma_start3A_842 : memref<10000x128xf32, #tpu.memory_space<hbm>>) target(%dma_start3A_836 : memref<64x128xf32, #tpu.memory_space<vmem>>) offsets(%dma_start3A_839 : memref<64xi32, #tpu.memory_space<vmem>>) semaphore(%arg16 : memref<!tpu.dma_semaphore, #tpu.memory_space<semaphore_mem>>)
      } else {
      }
      %add3A_760 = arith.constant 1 : i32
      %add3A_761 = arith.addi %scan3A_631, %add3A_760 : i32
      %mul3A_762 = arith.constant 4 : i32
      %mul3A_763 = arith.muli %add3A_761, %mul3A_762 : i32
      %add3A_764 = arith.constant 3 : i32
      %add3A_765 = arith.addi %mul3A_763, %add3A_764 : i32
      %lt3A_766 = arith.constant 160 : i32
      %lt3A_767 = arith.cmpi slt, %add3A_765, %lt3A_766 : i32
      %convert_element_type3A_768 = arith.extui %lt3A_767 : i1 to i32
      %cond3A_769 = arith.constant 0 : i32
      %cond3A_770 = arith.cmpi ne, %convert_element_type3A_768, %cond3A_769 : i32
      scf.if %cond3A_770 {
        %dma_wait3A_771 = arith.constant 3 : i32
        %dma_wait3A_772 = arith.constant 3 : i32
        %dma_wait3A_773 = arith.constant 0 : i32
        %dma_wait3A_774 = arith.constant 0 : i32
        %dma_wait3A_775 = tpu.memref_slice %arg8[%dma_wait3A_771, %dma_wait3A_773, %dma_wait3A_774] : memref<4x64x128xf32, #tpu.memory_space<vmem>> -> memref<1x64x128xf32, #tpu.memory_space<vmem>>
        %dma_wait3A_776 = tpu.memref_squeeze %dma_wait3A_775 : memref<1x64x128xf32, #tpu.memory_space<vmem>> -> memref<64x128xf32, #tpu.memory_space<vmem>>
        %dma_wait3A_777 = arith.constant 0 : i32
        %dma_wait3A_778 = tpu.memref_slice %arg7[%dma_wait3A_772, %dma_wait3A_777] : memref<4x64xi32, #tpu.memory_space<vmem>> -> memref<1x64xi32, #tpu.memory_space<vmem>>
        %dma_wait3A_779 = tpu.memref_squeeze %dma_wait3A_778 : memref<1x64xi32, #tpu.memory_space<vmem>> -> memref<64xi32, #tpu.memory_space<vmem>>
        %dma_wait3A_780 = arith.constant 0 : i32
        %dma_wait3A_781 = arith.constant 0 : i32
        %dma_wait3A_782 = tpu.memref_slice %arg9[%dma_wait3A_780, %dma_wait3A_781] : memref<10240x128xf32, #tpu.memory_space<vmem_shared>> -> memref<10240x128xf32, #tpu.memory_space<vmem_shared>>
        tpu.wait_indirect_dma semaphore(%arg21 : memref<!tpu.dma_semaphore, #tpu.memory_space<semaphore_mem>>) src(%dma_wait3A_776 : memref<64x128xf32, #tpu.memory_space<vmem>>) dst(%dma_wait3A_782 : memref<10240x128xf32, #tpu.memory_space<vmem_shared>>)
        %mul3A_783 = arith.constant 64 : i32
        %mul3A_784 = arith.muli %add3A_765, %mul3A_783 : i32
        %add3A_785 = arith.addi %mul3A_345, %mul3A_784 : i32
        %dma_start3A_786 = arith.constant 3 : i32
        %dma_start3A_787 = arith.constant 0 : i32
        %dma_start3A_788 = tpu.memref_slice %arg6[%dma_start3A_786, %dma_start3A_787] : memref<4x64xi32, #tpu.memory_space<vmem>> -> memref<1x64xi32, #tpu.memory_space<vmem>>
        %dma_start3A_789 = tpu.memref_squeeze %dma_start3A_788 : memref<1x64xi32, #tpu.memory_space<vmem>> -> memref<64xi32, #tpu.memory_space<vmem>>
        %dma_start3A_790 = tpu.memref_slice %arg3[%add3A_785] : memref<327680xi32, #tpu.memory_space<hbm>> -> memref<64xi32, #tpu.memory_space<hbm>>
        %dma_start3A_791 = arith.constant 0 : i32
        %dma_start3A_792 = tpu.memref_slice %arg6[%dma_start3A_786, %dma_start3A_791] : memref<4x64xi32, #tpu.memory_space<vmem>> -> memref<1x64xi32, #tpu.memory_space<vmem>>
        %dma_start3A_793 = tpu.memref_squeeze %dma_start3A_792 : memref<1x64xi32, #tpu.memory_space<vmem>> -> memref<64xi32, #tpu.memory_space<vmem>>
        %dma_start3A_794 = tpu.memref_slice %arg3[%add3A_785] : memref<327680xi32, #tpu.memory_space<hbm>> -> memref<64xi32, #tpu.memory_space<hbm>>
        tpu.enqueue_dma source(%dma_start3A_794 : memref<64xi32, #tpu.memory_space<hbm>>) target(%dma_start3A_793 : memref<64xi32, #tpu.memory_space<vmem>>) target_semaphore(%arg13 : memref<!tpu.dma_semaphore, #tpu.memory_space<semaphore_mem>>)
        %mul3A_795 = arith.constant 64 : i32
        %mul3A_796 = arith.muli %add3A_765, %mul3A_795 : i32
        %add3A_797 = arith.addi %mul3A_345, %mul3A_796 : i32
        %dma_start3A_798 = arith.constant 3 : i32
        %dma_start3A_799 = arith.constant 0 : i32
        %dma_start3A_800 = tpu.memref_slice %arg7[%dma_start3A_798, %dma_start3A_799] : memref<4x64xi32, #tpu.memory_space<vmem>> -> memref<1x64xi32, #tpu.memory_space<vmem>>
        %dma_start3A_801 = tpu.memref_squeeze %dma_start3A_800 : memref<1x64xi32, #tpu.memory_space<vmem>> -> memref<64xi32, #tpu.memory_space<vmem>>
        %dma_start3A_802 = tpu.memref_slice %arg4[%add3A_797] : memref<327680xi32, #tpu.memory_space<hbm>> -> memref<64xi32, #tpu.memory_space<hbm>>
        %dma_start3A_803 = arith.constant 0 : i32
        %dma_start3A_804 = tpu.memref_slice %arg7[%dma_start3A_798, %dma_start3A_803] : memref<4x64xi32, #tpu.memory_space<vmem>> -> memref<1x64xi32, #tpu.memory_space<vmem>>
        %dma_start3A_805 = tpu.memref_squeeze %dma_start3A_804 : memref<1x64xi32, #tpu.memory_space<vmem>> -> memref<64xi32, #tpu.memory_space<vmem>>
        %dma_start3A_806 = tpu.memref_slice %arg4[%add3A_797] : memref<327680xi32, #tpu.memory_space<hbm>> -> memref<64xi32, #tpu.memory_space<hbm>>
        tpu.enqueue_dma source(%dma_start3A_806 : memref<64xi32, #tpu.memory_space<hbm>>) target(%dma_start3A_805 : memref<64xi32, #tpu.memory_space<vmem>>) target_semaphore(%arg13 : memref<!tpu.dma_semaphore, #tpu.memory_space<semaphore_mem>>)
        %mul3A_807 = arith.constant 64 : i32
        %mul3A_808 = arith.muli %add3A_765, %mul3A_807 : i32
        %add3A_809 = arith.addi %mul3A_345, %mul3A_808 : i32
        %dma_wait3A_810 = arith.constant 3 : i32
        %dma_wait3A_811 = arith.constant 0 : i32
        %dma_wait3A_812 = tpu.memref_slice %arg6[%dma_wait3A_810, %dma_wait3A_811] : memref<4x64xi32, #tpu.memory_space<vmem>> -> memref<1x64xi32, #tpu.memory_space<vmem>>
        %dma_wait3A_813 = tpu.memref_squeeze %dma_wait3A_812 : memref<1x64xi32, #tpu.memory_space<vmem>> -> memref<64xi32, #tpu.memory_space<vmem>>
        %dma_wait3A_814 = tpu.memref_slice %arg3[%add3A_809] : memref<327680xi32, #tpu.memory_space<hbm>> -> memref<64xi32, #tpu.memory_space<hbm>>
        %dma_wait3A_815 = arith.constant 0 : i32
        %dma_wait3A_816 = tpu.memref_slice %arg6[%dma_wait3A_810, %dma_wait3A_815] : memref<4x64xi32, #tpu.memory_space<vmem>> -> memref<1x64xi32, #tpu.memory_space<vmem>>
        %dma_wait3A_817 = tpu.memref_squeeze %dma_wait3A_816 : memref<1x64xi32, #tpu.memory_space<vmem>> -> memref<64xi32, #tpu.memory_space<vmem>>
        %dma_wait3A_818 = tpu.memref_slice %arg3[%add3A_809] : memref<327680xi32, #tpu.memory_space<hbm>> -> memref<64xi32, #tpu.memory_space<hbm>>
        tpu.wait_dma2 semaphore(%arg13 : memref<!tpu.dma_semaphore, #tpu.memory_space<semaphore_mem>>) src(%dma_wait3A_818 : memref<64xi32, #tpu.memory_space<hbm>>) dst(%dma_wait3A_817 : memref<64xi32, #tpu.memory_space<vmem>>)
        %mul3A_819 = arith.constant 64 : i32
        %mul3A_820 = arith.muli %add3A_765, %mul3A_819 : i32
        %add3A_821 = arith.addi %mul3A_345, %mul3A_820 : i32
        %dma_wait3A_822 = arith.constant 3 : i32
        %dma_wait3A_823 = arith.constant 0 : i32
        %dma_wait3A_824 = tpu.memref_slice %arg7[%dma_wait3A_822, %dma_wait3A_823] : memref<4x64xi32, #tpu.memory_space<vmem>> -> memref<1x64xi32, #tpu.memory_space<vmem>>
        %dma_wait3A_825 = tpu.memref_squeeze %dma_wait3A_824 : memref<1x64xi32, #tpu.memory_space<vmem>> -> memref<64xi32, #tpu.memory_space<vmem>>
        %dma_wait3A_826 = tpu.memref_slice %arg4[%add3A_821] : memref<327680xi32, #tpu.memory_space<hbm>> -> memref<64xi32, #tpu.memory_space<hbm>>
        %dma_wait3A_827 = arith.constant 0 : i32
        %dma_wait3A_828 = tpu.memref_slice %arg7[%dma_wait3A_822, %dma_wait3A_827] : memref<4x64xi32, #tpu.memory_space<vmem>> -> memref<1x64xi32, #tpu.memory_space<vmem>>
        %dma_wait3A_829 = tpu.memref_squeeze %dma_wait3A_828 : memref<1x64xi32, #tpu.memory_space<vmem>> -> memref<64xi32, #tpu.memory_space<vmem>>
        %dma_wait3A_830 = tpu.memref_slice %arg4[%add3A_821] : memref<327680xi32, #tpu.memory_space<hbm>> -> memref<64xi32, #tpu.memory_space<hbm>>
        tpu.wait_dma2 semaphore(%arg13 : memref<!tpu.dma_semaphore, #tpu.memory_space<semaphore_mem>>) src(%dma_wait3A_830 : memref<64xi32, #tpu.memory_space<hbm>>) dst(%dma_wait3A_829 : memref<64xi32, #tpu.memory_space<vmem>>)
        %dma_start3A_831 = arith.constant 3 : i32
        %dma_start3A_832 = arith.constant 3 : i32
        %dma_start3A_833 = arith.constant 0 : i32
        %dma_start3A_834 = arith.constant 0 : i32
        %dma_start3A_835 = tpu.memref_slice %arg8[%dma_start3A_832, %dma_start3A_833, %dma_start3A_834] : memref<4x64x128xf32, #tpu.memory_space<vmem>> -> memref<1x64x128xf32, #tpu.memory_space<vmem>>
        %dma_start3A_836 = tpu.memref_squeeze %dma_start3A_835 : memref<1x64x128xf32, #tpu.memory_space<vmem>> -> memref<64x128xf32, #tpu.memory_space<vmem>>
        %dma_start3A_837 = arith.constant 0 : i32
        %dma_start3A_838 = tpu.memref_slice %arg6[%dma_start3A_831, %dma_start3A_837] : memref<4x64xi32, #tpu.memory_space<vmem>> -> memref<1x64xi32, #tpu.memory_space<vmem>>
        %dma_start3A_839 = tpu.memref_squeeze %dma_start3A_838 : memref<1x64xi32, #tpu.memory_space<vmem>> -> memref<64xi32, #tpu.memory_space<vmem>>
        %dma_start3A_840 = arith.constant 0 : i32
        %dma_start3A_841 = arith.constant 0 : i32
        %dma_start3A_842 = tpu.memref_slice %arg2[%dma_start3A_840, %dma_start3A_841] : memref<10000x128xf32, #tpu.memory_space<hbm>> -> memref<10000x128xf32, #tpu.memory_space<hbm>>
        tpu.enqueue_indirect_dma source(%dma_start3A_842 : memref<10000x128xf32, #tpu.memory_space<hbm>>) target(%dma_start3A_836 : memref<64x128xf32, #tpu.memory_space<vmem>>) offsets(%dma_start3A_839 : memref<64xi32, #tpu.memory_space<vmem>>) semaphore(%arg17 : memref<!tpu.dma_semaphore, #tpu.memory_space<semaphore_mem>>)
      } else {
      }
    }
    %scan3A_575 = arith.constant 40 : i32
    %dma_wait3A_576 = arith.constant 0 : i32
    %dma_wait3A_577 = arith.constant 0 : i32
    %dma_wait3A_578 = arith.constant 0 : i32
    %dma_wait3A_579 = arith.constant 0 : i32
    %dma_wait3A_580 = tpu.memref_slice %arg8[%dma_wait3A_576, %dma_wait3A_578, %dma_wait3A_579] : memref<4x64x128xf32, #tpu.memory_space<vmem>> -> memref<1x64x128xf32, #tpu.memory_space<vmem>>
    %dma_wait3A_581 = tpu.memref_squeeze %dma_wait3A_580 : memref<1x64x128xf32, #tpu.memory_space<vmem>> -> memref<64x128xf32, #tpu.memory_space<vmem>>
    %dma_wait3A_582 = arith.constant 0 : i32
    %dma_wait3A_583 = tpu.memref_slice %arg7[%dma_wait3A_577, %dma_wait3A_582] : memref<4x64xi32, #tpu.memory_space<vmem>> -> memref<1x64xi32, #tpu.memory_space<vmem>>
    %dma_wait3A_584 = tpu.memref_squeeze %dma_wait3A_583 : memref<1x64xi32, #tpu.memory_space<vmem>> -> memref<64xi32, #tpu.memory_space<vmem>>
    %dma_wait3A_585 = arith.constant 0 : i32
    %dma_wait3A_586 = arith.constant 0 : i32
    %dma_wait3A_587 = tpu.memref_slice %arg9[%dma_wait3A_585, %dma_wait3A_586] : memref<10240x128xf32, #tpu.memory_space<vmem_shared>> -> memref<10240x128xf32, #tpu.memory_space<vmem_shared>>
    tpu.wait_indirect_dma semaphore(%arg18 : memref<!tpu.dma_semaphore, #tpu.memory_space<semaphore_mem>>) src(%dma_wait3A_581 : memref<64x128xf32, #tpu.memory_space<vmem>>) dst(%dma_wait3A_587 : memref<10240x128xf32, #tpu.memory_space<vmem_shared>>)
    %dma_wait3A_588 = arith.constant 1 : i32
    %dma_wait3A_589 = arith.constant 1 : i32
    %dma_wait3A_590 = arith.constant 0 : i32
    %dma_wait3A_591 = arith.constant 0 : i32
    %dma_wait3A_592 = tpu.memref_slice %arg8[%dma_wait3A_588, %dma_wait3A_590, %dma_wait3A_591] : memref<4x64x128xf32, #tpu.memory_space<vmem>> -> memref<1x64x128xf32, #tpu.memory_space<vmem>>
    %dma_wait3A_593 = tpu.memref_squeeze %dma_wait3A_592 : memref<1x64x128xf32, #tpu.memory_space<vmem>> -> memref<64x128xf32, #tpu.memory_space<vmem>>
    %dma_wait3A_594 = arith.constant 0 : i32
    %dma_wait3A_595 = tpu.memref_slice %arg7[%dma_wait3A_589, %dma_wait3A_594] : memref<4x64xi32, #tpu.memory_space<vmem>> -> memref<1x64xi32, #tpu.memory_space<vmem>>
    %dma_wait3A_596 = tpu.memref_squeeze %dma_wait3A_595 : memref<1x64xi32, #tpu.memory_space<vmem>> -> memref<64xi32, #tpu.memory_space<vmem>>
    %dma_wait3A_597 = arith.constant 0 : i32
    %dma_wait3A_598 = arith.constant 0 : i32
    %dma_wait3A_599 = tpu.memref_slice %arg9[%dma_wait3A_597, %dma_wait3A_598] : memref<10240x128xf32, #tpu.memory_space<vmem_shared>> -> memref<10240x128xf32, #tpu.memory_space<vmem_shared>>
    tpu.wait_indirect_dma semaphore(%arg19 : memref<!tpu.dma_semaphore, #tpu.memory_space<semaphore_mem>>) src(%dma_wait3A_593 : memref<64x128xf32, #tpu.memory_space<vmem>>) dst(%dma_wait3A_599 : memref<10240x128xf32, #tpu.memory_space<vmem_shared>>)
    %dma_wait3A_600 = arith.constant 2 : i32
    %dma_wait3A_601 = arith.constant 2 : i32
    %dma_wait3A_602 = arith.constant 0 : i32
    %dma_wait3A_603 = arith.constant 0 : i32
    %dma_wait3A_604 = tpu.memref_slice %arg8[%dma_wait3A_600, %dma_wait3A_602, %dma_wait3A_603] : memref<4x64x128xf32, #tpu.memory_space<vmem>> -> memref<1x64x128xf32, #tpu.memory_space<vmem>>
    %dma_wait3A_605 = tpu.memref_squeeze %dma_wait3A_604 : memref<1x64x128xf32, #tpu.memory_space<vmem>> -> memref<64x128xf32, #tpu.memory_space<vmem>>
    %dma_wait3A_606 = arith.constant 0 : i32
    %dma_wait3A_607 = tpu.memref_slice %arg7[%dma_wait3A_601, %dma_wait3A_606] : memref<4x64xi32, #tpu.memory_space<vmem>> -> memref<1x64xi32, #tpu.memory_space<vmem>>
    %dma_wait3A_608 = tpu.memref_squeeze %dma_wait3A_607 : memref<1x64xi32, #tpu.memory_space<vmem>> -> memref<64xi32, #tpu.memory_space<vmem>>
    %dma_wait3A_609 = arith.constant 0 : i32
    %dma_wait3A_610 = arith.constant 0 : i32
    %dma_wait3A_611 = tpu.memref_slice %arg9[%dma_wait3A_609, %dma_wait3A_610] : memref<10240x128xf32, #tpu.memory_space<vmem_shared>> -> memref<10240x128xf32, #tpu.memory_space<vmem_shared>>
    tpu.wait_indirect_dma semaphore(%arg20 : memref<!tpu.dma_semaphore, #tpu.memory_space<semaphore_mem>>) src(%dma_wait3A_605 : memref<64x128xf32, #tpu.memory_space<vmem>>) dst(%dma_wait3A_611 : memref<10240x128xf32, #tpu.memory_space<vmem_shared>>)
    %dma_wait3A_612 = arith.constant 3 : i32
    %dma_wait3A_613 = arith.constant 3 : i32
    %dma_wait3A_614 = arith.constant 0 : i32
    %dma_wait3A_615 = arith.constant 0 : i32
    %dma_wait3A_616 = tpu.memref_slice %arg8[%dma_wait3A_612, %dma_wait3A_614, %dma_wait3A_615] : memref<4x64x128xf32, #tpu.memory_space<vmem>> -> memref<1x64x128xf32, #tpu.memory_space<vmem>>
    %dma_wait3A_617 = tpu.memref_squeeze %dma_wait3A_616 : memref<1x64x128xf32, #tpu.memory_space<vmem>> -> memref<64x128xf32, #tpu.memory_space<vmem>>
    %dma_wait3A_618 = arith.constant 0 : i32
    %dma_wait3A_619 = tpu.memref_slice %arg7[%dma_wait3A_613, %dma_wait3A_618] : memref<4x64xi32, #tpu.memory_space<vmem>> -> memref<1x64xi32, #tpu.memory_space<vmem>>
    %dma_wait3A_620 = tpu.memref_squeeze %dma_wait3A_619 : memref<1x64xi32, #tpu.memory_space<vmem>> -> memref<64xi32, #tpu.memory_space<vmem>>
    %dma_wait3A_621 = arith.constant 0 : i32
    %dma_wait3A_622 = arith.constant 0 : i32
    %dma_wait3A_623 = tpu.memref_slice %arg9[%dma_wait3A_621, %dma_wait3A_622] : memref<10240x128xf32, #tpu.memory_space<vmem_shared>> -> memref<10240x128xf32, #tpu.memory_space<vmem_shared>>
    tpu.wait_indirect_dma semaphore(%arg21 : memref<!tpu.dma_semaphore, #tpu.memory_space<semaphore_mem>>) src(%dma_wait3A_617 : memref<64x128xf32, #tpu.memory_space<vmem>>) dst(%dma_wait3A_623 : memref<10240x128xf32, #tpu.memory_space<vmem_shared>>)
    %barrier3A_624 = arith.constant 0 : index
    tpu.barrier barrier_id(%barrier3A_624)
    %mul3A_625 = arith.constant 624 : i32
    %mul3A_626 = arith.muli %arg1, %mul3A_625 : i32
    %mul3A_627 = arith.constant 624 : i32
    %mul3A_628 = arith.muli %arg1, %mul3A_627 : i32
    "tpu.region"() ({
      %run_scoped3A = tpu.sem_alloc : memref<!tpu.dma_semaphore, #tpu.memory_space<semaphore_mem>>
      %dma_start3A_631 = arith.constant 0 : i32
      %dma_start3A_632 = tpu.memref_slice %arg5[%arg0, %mul3A_628, %dma_start3A_631] : memref<2x10000x128xf32, #tpu.memory_space<hbm>> -> memref<1x624x128xf32, #tpu.memory_space<hbm>>
      %dma_start3A_633 = tpu.memref_squeeze %dma_start3A_632 : memref<1x624x128xf32, #tpu.memory_space<hbm>> -> memref<624x128xf32, #tpu.memory_space<hbm>>
      %dma_start3A_634 = arith.constant 0 : i32
      %dma_start3A_635 = tpu.memref_slice %arg9[%mul3A_626, %dma_start3A_634] : memref<10240x128xf32, #tpu.memory_space<vmem_shared>> -> memref<624x128xf32, #tpu.memory_space<vmem_shared>>
      tpu.enqueue_dma source(%dma_start3A_635 : memref<624x128xf32, #tpu.memory_space<vmem_shared>>) target(%dma_start3A_633 : memref<624x128xf32, #tpu.memory_space<hbm>>) target_semaphore(%run_scoped3A : memref<!tpu.dma_semaphore, #tpu.memory_space<semaphore_mem>>)
      %dma_wait3A_636 = arith.constant 0 : i32
      %dma_wait3A_637 = tpu.memref_slice %arg5[%arg0, %mul3A_628, %dma_wait3A_636] : memref<2x10000x128xf32, #tpu.memory_space<hbm>> -> memref<1x624x128xf32, #tpu.memory_space<hbm>>
      %dma_wait3A_638 = tpu.memref_squeeze %dma_wait3A_637 : memref<1x624x128xf32, #tpu.memory_space<hbm>> -> memref<624x128xf32, #tpu.memory_space<hbm>>
      %dma_wait3A_639 = arith.constant 0 : i32
      %dma_wait3A_640 = tpu.memref_slice %arg9[%mul3A_626, %dma_wait3A_639] : memref<10240x128xf32, #tpu.memory_space<vmem_shared>> -> memref<624x128xf32, #tpu.memory_space<vmem_shared>>
      tpu.wait_dma2 semaphore(%run_scoped3A : memref<!tpu.dma_semaphore, #tpu.memory_space<semaphore_mem>>) src(%dma_wait3A_640 : memref<624x128xf32, #tpu.memory_space<vmem_shared>>) dst(%dma_wait3A_638 : memref<624x128xf32, #tpu.memory_space<hbm>>)
      tpu.yield
    }) : () -> ()
    %eq3A = arith.constant 15 : i32
    %eq3A_629 = arith.cmpi eq, %arg1, %eq3A : i32
    %convert_element_type3A = arith.extui %eq3A_629 : i1 to i32
    %cond3A = arith.constant 0 : i32
    %cond3A_630 = arith.cmpi ne, %convert_element_type3A, %cond3A : i32
    scf.if %cond3A_630 {
      "tpu.region"() ({
        %run_scoped3A = tpu.sem_alloc : memref<!tpu.dma_semaphore, #tpu.memory_space<semaphore_mem>>
        %dma_start3A_631 = arith.constant 9984 : i32
        %dma_start3A_632 = arith.constant 0 : i32
        %dma_start3A_633 = tpu.memref_slice %arg5[%arg0, %dma_start3A_631, %dma_start3A_632] : memref<2x10000x128xf32, #tpu.memory_space<hbm>> -> memref<1x16x128xf32, #tpu.memory_space<hbm>>
        %dma_start3A_634 = tpu.memref_squeeze %dma_start3A_633 : memref<1x16x128xf32, #tpu.memory_space<hbm>> -> memref<16x128xf32, #tpu.memory_space<hbm>>
        %dma_start3A_635 = arith.constant 9984 : i32
        %dma_start3A_636 = arith.constant 0 : i32
        %dma_start3A_637 = tpu.memref_slice %arg9[%dma_start3A_635, %dma_start3A_636] : memref<10240x128xf32, #tpu.memory_space<vmem_shared>> -> memref<16x128xf32, #tpu.memory_space<vmem_shared>>
        tpu.enqueue_dma source(%dma_start3A_637 : memref<16x128xf32, #tpu.memory_space<vmem_shared>>) target(%dma_start3A_634 : memref<16x128xf32, #tpu.memory_space<hbm>>) target_semaphore(%run_scoped3A : memref<!tpu.dma_semaphore, #tpu.memory_space<semaphore_mem>>)
        %dma_wait3A_638 = arith.constant 9984 : i32
        %dma_wait3A_639 = arith.constant 0 : i32
        %dma_wait3A_640 = tpu.memref_slice %arg5[%arg0, %dma_wait3A_638, %dma_wait3A_639] : memref<2x10000x128xf32, #tpu.memory_space<hbm>> -> memref<1x16x128xf32, #tpu.memory_space<hbm>>
        %dma_wait3A_641 = tpu.memref_squeeze %dma_wait3A_640 : memref<1x16x128xf32, #tpu.memory_space<hbm>> -> memref<16x128xf32, #tpu.memory_space<hbm>>
        %dma_wait3A_642 = arith.constant 9984 : i32
        %dma_wait3A_643 = arith.constant 0 : i32
        %dma_wait3A_644 = tpu.memref_slice %arg9[%dma_wait3A_642, %dma_wait3A_643] : memref<10240x128xf32, #tpu.memory_space<vmem_shared>> -> memref<16x128xf32, #tpu.memory_space<vmem_shared>>
        tpu.wait_dma2 semaphore(%run_scoped3A : memref<!tpu.dma_semaphore, #tpu.memory_space<semaphore_mem>>) src(%dma_wait3A_644 : memref<16x128xf32, #tpu.memory_space<vmem_shared>>) dst(%dma_wait3A_641 : memref<16x128xf32, #tpu.memory_space<hbm>>)
        tpu.yield
      }) : () -> ()
    } else {
    }
    return
  }
}

#map = affine_map<(d0, d1) -> (0)>
#map1 = affine_map<(d0, d1) -> (0, 0, 0)>
module attributes {stable_mosaic.version = 14 : i64} {
  func.func @_deg_body(%arg0: i32, %arg1: i32, %arg2: memref<327680xi32, #tpu.memory_space<hbm>>, %arg3: memref<2x16x640xf32, #tpu.memory_space<hbm>>, %arg4: memref<10240xi32, #tpu.memory_space<vmem>>, %arg5: memref<10240xf32, #tpu.memory_space<vmem>>, %arg6: memref<16x640xf32, #tpu.memory_space<vmem>>, %arg7: memref<640xf32, #tpu.memory_space<vmem>>, %arg8: memref<16x10240xf32, #tpu.memory_space<vmem_shared>>) attributes {dimension_semantics = [#tpu.dimension_semantics<core_parallel>, #tpu.dimension_semantics<subcore_parallel>], iteration_bounds = array<i64: 2, 16>, scalar_prefetch = 0 : i64, scratch_operands = 5 : i64, tpu.core_type = #tpu.core_type<sc_vector_subcore>, window_params = [{transform_indices = #map}, {transform_indices = #map1}]} {
    %mul3A = arith.constant 2 : i32
    %mul3A_0 = arith.muli %arg1, %mul3A : i32
    %add3A = arith.addi %mul3A_0, %arg0 : i32
    %mul3A_1 = arith.constant 10240 : i32
    %mul3A_2 = arith.muli %add3A, %mul3A_1 : i32
    "tpu.region"() ({
      %run_scoped3A_84 = tpu.sem_alloc : memref<!tpu.dma_semaphore, #tpu.memory_space<semaphore_mem>>
      %dma_start3A = tpu.memref_slice %arg2[%mul3A_2] : memref<327680xi32, #tpu.memory_space<hbm>> -> memref<10240xi32, #tpu.memory_space<hbm>>
      %dma_start3A_85 = tpu.memref_slice %arg2[%mul3A_2] : memref<327680xi32, #tpu.memory_space<hbm>> -> memref<10240xi32, #tpu.memory_space<hbm>>
      tpu.enqueue_dma source(%dma_start3A_85 : memref<10240xi32, #tpu.memory_space<hbm>>) target(%arg4 : memref<10240xi32, #tpu.memory_space<vmem>>) target_semaphore(%run_scoped3A_84 : memref<!tpu.dma_semaphore, #tpu.memory_space<semaphore_mem>>)
      %dma_wait3A = tpu.memref_slice %arg2[%mul3A_2] : memref<327680xi32, #tpu.memory_space<hbm>> -> memref<10240xi32, #tpu.memory_space<hbm>>
      %dma_wait3A_86 = tpu.memref_slice %arg2[%mul3A_2] : memref<327680xi32, #tpu.memory_space<hbm>> -> memref<10240xi32, #tpu.memory_space<hbm>>
      tpu.wait_dma2 semaphore(%run_scoped3A_84 : memref<!tpu.dma_semaphore, #tpu.memory_space<semaphore_mem>>) src(%dma_wait3A_86 : memref<10240xi32, #tpu.memory_space<hbm>>) dst(%arg4 : memref<10240xi32, #tpu.memory_space<vmem>>)
      tpu.yield
    }) : () -> ()
    %scan3A = arith.constant 0 : i32
    %scan3A_3 = arith.constant 0 : i32
    %scan3A_4 = arith.constant 640 : i32
    %scan3A_5 = arith.addi %scan3A_3, %scan3A_4 : i32
    %scan3A_6 = arith.constant 1 : i32
    scf.for %scan3A_84 = %scan3A_3 to %scan3A_5 step %scan3A_6  : i32 {
      %broadcast_in_dim3A_85 = arith.constant 0.000000e+00 : f32
      %broadcast_in_dim3A_86 = vector.broadcast %broadcast_in_dim3A_85 : f32 to vector<16xf32>
      %mul3A_87 = arith.constant 16 : i32
      %mul3A_88 = arith.muli %scan3A_84, %mul3A_87 : i32
      %swap3A = arith.index_cast %mul3A_88 : i32 to index
      %swap3A_89 = tpu.vector_load %arg5[%swap3A] {strides = array<i32>} : memref<10240xf32, #tpu.memory_space<vmem>>, vector<16xf32>,
      tpu.vector_store %arg5[%swap3A], %broadcast_in_dim3A_86 {strides = array<i32>} : memref<10240xf32, #tpu.memory_space<vmem>>, vector<16xf32>,
    }
    %scan3A_7 = arith.constant 640 : i32
    %broadcast_in_dim3A = arith.constant 1.000000e+00 : f32
    %broadcast_in_dim3A_8 = vector.broadcast %broadcast_in_dim3A : f32 to vector<16xf32>
    %scan3A_9 = arith.constant 0 : i32
    %scan3A_10 = arith.constant 0 : i32
    %scan3A_11 = arith.constant 160 : i32
    %scan3A_12 = arith.addi %scan3A_10, %scan3A_11 : i32
    %scan3A_13 = arith.constant 1 : i32
    scf.for %scan3A_84 = %scan3A_10 to %scan3A_12 step %scan3A_13  : i32 {
      %mul3A_85 = arith.constant 4 : i32
      %mul3A_86 = arith.muli %scan3A_84, %mul3A_85 : i32
      %add3A_87 = arith.constant 0 : i32
      %add3A_88 = arith.addi %mul3A_86, %add3A_87 : i32
      %mul3A_89 = arith.constant 16 : i32
      %mul3A_90 = arith.muli %add3A_88, %mul3A_89 : i32
      %get3A = arith.index_cast %mul3A_90 : i32 to index
      %get3A_91 = tpu.vector_load %arg4[%get3A] {strides = array<i32>} : memref<10240xi32, #tpu.memory_space<vmem>>, vector<16xi32>,
      tpu.vector_store_idx %arg5[%get3A_91], %broadcast_in_dim3A_8 {add = true} : memref<10240xf32, #tpu.memory_space<vmem>>[vector<16xi32>], vector<16xf32>,
      %mul3A_92 = arith.constant 4 : i32
      %mul3A_93 = arith.muli %scan3A_84, %mul3A_92 : i32
      %add3A_94 = arith.constant 1 : i32
      %add3A_95 = arith.addi %mul3A_93, %add3A_94 : i32
      %mul3A_96 = arith.constant 16 : i32
      %mul3A_97 = arith.muli %add3A_95, %mul3A_96 : i32
      %get3A_98 = arith.index_cast %mul3A_97 : i32 to index
      %get3A_99 = tpu.vector_load %arg4[%get3A_98] {strides = array<i32>} : memref<10240xi32, #tpu.memory_space<vmem>>, vector<16xi32>,
      tpu.vector_store_idx %arg5[%get3A_99], %broadcast_in_dim3A_8 {add = true} : memref<10240xf32, #tpu.memory_space<vmem>>[vector<16xi32>], vector<16xf32>,
      %mul3A_100 = arith.constant 4 : i32
      %mul3A_101 = arith.muli %scan3A_84, %mul3A_100 : i32
      %add3A_102 = arith.constant 2 : i32
      %add3A_103 = arith.addi %mul3A_101, %add3A_102 : i32
      %mul3A_104 = arith.constant 16 : i32
      %mul3A_105 = arith.muli %add3A_103, %mul3A_104 : i32
      %get3A_106 = arith.index_cast %mul3A_105 : i32 to index
      %get3A_107 = tpu.vector_load %arg4[%get3A_106] {strides = array<i32>} : memref<10240xi32, #tpu.memory_space<vmem>>, vector<16xi32>,
      tpu.vector_store_idx %arg5[%get3A_107], %broadcast_in_dim3A_8 {add = true} : memref<10240xf32, #tpu.memory_space<vmem>>[vector<16xi32>], vector<16xf32>,
      %mul3A_108 = arith.constant 4 : i32
      %mul3A_109 = arith.muli %scan3A_84, %mul3A_108 : i32
      %add3A_110 = arith.constant 3 : i32
      %add3A_111 = arith.addi %mul3A_109, %add3A_110 : i32
      %mul3A_112 = arith.constant 16 : i32
      %mul3A_113 = arith.muli %add3A_111, %mul3A_112 : i32
      %get3A_114 = arith.index_cast %mul3A_113 : i32 to index
      %get3A_115 = tpu.vector_load %arg4[%get3A_114] {strides = array<i32>} : memref<10240xi32, #tpu.memory_space<vmem>>, vector<16xi32>,
      tpu.vector_store_idx %arg5[%get3A_115], %broadcast_in_dim3A_8 {add = true} : memref<10240xf32, #tpu.memory_space<vmem>>[vector<16xi32>], vector<16xf32>,
    }
    %scan3A_14 = arith.constant 160 : i32
    "tpu.region"() ({
      %run_scoped3A_84 = tpu.sem_alloc : memref<!tpu.dma_semaphore, #tpu.memory_space<semaphore_mem>>
      %dma_start3A = arith.constant 0 : i32
      %dma_start3A_85 = tpu.memref_slice %arg8[%arg1, %dma_start3A] : memref<16x10240xf32, #tpu.memory_space<vmem_shared>> -> memref<1x10240xf32, #tpu.memory_space<vmem_shared>>
      %dma_start3A_86 = tpu.memref_squeeze %dma_start3A_85 : memref<1x10240xf32, #tpu.memory_space<vmem_shared>> -> memref<10240xf32, #tpu.memory_space<vmem_shared>>
      %dma_start3A_87 = arith.constant 0 : i32
      %dma_start3A_88 = tpu.memref_slice %arg8[%arg1, %dma_start3A_87] : memref<16x10240xf32, #tpu.memory_space<vmem_shared>> -> memref<1x10240xf32, #tpu.memory_space<vmem_shared>>
      %dma_start3A_89 = tpu.memref_squeeze %dma_start3A_88 : memref<1x10240xf32, #tpu.memory_space<vmem_shared>> -> memref<10240xf32, #tpu.memory_space<vmem_shared>>
      tpu.enqueue_dma source(%arg5 : memref<10240xf32, #tpu.memory_space<vmem>>) target(%dma_start3A_89 : memref<10240xf32, #tpu.memory_space<vmem_shared>>) target_semaphore(%run_scoped3A_84 : memref<!tpu.dma_semaphore, #tpu.memory_space<semaphore_mem>>)
      %dma_wait3A = arith.constant 0 : i32
      %dma_wait3A_90 = tpu.memref_slice %arg8[%arg1, %dma_wait3A] : memref<16x10240xf32, #tpu.memory_space<vmem_shared>> -> memref<1x10240xf32, #tpu.memory_space<vmem_shared>>
      %dma_wait3A_91 = tpu.memref_squeeze %dma_wait3A_90 : memref<1x10240xf32, #tpu.memory_space<vmem_shared>> -> memref<10240xf32, #tpu.memory_space<vmem_shared>>
      %dma_wait3A_92 = arith.constant 0 : i32
      %dma_wait3A_93 = tpu.memref_slice %arg8[%arg1, %dma_wait3A_92] : memref<16x10240xf32, #tpu.memory_space<vmem_shared>> -> memref<1x10240xf32, #tpu.memory_space<vmem_shared>>
      %dma_wait3A_94 = tpu.memref_squeeze %dma_wait3A_93 : memref<1x10240xf32, #tpu.memory_space<vmem_shared>> -> memref<10240xf32, #tpu.memory_space<vmem_shared>>
      tpu.wait_dma2 semaphore(%run_scoped3A_84 : memref<!tpu.dma_semaphore, #tpu.memory_space<semaphore_mem>>) src(%arg5 : memref<10240xf32, #tpu.memory_space<vmem>>) dst(%dma_wait3A_94 : memref<10240xf32, #tpu.memory_space<vmem_shared>>)
      tpu.yield
    }) : () -> ()
    %barrier3A = arith.constant 0 : index
    tpu.barrier barrier_id(%barrier3A)
    %mul3A_15 = arith.constant 640 : i32
    %mul3A_16 = arith.muli %arg1, %mul3A_15 : i32
    %run_scoped3A = arith.constant 0 : i32
    %run_scoped3A_17 = arith.constant 0 : i32
    "tpu.region"() ({
      %run_scoped3A_84 = tpu.sem_alloc : memref<!tpu.dma_semaphore, #tpu.memory_space<semaphore_mem>>
      %dma_start3A = arith.constant 0 : i32
      %dma_start3A_85 = tpu.memref_slice %arg6[%run_scoped3A_17, %dma_start3A] : memref<16x640xf32, #tpu.memory_space<vmem>> -> memref<1x640xf32, #tpu.memory_space<vmem>>
      %dma_start3A_86 = tpu.memref_squeeze %dma_start3A_85 : memref<1x640xf32, #tpu.memory_space<vmem>> -> memref<640xf32, #tpu.memory_space<vmem>>
      %dma_start3A_87 = tpu.memref_slice %arg8[%run_scoped3A, %mul3A_16] : memref<16x10240xf32, #tpu.memory_space<vmem_shared>> -> memref<1x640xf32, #tpu.memory_space<vmem_shared>>
      %dma_start3A_88 = tpu.memref_squeeze %dma_start3A_87 : memref<1x640xf32, #tpu.memory_space<vmem_shared>> -> memref<640xf32, #tpu.memory_space<vmem_shared>>
      %dma_start3A_89 = arith.constant 0 : i32
      %dma_start3A_90 = tpu.memref_slice %arg6[%run_scoped3A_17, %dma_start3A_89] : memref<16x640xf32, #tpu.memory_space<vmem>> -> memref<1x640xf32, #tpu.memory_space<vmem>>
      %dma_start3A_91 = tpu.memref_squeeze %dma_start3A_90 : memref<1x640xf32, #tpu.memory_space<vmem>> -> memref<640xf32, #tpu.memory_space<vmem>>
      %dma_start3A_92 = tpu.memref_slice %arg8[%run_scoped3A, %mul3A_16] : memref<16x10240xf32, #tpu.memory_space<vmem_shared>> -> memref<1x640xf32, #tpu.memory_space<vmem_shared>>
      %dma_start3A_93 = tpu.memref_squeeze %dma_start3A_92 : memref<1x640xf32, #tpu.memory_space<vmem_shared>> -> memref<640xf32, #tpu.memory_space<vmem_shared>>
      tpu.enqueue_dma source(%dma_start3A_93 : memref<640xf32, #tpu.memory_space<vmem_shared>>) target(%dma_start3A_91 : memref<640xf32, #tpu.memory_space<vmem>>) target_semaphore(%run_scoped3A_84 : memref<!tpu.dma_semaphore, #tpu.memory_space<semaphore_mem>>)
      %dma_wait3A = arith.constant 0 : i32
      %dma_wait3A_94 = tpu.memref_slice %arg6[%run_scoped3A_17, %dma_wait3A] : memref<16x640xf32, #tpu.memory_space<vmem>> -> memref<1x640xf32, #tpu.memory_space<vmem>>
      %dma_wait3A_95 = tpu.memref_squeeze %dma_wait3A_94 : memref<1x640xf32, #tpu.memory_space<vmem>> -> memref<640xf32, #tpu.memory_space<vmem>>
      %dma_wait3A_96 = tpu.memref_slice %arg8[%run_scoped3A, %mul3A_16] : memref<16x10240xf32, #tpu.memory_space<vmem_shared>> -> memref<1x640xf32, #tpu.memory_space<vmem_shared>>
      %dma_wait3A_97 = tpu.memref_squeeze %dma_wait3A_96 : memref<1x640xf32, #tpu.memory_space<vmem_shared>> -> memref<640xf32, #tpu.memory_space<vmem_shared>>
      %dma_wait3A_98 = arith.constant 0 : i32
      %dma_wait3A_99 = tpu.memref_slice %arg6[%run_scoped3A_17, %dma_wait3A_98] : memref<16x640xf32, #tpu.memory_space<vmem>> -> memref<1x640xf32, #tpu.memory_space<vmem>>
      %dma_wait3A_100 = tpu.memref_squeeze %dma_wait3A_99 : memref<1x640xf32, #tpu.memory_space<vmem>> -> memref<640xf32, #tpu.memory_space<vmem>>
      %dma_wait3A_101 = tpu.memref_slice %arg8[%run_scoped3A, %mul3A_16] : memref<16x10240xf32, #tpu.memory_space<vmem_shared>> -> memref<1x640xf32, #tpu.memory_space<vmem_shared>>
      %dma_wait3A_102 = tpu.memref_squeeze %dma_wait3A_101 : memref<1x640xf32, #tpu.memory_space<vmem_shared>> -> memref<640xf32, #tpu.memory_space<vmem_shared>>
      tpu.wait_dma2 semaphore(%run_scoped3A_84 : memref<!tpu.dma_semaphore, #tpu.memory_space<semaphore_mem>>) src(%dma_wait3A_102 : memref<640xf32, #tpu.memory_space<vmem_shared>>) dst(%dma_wait3A_100 : memref<640xf32, #tpu.memory_space<vmem>>)
      tpu.yield
    }) : () -> ()
    %mul3A_18 = arith.constant 640 : i32
    %mul3A_19 = arith.muli %arg1, %mul3A_18 : i32
    %run_scoped3A_20 = arith.constant 1 : i32
    %run_scoped3A_21 = arith.constant 1 : i32
    "tpu.region"() ({
      %run_scoped3A_84 = tpu.sem_alloc : memref<!tpu.dma_semaphore, #tpu.memory_space<semaphore_mem>>
      %dma_start3A = arith.constant 0 : i32
      %dma_start3A_85 = tpu.memref_slice %arg6[%run_scoped3A_21, %dma_start3A] : memref<16x640xf32, #tpu.memory_space<vmem>> -> memref<1x640xf32, #tpu.memory_space<vmem>>
      %dma_start3A_86 = tpu.memref_squeeze %dma_start3A_85 : memref<1x640xf32, #tpu.memory_space<vmem>> -> memref<640xf32, #tpu.memory_space<vmem>>
      %dma_start3A_87 = tpu.memref_slice %arg8[%run_scoped3A_20, %mul3A_19] : memref<16x10240xf32, #tpu.memory_space<vmem_shared>> -> memref<1x640xf32, #tpu.memory_space<vmem_shared>>
      %dma_start3A_88 = tpu.memref_squeeze %dma_start3A_87 : memref<1x640xf32, #tpu.memory_space<vmem_shared>> -> memref<640xf32, #tpu.memory_space<vmem_shared>>
      %dma_start3A_89 = arith.constant 0 : i32
      %dma_start3A_90 = tpu.memref_slice %arg6[%run_scoped3A_21, %dma_start3A_89] : memref<16x640xf32, #tpu.memory_space<vmem>> -> memref<1x640xf32, #tpu.memory_space<vmem>>
      %dma_start3A_91 = tpu.memref_squeeze %dma_start3A_90 : memref<1x640xf32, #tpu.memory_space<vmem>> -> memref<640xf32, #tpu.memory_space<vmem>>
      %dma_start3A_92 = tpu.memref_slice %arg8[%run_scoped3A_20, %mul3A_19] : memref<16x10240xf32, #tpu.memory_space<vmem_shared>> -> memref<1x640xf32, #tpu.memory_space<vmem_shared>>
      %dma_start3A_93 = tpu.memref_squeeze %dma_start3A_92 : memref<1x640xf32, #tpu.memory_space<vmem_shared>> -> memref<640xf32, #tpu.memory_space<vmem_shared>>
      tpu.enqueue_dma source(%dma_start3A_93 : memref<640xf32, #tpu.memory_space<vmem_shared>>) target(%dma_start3A_91 : memref<640xf32, #tpu.memory_space<vmem>>) target_semaphore(%run_scoped3A_84 : memref<!tpu.dma_semaphore, #tpu.memory_space<semaphore_mem>>)
      %dma_wait3A = arith.constant 0 : i32
      %dma_wait3A_94 = tpu.memref_slice %arg6[%run_scoped3A_21, %dma_wait3A] : memref<16x640xf32, #tpu.memory_space<vmem>> -> memref<1x640xf32, #tpu.memory_space<vmem>>
      %dma_wait3A_95 = tpu.memref_squeeze %dma_wait3A_94 : memref<1x640xf32, #tpu.memory_space<vmem>> -> memref<640xf32, #tpu.memory_space<vmem>>
      %dma_wait3A_96 = tpu.memref_slice %arg8[%run_scoped3A_20, %mul3A_19] : memref<16x10240xf32, #tpu.memory_space<vmem_shared>> -> memref<1x640xf32, #tpu.memory_space<vmem_shared>>
      %dma_wait3A_97 = tpu.memref_squeeze %dma_wait3A_96 : memref<1x640xf32, #tpu.memory_space<vmem_shared>> -> memref<640xf32, #tpu.memory_space<vmem_shared>>
      %dma_wait3A_98 = arith.constant 0 : i32
      %dma_wait3A_99 = tpu.memref_slice %arg6[%run_scoped3A_21, %dma_wait3A_98] : memref<16x640xf32, #tpu.memory_space<vmem>> -> memref<1x640xf32, #tpu.memory_space<vmem>>
      %dma_wait3A_100 = tpu.memref_squeeze %dma_wait3A_99 : memref<1x640xf32, #tpu.memory_space<vmem>> -> memref<640xf32, #tpu.memory_space<vmem>>
      %dma_wait3A_101 = tpu.memref_slice %arg8[%run_scoped3A_20, %mul3A_19] : memref<16x10240xf32, #tpu.memory_space<vmem_shared>> -> memref<1x640xf32, #tpu.memory_space<vmem_shared>>
      %dma_wait3A_102 = tpu.memref_squeeze %dma_wait3A_101 : memref<1x640xf32, #tpu.memory_space<vmem_shared>> -> memref<640xf32, #tpu.memory_space<vmem_shared>>
      tpu.wait_dma2 semaphore(%run_scoped3A_84 : memref<!tpu.dma_semaphore, #tpu.memory_space<semaphore_mem>>) src(%dma_wait3A_102 : memref<640xf32, #tpu.memory_space<vmem_shared>>) dst(%dma_wait3A_100 : memref<640xf32, #tpu.memory_space<vmem>>)
      tpu.yield
    }) : () -> ()
    %mul3A_22 = arith.constant 640 : i32
    %mul3A_23 = arith.muli %arg1, %mul3A_22 : i32
    %run_scoped3A_24 = arith.constant 2 : i32
    %run_scoped3A_25 = arith.constant 2 : i32
    "tpu.region"() ({
      %run_scoped3A_84 = tpu.sem_alloc : memref<!tpu.dma_semaphore, #tpu.memory_space<semaphore_mem>>
      %dma_start3A = arith.constant 0 : i32
      %dma_start3A_85 = tpu.memref_slice %arg6[%run_scoped3A_25, %dma_start3A] : memref<16x640xf32, #tpu.memory_space<vmem>> -> memref<1x640xf32, #tpu.memory_space<vmem>>
      %dma_start3A_86 = tpu.memref_squeeze %dma_start3A_85 : memref<1x640xf32, #tpu.memory_space<vmem>> -> memref<640xf32, #tpu.memory_space<vmem>>
      %dma_start3A_87 = tpu.memref_slice %arg8[%run_scoped3A_24, %mul3A_23] : memref<16x10240xf32, #tpu.memory_space<vmem_shared>> -> memref<1x640xf32, #tpu.memory_space<vmem_shared>>
      %dma_start3A_88 = tpu.memref_squeeze %dma_start3A_87 : memref<1x640xf32, #tpu.memory_space<vmem_shared>> -> memref<640xf32, #tpu.memory_space<vmem_shared>>
      %dma_start3A_89 = arith.constant 0 : i32
      %dma_start3A_90 = tpu.memref_slice %arg6[%run_scoped3A_25, %dma_start3A_89] : memref<16x640xf32, #tpu.memory_space<vmem>> -> memref<1x640xf32, #tpu.memory_space<vmem>>
      %dma_start3A_91 = tpu.memref_squeeze %dma_start3A_90 : memref<1x640xf32, #tpu.memory_space<vmem>> -> memref<640xf32, #tpu.memory_space<vmem>>
      %dma_start3A_92 = tpu.memref_slice %arg8[%run_scoped3A_24, %mul3A_23] : memref<16x10240xf32, #tpu.memory_space<vmem_shared>> -> memref<1x640xf32, #tpu.memory_space<vmem_shared>>
      %dma_start3A_93 = tpu.memref_squeeze %dma_start3A_92 : memref<1x640xf32, #tpu.memory_space<vmem_shared>> -> memref<640xf32, #tpu.memory_space<vmem_shared>>
      tpu.enqueue_dma source(%dma_start3A_93 : memref<640xf32, #tpu.memory_space<vmem_shared>>) target(%dma_start3A_91 : memref<640xf32, #tpu.memory_space<vmem>>) target_semaphore(%run_scoped3A_84 : memref<!tpu.dma_semaphore, #tpu.memory_space<semaphore_mem>>)
      %dma_wait3A = arith.constant 0 : i32
      %dma_wait3A_94 = tpu.memref_slice %arg6[%run_scoped3A_25, %dma_wait3A] : memref<16x640xf32, #tpu.memory_space<vmem>> -> memref<1x640xf32, #tpu.memory_space<vmem>>
      %dma_wait3A_95 = tpu.memref_squeeze %dma_wait3A_94 : memref<1x640xf32, #tpu.memory_space<vmem>> -> memref<640xf32, #tpu.memory_space<vmem>>
      %dma_wait3A_96 = tpu.memref_slice %arg8[%run_scoped3A_24, %mul3A_23] : memref<16x10240xf32, #tpu.memory_space<vmem_shared>> -> memref<1x640xf32, #tpu.memory_space<vmem_shared>>
      %dma_wait3A_97 = tpu.memref_squeeze %dma_wait3A_96 : memref<1x640xf32, #tpu.memory_space<vmem_shared>> -> memref<640xf32, #tpu.memory_space<vmem_shared>>
      %dma_wait3A_98 = arith.constant 0 : i32
      %dma_wait3A_99 = tpu.memref_slice %arg6[%run_scoped3A_25, %dma_wait3A_98] : memref<16x640xf32, #tpu.memory_space<vmem>> -> memref<1x640xf32, #tpu.memory_space<vmem>>
      %dma_wait3A_100 = tpu.memref_squeeze %dma_wait3A_99 : memref<1x640xf32, #tpu.memory_space<vmem>> -> memref<640xf32, #tpu.memory_space<vmem>>
      %dma_wait3A_101 = tpu.memref_slice %arg8[%run_scoped3A_24, %mul3A_23] : memref<16x10240xf32, #tpu.memory_space<vmem_shared>> -> memref<1x640xf32, #tpu.memory_space<vmem_shared>>
      %dma_wait3A_102 = tpu.memref_squeeze %dma_wait3A_101 : memref<1x640xf32, #tpu.memory_space<vmem_shared>> -> memref<640xf32, #tpu.memory_space<vmem_shared>>
      tpu.wait_dma2 semaphore(%run_scoped3A_84 : memref<!tpu.dma_semaphore, #tpu.memory_space<semaphore_mem>>) src(%dma_wait3A_102 : memref<640xf32, #tpu.memory_space<vmem_shared>>) dst(%dma_wait3A_100 : memref<640xf32, #tpu.memory_space<vmem>>)
      tpu.yield
    }) : () -> ()
    %mul3A_26 = arith.constant 640 : i32
    %mul3A_27 = arith.muli %arg1, %mul3A_26 : i32
    %run_scoped3A_28 = arith.constant 3 : i32
    %run_scoped3A_29 = arith.constant 3 : i32
    "tpu.region"() ({
      %run_scoped3A_84 = tpu.sem_alloc : memref<!tpu.dma_semaphore, #tpu.memory_space<semaphore_mem>>
      %dma_start3A = arith.constant 0 : i32
      %dma_start3A_85 = tpu.memref_slice %arg6[%run_scoped3A_29, %dma_start3A] : memref<16x640xf32, #tpu.memory_space<vmem>> -> memref<1x640xf32, #tpu.memory_space<vmem>>
      %dma_start3A_86 = tpu.memref_squeeze %dma_start3A_85 : memref<1x640xf32, #tpu.memory_space<vmem>> -> memref<640xf32, #tpu.memory_space<vmem>>
      %dma_start3A_87 = tpu.memref_slice %arg8[%run_scoped3A_28, %mul3A_27] : memref<16x10240xf32, #tpu.memory_space<vmem_shared>> -> memref<1x640xf32, #tpu.memory_space<vmem_shared>>
      %dma_start3A_88 = tpu.memref_squeeze %dma_start3A_87 : memref<1x640xf32, #tpu.memory_space<vmem_shared>> -> memref<640xf32, #tpu.memory_space<vmem_shared>>
      %dma_start3A_89 = arith.constant 0 : i32
      %dma_start3A_90 = tpu.memref_slice %arg6[%run_scoped3A_29, %dma_start3A_89] : memref<16x640xf32, #tpu.memory_space<vmem>> -> memref<1x640xf32, #tpu.memory_space<vmem>>
      %dma_start3A_91 = tpu.memref_squeeze %dma_start3A_90 : memref<1x640xf32, #tpu.memory_space<vmem>> -> memref<640xf32, #tpu.memory_space<vmem>>
      %dma_start3A_92 = tpu.memref_slice %arg8[%run_scoped3A_28, %mul3A_27] : memref<16x10240xf32, #tpu.memory_space<vmem_shared>> -> memref<1x640xf32, #tpu.memory_space<vmem_shared>>
      %dma_start3A_93 = tpu.memref_squeeze %dma_start3A_92 : memref<1x640xf32, #tpu.memory_space<vmem_shared>> -> memref<640xf32, #tpu.memory_space<vmem_shared>>
      tpu.enqueue_dma source(%dma_start3A_93 : memref<640xf32, #tpu.memory_space<vmem_shared>>) target(%dma_start3A_91 : memref<640xf32, #tpu.memory_space<vmem>>) target_semaphore(%run_scoped3A_84 : memref<!tpu.dma_semaphore, #tpu.memory_space<semaphore_mem>>)
      %dma_wait3A = arith.constant 0 : i32
      %dma_wait3A_94 = tpu.memref_slice %arg6[%run_scoped3A_29, %dma_wait3A] : memref<16x640xf32, #tpu.memory_space<vmem>> -> memref<1x640xf32, #tpu.memory_space<vmem>>
      %dma_wait3A_95 = tpu.memref_squeeze %dma_wait3A_94 : memref<1x640xf32, #tpu.memory_space<vmem>> -> memref<640xf32, #tpu.memory_space<vmem>>
      %dma_wait3A_96 = tpu.memref_slice %arg8[%run_scoped3A_28, %mul3A_27] : memref<16x10240xf32, #tpu.memory_space<vmem_shared>> -> memref<1x640xf32, #tpu.memory_space<vmem_shared>>
      %dma_wait3A_97 = tpu.memref_squeeze %dma_wait3A_96 : memref<1x640xf32, #tpu.memory_space<vmem_shared>> -> memref<640xf32, #tpu.memory_space<vmem_shared>>
      %dma_wait3A_98 = arith.constant 0 : i32
      %dma_wait3A_99 = tpu.memref_slice %arg6[%run_scoped3A_29, %dma_wait3A_98] : memref<16x640xf32, #tpu.memory_space<vmem>> -> memref<1x640xf32, #tpu.memory_space<vmem>>
      %dma_wait3A_100 = tpu.memref_squeeze %dma_wait3A_99 : memref<1x640xf32, #tpu.memory_space<vmem>> -> memref<640xf32, #tpu.memory_space<vmem>>
      %dma_wait3A_101 = tpu.memref_slice %arg8[%run_scoped3A_28, %mul3A_27] : memref<16x10240xf32, #tpu.memory_space<vmem_shared>> -> memref<1x640xf32, #tpu.memory_space<vmem_shared>>
      %dma_wait3A_102 = tpu.memref_squeeze %dma_wait3A_101 : memref<1x640xf32, #tpu.memory_space<vmem_shared>> -> memref<640xf32, #tpu.memory_space<vmem_shared>>
      tpu.wait_dma2 semaphore(%run_scoped3A_84 : memref<!tpu.dma_semaphore, #tpu.memory_space<semaphore_mem>>) src(%dma_wait3A_102 : memref<640xf32, #tpu.memory_space<vmem_shared>>) dst(%dma_wait3A_100 : memref<640xf32, #tpu.memory_space<vmem>>)
      tpu.yield
    }) : () -> ()
    %mul3A_30 = arith.constant 640 : i32
    %mul3A_31 = arith.muli %arg1, %mul3A_30 : i32
    %run_scoped3A_32 = arith.constant 4 : i32
    %run_scoped3A_33 = arith.constant 4 : i32
    "tpu.region"() ({
      %run_scoped3A_84 = tpu.sem_alloc : memref<!tpu.dma_semaphore, #tpu.memory_space<semaphore_mem>>
      %dma_start3A = arith.constant 0 : i32
      %dma_start3A_85 = tpu.memref_slice %arg6[%run_scoped3A_33, %dma_start3A] : memref<16x640xf32, #tpu.memory_space<vmem>> -> memref<1x640xf32, #tpu.memory_space<vmem>>
      %dma_start3A_86 = tpu.memref_squeeze %dma_start3A_85 : memref<1x640xf32, #tpu.memory_space<vmem>> -> memref<640xf32, #tpu.memory_space<vmem>>
      %dma_start3A_87 = tpu.memref_slice %arg8[%run_scoped3A_32, %mul3A_31] : memref<16x10240xf32, #tpu.memory_space<vmem_shared>> -> memref<1x640xf32, #tpu.memory_space<vmem_shared>>
      %dma_start3A_88 = tpu.memref_squeeze %dma_start3A_87 : memref<1x640xf32, #tpu.memory_space<vmem_shared>> -> memref<640xf32, #tpu.memory_space<vmem_shared>>
      %dma_start3A_89 = arith.constant 0 : i32
      %dma_start3A_90 = tpu.memref_slice %arg6[%run_scoped3A_33, %dma_start3A_89] : memref<16x640xf32, #tpu.memory_space<vmem>> -> memref<1x640xf32, #tpu.memory_space<vmem>>
      %dma_start3A_91 = tpu.memref_squeeze %dma_start3A_90 : memref<1x640xf32, #tpu.memory_space<vmem>> -> memref<640xf32, #tpu.memory_space<vmem>>
      %dma_start3A_92 = tpu.memref_slice %arg8[%run_scoped3A_32, %mul3A_31] : memref<16x10240xf32, #tpu.memory_space<vmem_shared>> -> memref<1x640xf32, #tpu.memory_space<vmem_shared>>
      %dma_start3A_93 = tpu.memref_squeeze %dma_start3A_92 : memref<1x640xf32, #tpu.memory_space<vmem_shared>> -> memref<640xf32, #tpu.memory_space<vmem_shared>>
      tpu.enqueue_dma source(%dma_start3A_93 : memref<640xf32, #tpu.memory_space<vmem_shared>>) target(%dma_start3A_91 : memref<640xf32, #tpu.memory_space<vmem>>) target_semaphore(%run_scoped3A_84 : memref<!tpu.dma_semaphore, #tpu.memory_space<semaphore_mem>>)
      %dma_wait3A = arith.constant 0 : i32
      %dma_wait3A_94 = tpu.memref_slice %arg6[%run_scoped3A_33, %dma_wait3A] : memref<16x640xf32, #tpu.memory_space<vmem>> -> memref<1x640xf32, #tpu.memory_space<vmem>>
      %dma_wait3A_95 = tpu.memref_squeeze %dma_wait3A_94 : memref<1x640xf32, #tpu.memory_space<vmem>> -> memref<640xf32, #tpu.memory_space<vmem>>
      %dma_wait3A_96 = tpu.memref_slice %arg8[%run_scoped3A_32, %mul3A_31] : memref<16x10240xf32, #tpu.memory_space<vmem_shared>> -> memref<1x640xf32, #tpu.memory_space<vmem_shared>>
      %dma_wait3A_97 = tpu.memref_squeeze %dma_wait3A_96 : memref<1x640xf32, #tpu.memory_space<vmem_shared>> -> memref<640xf32, #tpu.memory_space<vmem_shared>>
      %dma_wait3A_98 = arith.constant 0 : i32
      %dma_wait3A_99 = tpu.memref_slice %arg6[%run_scoped3A_33, %dma_wait3A_98] : memref<16x640xf32, #tpu.memory_space<vmem>> -> memref<1x640xf32, #tpu.memory_space<vmem>>
      %dma_wait3A_100 = tpu.memref_squeeze %dma_wait3A_99 : memref<1x640xf32, #tpu.memory_space<vmem>> -> memref<640xf32, #tpu.memory_space<vmem>>
      %dma_wait3A_101 = tpu.memref_slice %arg8[%run_scoped3A_32, %mul3A_31] : memref<16x10240xf32, #tpu.memory_space<vmem_shared>> -> memref<1x640xf32, #tpu.memory_space<vmem_shared>>
      %dma_wait3A_102 = tpu.memref_squeeze %dma_wait3A_101 : memref<1x640xf32, #tpu.memory_space<vmem_shared>> -> memref<640xf32, #tpu.memory_space<vmem_shared>>
      tpu.wait_dma2 semaphore(%run_scoped3A_84 : memref<!tpu.dma_semaphore, #tpu.memory_space<semaphore_mem>>) src(%dma_wait3A_102 : memref<640xf32, #tpu.memory_space<vmem_shared>>) dst(%dma_wait3A_100 : memref<640xf32, #tpu.memory_space<vmem>>)
      tpu.yield
    }) : () -> ()
    %mul3A_34 = arith.constant 640 : i32
    %mul3A_35 = arith.muli %arg1, %mul3A_34 : i32
    %run_scoped3A_36 = arith.constant 5 : i32
    %run_scoped3A_37 = arith.constant 5 : i32
    "tpu.region"() ({
      %run_scoped3A_84 = tpu.sem_alloc : memref<!tpu.dma_semaphore, #tpu.memory_space<semaphore_mem>>
      %dma_start3A = arith.constant 0 : i32
      %dma_start3A_85 = tpu.memref_slice %arg6[%run_scoped3A_37, %dma_start3A] : memref<16x640xf32, #tpu.memory_space<vmem>> -> memref<1x640xf32, #tpu.memory_space<vmem>>
      %dma_start3A_86 = tpu.memref_squeeze %dma_start3A_85 : memref<1x640xf32, #tpu.memory_space<vmem>> -> memref<640xf32, #tpu.memory_space<vmem>>
      %dma_start3A_87 = tpu.memref_slice %arg8[%run_scoped3A_36, %mul3A_35] : memref<16x10240xf32, #tpu.memory_space<vmem_shared>> -> memref<1x640xf32, #tpu.memory_space<vmem_shared>>
      %dma_start3A_88 = tpu.memref_squeeze %dma_start3A_87 : memref<1x640xf32, #tpu.memory_space<vmem_shared>> -> memref<640xf32, #tpu.memory_space<vmem_shared>>
      %dma_start3A_89 = arith.constant 0 : i32
      %dma_start3A_90 = tpu.memref_slice %arg6[%run_scoped3A_37, %dma_start3A_89] : memref<16x640xf32, #tpu.memory_space<vmem>> -> memref<1x640xf32, #tpu.memory_space<vmem>>
      %dma_start3A_91 = tpu.memref_squeeze %dma_start3A_90 : memref<1x640xf32, #tpu.memory_space<vmem>> -> memref<640xf32, #tpu.memory_space<vmem>>
      %dma_start3A_92 = tpu.memref_slice %arg8[%run_scoped3A_36, %mul3A_35] : memref<16x10240xf32, #tpu.memory_space<vmem_shared>> -> memref<1x640xf32, #tpu.memory_space<vmem_shared>>
      %dma_start3A_93 = tpu.memref_squeeze %dma_start3A_92 : memref<1x640xf32, #tpu.memory_space<vmem_shared>> -> memref<640xf32, #tpu.memory_space<vmem_shared>>
      tpu.enqueue_dma source(%dma_start3A_93 : memref<640xf32, #tpu.memory_space<vmem_shared>>) target(%dma_start3A_91 : memref<640xf32, #tpu.memory_space<vmem>>) target_semaphore(%run_scoped3A_84 : memref<!tpu.dma_semaphore, #tpu.memory_space<semaphore_mem>>)
      %dma_wait3A = arith.constant 0 : i32
      %dma_wait3A_94 = tpu.memref_slice %arg6[%run_scoped3A_37, %dma_wait3A] : memref<16x640xf32, #tpu.memory_space<vmem>> -> memref<1x640xf32, #tpu.memory_space<vmem>>
      %dma_wait3A_95 = tpu.memref_squeeze %dma_wait3A_94 : memref<1x640xf32, #tpu.memory_space<vmem>> -> memref<640xf32, #tpu.memory_space<vmem>>
      %dma_wait3A_96 = tpu.memref_slice %arg8[%run_scoped3A_36, %mul3A_35] : memref<16x10240xf32, #tpu.memory_space<vmem_shared>> -> memref<1x640xf32, #tpu.memory_space<vmem_shared>>
      %dma_wait3A_97 = tpu.memref_squeeze %dma_wait3A_96 : memref<1x640xf32, #tpu.memory_space<vmem_shared>> -> memref<640xf32, #tpu.memory_space<vmem_shared>>
      %dma_wait3A_98 = arith.constant 0 : i32
      %dma_wait3A_99 = tpu.memref_slice %arg6[%run_scoped3A_37, %dma_wait3A_98] : memref<16x640xf32, #tpu.memory_space<vmem>> -> memref<1x640xf32, #tpu.memory_space<vmem>>
      %dma_wait3A_100 = tpu.memref_squeeze %dma_wait3A_99 : memref<1x640xf32, #tpu.memory_space<vmem>> -> memref<640xf32, #tpu.memory_space<vmem>>
      %dma_wait3A_101 = tpu.memref_slice %arg8[%run_scoped3A_36, %mul3A_35] : memref<16x10240xf32, #tpu.memory_space<vmem_shared>> -> memref<1x640xf32, #tpu.memory_space<vmem_shared>>
      %dma_wait3A_102 = tpu.memref_squeeze %dma_wait3A_101 : memref<1x640xf32, #tpu.memory_space<vmem_shared>> -> memref<640xf32, #tpu.memory_space<vmem_shared>>
      tpu.wait_dma2 semaphore(%run_scoped3A_84 : memref<!tpu.dma_semaphore, #tpu.memory_space<semaphore_mem>>) src(%dma_wait3A_102 : memref<640xf32, #tpu.memory_space<vmem_shared>>) dst(%dma_wait3A_100 : memref<640xf32, #tpu.memory_space<vmem>>)
      tpu.yield
    }) : () -> ()
    %mul3A_38 = arith.constant 640 : i32
    %mul3A_39 = arith.muli %arg1, %mul3A_38 : i32
    %run_scoped3A_40 = arith.constant 6 : i32
    %run_scoped3A_41 = arith.constant 6 : i32
    "tpu.region"() ({
      %run_scoped3A_84 = tpu.sem_alloc : memref<!tpu.dma_semaphore, #tpu.memory_space<semaphore_mem>>
      %dma_start3A = arith.constant 0 : i32
      %dma_start3A_85 = tpu.memref_slice %arg6[%run_scoped3A_41, %dma_start3A] : memref<16x640xf32, #tpu.memory_space<vmem>> -> memref<1x640xf32, #tpu.memory_space<vmem>>
      %dma_start3A_86 = tpu.memref_squeeze %dma_start3A_85 : memref<1x640xf32, #tpu.memory_space<vmem>> -> memref<640xf32, #tpu.memory_space<vmem>>
      %dma_start3A_87 = tpu.memref_slice %arg8[%run_scoped3A_40, %mul3A_39] : memref<16x10240xf32, #tpu.memory_space<vmem_shared>> -> memref<1x640xf32, #tpu.memory_space<vmem_shared>>
      %dma_start3A_88 = tpu.memref_squeeze %dma_start3A_87 : memref<1x640xf32, #tpu.memory_space<vmem_shared>> -> memref<640xf32, #tpu.memory_space<vmem_shared>>
      %dma_start3A_89 = arith.constant 0 : i32
      %dma_start3A_90 = tpu.memref_slice %arg6[%run_scoped3A_41, %dma_start3A_89] : memref<16x640xf32, #tpu.memory_space<vmem>> -> memref<1x640xf32, #tpu.memory_space<vmem>>
      %dma_start3A_91 = tpu.memref_squeeze %dma_start3A_90 : memref<1x640xf32, #tpu.memory_space<vmem>> -> memref<640xf32, #tpu.memory_space<vmem>>
      %dma_start3A_92 = tpu.memref_slice %arg8[%run_scoped3A_40, %mul3A_39] : memref<16x10240xf32, #tpu.memory_space<vmem_shared>> -> memref<1x640xf32, #tpu.memory_space<vmem_shared>>
      %dma_start3A_93 = tpu.memref_squeeze %dma_start3A_92 : memref<1x640xf32, #tpu.memory_space<vmem_shared>> -> memref<640xf32, #tpu.memory_space<vmem_shared>>
      tpu.enqueue_dma source(%dma_start3A_93 : memref<640xf32, #tpu.memory_space<vmem_shared>>) target(%dma_start3A_91 : memref<640xf32, #tpu.memory_space<vmem>>) target_semaphore(%run_scoped3A_84 : memref<!tpu.dma_semaphore, #tpu.memory_space<semaphore_mem>>)
      %dma_wait3A = arith.constant 0 : i32
      %dma_wait3A_94 = tpu.memref_slice %arg6[%run_scoped3A_41, %dma_wait3A] : memref<16x640xf32, #tpu.memory_space<vmem>> -> memref<1x640xf32, #tpu.memory_space<vmem>>
      %dma_wait3A_95 = tpu.memref_squeeze %dma_wait3A_94 : memref<1x640xf32, #tpu.memory_space<vmem>> -> memref<640xf32, #tpu.memory_space<vmem>>
      %dma_wait3A_96 = tpu.memref_slice %arg8[%run_scoped3A_40, %mul3A_39] : memref<16x10240xf32, #tpu.memory_space<vmem_shared>> -> memref<1x640xf32, #tpu.memory_space<vmem_shared>>
      %dma_wait3A_97 = tpu.memref_squeeze %dma_wait3A_96 : memref<1x640xf32, #tpu.memory_space<vmem_shared>> -> memref<640xf32, #tpu.memory_space<vmem_shared>>
      %dma_wait3A_98 = arith.constant 0 : i32
      %dma_wait3A_99 = tpu.memref_slice %arg6[%run_scoped3A_41, %dma_wait3A_98] : memref<16x640xf32, #tpu.memory_space<vmem>> -> memref<1x640xf32, #tpu.memory_space<vmem>>
      %dma_wait3A_100 = tpu.memref_squeeze %dma_wait3A_99 : memref<1x640xf32, #tpu.memory_space<vmem>> -> memref<640xf32, #tpu.memory_space<vmem>>
      %dma_wait3A_101 = tpu.memref_slice %arg8[%run_scoped3A_40, %mul3A_39] : memref<16x10240xf32, #tpu.memory_space<vmem_shared>> -> memref<1x640xf32, #tpu.memory_space<vmem_shared>>
      %dma_wait3A_102 = tpu.memref_squeeze %dma_wait3A_101 : memref<1x640xf32, #tpu.memory_space<vmem_shared>> -> memref<640xf32, #tpu.memory_space<vmem_shared>>
      tpu.wait_dma2 semaphore(%run_scoped3A_84 : memref<!tpu.dma_semaphore, #tpu.memory_space<semaphore_mem>>) src(%dma_wait3A_102 : memref<640xf32, #tpu.memory_space<vmem_shared>>) dst(%dma_wait3A_100 : memref<640xf32, #tpu.memory_space<vmem>>)
      tpu.yield
    }) : () -> ()
    %mul3A_42 = arith.constant 640 : i32
    %mul3A_43 = arith.muli %arg1, %mul3A_42 : i32
    %run_scoped3A_44 = arith.constant 7 : i32
    %run_scoped3A_45 = arith.constant 7 : i32
    "tpu.region"() ({
      %run_scoped3A_84 = tpu.sem_alloc : memref<!tpu.dma_semaphore, #tpu.memory_space<semaphore_mem>>
      %dma_start3A = arith.constant 0 : i32
      %dma_start3A_85 = tpu.memref_slice %arg6[%run_scoped3A_45, %dma_start3A] : memref<16x640xf32, #tpu.memory_space<vmem>> -> memref<1x640xf32, #tpu.memory_space<vmem>>
      %dma_start3A_86 = tpu.memref_squeeze %dma_start3A_85 : memref<1x640xf32, #tpu.memory_space<vmem>> -> memref<640xf32, #tpu.memory_space<vmem>>
      %dma_start3A_87 = tpu.memref_slice %arg8[%run_scoped3A_44, %mul3A_43] : memref<16x10240xf32, #tpu.memory_space<vmem_shared>> -> memref<1x640xf32, #tpu.memory_space<vmem_shared>>
      %dma_start3A_88 = tpu.memref_squeeze %dma_start3A_87 : memref<1x640xf32, #tpu.memory_space<vmem_shared>> -> memref<640xf32, #tpu.memory_space<vmem_shared>>
      %dma_start3A_89 = arith.constant 0 : i32
      %dma_start3A_90 = tpu.memref_slice %arg6[%run_scoped3A_45, %dma_start3A_89] : memref<16x640xf32, #tpu.memory_space<vmem>> -> memref<1x640xf32, #tpu.memory_space<vmem>>
      %dma_start3A_91 = tpu.memref_squeeze %dma_start3A_90 : memref<1x640xf32, #tpu.memory_space<vmem>> -> memref<640xf32, #tpu.memory_space<vmem>>
      %dma_start3A_92 = tpu.memref_slice %arg8[%run_scoped3A_44, %mul3A_43] : memref<16x10240xf32, #tpu.memory_space<vmem_shared>> -> memref<1x640xf32, #tpu.memory_space<vmem_shared>>
      %dma_start3A_93 = tpu.memref_squeeze %dma_start3A_92 : memref<1x640xf32, #tpu.memory_space<vmem_shared>> -> memref<640xf32, #tpu.memory_space<vmem_shared>>
      tpu.enqueue_dma source(%dma_start3A_93 : memref<640xf32, #tpu.memory_space<vmem_shared>>) target(%dma_start3A_91 : memref<640xf32, #tpu.memory_space<vmem>>) target_semaphore(%run_scoped3A_84 : memref<!tpu.dma_semaphore, #tpu.memory_space<semaphore_mem>>)
      %dma_wait3A = arith.constant 0 : i32
      %dma_wait3A_94 = tpu.memref_slice %arg6[%run_scoped3A_45, %dma_wait3A] : memref<16x640xf32, #tpu.memory_space<vmem>> -> memref<1x640xf32, #tpu.memory_space<vmem>>
      %dma_wait3A_95 = tpu.memref_squeeze %dma_wait3A_94 : memref<1x640xf32, #tpu.memory_space<vmem>> -> memref<640xf32, #tpu.memory_space<vmem>>
      %dma_wait3A_96 = tpu.memref_slice %arg8[%run_scoped3A_44, %mul3A_43] : memref<16x10240xf32, #tpu.memory_space<vmem_shared>> -> memref<1x640xf32, #tpu.memory_space<vmem_shared>>
      %dma_wait3A_97 = tpu.memref_squeeze %dma_wait3A_96 : memref<1x640xf32, #tpu.memory_space<vmem_shared>> -> memref<640xf32, #tpu.memory_space<vmem_shared>>
      %dma_wait3A_98 = arith.constant 0 : i32
      %dma_wait3A_99 = tpu.memref_slice %arg6[%run_scoped3A_45, %dma_wait3A_98] : memref<16x640xf32, #tpu.memory_space<vmem>> -> memref<1x640xf32, #tpu.memory_space<vmem>>
      %dma_wait3A_100 = tpu.memref_squeeze %dma_wait3A_99 : memref<1x640xf32, #tpu.memory_space<vmem>> -> memref<640xf32, #tpu.memory_space<vmem>>
      %dma_wait3A_101 = tpu.memref_slice %arg8[%run_scoped3A_44, %mul3A_43] : memref<16x10240xf32, #tpu.memory_space<vmem_shared>> -> memref<1x640xf32, #tpu.memory_space<vmem_shared>>
      %dma_wait3A_102 = tpu.memref_squeeze %dma_wait3A_101 : memref<1x640xf32, #tpu.memory_space<vmem_shared>> -> memref<640xf32, #tpu.memory_space<vmem_shared>>
      tpu.wait_dma2 semaphore(%run_scoped3A_84 : memref<!tpu.dma_semaphore, #tpu.memory_space<semaphore_mem>>) src(%dma_wait3A_102 : memref<640xf32, #tpu.memory_space<vmem_shared>>) dst(%dma_wait3A_100 : memref<640xf32, #tpu.memory_space<vmem>>)
      tpu.yield
    }) : () -> ()
    %mul3A_46 = arith.constant 640 : i32
    %mul3A_47 = arith.muli %arg1, %mul3A_46 : i32
    %run_scoped3A_48 = arith.constant 8 : i32
    %run_scoped3A_49 = arith.constant 8 : i32
    "tpu.region"() ({
      %run_scoped3A_84 = tpu.sem_alloc : memref<!tpu.dma_semaphore, #tpu.memory_space<semaphore_mem>>
      %dma_start3A = arith.constant 0 : i32
      %dma_start3A_85 = tpu.memref_slice %arg6[%run_scoped3A_49, %dma_start3A] : memref<16x640xf32, #tpu.memory_space<vmem>> -> memref<1x640xf32, #tpu.memory_space<vmem>>
      %dma_start3A_86 = tpu.memref_squeeze %dma_start3A_85 : memref<1x640xf32, #tpu.memory_space<vmem>> -> memref<640xf32, #tpu.memory_space<vmem>>
      %dma_start3A_87 = tpu.memref_slice %arg8[%run_scoped3A_48, %mul3A_47] : memref<16x10240xf32, #tpu.memory_space<vmem_shared>> -> memref<1x640xf32, #tpu.memory_space<vmem_shared>>
      %dma_start3A_88 = tpu.memref_squeeze %dma_start3A_87 : memref<1x640xf32, #tpu.memory_space<vmem_shared>> -> memref<640xf32, #tpu.memory_space<vmem_shared>>
      %dma_start3A_89 = arith.constant 0 : i32
      %dma_start3A_90 = tpu.memref_slice %arg6[%run_scoped3A_49, %dma_start3A_89] : memref<16x640xf32, #tpu.memory_space<vmem>> -> memref<1x640xf32, #tpu.memory_space<vmem>>
      %dma_start3A_91 = tpu.memref_squeeze %dma_start3A_90 : memref<1x640xf32, #tpu.memory_space<vmem>> -> memref<640xf32, #tpu.memory_space<vmem>>
      %dma_start3A_92 = tpu.memref_slice %arg8[%run_scoped3A_48, %mul3A_47] : memref<16x10240xf32, #tpu.memory_space<vmem_shared>> -> memref<1x640xf32, #tpu.memory_space<vmem_shared>>
      %dma_start3A_93 = tpu.memref_squeeze %dma_start3A_92 : memref<1x640xf32, #tpu.memory_space<vmem_shared>> -> memref<640xf32, #tpu.memory_space<vmem_shared>>
      tpu.enqueue_dma source(%dma_start3A_93 : memref<640xf32, #tpu.memory_space<vmem_shared>>) target(%dma_start3A_91 : memref<640xf32, #tpu.memory_space<vmem>>) target_semaphore(%run_scoped3A_84 : memref<!tpu.dma_semaphore, #tpu.memory_space<semaphore_mem>>)
      %dma_wait3A = arith.constant 0 : i32
      %dma_wait3A_94 = tpu.memref_slice %arg6[%run_scoped3A_49, %dma_wait3A] : memref<16x640xf32, #tpu.memory_space<vmem>> -> memref<1x640xf32, #tpu.memory_space<vmem>>
      %dma_wait3A_95 = tpu.memref_squeeze %dma_wait3A_94 : memref<1x640xf32, #tpu.memory_space<vmem>> -> memref<640xf32, #tpu.memory_space<vmem>>
      %dma_wait3A_96 = tpu.memref_slice %arg8[%run_scoped3A_48, %mul3A_47] : memref<16x10240xf32, #tpu.memory_space<vmem_shared>> -> memref<1x640xf32, #tpu.memory_space<vmem_shared>>
      %dma_wait3A_97 = tpu.memref_squeeze %dma_wait3A_96 : memref<1x640xf32, #tpu.memory_space<vmem_shared>> -> memref<640xf32, #tpu.memory_space<vmem_shared>>
      %dma_wait3A_98 = arith.constant 0 : i32
      %dma_wait3A_99 = tpu.memref_slice %arg6[%run_scoped3A_49, %dma_wait3A_98] : memref<16x640xf32, #tpu.memory_space<vmem>> -> memref<1x640xf32, #tpu.memory_space<vmem>>
      %dma_wait3A_100 = tpu.memref_squeeze %dma_wait3A_99 : memref<1x640xf32, #tpu.memory_space<vmem>> -> memref<640xf32, #tpu.memory_space<vmem>>
      %dma_wait3A_101 = tpu.memref_slice %arg8[%run_scoped3A_48, %mul3A_47] : memref<16x10240xf32, #tpu.memory_space<vmem_shared>> -> memref<1x640xf32, #tpu.memory_space<vmem_shared>>
      %dma_wait3A_102 = tpu.memref_squeeze %dma_wait3A_101 : memref<1x640xf32, #tpu.memory_space<vmem_shared>> -> memref<640xf32, #tpu.memory_space<vmem_shared>>
      tpu.wait_dma2 semaphore(%run_scoped3A_84 : memref<!tpu.dma_semaphore, #tpu.memory_space<semaphore_mem>>) src(%dma_wait3A_102 : memref<640xf32, #tpu.memory_space<vmem_shared>>) dst(%dma_wait3A_100 : memref<640xf32, #tpu.memory_space<vmem>>)
      tpu.yield
    }) : () -> ()
    %mul3A_50 = arith.constant 640 : i32
    %mul3A_51 = arith.muli %arg1, %mul3A_50 : i32
    %run_scoped3A_52 = arith.constant 9 : i32
    %run_scoped3A_53 = arith.constant 9 : i32
    "tpu.region"() ({
      %run_scoped3A_84 = tpu.sem_alloc : memref<!tpu.dma_semaphore, #tpu.memory_space<semaphore_mem>>
      %dma_start3A = arith.constant 0 : i32
      %dma_start3A_85 = tpu.memref_slice %arg6[%run_scoped3A_53, %dma_start3A] : memref<16x640xf32, #tpu.memory_space<vmem>> -> memref<1x640xf32, #tpu.memory_space<vmem>>
      %dma_start3A_86 = tpu.memref_squeeze %dma_start3A_85 : memref<1x640xf32, #tpu.memory_space<vmem>> -> memref<640xf32, #tpu.memory_space<vmem>>
      %dma_start3A_87 = tpu.memref_slice %arg8[%run_scoped3A_52, %mul3A_51] : memref<16x10240xf32, #tpu.memory_space<vmem_shared>> -> memref<1x640xf32, #tpu.memory_space<vmem_shared>>
      %dma_start3A_88 = tpu.memref_squeeze %dma_start3A_87 : memref<1x640xf32, #tpu.memory_space<vmem_shared>> -> memref<640xf32, #tpu.memory_space<vmem_shared>>
      %dma_start3A_89 = arith.constant 0 : i32
      %dma_start3A_90 = tpu.memref_slice %arg6[%run_scoped3A_53, %dma_start3A_89] : memref<16x640xf32, #tpu.memory_space<vmem>> -> memref<1x640xf32, #tpu.memory_space<vmem>>
      %dma_start3A_91 = tpu.memref_squeeze %dma_start3A_90 : memref<1x640xf32, #tpu.memory_space<vmem>> -> memref<640xf32, #tpu.memory_space<vmem>>
      %dma_start3A_92 = tpu.memref_slice %arg8[%run_scoped3A_52, %mul3A_51] : memref<16x10240xf32, #tpu.memory_space<vmem_shared>> -> memref<1x640xf32, #tpu.memory_space<vmem_shared>>
      %dma_start3A_93 = tpu.memref_squeeze %dma_start3A_92 : memref<1x640xf32, #tpu.memory_space<vmem_shared>> -> memref<640xf32, #tpu.memory_space<vmem_shared>>
      tpu.enqueue_dma source(%dma_start3A_93 : memref<640xf32, #tpu.memory_space<vmem_shared>>) target(%dma_start3A_91 : memref<640xf32, #tpu.memory_space<vmem>>) target_semaphore(%run_scoped3A_84 : memref<!tpu.dma_semaphore, #tpu.memory_space<semaphore_mem>>)
      %dma_wait3A = arith.constant 0 : i32
      %dma_wait3A_94 = tpu.memref_slice %arg6[%run_scoped3A_53, %dma_wait3A] : memref<16x640xf32, #tpu.memory_space<vmem>> -> memref<1x640xf32, #tpu.memory_space<vmem>>
      %dma_wait3A_95 = tpu.memref_squeeze %dma_wait3A_94 : memref<1x640xf32, #tpu.memory_space<vmem>> -> memref<640xf32, #tpu.memory_space<vmem>>
      %dma_wait3A_96 = tpu.memref_slice %arg8[%run_scoped3A_52, %mul3A_51] : memref<16x10240xf32, #tpu.memory_space<vmem_shared>> -> memref<1x640xf32, #tpu.memory_space<vmem_shared>>
      %dma_wait3A_97 = tpu.memref_squeeze %dma_wait3A_96 : memref<1x640xf32, #tpu.memory_space<vmem_shared>> -> memref<640xf32, #tpu.memory_space<vmem_shared>>
      %dma_wait3A_98 = arith.constant 0 : i32
      %dma_wait3A_99 = tpu.memref_slice %arg6[%run_scoped3A_53, %dma_wait3A_98] : memref<16x640xf32, #tpu.memory_space<vmem>> -> memref<1x640xf32, #tpu.memory_space<vmem>>
      %dma_wait3A_100 = tpu.memref_squeeze %dma_wait3A_99 : memref<1x640xf32, #tpu.memory_space<vmem>> -> memref<640xf32, #tpu.memory_space<vmem>>
      %dma_wait3A_101 = tpu.memref_slice %arg8[%run_scoped3A_52, %mul3A_51] : memref<16x10240xf32, #tpu.memory_space<vmem_shared>> -> memref<1x640xf32, #tpu.memory_space<vmem_shared>>
      %dma_wait3A_102 = tpu.memref_squeeze %dma_wait3A_101 : memref<1x640xf32, #tpu.memory_space<vmem_shared>> -> memref<640xf32, #tpu.memory_space<vmem_shared>>
      tpu.wait_dma2 semaphore(%run_scoped3A_84 : memref<!tpu.dma_semaphore, #tpu.memory_space<semaphore_mem>>) src(%dma_wait3A_102 : memref<640xf32, #tpu.memory_space<vmem_shared>>) dst(%dma_wait3A_100 : memref<640xf32, #tpu.memory_space<vmem>>)
      tpu.yield
    }) : () -> ()
    %mul3A_54 = arith.constant 640 : i32
    %mul3A_55 = arith.muli %arg1, %mul3A_54 : i32
    %run_scoped3A_56 = arith.constant 10 : i32
    %run_scoped3A_57 = arith.constant 10 : i32
    "tpu.region"() ({
      %run_scoped3A_84 = tpu.sem_alloc : memref<!tpu.dma_semaphore, #tpu.memory_space<semaphore_mem>>
      %dma_start3A = arith.constant 0 : i32
      %dma_start3A_85 = tpu.memref_slice %arg6[%run_scoped3A_57, %dma_start3A] : memref<16x640xf32, #tpu.memory_space<vmem>> -> memref<1x640xf32, #tpu.memory_space<vmem>>
      %dma_start3A_86 = tpu.memref_squeeze %dma_start3A_85 : memref<1x640xf32, #tpu.memory_space<vmem>> -> memref<640xf32, #tpu.memory_space<vmem>>
      %dma_start3A_87 = tpu.memref_slice %arg8[%run_scoped3A_56, %mul3A_55] : memref<16x10240xf32, #tpu.memory_space<vmem_shared>> -> memref<1x640xf32, #tpu.memory_space<vmem_shared>>
      %dma_start3A_88 = tpu.memref_squeeze %dma_start3A_87 : memref<1x640xf32, #tpu.memory_space<vmem_shared>> -> memref<640xf32, #tpu.memory_space<vmem_shared>>
      %dma_start3A_89 = arith.constant 0 : i32
      %dma_start3A_90 = tpu.memref_slice %arg6[%run_scoped3A_57, %dma_start3A_89] : memref<16x640xf32, #tpu.memory_space<vmem>> -> memref<1x640xf32, #tpu.memory_space<vmem>>
      %dma_start3A_91 = tpu.memref_squeeze %dma_start3A_90 : memref<1x640xf32, #tpu.memory_space<vmem>> -> memref<640xf32, #tpu.memory_space<vmem>>
      %dma_start3A_92 = tpu.memref_slice %arg8[%run_scoped3A_56, %mul3A_55] : memref<16x10240xf32, #tpu.memory_space<vmem_shared>> -> memref<1x640xf32, #tpu.memory_space<vmem_shared>>
      %dma_start3A_93 = tpu.memref_squeeze %dma_start3A_92 : memref<1x640xf32, #tpu.memory_space<vmem_shared>> -> memref<640xf32, #tpu.memory_space<vmem_shared>>
      tpu.enqueue_dma source(%dma_start3A_93 : memref<640xf32, #tpu.memory_space<vmem_shared>>) target(%dma_start3A_91 : memref<640xf32, #tpu.memory_space<vmem>>) target_semaphore(%run_scoped3A_84 : memref<!tpu.dma_semaphore, #tpu.memory_space<semaphore_mem>>)
      %dma_wait3A = arith.constant 0 : i32
      %dma_wait3A_94 = tpu.memref_slice %arg6[%run_scoped3A_57, %dma_wait3A] : memref<16x640xf32, #tpu.memory_space<vmem>> -> memref<1x640xf32, #tpu.memory_space<vmem>>
      %dma_wait3A_95 = tpu.memref_squeeze %dma_wait3A_94 : memref<1x640xf32, #tpu.memory_space<vmem>> -> memref<640xf32, #tpu.memory_space<vmem>>
      %dma_wait3A_96 = tpu.memref_slice %arg8[%run_scoped3A_56, %mul3A_55] : memref<16x10240xf32, #tpu.memory_space<vmem_shared>> -> memref<1x640xf32, #tpu.memory_space<vmem_shared>>
      %dma_wait3A_97 = tpu.memref_squeeze %dma_wait3A_96 : memref<1x640xf32, #tpu.memory_space<vmem_shared>> -> memref<640xf32, #tpu.memory_space<vmem_shared>>
      %dma_wait3A_98 = arith.constant 0 : i32
      %dma_wait3A_99 = tpu.memref_slice %arg6[%run_scoped3A_57, %dma_wait3A_98] : memref<16x640xf32, #tpu.memory_space<vmem>> -> memref<1x640xf32, #tpu.memory_space<vmem>>
      %dma_wait3A_100 = tpu.memref_squeeze %dma_wait3A_99 : memref<1x640xf32, #tpu.memory_space<vmem>> -> memref<640xf32, #tpu.memory_space<vmem>>
      %dma_wait3A_101 = tpu.memref_slice %arg8[%run_scoped3A_56, %mul3A_55] : memref<16x10240xf32, #tpu.memory_space<vmem_shared>> -> memref<1x640xf32, #tpu.memory_space<vmem_shared>>
      %dma_wait3A_102 = tpu.memref_squeeze %dma_wait3A_101 : memref<1x640xf32, #tpu.memory_space<vmem_shared>> -> memref<640xf32, #tpu.memory_space<vmem_shared>>
      tpu.wait_dma2 semaphore(%run_scoped3A_84 : memref<!tpu.dma_semaphore, #tpu.memory_space<semaphore_mem>>) src(%dma_wait3A_102 : memref<640xf32, #tpu.memory_space<vmem_shared>>) dst(%dma_wait3A_100 : memref<640xf32, #tpu.memory_space<vmem>>)
      tpu.yield
    }) : () -> ()
    %mul3A_58 = arith.constant 640 : i32
    %mul3A_59 = arith.muli %arg1, %mul3A_58 : i32
    %run_scoped3A_60 = arith.constant 11 : i32
    %run_scoped3A_61 = arith.constant 11 : i32
    "tpu.region"() ({
      %run_scoped3A_84 = tpu.sem_alloc : memref<!tpu.dma_semaphore, #tpu.memory_space<semaphore_mem>>
      %dma_start3A = arith.constant 0 : i32
      %dma_start3A_85 = tpu.memref_slice %arg6[%run_scoped3A_61, %dma_start3A] : memref<16x640xf32, #tpu.memory_space<vmem>> -> memref<1x640xf32, #tpu.memory_space<vmem>>
      %dma_start3A_86 = tpu.memref_squeeze %dma_start3A_85 : memref<1x640xf32, #tpu.memory_space<vmem>> -> memref<640xf32, #tpu.memory_space<vmem>>
      %dma_start3A_87 = tpu.memref_slice %arg8[%run_scoped3A_60, %mul3A_59] : memref<16x10240xf32, #tpu.memory_space<vmem_shared>> -> memref<1x640xf32, #tpu.memory_space<vmem_shared>>
      %dma_start3A_88 = tpu.memref_squeeze %dma_start3A_87 : memref<1x640xf32, #tpu.memory_space<vmem_shared>> -> memref<640xf32, #tpu.memory_space<vmem_shared>>
      %dma_start3A_89 = arith.constant 0 : i32
      %dma_start3A_90 = tpu.memref_slice %arg6[%run_scoped3A_61, %dma_start3A_89] : memref<16x640xf32, #tpu.memory_space<vmem>> -> memref<1x640xf32, #tpu.memory_space<vmem>>
      %dma_start3A_91 = tpu.memref_squeeze %dma_start3A_90 : memref<1x640xf32, #tpu.memory_space<vmem>> -> memref<640xf32, #tpu.memory_space<vmem>>
      %dma_start3A_92 = tpu.memref_slice %arg8[%run_scoped3A_60, %mul3A_59] : memref<16x10240xf32, #tpu.memory_space<vmem_shared>> -> memref<1x640xf32, #tpu.memory_space<vmem_shared>>
      %dma_start3A_93 = tpu.memref_squeeze %dma_start3A_92 : memref<1x640xf32, #tpu.memory_space<vmem_shared>> -> memref<640xf32, #tpu.memory_space<vmem_shared>>
      tpu.enqueue_dma source(%dma_start3A_93 : memref<640xf32, #tpu.memory_space<vmem_shared>>) target(%dma_start3A_91 : memref<640xf32, #tpu.memory_space<vmem>>) target_semaphore(%run_scoped3A_84 : memref<!tpu.dma_semaphore, #tpu.memory_space<semaphore_mem>>)
      %dma_wait3A = arith.constant 0 : i32
      %dma_wait3A_94 = tpu.memref_slice %arg6[%run_scoped3A_61, %dma_wait3A] : memref<16x640xf32, #tpu.memory_space<vmem>> -> memref<1x640xf32, #tpu.memory_space<vmem>>
      %dma_wait3A_95 = tpu.memref_squeeze %dma_wait3A_94 : memref<1x640xf32, #tpu.memory_space<vmem>> -> memref<640xf32, #tpu.memory_space<vmem>>
      %dma_wait3A_96 = tpu.memref_slice %arg8[%run_scoped3A_60, %mul3A_59] : memref<16x10240xf32, #tpu.memory_space<vmem_shared>> -> memref<1x640xf32, #tpu.memory_space<vmem_shared>>
      %dma_wait3A_97 = tpu.memref_squeeze %dma_wait3A_96 : memref<1x640xf32, #tpu.memory_space<vmem_shared>> -> memref<640xf32, #tpu.memory_space<vmem_shared>>
      %dma_wait3A_98 = arith.constant 0 : i32
      %dma_wait3A_99 = tpu.memref_slice %arg6[%run_scoped3A_61, %dma_wait3A_98] : memref<16x640xf32, #tpu.memory_space<vmem>> -> memref<1x640xf32, #tpu.memory_space<vmem>>
      %dma_wait3A_100 = tpu.memref_squeeze %dma_wait3A_99 : memref<1x640xf32, #tpu.memory_space<vmem>> -> memref<640xf32, #tpu.memory_space<vmem>>
      %dma_wait3A_101 = tpu.memref_slice %arg8[%run_scoped3A_60, %mul3A_59] : memref<16x10240xf32, #tpu.memory_space<vmem_shared>> -> memref<1x640xf32, #tpu.memory_space<vmem_shared>>
      %dma_wait3A_102 = tpu.memref_squeeze %dma_wait3A_101 : memref<1x640xf32, #tpu.memory_space<vmem_shared>> -> memref<640xf32, #tpu.memory_space<vmem_shared>>
      tpu.wait_dma2 semaphore(%run_scoped3A_84 : memref<!tpu.dma_semaphore, #tpu.memory_space<semaphore_mem>>) src(%dma_wait3A_102 : memref<640xf32, #tpu.memory_space<vmem_shared>>) dst(%dma_wait3A_100 : memref<640xf32, #tpu.memory_space<vmem>>)
      tpu.yield
    }) : () -> ()
    %mul3A_62 = arith.constant 640 : i32
    %mul3A_63 = arith.muli %arg1, %mul3A_62 : i32
    %run_scoped3A_64 = arith.constant 12 : i32
    %run_scoped3A_65 = arith.constant 12 : i32
    "tpu.region"() ({
      %run_scoped3A_84 = tpu.sem_alloc : memref<!tpu.dma_semaphore, #tpu.memory_space<semaphore_mem>>
      %dma_start3A = arith.constant 0 : i32
      %dma_start3A_85 = tpu.memref_slice %arg6[%run_scoped3A_65, %dma_start3A] : memref<16x640xf32, #tpu.memory_space<vmem>> -> memref<1x640xf32, #tpu.memory_space<vmem>>
      %dma_start3A_86 = tpu.memref_squeeze %dma_start3A_85 : memref<1x640xf32, #tpu.memory_space<vmem>> -> memref<640xf32, #tpu.memory_space<vmem>>
      %dma_start3A_87 = tpu.memref_slice %arg8[%run_scoped3A_64, %mul3A_63] : memref<16x10240xf32, #tpu.memory_space<vmem_shared>> -> memref<1x640xf32, #tpu.memory_space<vmem_shared>>
      %dma_start3A_88 = tpu.memref_squeeze %dma_start3A_87 : memref<1x640xf32, #tpu.memory_space<vmem_shared>> -> memref<640xf32, #tpu.memory_space<vmem_shared>>
      %dma_start3A_89 = arith.constant 0 : i32
      %dma_start3A_90 = tpu.memref_slice %arg6[%run_scoped3A_65, %dma_start3A_89] : memref<16x640xf32, #tpu.memory_space<vmem>> -> memref<1x640xf32, #tpu.memory_space<vmem>>
      %dma_start3A_91 = tpu.memref_squeeze %dma_start3A_90 : memref<1x640xf32, #tpu.memory_space<vmem>> -> memref<640xf32, #tpu.memory_space<vmem>>
      %dma_start3A_92 = tpu.memref_slice %arg8[%run_scoped3A_64, %mul3A_63] : memref<16x10240xf32, #tpu.memory_space<vmem_shared>> -> memref<1x640xf32, #tpu.memory_space<vmem_shared>>
      %dma_start3A_93 = tpu.memref_squeeze %dma_start3A_92 : memref<1x640xf32, #tpu.memory_space<vmem_shared>> -> memref<640xf32, #tpu.memory_space<vmem_shared>>
      tpu.enqueue_dma source(%dma_start3A_93 : memref<640xf32, #tpu.memory_space<vmem_shared>>) target(%dma_start3A_91 : memref<640xf32, #tpu.memory_space<vmem>>) target_semaphore(%run_scoped3A_84 : memref<!tpu.dma_semaphore, #tpu.memory_space<semaphore_mem>>)
      %dma_wait3A = arith.constant 0 : i32
      %dma_wait3A_94 = tpu.memref_slice %arg6[%run_scoped3A_65, %dma_wait3A] : memref<16x640xf32, #tpu.memory_space<vmem>> -> memref<1x640xf32, #tpu.memory_space<vmem>>
      %dma_wait3A_95 = tpu.memref_squeeze %dma_wait3A_94 : memref<1x640xf32, #tpu.memory_space<vmem>> -> memref<640xf32, #tpu.memory_space<vmem>>
      %dma_wait3A_96 = tpu.memref_slice %arg8[%run_scoped3A_64, %mul3A_63] : memref<16x10240xf32, #tpu.memory_space<vmem_shared>> -> memref<1x640xf32, #tpu.memory_space<vmem_shared>>
      %dma_wait3A_97 = tpu.memref_squeeze %dma_wait3A_96 : memref<1x640xf32, #tpu.memory_space<vmem_shared>> -> memref<640xf32, #tpu.memory_space<vmem_shared>>
      %dma_wait3A_98 = arith.constant 0 : i32
      %dma_wait3A_99 = tpu.memref_slice %arg6[%run_scoped3A_65, %dma_wait3A_98] : memref<16x640xf32, #tpu.memory_space<vmem>> -> memref<1x640xf32, #tpu.memory_space<vmem>>
      %dma_wait3A_100 = tpu.memref_squeeze %dma_wait3A_99 : memref<1x640xf32, #tpu.memory_space<vmem>> -> memref<640xf32, #tpu.memory_space<vmem>>
      %dma_wait3A_101 = tpu.memref_slice %arg8[%run_scoped3A_64, %mul3A_63] : memref<16x10240xf32, #tpu.memory_space<vmem_shared>> -> memref<1x640xf32, #tpu.memory_space<vmem_shared>>
      %dma_wait3A_102 = tpu.memref_squeeze %dma_wait3A_101 : memref<1x640xf32, #tpu.memory_space<vmem_shared>> -> memref<640xf32, #tpu.memory_space<vmem_shared>>
      tpu.wait_dma2 semaphore(%run_scoped3A_84 : memref<!tpu.dma_semaphore, #tpu.memory_space<semaphore_mem>>) src(%dma_wait3A_102 : memref<640xf32, #tpu.memory_space<vmem_shared>>) dst(%dma_wait3A_100 : memref<640xf32, #tpu.memory_space<vmem>>)
      tpu.yield
    }) : () -> ()
    %mul3A_66 = arith.constant 640 : i32
    %mul3A_67 = arith.muli %arg1, %mul3A_66 : i32
    %run_scoped3A_68 = arith.constant 13 : i32
    %run_scoped3A_69 = arith.constant 13 : i32
    "tpu.region"() ({
      %run_scoped3A_84 = tpu.sem_alloc : memref<!tpu.dma_semaphore, #tpu.memory_space<semaphore_mem>>
      %dma_start3A = arith.constant 0 : i32
      %dma_start3A_85 = tpu.memref_slice %arg6[%run_scoped3A_69, %dma_start3A] : memref<16x640xf32, #tpu.memory_space<vmem>> -> memref<1x640xf32, #tpu.memory_space<vmem>>
      %dma_start3A_86 = tpu.memref_squeeze %dma_start3A_85 : memref<1x640xf32, #tpu.memory_space<vmem>> -> memref<640xf32, #tpu.memory_space<vmem>>
      %dma_start3A_87 = tpu.memref_slice %arg8[%run_scoped3A_68, %mul3A_67] : memref<16x10240xf32, #tpu.memory_space<vmem_shared>> -> memref<1x640xf32, #tpu.memory_space<vmem_shared>>
      %dma_start3A_88 = tpu.memref_squeeze %dma_start3A_87 : memref<1x640xf32, #tpu.memory_space<vmem_shared>> -> memref<640xf32, #tpu.memory_space<vmem_shared>>
      %dma_start3A_89 = arith.constant 0 : i32
      %dma_start3A_90 = tpu.memref_slice %arg6[%run_scoped3A_69, %dma_start3A_89] : memref<16x640xf32, #tpu.memory_space<vmem>> -> memref<1x640xf32, #tpu.memory_space<vmem>>
      %dma_start3A_91 = tpu.memref_squeeze %dma_start3A_90 : memref<1x640xf32, #tpu.memory_space<vmem>> -> memref<640xf32, #tpu.memory_space<vmem>>
      %dma_start3A_92 = tpu.memref_slice %arg8[%run_scoped3A_68, %mul3A_67] : memref<16x10240xf32, #tpu.memory_space<vmem_shared>> -> memref<1x640xf32, #tpu.memory_space<vmem_shared>>
      %dma_start3A_93 = tpu.memref_squeeze %dma_start3A_92 : memref<1x640xf32, #tpu.memory_space<vmem_shared>> -> memref<640xf32, #tpu.memory_space<vmem_shared>>
      tpu.enqueue_dma source(%dma_start3A_93 : memref<640xf32, #tpu.memory_space<vmem_shared>>) target(%dma_start3A_91 : memref<640xf32, #tpu.memory_space<vmem>>) target_semaphore(%run_scoped3A_84 : memref<!tpu.dma_semaphore, #tpu.memory_space<semaphore_mem>>)
      %dma_wait3A = arith.constant 0 : i32
      %dma_wait3A_94 = tpu.memref_slice %arg6[%run_scoped3A_69, %dma_wait3A] : memref<16x640xf32, #tpu.memory_space<vmem>> -> memref<1x640xf32, #tpu.memory_space<vmem>>
      %dma_wait3A_95 = tpu.memref_squeeze %dma_wait3A_94 : memref<1x640xf32, #tpu.memory_space<vmem>> -> memref<640xf32, #tpu.memory_space<vmem>>
      %dma_wait3A_96 = tpu.memref_slice %arg8[%run_scoped3A_68, %mul3A_67] : memref<16x10240xf32, #tpu.memory_space<vmem_shared>> -> memref<1x640xf32, #tpu.memory_space<vmem_shared>>
      %dma_wait3A_97 = tpu.memref_squeeze %dma_wait3A_96 : memref<1x640xf32, #tpu.memory_space<vmem_shared>> -> memref<640xf32, #tpu.memory_space<vmem_shared>>
      %dma_wait3A_98 = arith.constant 0 : i32
      %dma_wait3A_99 = tpu.memref_slice %arg6[%run_scoped3A_69, %dma_wait3A_98] : memref<16x640xf32, #tpu.memory_space<vmem>> -> memref<1x640xf32, #tpu.memory_space<vmem>>
      %dma_wait3A_100 = tpu.memref_squeeze %dma_wait3A_99 : memref<1x640xf32, #tpu.memory_space<vmem>> -> memref<640xf32, #tpu.memory_space<vmem>>
      %dma_wait3A_101 = tpu.memref_slice %arg8[%run_scoped3A_68, %mul3A_67] : memref<16x10240xf32, #tpu.memory_space<vmem_shared>> -> memref<1x640xf32, #tpu.memory_space<vmem_shared>>
      %dma_wait3A_102 = tpu.memref_squeeze %dma_wait3A_101 : memref<1x640xf32, #tpu.memory_space<vmem_shared>> -> memref<640xf32, #tpu.memory_space<vmem_shared>>
      tpu.wait_dma2 semaphore(%run_scoped3A_84 : memref<!tpu.dma_semaphore, #tpu.memory_space<semaphore_mem>>) src(%dma_wait3A_102 : memref<640xf32, #tpu.memory_space<vmem_shared>>) dst(%dma_wait3A_100 : memref<640xf32, #tpu.memory_space<vmem>>)
      tpu.yield
    }) : () -> ()
    %mul3A_70 = arith.constant 640 : i32
    %mul3A_71 = arith.muli %arg1, %mul3A_70 : i32
    %run_scoped3A_72 = arith.constant 14 : i32
    %run_scoped3A_73 = arith.constant 14 : i32
    "tpu.region"() ({
      %run_scoped3A_84 = tpu.sem_alloc : memref<!tpu.dma_semaphore, #tpu.memory_space<semaphore_mem>>
      %dma_start3A = arith.constant 0 : i32
      %dma_start3A_85 = tpu.memref_slice %arg6[%run_scoped3A_73, %dma_start3A] : memref<16x640xf32, #tpu.memory_space<vmem>> -> memref<1x640xf32, #tpu.memory_space<vmem>>
      %dma_start3A_86 = tpu.memref_squeeze %dma_start3A_85 : memref<1x640xf32, #tpu.memory_space<vmem>> -> memref<640xf32, #tpu.memory_space<vmem>>
      %dma_start3A_87 = tpu.memref_slice %arg8[%run_scoped3A_72, %mul3A_71] : memref<16x10240xf32, #tpu.memory_space<vmem_shared>> -> memref<1x640xf32, #tpu.memory_space<vmem_shared>>
      %dma_start3A_88 = tpu.memref_squeeze %dma_start3A_87 : memref<1x640xf32, #tpu.memory_space<vmem_shared>> -> memref<640xf32, #tpu.memory_space<vmem_shared>>
      %dma_start3A_89 = arith.constant 0 : i32
      %dma_start3A_90 = tpu.memref_slice %arg6[%run_scoped3A_73, %dma_start3A_89] : memref<16x640xf32, #tpu.memory_space<vmem>> -> memref<1x640xf32, #tpu.memory_space<vmem>>
      %dma_start3A_91 = tpu.memref_squeeze %dma_start3A_90 : memref<1x640xf32, #tpu.memory_space<vmem>> -> memref<640xf32, #tpu.memory_space<vmem>>
      %dma_start3A_92 = tpu.memref_slice %arg8[%run_scoped3A_72, %mul3A_71] : memref<16x10240xf32, #tpu.memory_space<vmem_shared>> -> memref<1x640xf32, #tpu.memory_space<vmem_shared>>
      %dma_start3A_93 = tpu.memref_squeeze %dma_start3A_92 : memref<1x640xf32, #tpu.memory_space<vmem_shared>> -> memref<640xf32, #tpu.memory_space<vmem_shared>>
      tpu.enqueue_dma source(%dma_start3A_93 : memref<640xf32, #tpu.memory_space<vmem_shared>>) target(%dma_start3A_91 : memref<640xf32, #tpu.memory_space<vmem>>) target_semaphore(%run_scoped3A_84 : memref<!tpu.dma_semaphore, #tpu.memory_space<semaphore_mem>>)
      %dma_wait3A = arith.constant 0 : i32
      %dma_wait3A_94 = tpu.memref_slice %arg6[%run_scoped3A_73, %dma_wait3A] : memref<16x640xf32, #tpu.memory_space<vmem>> -> memref<1x640xf32, #tpu.memory_space<vmem>>
      %dma_wait3A_95 = tpu.memref_squeeze %dma_wait3A_94 : memref<1x640xf32, #tpu.memory_space<vmem>> -> memref<640xf32, #tpu.memory_space<vmem>>
      %dma_wait3A_96 = tpu.memref_slice %arg8[%run_scoped3A_72, %mul3A_71] : memref<16x10240xf32, #tpu.memory_space<vmem_shared>> -> memref<1x640xf32, #tpu.memory_space<vmem_shared>>
      %dma_wait3A_97 = tpu.memref_squeeze %dma_wait3A_96 : memref<1x640xf32, #tpu.memory_space<vmem_shared>> -> memref<640xf32, #tpu.memory_space<vmem_shared>>
      %dma_wait3A_98 = arith.constant 0 : i32
      %dma_wait3A_99 = tpu.memref_slice %arg6[%run_scoped3A_73, %dma_wait3A_98] : memref<16x640xf32, #tpu.memory_space<vmem>> -> memref<1x640xf32, #tpu.memory_space<vmem>>
      %dma_wait3A_100 = tpu.memref_squeeze %dma_wait3A_99 : memref<1x640xf32, #tpu.memory_space<vmem>> -> memref<640xf32, #tpu.memory_space<vmem>>
      %dma_wait3A_101 = tpu.memref_slice %arg8[%run_scoped3A_72, %mul3A_71] : memref<16x10240xf32, #tpu.memory_space<vmem_shared>> -> memref<1x640xf32, #tpu.memory_space<vmem_shared>>
      %dma_wait3A_102 = tpu.memref_squeeze %dma_wait3A_101 : memref<1x640xf32, #tpu.memory_space<vmem_shared>> -> memref<640xf32, #tpu.memory_space<vmem_shared>>
      tpu.wait_dma2 semaphore(%run_scoped3A_84 : memref<!tpu.dma_semaphore, #tpu.memory_space<semaphore_mem>>) src(%dma_wait3A_102 : memref<640xf32, #tpu.memory_space<vmem_shared>>) dst(%dma_wait3A_100 : memref<640xf32, #tpu.memory_space<vmem>>)
      tpu.yield
    }) : () -> ()
    %mul3A_74 = arith.constant 640 : i32
    %mul3A_75 = arith.muli %arg1, %mul3A_74 : i32
    %run_scoped3A_76 = arith.constant 15 : i32
    %run_scoped3A_77 = arith.constant 15 : i32
    "tpu.region"() ({
      %run_scoped3A_84 = tpu.sem_alloc : memref<!tpu.dma_semaphore, #tpu.memory_space<semaphore_mem>>
      %dma_start3A = arith.constant 0 : i32
      %dma_start3A_85 = tpu.memref_slice %arg6[%run_scoped3A_77, %dma_start3A] : memref<16x640xf32, #tpu.memory_space<vmem>> -> memref<1x640xf32, #tpu.memory_space<vmem>>
      %dma_start3A_86 = tpu.memref_squeeze %dma_start3A_85 : memref<1x640xf32, #tpu.memory_space<vmem>> -> memref<640xf32, #tpu.memory_space<vmem>>
      %dma_start3A_87 = tpu.memref_slice %arg8[%run_scoped3A_76, %mul3A_75] : memref<16x10240xf32, #tpu.memory_space<vmem_shared>> -> memref<1x640xf32, #tpu.memory_space<vmem_shared>>
      %dma_start3A_88 = tpu.memref_squeeze %dma_start3A_87 : memref<1x640xf32, #tpu.memory_space<vmem_shared>> -> memref<640xf32, #tpu.memory_space<vmem_shared>>
      %dma_start3A_89 = arith.constant 0 : i32
      %dma_start3A_90 = tpu.memref_slice %arg6[%run_scoped3A_77, %dma_start3A_89] : memref<16x640xf32, #tpu.memory_space<vmem>> -> memref<1x640xf32, #tpu.memory_space<vmem>>
      %dma_start3A_91 = tpu.memref_squeeze %dma_start3A_90 : memref<1x640xf32, #tpu.memory_space<vmem>> -> memref<640xf32, #tpu.memory_space<vmem>>
      %dma_start3A_92 = tpu.memref_slice %arg8[%run_scoped3A_76, %mul3A_75] : memref<16x10240xf32, #tpu.memory_space<vmem_shared>> -> memref<1x640xf32, #tpu.memory_space<vmem_shared>>
      %dma_start3A_93 = tpu.memref_squeeze %dma_start3A_92 : memref<1x640xf32, #tpu.memory_space<vmem_shared>> -> memref<640xf32, #tpu.memory_space<vmem_shared>>
      tpu.enqueue_dma source(%dma_start3A_93 : memref<640xf32, #tpu.memory_space<vmem_shared>>) target(%dma_start3A_91 : memref<640xf32, #tpu.memory_space<vmem>>) target_semaphore(%run_scoped3A_84 : memref<!tpu.dma_semaphore, #tpu.memory_space<semaphore_mem>>)
      %dma_wait3A = arith.constant 0 : i32
      %dma_wait3A_94 = tpu.memref_slice %arg6[%run_scoped3A_77, %dma_wait3A] : memref<16x640xf32, #tpu.memory_space<vmem>> -> memref<1x640xf32, #tpu.memory_space<vmem>>
      %dma_wait3A_95 = tpu.memref_squeeze %dma_wait3A_94 : memref<1x640xf32, #tpu.memory_space<vmem>> -> memref<640xf32, #tpu.memory_space<vmem>>
      %dma_wait3A_96 = tpu.memref_slice %arg8[%run_scoped3A_76, %mul3A_75] : memref<16x10240xf32, #tpu.memory_space<vmem_shared>> -> memref<1x640xf32, #tpu.memory_space<vmem_shared>>
      %dma_wait3A_97 = tpu.memref_squeeze %dma_wait3A_96 : memref<1x640xf32, #tpu.memory_space<vmem_shared>> -> memref<640xf32, #tpu.memory_space<vmem_shared>>
      %dma_wait3A_98 = arith.constant 0 : i32
      %dma_wait3A_99 = tpu.memref_slice %arg6[%run_scoped3A_77, %dma_wait3A_98] : memref<16x640xf32, #tpu.memory_space<vmem>> -> memref<1x640xf32, #tpu.memory_space<vmem>>
      %dma_wait3A_100 = tpu.memref_squeeze %dma_wait3A_99 : memref<1x640xf32, #tpu.memory_space<vmem>> -> memref<640xf32, #tpu.memory_space<vmem>>
      %dma_wait3A_101 = tpu.memref_slice %arg8[%run_scoped3A_76, %mul3A_75] : memref<16x10240xf32, #tpu.memory_space<vmem_shared>> -> memref<1x640xf32, #tpu.memory_space<vmem_shared>>
      %dma_wait3A_102 = tpu.memref_squeeze %dma_wait3A_101 : memref<1x640xf32, #tpu.memory_space<vmem_shared>> -> memref<640xf32, #tpu.memory_space<vmem_shared>>
      tpu.wait_dma2 semaphore(%run_scoped3A_84 : memref<!tpu.dma_semaphore, #tpu.memory_space<semaphore_mem>>) src(%dma_wait3A_102 : memref<640xf32, #tpu.memory_space<vmem_shared>>) dst(%dma_wait3A_100 : memref<640xf32, #tpu.memory_space<vmem>>)
      tpu.yield
    }) : () -> ()
    %scan3A_78 = arith.constant 0 : i32
    %scan3A_79 = arith.constant 0 : i32
    %scan3A_80 = arith.constant 40 : i32
    %scan3A_81 = arith.addi %scan3A_79, %scan3A_80 : i32
    %scan3A_82 = arith.constant 1 : i32
    scf.for %scan3A_84 = %scan3A_79 to %scan3A_81 step %scan3A_82  : i32 {
      %broadcast_in_dim3A_85 = arith.constant 0.000000e+00 : f32
      %broadcast_in_dim3A_86 = vector.broadcast %broadcast_in_dim3A_85 : f32 to vector<16xf32>
      %mul3A_87 = arith.constant 16 : i32
      %mul3A_88 = arith.muli %scan3A_84, %mul3A_87 : i32
      %get3A = arith.constant 0 : i32
      %get3A_89 = arith.index_cast %get3A : i32 to index
      %get3A_90 = arith.index_cast %mul3A_88 : i32 to index
      %get3A_91 = tpu.vector_load %arg6[%get3A_89, %get3A_90] {strides = array<i32>} : memref<16x640xf32, #tpu.memory_space<vmem>>, vector<16xf32>,
      %add3A_92 = arith.addf %broadcast_in_dim3A_86, %get3A_91 : vector<16xf32>
      %mul3A_93 = arith.constant 16 : i32
      %mul3A_94 = arith.muli %scan3A_84, %mul3A_93 : i32
      %get3A_95 = arith.constant 1 : i32
      %get3A_96 = arith.index_cast %get3A_95 : i32 to index
      %get3A_97 = arith.index_cast %mul3A_94 : i32 to index
      %get3A_98 = tpu.vector_load %arg6[%get3A_96, %get3A_97] {strides = array<i32>} : memref<16x640xf32, #tpu.memory_space<vmem>>, vector<16xf32>,
      %add3A_99 = arith.addf %add3A_92, %get3A_98 : vector<16xf32>
      %mul3A_100 = arith.constant 16 : i32
      %mul3A_101 = arith.muli %scan3A_84, %mul3A_100 : i32
      %get3A_102 = arith.constant 2 : i32
      %get3A_103 = arith.index_cast %get3A_102 : i32 to index
      %get3A_104 = arith.index_cast %mul3A_101 : i32 to index
      %get3A_105 = tpu.vector_load %arg6[%get3A_103, %get3A_104] {strides = array<i32>} : memref<16x640xf32, #tpu.memory_space<vmem>>, vector<16xf32>,
      %add3A_106 = arith.addf %add3A_99, %get3A_105 : vector<16xf32>
      %mul3A_107 = arith.constant 16 : i32
      %mul3A_108 = arith.muli %scan3A_84, %mul3A_107 : i32
      %get3A_109 = arith.constant 3 : i32
      %get3A_110 = arith.index_cast %get3A_109 : i32 to index
      %get3A_111 = arith.index_cast %mul3A_108 : i32 to index
      %get3A_112 = tpu.vector_load %arg6[%get3A_110, %get3A_111] {strides = array<i32>} : memref<16x640xf32, #tpu.memory_space<vmem>>, vector<16xf32>,
      %add3A_113 = arith.addf %add3A_106, %get3A_112 : vector<16xf32>
      %mul3A_114 = arith.constant 16 : i32
      %mul3A_115 = arith.muli %scan3A_84, %mul3A_114 : i32
      %get3A_116 = arith.constant 4 : i32
      %get3A_117 = arith.index_cast %get3A_116 : i32 to index
      %get3A_118 = arith.index_cast %mul3A_115 : i32 to index
      %get3A_119 = tpu.vector_load %arg6[%get3A_117, %get3A_118] {strides = array<i32>} : memref<16x640xf32, #tpu.memory_space<vmem>>, vector<16xf32>,
      %add3A_120 = arith.addf %add3A_113, %get3A_119 : vector<16xf32>
      %mul3A_121 = arith.constant 16 : i32
      %mul3A_122 = arith.muli %scan3A_84, %mul3A_121 : i32
      %get3A_123 = arith.constant 5 : i32
      %get3A_124 = arith.index_cast %get3A_123 : i32 to index
      %get3A_125 = arith.index_cast %mul3A_122 : i32 to index
      %get3A_126 = tpu.vector_load %arg6[%get3A_124, %get3A_125] {strides = array<i32>} : memref<16x640xf32, #tpu.memory_space<vmem>>, vector<16xf32>,
      %add3A_127 = arith.addf %add3A_120, %get3A_126 : vector<16xf32>
      %mul3A_128 = arith.constant 16 : i32
      %mul3A_129 = arith.muli %scan3A_84, %mul3A_128 : i32
      %get3A_130 = arith.constant 6 : i32
      %get3A_131 = arith.index_cast %get3A_130 : i32 to index
      %get3A_132 = arith.index_cast %mul3A_129 : i32 to index
      %get3A_133 = tpu.vector_load %arg6[%get3A_131, %get3A_132] {strides = array<i32>} : memref<16x640xf32, #tpu.memory_space<vmem>>, vector<16xf32>,
      %add3A_134 = arith.addf %add3A_127, %get3A_133 : vector<16xf32>
      %mul3A_135 = arith.constant 16 : i32
      %mul3A_136 = arith.muli %scan3A_84, %mul3A_135 : i32
      %get3A_137 = arith.constant 7 : i32
      %get3A_138 = arith.index_cast %get3A_137 : i32 to index
      %get3A_139 = arith.index_cast %mul3A_136 : i32 to index
      %get3A_140 = tpu.vector_load %arg6[%get3A_138, %get3A_139] {strides = array<i32>} : memref<16x640xf32, #tpu.memory_space<vmem>>, vector<16xf32>,
      %add3A_141 = arith.addf %add3A_134, %get3A_140 : vector<16xf32>
      %mul3A_142 = arith.constant 16 : i32
      %mul3A_143 = arith.muli %scan3A_84, %mul3A_142 : i32
      %get3A_144 = arith.constant 8 : i32
      %get3A_145 = arith.index_cast %get3A_144 : i32 to index
      %get3A_146 = arith.index_cast %mul3A_143 : i32 to index
      %get3A_147 = tpu.vector_load %arg6[%get3A_145, %get3A_146] {strides = array<i32>} : memref<16x640xf32, #tpu.memory_space<vmem>>, vector<16xf32>,
      %add3A_148 = arith.addf %add3A_141, %get3A_147 : vector<16xf32>
      %mul3A_149 = arith.constant 16 : i32
      %mul3A_150 = arith.muli %scan3A_84, %mul3A_149 : i32
      %get3A_151 = arith.constant 9 : i32
      %get3A_152 = arith.index_cast %get3A_151 : i32 to index
      %get3A_153 = arith.index_cast %mul3A_150 : i32 to index
      %get3A_154 = tpu.vector_load %arg6[%get3A_152, %get3A_153] {strides = array<i32>} : memref<16x640xf32, #tpu.memory_space<vmem>>, vector<16xf32>,
      %add3A_155 = arith.addf %add3A_148, %get3A_154 : vector<16xf32>
      %mul3A_156 = arith.constant 16 : i32
      %mul3A_157 = arith.muli %scan3A_84, %mul3A_156 : i32
      %get3A_158 = arith.constant 10 : i32
      %get3A_159 = arith.index_cast %get3A_158 : i32 to index
      %get3A_160 = arith.index_cast %mul3A_157 : i32 to index
      %get3A_161 = tpu.vector_load %arg6[%get3A_159, %get3A_160] {strides = array<i32>} : memref<16x640xf32, #tpu.memory_space<vmem>>, vector<16xf32>,
      %add3A_162 = arith.addf %add3A_155, %get3A_161 : vector<16xf32>
      %mul3A_163 = arith.constant 16 : i32
      %mul3A_164 = arith.muli %scan3A_84, %mul3A_163 : i32
      %get3A_165 = arith.constant 11 : i32
      %get3A_166 = arith.index_cast %get3A_165 : i32 to index
      %get3A_167 = arith.index_cast %mul3A_164 : i32 to index
      %get3A_168 = tpu.vector_load %arg6[%get3A_166, %get3A_167] {strides = array<i32>} : memref<16x640xf32, #tpu.memory_space<vmem>>, vector<16xf32>,
      %add3A_169 = arith.addf %add3A_162, %get3A_168 : vector<16xf32>
      %mul3A_170 = arith.constant 16 : i32
      %mul3A_171 = arith.muli %scan3A_84, %mul3A_170 : i32
      %get3A_172 = arith.constant 12 : i32
      %get3A_173 = arith.index_cast %get3A_172 : i32 to index
      %get3A_174 = arith.index_cast %mul3A_171 : i32 to index
      %get3A_175 = tpu.vector_load %arg6[%get3A_173, %get3A_174] {strides = array<i32>} : memref<16x640xf32, #tpu.memory_space<vmem>>, vector<16xf32>,
      %add3A_176 = arith.addf %add3A_169, %get3A_175 : vector<16xf32>
      %mul3A_177 = arith.constant 16 : i32
      %mul3A_178 = arith.muli %scan3A_84, %mul3A_177 : i32
      %get3A_179 = arith.constant 13 : i32
      %get3A_180 = arith.index_cast %get3A_179 : i32 to index
      %get3A_181 = arith.index_cast %mul3A_178 : i32 to index
      %get3A_182 = tpu.vector_load %arg6[%get3A_180, %get3A_181] {strides = array<i32>} : memref<16x640xf32, #tpu.memory_space<vmem>>, vector<16xf32>,
      %add3A_183 = arith.addf %add3A_176, %get3A_182 : vector<16xf32>
      %mul3A_184 = arith.constant 16 : i32
      %mul3A_185 = arith.muli %scan3A_84, %mul3A_184 : i32
      %get3A_186 = arith.constant 14 : i32
      %get3A_187 = arith.index_cast %get3A_186 : i32 to index
      %get3A_188 = arith.index_cast %mul3A_185 : i32 to index
      %get3A_189 = tpu.vector_load %arg6[%get3A_187, %get3A_188] {strides = array<i32>} : memref<16x640xf32, #tpu.memory_space<vmem>>, vector<16xf32>,
      %add3A_190 = arith.addf %add3A_183, %get3A_189 : vector<16xf32>
      %mul3A_191 = arith.constant 16 : i32
      %mul3A_192 = arith.muli %scan3A_84, %mul3A_191 : i32
      %get3A_193 = arith.constant 15 : i32
      %get3A_194 = arith.index_cast %get3A_193 : i32 to index
      %get3A_195 = arith.index_cast %mul3A_192 : i32 to index
      %get3A_196 = tpu.vector_load %arg6[%get3A_194, %get3A_195] {strides = array<i32>} : memref<16x640xf32, #tpu.memory_space<vmem>>, vector<16xf32>,
      %add3A_197 = arith.addf %add3A_190, %get3A_196 : vector<16xf32>
      %mul3A_198 = arith.constant 16 : i32
      %mul3A_199 = arith.muli %scan3A_84, %mul3A_198 : i32
      %swap3A = arith.index_cast %mul3A_199 : i32 to index
      %swap3A_200 = tpu.vector_load %arg7[%swap3A] {strides = array<i32>} : memref<640xf32, #tpu.memory_space<vmem>>, vector<16xf32>,
      tpu.vector_store %arg7[%swap3A], %add3A_197 {strides = array<i32>} : memref<640xf32, #tpu.memory_space<vmem>>, vector<16xf32>,
    }
    %scan3A_83 = arith.constant 40 : i32
    "tpu.region"() ({
      %run_scoped3A_84 = tpu.sem_alloc : memref<!tpu.dma_semaphore, #tpu.memory_space<semaphore_mem>>
      %dma_start3A = arith.constant 0 : i32
      %dma_start3A_85 = tpu.memref_slice %arg3[%arg0, %arg1, %dma_start3A] : memref<2x16x640xf32, #tpu.memory_space<hbm>> -> memref<1x1x640xf32, #tpu.memory_space<hbm>>
      %dma_start3A_86 = tpu.memref_squeeze %dma_start3A_85 : memref<1x1x640xf32, #tpu.memory_space<hbm>> -> memref<640xf32, #tpu.memory_space<hbm>>
      %dma_start3A_87 = arith.constant 0 : i32
      %dma_start3A_88 = tpu.memref_slice %arg3[%arg0, %arg1, %dma_start3A_87] : memref<2x16x640xf32, #tpu.memory_space<hbm>> -> memref<1x1x640xf32, #tpu.memory_space<hbm>>
      %dma_start3A_89 = tpu.memref_squeeze %dma_start3A_88 : memref<1x1x640xf32, #tpu.memory_space<hbm>> -> memref<640xf32, #tpu.memory_space<hbm>>
      tpu.enqueue_dma source(%arg7 : memref<640xf32, #tpu.memory_space<vmem>>) target(%dma_start3A_89 : memref<640xf32, #tpu.memory_space<hbm>>) target_semaphore(%run_scoped3A_84 : memref<!tpu.dma_semaphore, #tpu.memory_space<semaphore_mem>>)
      %dma_wait3A = arith.constant 0 : i32
      %dma_wait3A_90 = tpu.memref_slice %arg3[%arg0, %arg1, %dma_wait3A] : memref<2x16x640xf32, #tpu.memory_space<hbm>> -> memref<1x1x640xf32, #tpu.memory_space<hbm>>
      %dma_wait3A_91 = tpu.memref_squeeze %dma_wait3A_90 : memref<1x1x640xf32, #tpu.memory_space<hbm>> -> memref<640xf32, #tpu.memory_space<hbm>>
      %dma_wait3A_92 = arith.constant 0 : i32
      %dma_wait3A_93 = tpu.memref_slice %arg3[%arg0, %arg1, %dma_wait3A_92] : memref<2x16x640xf32, #tpu.memory_space<hbm>> -> memref<1x1x640xf32, #tpu.memory_space<hbm>>
      %dma_wait3A_94 = tpu.memref_squeeze %dma_wait3A_93 : memref<1x1x640xf32, #tpu.memory_space<hbm>> -> memref<640xf32, #tpu.memory_space<hbm>>
      tpu.wait_dma2 semaphore(%run_scoped3A_84 : memref<!tpu.dma_semaphore, #tpu.memory_space<semaphore_mem>>) src(%arg7 : memref<640xf32, #tpu.memory_space<vmem>>) dst(%dma_wait3A_94 : memref<640xf32, #tpu.memory_space<hbm>>)
      tpu.yield
    }) : () -> ()
    return
  }
}

#map = affine_map<(d0, d1) -> (0, 0)>
#map1 = affine_map<(d0, d1) -> (0)>
#map2 = affine_map<(d0, d1) -> (0, 0, 0)>
module attributes {stable_mosaic.version = 14 : i64} {
  func.func @_edge_body(%arg0: i32, %arg1: i32, %arg2: memref<10000x128xf32, #tpu.memory_space<hbm>>, %arg3: memref<327680xi32, #tpu.memory_space<hbm>>, %arg4: memref<327680xi32, #tpu.memory_space<hbm>>, %arg5: memref<2x10000x128xf32, #tpu.memory_space<hbm>>, %arg6: memref<4x64xi32, #tpu.memory_space<vmem>>, %arg7: memref<4x64xi32, #tpu.memory_space<vmem>>, %arg8: memref<4x64x128xf32, #tpu.memory_space<vmem>>, %arg9: memref<10240x128xf32, #tpu.memory_space<vmem_shared>>, %arg10: memref<!tpu.dma_semaphore, #tpu.memory_space<semaphore_mem>>, %arg11: memref<!tpu.dma_semaphore, #tpu.memory_space<semaphore_mem>>, %arg12: memref<!tpu.dma_semaphore, #tpu.memory_space<semaphore_mem>>, %arg13: memref<!tpu.dma_semaphore, #tpu.memory_space<semaphore_mem>>, %arg14: memref<!tpu.dma_semaphore, #tpu.memory_space<semaphore_mem>>, %arg15: memref<!tpu.dma_semaphore, #tpu.memory_space<semaphore_mem>>, %arg16: memref<!tpu.dma_semaphore, #tpu.memory_space<semaphore_mem>>, %arg17: memref<!tpu.dma_semaphore, #tpu.memory_space<semaphore_mem>>, %arg18: memref<!tpu.dma_semaphore, #tpu.memory_space<semaphore_mem>>, %arg19: memref<!tpu.dma_semaphore, #tpu.memory_space<semaphore_mem>>, %arg20: memref<!tpu.dma_semaphore, #tpu.memory_space<semaphore_mem>>, %arg21: memref<!tpu.dma_semaphore, #tpu.memory_space<semaphore_mem>>, %arg22: memref<!tpu.dma_semaphore, #tpu.memory_space<semaphore_mem>>) attributes {dimension_semantics = [#tpu.dimension_semantics<core_parallel>, #tpu.dimension_semantics<subcore_parallel>], iteration_bounds = array<i64: 2, 16>, scalar_prefetch = 0 : i64, scratch_operands = 17 : i64, tpu.core_type = #tpu.core_type<sc_vector_subcore>, window_params = [{transform_indices = #map}, {transform_indices = #map1}, {transform_indices = #map1}, {transform_indices = #map2}]} {
    %mul3A = arith.constant 2 : i32
    %mul3A_0 = arith.muli %mul3A, %arg1 : i32
    %add3A = arith.addi %mul3A_0, %arg0 : i32
    %scan3A = arith.constant 0 : i32
    %scan3A_1 = arith.constant 0 : i32
    %scan3A_2 = arith.constant 64 : i32
    %scan3A_3 = arith.addi %scan3A_1, %scan3A_2 : i32
    %scan3A_4 = arith.constant 1 : i32
    scf.for %scan3A_631 = %scan3A_1 to %scan3A_3 step %scan3A_4  : i32 {
      %broadcast_in_dim3A = arith.constant 0.000000e+00 : f32
      %broadcast_in_dim3A_632 = vector.broadcast %broadcast_in_dim3A : f32 to vector<16xf32>
      %swap3A = arith.constant 0 : i32
      %swap3A_633 = arith.index_cast %swap3A : i32 to index
      %swap3A_634 = arith.index_cast %scan3A_631 : i32 to index
      %swap3A_635 = arith.constant 0 : index
      %swap3A_636 = tpu.vector_load %arg8[%swap3A_633, %swap3A_634, %swap3A_635] {strides = array<i32>} : memref<4x64x128xf32, #tpu.memory_space<vmem>>, vector<1x1x16xf32>,
      %swap3A_637 = vector.shape_cast %swap3A_636 : vector<1x1x16xf32> to vector<16xf32>
      %swap3A_638 = vector.shape_cast %broadcast_in_dim3A_632 : vector<16xf32> to vector<1x1x16xf32>
      tpu.vector_store %arg8[%swap3A_633, %swap3A_634, %swap3A_635], %swap3A_638 {strides = array<i32>} : memref<4x64x128xf32, #tpu.memory_space<vmem>>, vector<1x1x16xf32>,
      %broadcast_in_dim3A_639 = arith.constant 0.000000e+00 : f32
      %broadcast_in_dim3A_640 = vector.broadcast %broadcast_in_dim3A_639 : f32 to vector<16xf32>
      %swap3A_641 = arith.constant 0 : i32
      %swap3A_642 = arith.index_cast %swap3A_641 : i32 to index
      %swap3A_643 = arith.index_cast %scan3A_631 : i32 to index
      %swap3A_644 = arith.constant 16 : index
      %swap3A_645 = tpu.vector_load %arg8[%swap3A_642, %swap3A_643, %swap3A_644] {strides = array<i32>} : memref<4x64x128xf32, #tpu.memory_space<vmem>>, vector<1x1x16xf32>,
      %swap3A_646 = vector.shape_cast %swap3A_645 : vector<1x1x16xf32> to vector<16xf32>
      %swap3A_647 = vector.shape_cast %broadcast_in_dim3A_640 : vector<16xf32> to vector<1x1x16xf32>
      tpu.vector_store %arg8[%swap3A_642, %swap3A_643, %swap3A_644], %swap3A_647 {strides = array<i32>} : memref<4x64x128xf32, #tpu.memory_space<vmem>>, vector<1x1x16xf32>,
      %broadcast_in_dim3A_648 = arith.constant 0.000000e+00 : f32
      %broadcast_in_dim3A_649 = vector.broadcast %broadcast_in_dim3A_648 : f32 to vector<16xf32>
      %swap3A_650 = arith.constant 0 : i32
      %swap3A_651 = arith.index_cast %swap3A_650 : i32 to index
      %swap3A_652 = arith.index_cast %scan3A_631 : i32 to index
      %swap3A_653 = arith.constant 32 : index
      %swap3A_654 = tpu.vector_load %arg8[%swap3A_651, %swap3A_652, %swap3A_653] {strides = array<i32>} : memref<4x64x128xf32, #tpu.memory_space<vmem>>, vector<1x1x16xf32>,
      %swap3A_655 = vector.shape_cast %swap3A_654 : vector<1x1x16xf32> to vector<16xf32>
      %swap3A_656 = vector.shape_cast %broadcast_in_dim3A_649 : vector<16xf32> to vector<1x1x16xf32>
      tpu.vector_store %arg8[%swap3A_651, %swap3A_652, %swap3A_653], %swap3A_656 {strides = array<i32>} : memref<4x64x128xf32, #tpu.memory_space<vmem>>, vector<1x1x16xf32>,
      %broadcast_in_dim3A_657 = arith.constant 0.000000e+00 : f32
      %broadcast_in_dim3A_658 = vector.broadcast %broadcast_in_dim3A_657 : f32 to vector<16xf32>
      %swap3A_659 = arith.constant 0 : i32
      %swap3A_660 = arith.index_cast %swap3A_659 : i32 to index
      %swap3A_661 = arith.index_cast %scan3A_631 : i32 to index
      %swap3A_662 = arith.constant 48 : index
      %swap3A_663 = tpu.vector_load %arg8[%swap3A_660, %swap3A_661, %swap3A_662] {strides = array<i32>} : memref<4x64x128xf32, #tpu.memory_space<vmem>>, vector<1x1x16xf32>,
      %swap3A_664 = vector.shape_cast %swap3A_663 : vector<1x1x16xf32> to vector<16xf32>
      %swap3A_665 = vector.shape_cast %broadcast_in_dim3A_658 : vector<16xf32> to vector<1x1x16xf32>
      tpu.vector_store %arg8[%swap3A_660, %swap3A_661, %swap3A_662], %swap3A_665 {strides = array<i32>} : memref<4x64x128xf32, #tpu.memory_space<vmem>>, vector<1x1x16xf32>,
      %broadcast_in_dim3A_666 = arith.constant 0.000000e+00 : f32
      %broadcast_in_dim3A_667 = vector.broadcast %broadcast_in_dim3A_666 : f32 to vector<16xf32>
      %swap3A_668 = arith.constant 0 : i32
      %swap3A_669 = arith.index_cast %swap3A_668 : i32 to index
      %swap3A_670 = arith.index_cast %scan3A_631 : i32 to index
      %swap3A_671 = arith.constant 64 : index
      %swap3A_672 = tpu.vector_load %arg8[%swap3A_669, %swap3A_670, %swap3A_671] {strides = array<i32>} : memref<4x64x128xf32, #tpu.memory_space<vmem>>, vector<1x1x16xf32>,
      %swap3A_673 = vector.shape_cast %swap3A_672 : vector<1x1x16xf32> to vector<16xf32>
      %swap3A_674 = vector.shape_cast %broadcast_in_dim3A_667 : vector<16xf32> to vector<1x1x16xf32>
      tpu.vector_store %arg8[%swap3A_669, %swap3A_670, %swap3A_671], %swap3A_674 {strides = array<i32>} : memref<4x64x128xf32, #tpu.memory_space<vmem>>, vector<1x1x16xf32>,
      %broadcast_in_dim3A_675 = arith.constant 0.000000e+00 : f32
      %broadcast_in_dim3A_676 = vector.broadcast %broadcast_in_dim3A_675 : f32 to vector<16xf32>
      %swap3A_677 = arith.constant 0 : i32
      %swap3A_678 = arith.index_cast %swap3A_677 : i32 to index
      %swap3A_679 = arith.index_cast %scan3A_631 : i32 to index
      %swap3A_680 = arith.constant 80 : index
      %swap3A_681 = tpu.vector_load %arg8[%swap3A_678, %swap3A_679, %swap3A_680] {strides = array<i32>} : memref<4x64x128xf32, #tpu.memory_space<vmem>>, vector<1x1x16xf32>,
      %swap3A_682 = vector.shape_cast %swap3A_681 : vector<1x1x16xf32> to vector<16xf32>
      %swap3A_683 = vector.shape_cast %broadcast_in_dim3A_676 : vector<16xf32> to vector<1x1x16xf32>
      tpu.vector_store %arg8[%swap3A_678, %swap3A_679, %swap3A_680], %swap3A_683 {strides = array<i32>} : memref<4x64x128xf32, #tpu.memory_space<vmem>>, vector<1x1x16xf32>,
      %broadcast_in_dim3A_684 = arith.constant 0.000000e+00 : f32
      %broadcast_in_dim3A_685 = vector.broadcast %broadcast_in_dim3A_684 : f32 to vector<16xf32>
      %swap3A_686 = arith.constant 0 : i32
      %swap3A_687 = arith.index_cast %swap3A_686 : i32 to index
      %swap3A_688 = arith.index_cast %scan3A_631 : i32 to index
      %swap3A_689 = arith.constant 96 : index
      %swap3A_690 = tpu.vector_load %arg8[%swap3A_687, %swap3A_688, %swap3A_689] {strides = array<i32>} : memref<4x64x128xf32, #tpu.memory_space<vmem>>, vector<1x1x16xf32>,
      %swap3A_691 = vector.shape_cast %swap3A_690 : vector<1x1x16xf32> to vector<16xf32>
      %swap3A_692 = vector.shape_cast %broadcast_in_dim3A_685 : vector<16xf32> to vector<1x1x16xf32>
      tpu.vector_store %arg8[%swap3A_687, %swap3A_688, %swap3A_689], %swap3A_692 {strides = array<i32>} : memref<4x64x128xf32, #tpu.memory_space<vmem>>, vector<1x1x16xf32>,
      %broadcast_in_dim3A_693 = arith.constant 0.000000e+00 : f32
      %broadcast_in_dim3A_694 = vector.broadcast %broadcast_in_dim3A_693 : f32 to vector<16xf32>
      %swap3A_695 = arith.constant 0 : i32
      %swap3A_696 = arith.index_cast %swap3A_695 : i32 to index
      %swap3A_697 = arith.index_cast %scan3A_631 : i32 to index
      %swap3A_698 = arith.constant 112 : index
      %swap3A_699 = tpu.vector_load %arg8[%swap3A_696, %swap3A_697, %swap3A_698] {strides = array<i32>} : memref<4x64x128xf32, #tpu.memory_space<vmem>>, vector<1x1x16xf32>,
      %swap3A_700 = vector.shape_cast %swap3A_699 : vector<1x1x16xf32> to vector<16xf32>
      %swap3A_701 = vector.shape_cast %broadcast_in_dim3A_694 : vector<16xf32> to vector<1x1x16xf32>
      tpu.vector_store %arg8[%swap3A_696, %swap3A_697, %swap3A_698], %swap3A_701 {strides = array<i32>} : memref<4x64x128xf32, #tpu.memory_space<vmem>>, vector<1x1x16xf32>,
    }
    %scan3A_5 = arith.constant 64 : i32
    %mul3A_6 = arith.constant 640 : i32
    %mul3A_7 = arith.muli %arg1, %mul3A_6 : i32
    %add3A_8 = arith.constant 0 : i32
    %add3A_9 = arith.addi %mul3A_7, %add3A_8 : i32
    %dma_start3A = arith.constant 0 : i32
    %dma_start3A_10 = arith.constant 0 : i32
    %dma_start3A_11 = arith.constant 0 : i32
    %dma_start3A_12 = tpu.memref_slice %arg8[%dma_start3A, %dma_start3A_10, %dma_start3A_11] : memref<4x64x128xf32, #tpu.memory_space<vmem>> -> memref<1x64x128xf32, #tpu.memory_space<vmem>>
    %dma_start3A_13 = tpu.memref_squeeze %dma_start3A_12 : memref<1x64x128xf32, #tpu.memory_space<vmem>> -> memref<64x128xf32, #tpu.memory_space<vmem>>
    %dma_start3A_14 = arith.constant 0 : i32
    %dma_start3A_15 = tpu.memref_slice %arg9[%add3A_9, %dma_start3A_14] : memref<10240x128xf32, #tpu.memory_space<vmem_shared>> -> memref<64x128xf32, #tpu.memory_space<vmem_shared>>
    %dma_start3A_16 = arith.constant 0 : i32
    %dma_start3A_17 = tpu.memref_slice %arg9[%add3A_9, %dma_start3A_16] : memref<10240x128xf32, #tpu.memory_space<vmem_shared>> -> memref<64x128xf32, #tpu.memory_space<vmem_shared>>
    %dma_start3A_18 = arith.constant 0 : i32
    %dma_start3A_19 = arith.constant 0 : i32
    %dma_start3A_20 = tpu.memref_slice %arg8[%dma_start3A, %dma_start3A_18, %dma_start3A_19] : memref<4x64x128xf32, #tpu.memory_space<vmem>> -> memref<1x64x128xf32, #tpu.memory_space<vmem>>
    %dma_start3A_21 = tpu.memref_squeeze %dma_start3A_20 : memref<1x64x128xf32, #tpu.memory_space<vmem>> -> memref<64x128xf32, #tpu.memory_space<vmem>>
    tpu.enqueue_dma source(%dma_start3A_21 : memref<64x128xf32, #tpu.memory_space<vmem>>) target(%dma_start3A_17 : memref<64x128xf32, #tpu.memory_space<vmem_shared>>) target_semaphore(%arg22 : memref<!tpu.dma_semaphore, #tpu.memory_space<semaphore_mem>>)
    %mul3A_22 = arith.constant 640 : i32
    %mul3A_23 = arith.muli %arg1, %mul3A_22 : i32
    %add3A_24 = arith.constant 64 : i32
    %add3A_25 = arith.addi %mul3A_23, %add3A_24 : i32
    %dma_start3A_26 = arith.constant 0 : i32
    %dma_start3A_27 = arith.constant 0 : i32
    %dma_start3A_28 = arith.constant 0 : i32
    %dma_start3A_29 = tpu.memref_slice %arg8[%dma_start3A_26, %dma_start3A_27, %dma_start3A_28] : memref<4x64x128xf32, #tpu.memory_space<vmem>> -> memref<1x64x128xf32, #tpu.memory_space<vmem>>
    %dma_start3A_30 = tpu.memref_squeeze %dma_start3A_29 : memref<1x64x128xf32, #tpu.memory_space<vmem>> -> memref<64x128xf32, #tpu.memory_space<vmem>>
    %dma_start3A_31 = arith.constant 0 : i32
    %dma_start3A_32 = tpu.memref_slice %arg9[%add3A_25, %dma_start3A_31] : memref<10240x128xf32, #tpu.memory_space<vmem_shared>> -> memref<64x128xf32, #tpu.memory_space<vmem_shared>>
    %dma_start3A_33 = arith.constant 0 : i32
    %dma_start3A_34 = tpu.memref_slice %arg9[%add3A_25, %dma_start3A_33] : memref<10240x128xf32, #tpu.memory_space<vmem_shared>> -> memref<64x128xf32, #tpu.memory_space<vmem_shared>>
    %dma_start3A_35 = arith.constant 0 : i32
    %dma_start3A_36 = arith.constant 0 : i32
    %dma_start3A_37 = tpu.memref_slice %arg8[%dma_start3A_26, %dma_start3A_35, %dma_start3A_36] : memref<4x64x128xf32, #tpu.memory_space<vmem>> -> memref<1x64x128xf32, #tpu.memory_space<vmem>>
    %dma_start3A_38 = tpu.memref_squeeze %dma_start3A_37 : memref<1x64x128xf32, #tpu.memory_space<vmem>> -> memref<64x128xf32, #tpu.memory_space<vmem>>
    tpu.enqueue_dma source(%dma_start3A_38 : memref<64x128xf32, #tpu.memory_space<vmem>>) target(%dma_start3A_34 : memref<64x128xf32, #tpu.memory_space<vmem_shared>>) target_semaphore(%arg22 : memref<!tpu.dma_semaphore, #tpu.memory_space<semaphore_mem>>)
    %mul3A_39 = arith.constant 640 : i32
    %mul3A_40 = arith.muli %arg1, %mul3A_39 : i32
    %add3A_41 = arith.constant 128 : i32
    %add3A_42 = arith.addi %mul3A_40, %add3A_41 : i32
    %dma_start3A_43 = arith.constant 0 : i32
    %dma_start3A_44 = arith.constant 0 : i32
    %dma_start3A_45 = arith.constant 0 : i32
    %dma_start3A_46 = tpu.memref_slice %arg8[%dma_start3A_43, %dma_start3A_44, %dma_start3A_45] : memref<4x64x128xf32, #tpu.memory_space<vmem>> -> memref<1x64x128xf32, #tpu.memory_space<vmem>>
    %dma_start3A_47 = tpu.memref_squeeze %dma_start3A_46 : memref<1x64x128xf32, #tpu.memory_space<vmem>> -> memref<64x128xf32, #tpu.memory_space<vmem>>
    %dma_start3A_48 = arith.constant 0 : i32
    %dma_start3A_49 = tpu.memref_slice %arg9[%add3A_42, %dma_start3A_48] : memref<10240x128xf32, #tpu.memory_space<vmem_shared>> -> memref<64x128xf32, #tpu.memory_space<vmem_shared>>
    %dma_start3A_50 = arith.constant 0 : i32
    %dma_start3A_51 = tpu.memref_slice %arg9[%add3A_42, %dma_start3A_50] : memref<10240x128xf32, #tpu.memory_space<vmem_shared>> -> memref<64x128xf32, #tpu.memory_space<vmem_shared>>
    %dma_start3A_52 = arith.constant 0 : i32
    %dma_start3A_53 = arith.constant 0 : i32
    %dma_start3A_54 = tpu.memref_slice %arg8[%dma_start3A_43, %dma_start3A_52, %dma_start3A_53] : memref<4x64x128xf32, #tpu.memory_space<vmem>> -> memref<1x64x128xf32, #tpu.memory_space<vmem>>
    %dma_start3A_55 = tpu.memref_squeeze %dma_start3A_54 : memref<1x64x128xf32, #tpu.memory_space<vmem>> -> memref<64x128xf32, #tpu.memory_space<vmem>>
    tpu.enqueue_dma source(%dma_start3A_55 : memref<64x128xf32, #tpu.memory_space<vmem>>) target(%dma_start3A_51 : memref<64x128xf32, #tpu.memory_space<vmem_shared>>) target_semaphore(%arg22 : memref<!tpu.dma_semaphore, #tpu.memory_space<semaphore_mem>>)
    %mul3A_56 = arith.constant 640 : i32
    %mul3A_57 = arith.muli %arg1, %mul3A_56 : i32
    %add3A_58 = arith.constant 192 : i32
    %add3A_59 = arith.addi %mul3A_57, %add3A_58 : i32
    %dma_start3A_60 = arith.constant 0 : i32
    %dma_start3A_61 = arith.constant 0 : i32
    %dma_start3A_62 = arith.constant 0 : i32
    %dma_start3A_63 = tpu.memref_slice %arg8[%dma_start3A_60, %dma_start3A_61, %dma_start3A_62] : memref<4x64x128xf32, #tpu.memory_space<vmem>> -> memref<1x64x128xf32, #tpu.memory_space<vmem>>
    %dma_start3A_64 = tpu.memref_squeeze %dma_start3A_63 : memref<1x64x128xf32, #tpu.memory_space<vmem>> -> memref<64x128xf32, #tpu.memory_space<vmem>>
    %dma_start3A_65 = arith.constant 0 : i32
    %dma_start3A_66 = tpu.memref_slice %arg9[%add3A_59, %dma_start3A_65] : memref<10240x128xf32, #tpu.memory_space<vmem_shared>> -> memref<64x128xf32, #tpu.memory_space<vmem_shared>>
    %dma_start3A_67 = arith.constant 0 : i32
    %dma_start3A_68 = tpu.memref_slice %arg9[%add3A_59, %dma_start3A_67] : memref<10240x128xf32, #tpu.memory_space<vmem_shared>> -> memref<64x128xf32, #tpu.memory_space<vmem_shared>>
    %dma_start3A_69 = arith.constant 0 : i32
    %dma_start3A_70 = arith.constant 0 : i32
    %dma_start3A_71 = tpu.memref_slice %arg8[%dma_start3A_60, %dma_start3A_69, %dma_start3A_70] : memref<4x64x128xf32, #tpu.memory_space<vmem>> -> memref<1x64x128xf32, #tpu.memory_space<vmem>>
    %dma_start3A_72 = tpu.memref_squeeze %dma_start3A_71 : memref<1x64x128xf32, #tpu.memory_space<vmem>> -> memref<64x128xf32, #tpu.memory_space<vmem>>
    tpu.enqueue_dma source(%dma_start3A_72 : memref<64x128xf32, #tpu.memory_space<vmem>>) target(%dma_start3A_68 : memref<64x128xf32, #tpu.memory_space<vmem_shared>>) target_semaphore(%arg22 : memref<!tpu.dma_semaphore, #tpu.memory_space<semaphore_mem>>)
    %mul3A_73 = arith.constant 640 : i32
    %mul3A_74 = arith.muli %arg1, %mul3A_73 : i32
    %add3A_75 = arith.constant 256 : i32
    %add3A_76 = arith.addi %mul3A_74, %add3A_75 : i32
    %dma_start3A_77 = arith.constant 0 : i32
    %dma_start3A_78 = arith.constant 0 : i32
    %dma_start3A_79 = arith.constant 0 : i32
    %dma_start3A_80 = tpu.memref_slice %arg8[%dma_start3A_77, %dma_start3A_78, %dma_start3A_79] : memref<4x64x128xf32, #tpu.memory_space<vmem>> -> memref<1x64x128xf32, #tpu.memory_space<vmem>>
    %dma_start3A_81 = tpu.memref_squeeze %dma_start3A_80 : memref<1x64x128xf32, #tpu.memory_space<vmem>> -> memref<64x128xf32, #tpu.memory_space<vmem>>
    %dma_start3A_82 = arith.constant 0 : i32
    %dma_start3A_83 = tpu.memref_slice %arg9[%add3A_76, %dma_start3A_82] : memref<10240x128xf32, #tpu.memory_space<vmem_shared>> -> memref<64x128xf32, #tpu.memory_space<vmem_shared>>
    %dma_start3A_84 = arith.constant 0 : i32
    %dma_start3A_85 = tpu.memref_slice %arg9[%add3A_76, %dma_start3A_84] : memref<10240x128xf32, #tpu.memory_space<vmem_shared>> -> memref<64x128xf32, #tpu.memory_space<vmem_shared>>
    %dma_start3A_86 = arith.constant 0 : i32
    %dma_start3A_87 = arith.constant 0 : i32
    %dma_start3A_88 = tpu.memref_slice %arg8[%dma_start3A_77, %dma_start3A_86, %dma_start3A_87] : memref<4x64x128xf32, #tpu.memory_space<vmem>> -> memref<1x64x128xf32, #tpu.memory_space<vmem>>
    %dma_start3A_89 = tpu.memref_squeeze %dma_start3A_88 : memref<1x64x128xf32, #tpu.memory_space<vmem>> -> memref<64x128xf32, #tpu.memory_space<vmem>>
    tpu.enqueue_dma source(%dma_start3A_89 : memref<64x128xf32, #tpu.memory_space<vmem>>) target(%dma_start3A_85 : memref<64x128xf32, #tpu.memory_space<vmem_shared>>) target_semaphore(%arg22 : memref<!tpu.dma_semaphore, #tpu.memory_space<semaphore_mem>>)
    %mul3A_90 = arith.constant 640 : i32
    %mul3A_91 = arith.muli %arg1, %mul3A_90 : i32
    %add3A_92 = arith.constant 320 : i32
    %add3A_93 = arith.addi %mul3A_91, %add3A_92 : i32
    %dma_start3A_94 = arith.constant 0 : i32
    %dma_start3A_95 = arith.constant 0 : i32
    %dma_start3A_96 = arith.constant 0 : i32
    %dma_start3A_97 = tpu.memref_slice %arg8[%dma_start3A_94, %dma_start3A_95, %dma_start3A_96] : memref<4x64x128xf32, #tpu.memory_space<vmem>> -> memref<1x64x128xf32, #tpu.memory_space<vmem>>
    %dma_start3A_98 = tpu.memref_squeeze %dma_start3A_97 : memref<1x64x128xf32, #tpu.memory_space<vmem>> -> memref<64x128xf32, #tpu.memory_space<vmem>>
    %dma_start3A_99 = arith.constant 0 : i32
    %dma_start3A_100 = tpu.memref_slice %arg9[%add3A_93, %dma_start3A_99] : memref<10240x128xf32, #tpu.memory_space<vmem_shared>> -> memref<64x128xf32, #tpu.memory_space<vmem_shared>>
    %dma_start3A_101 = arith.constant 0 : i32
    %dma_start3A_102 = tpu.memref_slice %arg9[%add3A_93, %dma_start3A_101] : memref<10240x128xf32, #tpu.memory_space<vmem_shared>> -> memref<64x128xf32, #tpu.memory_space<vmem_shared>>
    %dma_start3A_103 = arith.constant 0 : i32
    %dma_start3A_104 = arith.constant 0 : i32
    %dma_start3A_105 = tpu.memref_slice %arg8[%dma_start3A_94, %dma_start3A_103, %dma_start3A_104] : memref<4x64x128xf32, #tpu.memory_space<vmem>> -> memref<1x64x128xf32, #tpu.memory_space<vmem>>
    %dma_start3A_106 = tpu.memref_squeeze %dma_start3A_105 : memref<1x64x128xf32, #tpu.memory_space<vmem>> -> memref<64x128xf32, #tpu.memory_space<vmem>>
    tpu.enqueue_dma source(%dma_start3A_106 : memref<64x128xf32, #tpu.memory_space<vmem>>) target(%dma_start3A_102 : memref<64x128xf32, #tpu.memory_space<vmem_shared>>) target_semaphore(%arg22 : memref<!tpu.dma_semaphore, #tpu.memory_space<semaphore_mem>>)
    %mul3A_107 = arith.constant 640 : i32
    %mul3A_108 = arith.muli %arg1, %mul3A_107 : i32
    %add3A_109 = arith.constant 384 : i32
    %add3A_110 = arith.addi %mul3A_108, %add3A_109 : i32
    %dma_start3A_111 = arith.constant 0 : i32
    %dma_start3A_112 = arith.constant 0 : i32
    %dma_start3A_113 = arith.constant 0 : i32
    %dma_start3A_114 = tpu.memref_slice %arg8[%dma_start3A_111, %dma_start3A_112, %dma_start3A_113] : memref<4x64x128xf32, #tpu.memory_space<vmem>> -> memref<1x64x128xf32, #tpu.memory_space<vmem>>
    %dma_start3A_115 = tpu.memref_squeeze %dma_start3A_114 : memref<1x64x128xf32, #tpu.memory_space<vmem>> -> memref<64x128xf32, #tpu.memory_space<vmem>>
    %dma_start3A_116 = arith.constant 0 : i32
    %dma_start3A_117 = tpu.memref_slice %arg9[%add3A_110, %dma_start3A_116] : memref<10240x128xf32, #tpu.memory_space<vmem_shared>> -> memref<64x128xf32, #tpu.memory_space<vmem_shared>>
    %dma_start3A_118 = arith.constant 0 : i32
    %dma_start3A_119 = tpu.memref_slice %arg9[%add3A_110, %dma_start3A_118] : memref<10240x128xf32, #tpu.memory_space<vmem_shared>> -> memref<64x128xf32, #tpu.memory_space<vmem_shared>>
    %dma_start3A_120 = arith.constant 0 : i32
    %dma_start3A_121 = arith.constant 0 : i32
    %dma_start3A_122 = tpu.memref_slice %arg8[%dma_start3A_111, %dma_start3A_120, %dma_start3A_121] : memref<4x64x128xf32, #tpu.memory_space<vmem>> -> memref<1x64x128xf32, #tpu.memory_space<vmem>>
    %dma_start3A_123 = tpu.memref_squeeze %dma_start3A_122 : memref<1x64x128xf32, #tpu.memory_space<vmem>> -> memref<64x128xf32, #tpu.memory_space<vmem>>
    tpu.enqueue_dma source(%dma_start3A_123 : memref<64x128xf32, #tpu.memory_space<vmem>>) target(%dma_start3A_119 : memref<64x128xf32, #tpu.memory_space<vmem_shared>>) target_semaphore(%arg22 : memref<!tpu.dma_semaphore, #tpu.memory_space<semaphore_mem>>)
    %mul3A_124 = arith.constant 640 : i32
    %mul3A_125 = arith.muli %arg1, %mul3A_124 : i32
    %add3A_126 = arith.constant 448 : i32
    %add3A_127 = arith.addi %mul3A_125, %add3A_126 : i32
    %dma_start3A_128 = arith.constant 0 : i32
    %dma_start3A_129 = arith.constant 0 : i32
    %dma_start3A_130 = arith.constant 0 : i32
    %dma_start3A_131 = tpu.memref_slice %arg8[%dma_start3A_128, %dma_start3A_129, %dma_start3A_130] : memref<4x64x128xf32, #tpu.memory_space<vmem>> -> memref<1x64x128xf32, #tpu.memory_space<vmem>>
    %dma_start3A_132 = tpu.memref_squeeze %dma_start3A_131 : memref<1x64x128xf32, #tpu.memory_space<vmem>> -> memref<64x128xf32, #tpu.memory_space<vmem>>
    %dma_start3A_133 = arith.constant 0 : i32
    %dma_start3A_134 = tpu.memref_slice %arg9[%add3A_127, %dma_start3A_133] : memref<10240x128xf32, #tpu.memory_space<vmem_shared>> -> memref<64x128xf32, #tpu.memory_space<vmem_shared>>
    %dma_start3A_135 = arith.constant 0 : i32
    %dma_start3A_136 = tpu.memref_slice %arg9[%add3A_127, %dma_start3A_135] : memref<10240x128xf32, #tpu.memory_space<vmem_shared>> -> memref<64x128xf32, #tpu.memory_space<vmem_shared>>
    %dma_start3A_137 = arith.constant 0 : i32
    %dma_start3A_138 = arith.constant 0 : i32
    %dma_start3A_139 = tpu.memref_slice %arg8[%dma_start3A_128, %dma_start3A_137, %dma_start3A_138] : memref<4x64x128xf32, #tpu.memory_space<vmem>> -> memref<1x64x128xf32, #tpu.memory_space<vmem>>
    %dma_start3A_140 = tpu.memref_squeeze %dma_start3A_139 : memref<1x64x128xf32, #tpu.memory_space<vmem>> -> memref<64x128xf32, #tpu.memory_space<vmem>>
    tpu.enqueue_dma source(%dma_start3A_140 : memref<64x128xf32, #tpu.memory_space<vmem>>) target(%dma_start3A_136 : memref<64x128xf32, #tpu.memory_space<vmem_shared>>) target_semaphore(%arg22 : memref<!tpu.dma_semaphore, #tpu.memory_space<semaphore_mem>>)
    %mul3A_141 = arith.constant 640 : i32
    %mul3A_142 = arith.muli %arg1, %mul3A_141 : i32
    %add3A_143 = arith.constant 512 : i32
    %add3A_144 = arith.addi %mul3A_142, %add3A_143 : i32
    %dma_start3A_145 = arith.constant 0 : i32
    %dma_start3A_146 = arith.constant 0 : i32
    %dma_start3A_147 = arith.constant 0 : i32
    %dma_start3A_148 = tpu.memref_slice %arg8[%dma_start3A_145, %dma_start3A_146, %dma_start3A_147] : memref<4x64x128xf32, #tpu.memory_space<vmem>> -> memref<1x64x128xf32, #tpu.memory_space<vmem>>
    %dma_start3A_149 = tpu.memref_squeeze %dma_start3A_148 : memref<1x64x128xf32, #tpu.memory_space<vmem>> -> memref<64x128xf32, #tpu.memory_space<vmem>>
    %dma_start3A_150 = arith.constant 0 : i32
    %dma_start3A_151 = tpu.memref_slice %arg9[%add3A_144, %dma_start3A_150] : memref<10240x128xf32, #tpu.memory_space<vmem_shared>> -> memref<64x128xf32, #tpu.memory_space<vmem_shared>>
    %dma_start3A_152 = arith.constant 0 : i32
    %dma_start3A_153 = tpu.memref_slice %arg9[%add3A_144, %dma_start3A_152] : memref<10240x128xf32, #tpu.memory_space<vmem_shared>> -> memref<64x128xf32, #tpu.memory_space<vmem_shared>>
    %dma_start3A_154 = arith.constant 0 : i32
    %dma_start3A_155 = arith.constant 0 : i32
    %dma_start3A_156 = tpu.memref_slice %arg8[%dma_start3A_145, %dma_start3A_154, %dma_start3A_155] : memref<4x64x128xf32, #tpu.memory_space<vmem>> -> memref<1x64x128xf32, #tpu.memory_space<vmem>>
    %dma_start3A_157 = tpu.memref_squeeze %dma_start3A_156 : memref<1x64x128xf32, #tpu.memory_space<vmem>> -> memref<64x128xf32, #tpu.memory_space<vmem>>
    tpu.enqueue_dma source(%dma_start3A_157 : memref<64x128xf32, #tpu.memory_space<vmem>>) target(%dma_start3A_153 : memref<64x128xf32, #tpu.memory_space<vmem_shared>>) target_semaphore(%arg22 : memref<!tpu.dma_semaphore, #tpu.memory_space<semaphore_mem>>)
    %mul3A_158 = arith.constant 640 : i32
    %mul3A_159 = arith.muli %arg1, %mul3A_158 : i32
    %add3A_160 = arith.constant 576 : i32
    %add3A_161 = arith.addi %mul3A_159, %add3A_160 : i32
    %dma_start3A_162 = arith.constant 0 : i32
    %dma_start3A_163 = arith.constant 0 : i32
    %dma_start3A_164 = arith.constant 0 : i32
    %dma_start3A_165 = tpu.memref_slice %arg8[%dma_start3A_162, %dma_start3A_163, %dma_start3A_164] : memref<4x64x128xf32, #tpu.memory_space<vmem>> -> memref<1x64x128xf32, #tpu.memory_space<vmem>>
    %dma_start3A_166 = tpu.memref_squeeze %dma_start3A_165 : memref<1x64x128xf32, #tpu.memory_space<vmem>> -> memref<64x128xf32, #tpu.memory_space<vmem>>
    %dma_start3A_167 = arith.constant 0 : i32
    %dma_start3A_168 = tpu.memref_slice %arg9[%add3A_161, %dma_start3A_167] : memref<10240x128xf32, #tpu.memory_space<vmem_shared>> -> memref<64x128xf32, #tpu.memory_space<vmem_shared>>
    %dma_start3A_169 = arith.constant 0 : i32
    %dma_start3A_170 = tpu.memref_slice %arg9[%add3A_161, %dma_start3A_169] : memref<10240x128xf32, #tpu.memory_space<vmem_shared>> -> memref<64x128xf32, #tpu.memory_space<vmem_shared>>
    %dma_start3A_171 = arith.constant 0 : i32
    %dma_start3A_172 = arith.constant 0 : i32
    %dma_start3A_173 = tpu.memref_slice %arg8[%dma_start3A_162, %dma_start3A_171, %dma_start3A_172] : memref<4x64x128xf32, #tpu.memory_space<vmem>> -> memref<1x64x128xf32, #tpu.memory_space<vmem>>
    %dma_start3A_174 = tpu.memref_squeeze %dma_start3A_173 : memref<1x64x128xf32, #tpu.memory_space<vmem>> -> memref<64x128xf32, #tpu.memory_space<vmem>>
    tpu.enqueue_dma source(%dma_start3A_174 : memref<64x128xf32, #tpu.memory_space<vmem>>) target(%dma_start3A_170 : memref<64x128xf32, #tpu.memory_space<vmem_shared>>) target_semaphore(%arg22 : memref<!tpu.dma_semaphore, #tpu.memory_space<semaphore_mem>>)
    %mul3A_175 = arith.constant 640 : i32
    %mul3A_176 = arith.muli %arg1, %mul3A_175 : i32
    %add3A_177 = arith.constant 0 : i32
    %add3A_178 = arith.addi %mul3A_176, %add3A_177 : i32
    %dma_wait3A = arith.constant 0 : i32
    %dma_wait3A_179 = arith.constant 0 : i32
    %dma_wait3A_180 = arith.constant 0 : i32
    %dma_wait3A_181 = tpu.memref_slice %arg8[%dma_wait3A, %dma_wait3A_179, %dma_wait3A_180] : memref<4x64x128xf32, #tpu.memory_space<vmem>> -> memref<1x64x128xf32, #tpu.memory_space<vmem>>
    %dma_wait3A_182 = tpu.memref_squeeze %dma_wait3A_181 : memref<1x64x128xf32, #tpu.memory_space<vmem>> -> memref<64x128xf32, #tpu.memory_space<vmem>>
    %dma_wait3A_183 = arith.constant 0 : i32
    %dma_wait3A_184 = tpu.memref_slice %arg9[%add3A_178, %dma_wait3A_183] : memref<10240x128xf32, #tpu.memory_space<vmem_shared>> -> memref<64x128xf32, #tpu.memory_space<vmem_shared>>
    %dma_wait3A_185 = arith.constant 0 : i32
    %dma_wait3A_186 = tpu.memref_slice %arg9[%add3A_178, %dma_wait3A_185] : memref<10240x128xf32, #tpu.memory_space<vmem_shared>> -> memref<64x128xf32, #tpu.memory_space<vmem_shared>>
    %dma_wait3A_187 = arith.constant 0 : i32
    %dma_wait3A_188 = arith.constant 0 : i32
    %dma_wait3A_189 = tpu.memref_slice %arg8[%dma_wait3A, %dma_wait3A_187, %dma_wait3A_188] : memref<4x64x128xf32, #tpu.memory_space<vmem>> -> memref<1x64x128xf32, #tpu.memory_space<vmem>>
    %dma_wait3A_190 = tpu.memref_squeeze %dma_wait3A_189 : memref<1x64x128xf32, #tpu.memory_space<vmem>> -> memref<64x128xf32, #tpu.memory_space<vmem>>
    tpu.wait_dma2 semaphore(%arg22 : memref<!tpu.dma_semaphore, #tpu.memory_space<semaphore_mem>>) src(%dma_wait3A_190 : memref<64x128xf32, #tpu.memory_space<vmem>>) dst(%dma_wait3A_186 : memref<64x128xf32, #tpu.memory_space<vmem_shared>>)
    %mul3A_191 = arith.constant 640 : i32
    %mul3A_192 = arith.muli %arg1, %mul3A_191 : i32
    %add3A_193 = arith.constant 64 : i32
    %add3A_194 = arith.addi %mul3A_192, %add3A_193 : i32
    %dma_wait3A_195 = arith.constant 0 : i32
    %dma_wait3A_196 = arith.constant 0 : i32
    %dma_wait3A_197 = arith.constant 0 : i32
    %dma_wait3A_198 = tpu.memref_slice %arg8[%dma_wait3A_195, %dma_wait3A_196, %dma_wait3A_197] : memref<4x64x128xf32, #tpu.memory_space<vmem>> -> memref<1x64x128xf32, #tpu.memory_space<vmem>>
    %dma_wait3A_199 = tpu.memref_squeeze %dma_wait3A_198 : memref<1x64x128xf32, #tpu.memory_space<vmem>> -> memref<64x128xf32, #tpu.memory_space<vmem>>
    %dma_wait3A_200 = arith.constant 0 : i32
    %dma_wait3A_201 = tpu.memref_slice %arg9[%add3A_194, %dma_wait3A_200] : memref<10240x128xf32, #tpu.memory_space<vmem_shared>> -> memref<64x128xf32, #tpu.memory_space<vmem_shared>>
    %dma_wait3A_202 = arith.constant 0 : i32
    %dma_wait3A_203 = tpu.memref_slice %arg9[%add3A_194, %dma_wait3A_202] : memref<10240x128xf32, #tpu.memory_space<vmem_shared>> -> memref<64x128xf32, #tpu.memory_space<vmem_shared>>
    %dma_wait3A_204 = arith.constant 0 : i32
    %dma_wait3A_205 = arith.constant 0 : i32
    %dma_wait3A_206 = tpu.memref_slice %arg8[%dma_wait3A_195, %dma_wait3A_204, %dma_wait3A_205] : memref<4x64x128xf32, #tpu.memory_space<vmem>> -> memref<1x64x128xf32, #tpu.memory_space<vmem>>
    %dma_wait3A_207 = tpu.memref_squeeze %dma_wait3A_206 : memref<1x64x128xf32, #tpu.memory_space<vmem>> -> memref<64x128xf32, #tpu.memory_space<vmem>>
    tpu.wait_dma2 semaphore(%arg22 : memref<!tpu.dma_semaphore, #tpu.memory_space<semaphore_mem>>) src(%dma_wait3A_207 : memref<64x128xf32, #tpu.memory_space<vmem>>) dst(%dma_wait3A_203 : memref<64x128xf32, #tpu.memory_space<vmem_shared>>)
    %mul3A_208 = arith.constant 640 : i32
    %mul3A_209 = arith.muli %arg1, %mul3A_208 : i32
    %add3A_210 = arith.constant 128 : i32
    %add3A_211 = arith.addi %mul3A_209, %add3A_210 : i32
    %dma_wait3A_212 = arith.constant 0 : i32
    %dma_wait3A_213 = arith.constant 0 : i32
    %dma_wait3A_214 = arith.constant 0 : i32
    %dma_wait3A_215 = tpu.memref_slice %arg8[%dma_wait3A_212, %dma_wait3A_213, %dma_wait3A_214] : memref<4x64x128xf32, #tpu.memory_space<vmem>> -> memref<1x64x128xf32, #tpu.memory_space<vmem>>
    %dma_wait3A_216 = tpu.memref_squeeze %dma_wait3A_215 : memref<1x64x128xf32, #tpu.memory_space<vmem>> -> memref<64x128xf32, #tpu.memory_space<vmem>>
    %dma_wait3A_217 = arith.constant 0 : i32
    %dma_wait3A_218 = tpu.memref_slice %arg9[%add3A_211, %dma_wait3A_217] : memref<10240x128xf32, #tpu.memory_space<vmem_shared>> -> memref<64x128xf32, #tpu.memory_space<vmem_shared>>
    %dma_wait3A_219 = arith.constant 0 : i32
    %dma_wait3A_220 = tpu.memref_slice %arg9[%add3A_211, %dma_wait3A_219] : memref<10240x128xf32, #tpu.memory_space<vmem_shared>> -> memref<64x128xf32, #tpu.memory_space<vmem_shared>>
    %dma_wait3A_221 = arith.constant 0 : i32
    %dma_wait3A_222 = arith.constant 0 : i32
    %dma_wait3A_223 = tpu.memref_slice %arg8[%dma_wait3A_212, %dma_wait3A_221, %dma_wait3A_222] : memref<4x64x128xf32, #tpu.memory_space<vmem>> -> memref<1x64x128xf32, #tpu.memory_space<vmem>>
    %dma_wait3A_224 = tpu.memref_squeeze %dma_wait3A_223 : memref<1x64x128xf32, #tpu.memory_space<vmem>> -> memref<64x128xf32, #tpu.memory_space<vmem>>
    tpu.wait_dma2 semaphore(%arg22 : memref<!tpu.dma_semaphore, #tpu.memory_space<semaphore_mem>>) src(%dma_wait3A_224 : memref<64x128xf32, #tpu.memory_space<vmem>>) dst(%dma_wait3A_220 : memref<64x128xf32, #tpu.memory_space<vmem_shared>>)
    %mul3A_225 = arith.constant 640 : i32
    %mul3A_226 = arith.muli %arg1, %mul3A_225 : i32
    %add3A_227 = arith.constant 192 : i32
    %add3A_228 = arith.addi %mul3A_226, %add3A_227 : i32
    %dma_wait3A_229 = arith.constant 0 : i32
    %dma_wait3A_230 = arith.constant 0 : i32
    %dma_wait3A_231 = arith.constant 0 : i32
    %dma_wait3A_232 = tpu.memref_slice %arg8[%dma_wait3A_229, %dma_wait3A_230, %dma_wait3A_231] : memref<4x64x128xf32, #tpu.memory_space<vmem>> -> memref<1x64x128xf32, #tpu.memory_space<vmem>>
    %dma_wait3A_233 = tpu.memref_squeeze %dma_wait3A_232 : memref<1x64x128xf32, #tpu.memory_space<vmem>> -> memref<64x128xf32, #tpu.memory_space<vmem>>
    %dma_wait3A_234 = arith.constant 0 : i32
    %dma_wait3A_235 = tpu.memref_slice %arg9[%add3A_228, %dma_wait3A_234] : memref<10240x128xf32, #tpu.memory_space<vmem_shared>> -> memref<64x128xf32, #tpu.memory_space<vmem_shared>>
    %dma_wait3A_236 = arith.constant 0 : i32
    %dma_wait3A_237 = tpu.memref_slice %arg9[%add3A_228, %dma_wait3A_236] : memref<10240x128xf32, #tpu.memory_space<vmem_shared>> -> memref<64x128xf32, #tpu.memory_space<vmem_shared>>
    %dma_wait3A_238 = arith.constant 0 : i32
    %dma_wait3A_239 = arith.constant 0 : i32
    %dma_wait3A_240 = tpu.memref_slice %arg8[%dma_wait3A_229, %dma_wait3A_238, %dma_wait3A_239] : memref<4x64x128xf32, #tpu.memory_space<vmem>> -> memref<1x64x128xf32, #tpu.memory_space<vmem>>
    %dma_wait3A_241 = tpu.memref_squeeze %dma_wait3A_240 : memref<1x64x128xf32, #tpu.memory_space<vmem>> -> memref<64x128xf32, #tpu.memory_space<vmem>>
    tpu.wait_dma2 semaphore(%arg22 : memref<!tpu.dma_semaphore, #tpu.memory_space<semaphore_mem>>) src(%dma_wait3A_241 : memref<64x128xf32, #tpu.memory_space<vmem>>) dst(%dma_wait3A_237 : memref<64x128xf32, #tpu.memory_space<vmem_shared>>)
    %mul3A_242 = arith.constant 640 : i32
    %mul3A_243 = arith.muli %arg1, %mul3A_242 : i32
    %add3A_244 = arith.constant 256 : i32
    %add3A_245 = arith.addi %mul3A_243, %add3A_244 : i32
    %dma_wait3A_246 = arith.constant 0 : i32
    %dma_wait3A_247 = arith.constant 0 : i32
    %dma_wait3A_248 = arith.constant 0 : i32
    %dma_wait3A_249 = tpu.memref_slice %arg8[%dma_wait3A_246, %dma_wait3A_247, %dma_wait3A_248] : memref<4x64x128xf32, #tpu.memory_space<vmem>> -> memref<1x64x128xf32, #tpu.memory_space<vmem>>
    %dma_wait3A_250 = tpu.memref_squeeze %dma_wait3A_249 : memref<1x64x128xf32, #tpu.memory_space<vmem>> -> memref<64x128xf32, #tpu.memory_space<vmem>>
    %dma_wait3A_251 = arith.constant 0 : i32
    %dma_wait3A_252 = tpu.memref_slice %arg9[%add3A_245, %dma_wait3A_251] : memref<10240x128xf32, #tpu.memory_space<vmem_shared>> -> memref<64x128xf32, #tpu.memory_space<vmem_shared>>
    %dma_wait3A_253 = arith.constant 0 : i32
    %dma_wait3A_254 = tpu.memref_slice %arg9[%add3A_245, %dma_wait3A_253] : memref<10240x128xf32, #tpu.memory_space<vmem_shared>> -> memref<64x128xf32, #tpu.memory_space<vmem_shared>>
    %dma_wait3A_255 = arith.constant 0 : i32
    %dma_wait3A_256 = arith.constant 0 : i32
    %dma_wait3A_257 = tpu.memref_slice %arg8[%dma_wait3A_246, %dma_wait3A_255, %dma_wait3A_256] : memref<4x64x128xf32, #tpu.memory_space<vmem>> -> memref<1x64x128xf32, #tpu.memory_space<vmem>>
    %dma_wait3A_258 = tpu.memref_squeeze %dma_wait3A_257 : memref<1x64x128xf32, #tpu.memory_space<vmem>> -> memref<64x128xf32, #tpu.memory_space<vmem>>
    tpu.wait_dma2 semaphore(%arg22 : memref<!tpu.dma_semaphore, #tpu.memory_space<semaphore_mem>>) src(%dma_wait3A_258 : memref<64x128xf32, #tpu.memory_space<vmem>>) dst(%dma_wait3A_254 : memref<64x128xf32, #tpu.memory_space<vmem_shared>>)
    %mul3A_259 = arith.constant 640 : i32
    %mul3A_260 = arith.muli %arg1, %mul3A_259 : i32
    %add3A_261 = arith.constant 320 : i32
    %add3A_262 = arith.addi %mul3A_260, %add3A_261 : i32
    %dma_wait3A_263 = arith.constant 0 : i32
    %dma_wait3A_264 = arith.constant 0 : i32
    %dma_wait3A_265 = arith.constant 0 : i32
    %dma_wait3A_266 = tpu.memref_slice %arg8[%dma_wait3A_263, %dma_wait3A_264, %dma_wait3A_265] : memref<4x64x128xf32, #tpu.memory_space<vmem>> -> memref<1x64x128xf32, #tpu.memory_space<vmem>>
    %dma_wait3A_267 = tpu.memref_squeeze %dma_wait3A_266 : memref<1x64x128xf32, #tpu.memory_space<vmem>> -> memref<64x128xf32, #tpu.memory_space<vmem>>
    %dma_wait3A_268 = arith.constant 0 : i32
    %dma_wait3A_269 = tpu.memref_slice %arg9[%add3A_262, %dma_wait3A_268] : memref<10240x128xf32, #tpu.memory_space<vmem_shared>> -> memref<64x128xf32, #tpu.memory_space<vmem_shared>>
    %dma_wait3A_270 = arith.constant 0 : i32
    %dma_wait3A_271 = tpu.memref_slice %arg9[%add3A_262, %dma_wait3A_270] : memref<10240x128xf32, #tpu.memory_space<vmem_shared>> -> memref<64x128xf32, #tpu.memory_space<vmem_shared>>
    %dma_wait3A_272 = arith.constant 0 : i32
    %dma_wait3A_273 = arith.constant 0 : i32
    %dma_wait3A_274 = tpu.memref_slice %arg8[%dma_wait3A_263, %dma_wait3A_272, %dma_wait3A_273] : memref<4x64x128xf32, #tpu.memory_space<vmem>> -> memref<1x64x128xf32, #tpu.memory_space<vmem>>
    %dma_wait3A_275 = tpu.memref_squeeze %dma_wait3A_274 : memref<1x64x128xf32, #tpu.memory_space<vmem>> -> memref<64x128xf32, #tpu.memory_space<vmem>>
    tpu.wait_dma2 semaphore(%arg22 : memref<!tpu.dma_semaphore, #tpu.memory_space<semaphore_mem>>) src(%dma_wait3A_275 : memref<64x128xf32, #tpu.memory_space<vmem>>) dst(%dma_wait3A_271 : memref<64x128xf32, #tpu.memory_space<vmem_shared>>)
    %mul3A_276 = arith.constant 640 : i32
    %mul3A_277 = arith.muli %arg1, %mul3A_276 : i32
    %add3A_278 = arith.constant 384 : i32
    %add3A_279 = arith.addi %mul3A_277, %add3A_278 : i32
    %dma_wait3A_280 = arith.constant 0 : i32
    %dma_wait3A_281 = arith.constant 0 : i32
    %dma_wait3A_282 = arith.constant 0 : i32
    %dma_wait3A_283 = tpu.memref_slice %arg8[%dma_wait3A_280, %dma_wait3A_281, %dma_wait3A_282] : memref<4x64x128xf32, #tpu.memory_space<vmem>> -> memref<1x64x128xf32, #tpu.memory_space<vmem>>
    %dma_wait3A_284 = tpu.memref_squeeze %dma_wait3A_283 : memref<1x64x128xf32, #tpu.memory_space<vmem>> -> memref<64x128xf32, #tpu.memory_space<vmem>>
    %dma_wait3A_285 = arith.constant 0 : i32
    %dma_wait3A_286 = tpu.memref_slice %arg9[%add3A_279, %dma_wait3A_285] : memref<10240x128xf32, #tpu.memory_space<vmem_shared>> -> memref<64x128xf32, #tpu.memory_space<vmem_shared>>
    %dma_wait3A_287 = arith.constant 0 : i32
    %dma_wait3A_288 = tpu.memref_slice %arg9[%add3A_279, %dma_wait3A_287] : memref<10240x128xf32, #tpu.memory_space<vmem_shared>> -> memref<64x128xf32, #tpu.memory_space<vmem_shared>>
    %dma_wait3A_289 = arith.constant 0 : i32
    %dma_wait3A_290 = arith.constant 0 : i32
    %dma_wait3A_291 = tpu.memref_slice %arg8[%dma_wait3A_280, %dma_wait3A_289, %dma_wait3A_290] : memref<4x64x128xf32, #tpu.memory_space<vmem>> -> memref<1x64x128xf32, #tpu.memory_space<vmem>>
    %dma_wait3A_292 = tpu.memref_squeeze %dma_wait3A_291 : memref<1x64x128xf32, #tpu.memory_space<vmem>> -> memref<64x128xf32, #tpu.memory_space<vmem>>
    tpu.wait_dma2 semaphore(%arg22 : memref<!tpu.dma_semaphore, #tpu.memory_space<semaphore_mem>>) src(%dma_wait3A_292 : memref<64x128xf32, #tpu.memory_space<vmem>>) dst(%dma_wait3A_288 : memref<64x128xf32, #tpu.memory_space<vmem_shared>>)
    %mul3A_293 = arith.constant 640 : i32
    %mul3A_294 = arith.muli %arg1, %mul3A_293 : i32
    %add3A_295 = arith.constant 448 : i32
    %add3A_296 = arith.addi %mul3A_294, %add3A_295 : i32
    %dma_wait3A_297 = arith.constant 0 : i32
    %dma_wait3A_298 = arith.constant 0 : i32
    %dma_wait3A_299 = arith.constant 0 : i32
    %dma_wait3A_300 = tpu.memref_slice %arg8[%dma_wait3A_297, %dma_wait3A_298, %dma_wait3A_299] : memref<4x64x128xf32, #tpu.memory_space<vmem>> -> memref<1x64x128xf32, #tpu.memory_space<vmem>>
    %dma_wait3A_301 = tpu.memref_squeeze %dma_wait3A_300 : memref<1x64x128xf32, #tpu.memory_space<vmem>> -> memref<64x128xf32, #tpu.memory_space<vmem>>
    %dma_wait3A_302 = arith.constant 0 : i32
    %dma_wait3A_303 = tpu.memref_slice %arg9[%add3A_296, %dma_wait3A_302] : memref<10240x128xf32, #tpu.memory_space<vmem_shared>> -> memref<64x128xf32, #tpu.memory_space<vmem_shared>>
    %dma_wait3A_304 = arith.constant 0 : i32
    %dma_wait3A_305 = tpu.memref_slice %arg9[%add3A_296, %dma_wait3A_304] : memref<10240x128xf32, #tpu.memory_space<vmem_shared>> -> memref<64x128xf32, #tpu.memory_space<vmem_shared>>
    %dma_wait3A_306 = arith.constant 0 : i32
    %dma_wait3A_307 = arith.constant 0 : i32
    %dma_wait3A_308 = tpu.memref_slice %arg8[%dma_wait3A_297, %dma_wait3A_306, %dma_wait3A_307] : memref<4x64x128xf32, #tpu.memory_space<vmem>> -> memref<1x64x128xf32, #tpu.memory_space<vmem>>
    %dma_wait3A_309 = tpu.memref_squeeze %dma_wait3A_308 : memref<1x64x128xf32, #tpu.memory_space<vmem>> -> memref<64x128xf32, #tpu.memory_space<vmem>>
    tpu.wait_dma2 semaphore(%arg22 : memref<!tpu.dma_semaphore, #tpu.memory_space<semaphore_mem>>) src(%dma_wait3A_309 : memref<64x128xf32, #tpu.memory_space<vmem>>) dst(%dma_wait3A_305 : memref<64x128xf32, #tpu.memory_space<vmem_shared>>)
    %mul3A_310 = arith.constant 640 : i32
    %mul3A_311 = arith.muli %arg1, %mul3A_310 : i32
    %add3A_312 = arith.constant 512 : i32
    %add3A_313 = arith.addi %mul3A_311, %add3A_312 : i32
    %dma_wait3A_314 = arith.constant 0 : i32
    %dma_wait3A_315 = arith.constant 0 : i32
    %dma_wait3A_316 = arith.constant 0 : i32
    %dma_wait3A_317 = tpu.memref_slice %arg8[%dma_wait3A_314, %dma_wait3A_315, %dma_wait3A_316] : memref<4x64x128xf32, #tpu.memory_space<vmem>> -> memref<1x64x128xf32, #tpu.memory_space<vmem>>
    %dma_wait3A_318 = tpu.memref_squeeze %dma_wait3A_317 : memref<1x64x128xf32, #tpu.memory_space<vmem>> -> memref<64x128xf32, #tpu.memory_space<vmem>>
    %dma_wait3A_319 = arith.constant 0 : i32
    %dma_wait3A_320 = tpu.memref_slice %arg9[%add3A_313, %dma_wait3A_319] : memref<10240x128xf32, #tpu.memory_space<vmem_shared>> -> memref<64x128xf32, #tpu.memory_space<vmem_shared>>
    %dma_wait3A_321 = arith.constant 0 : i32
    %dma_wait3A_322 = tpu.memref_slice %arg9[%add3A_313, %dma_wait3A_321] : memref<10240x128xf32, #tpu.memory_space<vmem_shared>> -> memref<64x128xf32, #tpu.memory_space<vmem_shared>>
    %dma_wait3A_323 = arith.constant 0 : i32
    %dma_wait3A_324 = arith.constant 0 : i32
    %dma_wait3A_325 = tpu.memref_slice %arg8[%dma_wait3A_314, %dma_wait3A_323, %dma_wait3A_324] : memref<4x64x128xf32, #tpu.memory_space<vmem>> -> memref<1x64x128xf32, #tpu.memory_space<vmem>>
    %dma_wait3A_326 = tpu.memref_squeeze %dma_wait3A_325 : memref<1x64x128xf32, #tpu.memory_space<vmem>> -> memref<64x128xf32, #tpu.memory_space<vmem>>
    tpu.wait_dma2 semaphore(%arg22 : memref<!tpu.dma_semaphore, #tpu.memory_space<semaphore_mem>>) src(%dma_wait3A_326 : memref<64x128xf32, #tpu.memory_space<vmem>>) dst(%dma_wait3A_322 : memref<64x128xf32, #tpu.memory_space<vmem_shared>>)
    %mul3A_327 = arith.constant 640 : i32
    %mul3A_328 = arith.muli %arg1, %mul3A_327 : i32
    %add3A_329 = arith.constant 576 : i32
    %add3A_330 = arith.addi %mul3A_328, %add3A_329 : i32
    %dma_wait3A_331 = arith.constant 0 : i32
    %dma_wait3A_332 = arith.constant 0 : i32
    %dma_wait3A_333 = arith.constant 0 : i32
    %dma_wait3A_334 = tpu.memref_slice %arg8[%dma_wait3A_331, %dma_wait3A_332, %dma_wait3A_333] : memref<4x64x128xf32, #tpu.memory_space<vmem>> -> memref<1x64x128xf32, #tpu.memory_space<vmem>>
    %dma_wait3A_335 = tpu.memref_squeeze %dma_wait3A_334 : memref<1x64x128xf32, #tpu.memory_space<vmem>> -> memref<64x128xf32, #tpu.memory_space<vmem>>
    %dma_wait3A_336 = arith.constant 0 : i32
    %dma_wait3A_337 = tpu.memref_slice %arg9[%add3A_330, %dma_wait3A_336] : memref<10240x128xf32, #tpu.memory_space<vmem_shared>> -> memref<64x128xf32, #tpu.memory_space<vmem_shared>>
    %dma_wait3A_338 = arith.constant 0 : i32
    %dma_wait3A_339 = tpu.memref_slice %arg9[%add3A_330, %dma_wait3A_338] : memref<10240x128xf32, #tpu.memory_space<vmem_shared>> -> memref<64x128xf32, #tpu.memory_space<vmem_shared>>
    %dma_wait3A_340 = arith.constant 0 : i32
    %dma_wait3A_341 = arith.constant 0 : i32
    %dma_wait3A_342 = tpu.memref_slice %arg8[%dma_wait3A_331, %dma_wait3A_340, %dma_wait3A_341] : memref<4x64x128xf32, #tpu.memory_space<vmem>> -> memref<1x64x128xf32, #tpu.memory_space<vmem>>
    %dma_wait3A_343 = tpu.memref_squeeze %dma_wait3A_342 : memref<1x64x128xf32, #tpu.memory_space<vmem>> -> memref<64x128xf32, #tpu.memory_space<vmem>>
    tpu.wait_dma2 semaphore(%arg22 : memref<!tpu.dma_semaphore, #tpu.memory_space<semaphore_mem>>) src(%dma_wait3A_343 : memref<64x128xf32, #tpu.memory_space<vmem>>) dst(%dma_wait3A_339 : memref<64x128xf32, #tpu.memory_space<vmem_shared>>)
    %barrier3A = arith.constant 0 : index
    tpu.barrier barrier_id(%barrier3A)
    %mul3A_344 = arith.constant 10240 : i32
    %mul3A_345 = arith.muli %add3A, %mul3A_344 : i32
    %add3A_346 = arith.constant 0 : i32
    %add3A_347 = arith.addi %mul3A_345, %add3A_346 : i32
    %dma_start3A_348 = arith.constant 0 : i32
    %dma_start3A_349 = arith.constant 0 : i32
    %dma_start3A_350 = tpu.memref_slice %arg6[%dma_start3A_348, %dma_start3A_349] : memref<4x64xi32, #tpu.memory_space<vmem>> -> memref<1x64xi32, #tpu.memory_space<vmem>>
    %dma_start3A_351 = tpu.memref_squeeze %dma_start3A_350 : memref<1x64xi32, #tpu.memory_space<vmem>> -> memref<64xi32, #tpu.memory_space<vmem>>
    %dma_start3A_352 = tpu.memref_slice %arg3[%add3A_347] : memref<327680xi32, #tpu.memory_space<hbm>> -> memref<64xi32, #tpu.memory_space<hbm>>
    %dma_start3A_353 = arith.constant 0 : i32
    %dma_start3A_354 = tpu.memref_slice %arg6[%dma_start3A_348, %dma_start3A_353] : memref<4x64xi32, #tpu.memory_space<vmem>> -> memref<1x64xi32, #tpu.memory_space<vmem>>
    %dma_start3A_355 = tpu.memref_squeeze %dma_start3A_354 : memref<1x64xi32, #tpu.memory_space<vmem>> -> memref<64xi32, #tpu.memory_space<vmem>>
    %dma_start3A_356 = tpu.memref_slice %arg3[%add3A_347] : memref<327680xi32, #tpu.memory_space<hbm>> -> memref<64xi32, #tpu.memory_space<hbm>>
    tpu.enqueue_dma source(%dma_start3A_356 : memref<64xi32, #tpu.memory_space<hbm>>) target(%dma_start3A_355 : memref<64xi32, #tpu.memory_space<vmem>>) target_semaphore(%arg10 : memref<!tpu.dma_semaphore, #tpu.memory_space<semaphore_mem>>)
    %add3A_357 = arith.constant 0 : i32
    %add3A_358 = arith.addi %mul3A_345, %add3A_357 : i32
    %dma_start3A_359 = arith.constant 0 : i32
    %dma_start3A_360 = arith.constant 0 : i32
    %dma_start3A_361 = tpu.memref_slice %arg7[%dma_start3A_359, %dma_start3A_360] : memref<4x64xi32, #tpu.memory_space<vmem>> -> memref<1x64xi32, #tpu.memory_space<vmem>>
    %dma_start3A_362 = tpu.memref_squeeze %dma_start3A_361 : memref<1x64xi32, #tpu.memory_space<vmem>> -> memref<64xi32, #tpu.memory_space<vmem>>
    %dma_start3A_363 = tpu.memref_slice %arg4[%add3A_358] : memref<327680xi32, #tpu.memory_space<hbm>> -> memref<64xi32, #tpu.memory_space<hbm>>
    %dma_start3A_364 = arith.constant 0 : i32
    %dma_start3A_365 = tpu.memref_slice %arg7[%dma_start3A_359, %dma_start3A_364] : memref<4x64xi32, #tpu.memory_space<vmem>> -> memref<1x64xi32, #tpu.memory_space<vmem>>
    %dma_start3A_366 = tpu.memref_squeeze %dma_start3A_365 : memref<1x64xi32, #tpu.memory_space<vmem>> -> memref<64xi32, #tpu.memory_space<vmem>>
    %dma_start3A_367 = tpu.memref_slice %arg4[%add3A_358] : memref<327680xi32, #tpu.memory_space<hbm>> -> memref<64xi32, #tpu.memory_space<hbm>>
    tpu.enqueue_dma source(%dma_start3A_367 : memref<64xi32, #tpu.memory_space<hbm>>) target(%dma_start3A_366 : memref<64xi32, #tpu.memory_space<vmem>>) target_semaphore(%arg10 : memref<!tpu.dma_semaphore, #tpu.memory_space<semaphore_mem>>)
    %add3A_368 = arith.constant 64 : i32
    %add3A_369 = arith.addi %mul3A_345, %add3A_368 : i32
    %dma_start3A_370 = arith.constant 1 : i32
    %dma_start3A_371 = arith.constant 0 : i32
    %dma_start3A_372 = tpu.memref_slice %arg6[%dma_start3A_370, %dma_start3A_371] : memref<4x64xi32, #tpu.memory_space<vmem>> -> memref<1x64xi32, #tpu.memory_space<vmem>>
    %dma_start3A_373 = tpu.memref_squeeze %dma_start3A_372 : memref<1x64xi32, #tpu.memory_space<vmem>> -> memref<64xi32, #tpu.memory_space<vmem>>
    %dma_start3A_374 = tpu.memref_slice %arg3[%add3A_369] : memref<327680xi32, #tpu.memory_space<hbm>> -> memref<64xi32, #tpu.memory_space<hbm>>
    %dma_start3A_375 = arith.constant 0 : i32
    %dma_start3A_376 = tpu.memref_slice %arg6[%dma_start3A_370, %dma_start3A_375] : memref<4x64xi32, #tpu.memory_space<vmem>> -> memref<1x64xi32, #tpu.memory_space<vmem>>
    %dma_start3A_377 = tpu.memref_squeeze %dma_start3A_376 : memref<1x64xi32, #tpu.memory_space<vmem>> -> memref<64xi32, #tpu.memory_space<vmem>>
    %dma_start3A_378 = tpu.memref_slice %arg3[%add3A_369] : memref<327680xi32, #tpu.memory_space<hbm>> -> memref<64xi32, #tpu.memory_space<hbm>>
    tpu.enqueue_dma source(%dma_start3A_378 : memref<64xi32, #tpu.memory_space<hbm>>) target(%dma_start3A_377 : memref<64xi32, #tpu.memory_space<vmem>>) target_semaphore(%arg11 : memref<!tpu.dma_semaphore, #tpu.memory_space<semaphore_mem>>)
    %add3A_379 = arith.constant 64 : i32
    %add3A_380 = arith.addi %mul3A_345, %add3A_379 : i32
    %dma_start3A_381 = arith.constant 1 : i32
    %dma_start3A_382 = arith.constant 0 : i32
    %dma_start3A_383 = tpu.memref_slice %arg7[%dma_start3A_381, %dma_start3A_382] : memref<4x64xi32, #tpu.memory_space<vmem>> -> memref<1x64xi32, #tpu.memory_space<vmem>>
    %dma_start3A_384 = tpu.memref_squeeze %dma_start3A_383 : memref<1x64xi32, #tpu.memory_space<vmem>> -> memref<64xi32, #tpu.memory_space<vmem>>
    %dma_start3A_385 = tpu.memref_slice %arg4[%add3A_380] : memref<327680xi32, #tpu.memory_space<hbm>> -> memref<64xi32, #tpu.memory_space<hbm>>
    %dma_start3A_386 = arith.constant 0 : i32
    %dma_start3A_387 = tpu.memref_slice %arg7[%dma_start3A_381, %dma_start3A_386] : memref<4x64xi32, #tpu.memory_space<vmem>> -> memref<1x64xi32, #tpu.memory_space<vmem>>
    %dma_start3A_388 = tpu.memref_squeeze %dma_start3A_387 : memref<1x64xi32, #tpu.memory_space<vmem>> -> memref<64xi32, #tpu.memory_space<vmem>>
    %dma_start3A_389 = tpu.memref_slice %arg4[%add3A_380] : memref<327680xi32, #tpu.memory_space<hbm>> -> memref<64xi32, #tpu.memory_space<hbm>>
    tpu.enqueue_dma source(%dma_start3A_389 : memref<64xi32, #tpu.memory_space<hbm>>) target(%dma_start3A_388 : memref<64xi32, #tpu.memory_space<vmem>>) target_semaphore(%arg11 : memref<!tpu.dma_semaphore, #tpu.memory_space<semaphore_mem>>)
    %add3A_390 = arith.constant 128 : i32
    %add3A_391 = arith.addi %mul3A_345, %add3A_390 : i32
    %dma_start3A_392 = arith.constant 2 : i32
    %dma_start3A_393 = arith.constant 0 : i32
    %dma_start3A_394 = tpu.memref_slice %arg6[%dma_start3A_392, %dma_start3A_393] : memref<4x64xi32, #tpu.memory_space<vmem>> -> memref<1x64xi32, #tpu.memory_space<vmem>>
    %dma_start3A_395 = tpu.memref_squeeze %dma_start3A_394 : memref<1x64xi32, #tpu.memory_space<vmem>> -> memref<64xi32, #tpu.memory_space<vmem>>
    %dma_start3A_396 = tpu.memref_slice %arg3[%add3A_391] : memref<327680xi32, #tpu.memory_space<hbm>> -> memref<64xi32, #tpu.memory_space<hbm>>
    %dma_start3A_397 = arith.constant 0 : i32
    %dma_start3A_398 = tpu.memref_slice %arg6[%dma_start3A_392, %dma_start3A_397] : memref<4x64xi32, #tpu.memory_space<vmem>> -> memref<1x64xi32, #tpu.memory_space<vmem>>
    %dma_start3A_399 = tpu.memref_squeeze %dma_start3A_398 : memref<1x64xi32, #tpu.memory_space<vmem>> -> memref<64xi32, #tpu.memory_space<vmem>>
    %dma_start3A_400 = tpu.memref_slice %arg3[%add3A_391] : memref<327680xi32, #tpu.memory_space<hbm>> -> memref<64xi32, #tpu.memory_space<hbm>>
    tpu.enqueue_dma source(%dma_start3A_400 : memref<64xi32, #tpu.memory_space<hbm>>) target(%dma_start3A_399 : memref<64xi32, #tpu.memory_space<vmem>>) target_semaphore(%arg12 : memref<!tpu.dma_semaphore, #tpu.memory_space<semaphore_mem>>)
    %add3A_401 = arith.constant 128 : i32
    %add3A_402 = arith.addi %mul3A_345, %add3A_401 : i32
    %dma_start3A_403 = arith.constant 2 : i32
    %dma_start3A_404 = arith.constant 0 : i32
    %dma_start3A_405 = tpu.memref_slice %arg7[%dma_start3A_403, %dma_start3A_404] : memref<4x64xi32, #tpu.memory_space<vmem>> -> memref<1x64xi32, #tpu.memory_space<vmem>>
    %dma_start3A_406 = tpu.memref_squeeze %dma_start3A_405 : memref<1x64xi32, #tpu.memory_space<vmem>> -> memref<64xi32, #tpu.memory_space<vmem>>
    %dma_start3A_407 = tpu.memref_slice %arg4[%add3A_402] : memref<327680xi32, #tpu.memory_space<hbm>> -> memref<64xi32, #tpu.memory_space<hbm>>
    %dma_start3A_408 = arith.constant 0 : i32
    %dma_start3A_409 = tpu.memref_slice %arg7[%dma_start3A_403, %dma_start3A_408] : memref<4x64xi32, #tpu.memory_space<vmem>> -> memref<1x64xi32, #tpu.memory_space<vmem>>
    %dma_start3A_410 = tpu.memref_squeeze %dma_start3A_409 : memref<1x64xi32, #tpu.memory_space<vmem>> -> memref<64xi32, #tpu.memory_space<vmem>>
    %dma_start3A_411 = tpu.memref_slice %arg4[%add3A_402] : memref<327680xi32, #tpu.memory_space<hbm>> -> memref<64xi32, #tpu.memory_space<hbm>>
    tpu.enqueue_dma source(%dma_start3A_411 : memref<64xi32, #tpu.memory_space<hbm>>) target(%dma_start3A_410 : memref<64xi32, #tpu.memory_space<vmem>>) target_semaphore(%arg12 : memref<!tpu.dma_semaphore, #tpu.memory_space<semaphore_mem>>)
    %add3A_412 = arith.constant 192 : i32
    %add3A_413 = arith.addi %mul3A_345, %add3A_412 : i32
    %dma_start3A_414 = arith.constant 3 : i32
    %dma_start3A_415 = arith.constant 0 : i32
    %dma_start3A_416 = tpu.memref_slice %arg6[%dma_start3A_414, %dma_start3A_415] : memref<4x64xi32, #tpu.memory_space<vmem>> -> memref<1x64xi32, #tpu.memory_space<vmem>>
    %dma_start3A_417 = tpu.memref_squeeze %dma_start3A_416 : memref<1x64xi32, #tpu.memory_space<vmem>> -> memref<64xi32, #tpu.memory_space<vmem>>
    %dma_start3A_418 = tpu.memref_slice %arg3[%add3A_413] : memref<327680xi32, #tpu.memory_space<hbm>> -> memref<64xi32, #tpu.memory_space<hbm>>
    %dma_start3A_419 = arith.constant 0 : i32
    %dma_start3A_420 = tpu.memref_slice %arg6[%dma_start3A_414, %dma_start3A_419] : memref<4x64xi32, #tpu.memory_space<vmem>> -> memref<1x64xi32, #tpu.memory_space<vmem>>
    %dma_start3A_421 = tpu.memref_squeeze %dma_start3A_420 : memref<1x64xi32, #tpu.memory_space<vmem>> -> memref<64xi32, #tpu.memory_space<vmem>>
    %dma_start3A_422 = tpu.memref_slice %arg3[%add3A_413] : memref<327680xi32, #tpu.memory_space<hbm>> -> memref<64xi32, #tpu.memory_space<hbm>>
    tpu.enqueue_dma source(%dma_start3A_422 : memref<64xi32, #tpu.memory_space<hbm>>) target(%dma_start3A_421 : memref<64xi32, #tpu.memory_space<vmem>>) target_semaphore(%arg13 : memref<!tpu.dma_semaphore, #tpu.memory_space<semaphore_mem>>)
    %add3A_423 = arith.constant 192 : i32
    %add3A_424 = arith.addi %mul3A_345, %add3A_423 : i32
    %dma_start3A_425 = arith.constant 3 : i32
    %dma_start3A_426 = arith.constant 0 : i32
    %dma_start3A_427 = tpu.memref_slice %arg7[%dma_start3A_425, %dma_start3A_426] : memref<4x64xi32, #tpu.memory_space<vmem>> -> memref<1x64xi32, #tpu.memory_space<vmem>>
    %dma_start3A_428 = tpu.memref_squeeze %dma_start3A_427 : memref<1x64xi32, #tpu.memory_space<vmem>> -> memref<64xi32, #tpu.memory_space<vmem>>
    %dma_start3A_429 = tpu.memref_slice %arg4[%add3A_424] : memref<327680xi32, #tpu.memory_space<hbm>> -> memref<64xi32, #tpu.memory_space<hbm>>
    %dma_start3A_430 = arith.constant 0 : i32
    %dma_start3A_431 = tpu.memref_slice %arg7[%dma_start3A_425, %dma_start3A_430] : memref<4x64xi32, #tpu.memory_space<vmem>> -> memref<1x64xi32, #tpu.memory_space<vmem>>
    %dma_start3A_432 = tpu.memref_squeeze %dma_start3A_431 : memref<1x64xi32, #tpu.memory_space<vmem>> -> memref<64xi32, #tpu.memory_space<vmem>>
    %dma_start3A_433 = tpu.memref_slice %arg4[%add3A_424] : memref<327680xi32, #tpu.memory_space<hbm>> -> memref<64xi32, #tpu.memory_space<hbm>>
    tpu.enqueue_dma source(%dma_start3A_433 : memref<64xi32, #tpu.memory_space<hbm>>) target(%dma_start3A_432 : memref<64xi32, #tpu.memory_space<vmem>>) target_semaphore(%arg13 : memref<!tpu.dma_semaphore, #tpu.memory_space<semaphore_mem>>)
    %add3A_434 = arith.constant 0 : i32
    %add3A_435 = arith.addi %mul3A_345, %add3A_434 : i32
    %dma_wait3A_436 = arith.constant 0 : i32
    %dma_wait3A_437 = arith.constant 0 : i32
    %dma_wait3A_438 = tpu.memref_slice %arg6[%dma_wait3A_436, %dma_wait3A_437] : memref<4x64xi32, #tpu.memory_space<vmem>> -> memref<1x64xi32, #tpu.memory_space<vmem>>
    %dma_wait3A_439 = tpu.memref_squeeze %dma_wait3A_438 : memref<1x64xi32, #tpu.memory_space<vmem>> -> memref<64xi32, #tpu.memory_space<vmem>>
    %dma_wait3A_440 = tpu.memref_slice %arg3[%add3A_435] : memref<327680xi32, #tpu.memory_space<hbm>> -> memref<64xi32, #tpu.memory_space<hbm>>
    %dma_wait3A_441 = arith.constant 0 : i32
    %dma_wait3A_442 = tpu.memref_slice %arg6[%dma_wait3A_436, %dma_wait3A_441] : memref<4x64xi32, #tpu.memory_space<vmem>> -> memref<1x64xi32, #tpu.memory_space<vmem>>
    %dma_wait3A_443 = tpu.memref_squeeze %dma_wait3A_442 : memref<1x64xi32, #tpu.memory_space<vmem>> -> memref<64xi32, #tpu.memory_space<vmem>>
    %dma_wait3A_444 = tpu.memref_slice %arg3[%add3A_435] : memref<327680xi32, #tpu.memory_space<hbm>> -> memref<64xi32, #tpu.memory_space<hbm>>
    tpu.wait_dma2 semaphore(%arg10 : memref<!tpu.dma_semaphore, #tpu.memory_space<semaphore_mem>>) src(%dma_wait3A_444 : memref<64xi32, #tpu.memory_space<hbm>>) dst(%dma_wait3A_443 : memref<64xi32, #tpu.memory_space<vmem>>)
    %add3A_445 = arith.constant 0 : i32
    %add3A_446 = arith.addi %mul3A_345, %add3A_445 : i32
    %dma_wait3A_447 = arith.constant 0 : i32
    %dma_wait3A_448 = arith.constant 0 : i32
    %dma_wait3A_449 = tpu.memref_slice %arg7[%dma_wait3A_447, %dma_wait3A_448] : memref<4x64xi32, #tpu.memory_space<vmem>> -> memref<1x64xi32, #tpu.memory_space<vmem>>
    %dma_wait3A_450 = tpu.memref_squeeze %dma_wait3A_449 : memref<1x64xi32, #tpu.memory_space<vmem>> -> memref<64xi32, #tpu.memory_space<vmem>>
    %dma_wait3A_451 = tpu.memref_slice %arg4[%add3A_446] : memref<327680xi32, #tpu.memory_space<hbm>> -> memref<64xi32, #tpu.memory_space<hbm>>
    %dma_wait3A_452 = arith.constant 0 : i32
    %dma_wait3A_453 = tpu.memref_slice %arg7[%dma_wait3A_447, %dma_wait3A_452] : memref<4x64xi32, #tpu.memory_space<vmem>> -> memref<1x64xi32, #tpu.memory_space<vmem>>
    %dma_wait3A_454 = tpu.memref_squeeze %dma_wait3A_453 : memref<1x64xi32, #tpu.memory_space<vmem>> -> memref<64xi32, #tpu.memory_space<vmem>>
    %dma_wait3A_455 = tpu.memref_slice %arg4[%add3A_446] : memref<327680xi32, #tpu.memory_space<hbm>> -> memref<64xi32, #tpu.memory_space<hbm>>
    tpu.wait_dma2 semaphore(%arg10 : memref<!tpu.dma_semaphore, #tpu.memory_space<semaphore_mem>>) src(%dma_wait3A_455 : memref<64xi32, #tpu.memory_space<hbm>>) dst(%dma_wait3A_454 : memref<64xi32, #tpu.memory_space<vmem>>)
    %dma_start3A_456 = arith.constant 0 : i32
    %dma_start3A_457 = arith.constant 0 : i32
    %dma_start3A_458 = arith.constant 0 : i32
    %dma_start3A_459 = arith.constant 0 : i32
    %dma_start3A_460 = tpu.memref_slice %arg8[%dma_start3A_457, %dma_start3A_458, %dma_start3A_459] : memref<4x64x128xf32, #tpu.memory_space<vmem>> -> memref<1x64x128xf32, #tpu.memory_space<vmem>>
    %dma_start3A_461 = tpu.memref_squeeze %dma_start3A_460 : memref<1x64x128xf32, #tpu.memory_space<vmem>> -> memref<64x128xf32, #tpu.memory_space<vmem>>
    %dma_start3A_462 = arith.constant 0 : i32
    %dma_start3A_463 = tpu.memref_slice %arg6[%dma_start3A_456, %dma_start3A_462] : memref<4x64xi32, #tpu.memory_space<vmem>> -> memref<1x64xi32, #tpu.memory_space<vmem>>
    %dma_start3A_464 = tpu.memref_squeeze %dma_start3A_463 : memref<1x64xi32, #tpu.memory_space<vmem>> -> memref<64xi32, #tpu.memory_space<vmem>>
    %dma_start3A_465 = arith.constant 0 : i32
    %dma_start3A_466 = arith.constant 0 : i32
    %dma_start3A_467 = tpu.memref_slice %arg2[%dma_start3A_465, %dma_start3A_466] : memref<10000x128xf32, #tpu.memory_space<hbm>> -> memref<10000x128xf32, #tpu.memory_space<hbm>>
    tpu.enqueue_indirect_dma source(%dma_start3A_467 : memref<10000x128xf32, #tpu.memory_space<hbm>>) target(%dma_start3A_461 : memref<64x128xf32, #tpu.memory_space<vmem>>) offsets(%dma_start3A_464 : memref<64xi32, #tpu.memory_space<vmem>>) semaphore(%arg14 : memref<!tpu.dma_semaphore, #tpu.memory_space<semaphore_mem>>)
    %add3A_468 = arith.constant 64 : i32
    %add3A_469 = arith.addi %mul3A_345, %add3A_468 : i32
    %dma_wait3A_470 = arith.constant 1 : i32
    %dma_wait3A_471 = arith.constant 0 : i32
    %dma_wait3A_472 = tpu.memref_slice %arg6[%dma_wait3A_470, %dma_wait3A_471] : memref<4x64xi32, #tpu.memory_space<vmem>> -> memref<1x64xi32, #tpu.memory_space<vmem>>
    %dma_wait3A_473 = tpu.memref_squeeze %dma_wait3A_472 : memref<1x64xi32, #tpu.memory_space<vmem>> -> memref<64xi32, #tpu.memory_space<vmem>>
    %dma_wait3A_474 = tpu.memref_slice %arg3[%add3A_469] : memref<327680xi32, #tpu.memory_space<hbm>> -> memref<64xi32, #tpu.memory_space<hbm>>
    %dma_wait3A_475 = arith.constant 0 : i32
    %dma_wait3A_476 = tpu.memref_slice %arg6[%dma_wait3A_470, %dma_wait3A_475] : memref<4x64xi32, #tpu.memory_space<vmem>> -> memref<1x64xi32, #tpu.memory_space<vmem>>
    %dma_wait3A_477 = tpu.memref_squeeze %dma_wait3A_476 : memref<1x64xi32, #tpu.memory_space<vmem>> -> memref<64xi32, #tpu.memory_space<vmem>>
    %dma_wait3A_478 = tpu.memref_slice %arg3[%add3A_469] : memref<327680xi32, #tpu.memory_space<hbm>> -> memref<64xi32, #tpu.memory_space<hbm>>
    tpu.wait_dma2 semaphore(%arg11 : memref<!tpu.dma_semaphore, #tpu.memory_space<semaphore_mem>>) src(%dma_wait3A_478 : memref<64xi32, #tpu.memory_space<hbm>>) dst(%dma_wait3A_477 : memref<64xi32, #tpu.memory_space<vmem>>)
    %add3A_479 = arith.constant 64 : i32
    %add3A_480 = arith.addi %mul3A_345, %add3A_479 : i32
    %dma_wait3A_481 = arith.constant 1 : i32
    %dma_wait3A_482 = arith.constant 0 : i32
    %dma_wait3A_483 = tpu.memref_slice %arg7[%dma_wait3A_481, %dma_wait3A_482] : memref<4x64xi32, #tpu.memory_space<vmem>> -> memref<1x64xi32, #tpu.memory_space<vmem>>
    %dma_wait3A_484 = tpu.memref_squeeze %dma_wait3A_483 : memref<1x64xi32, #tpu.memory_space<vmem>> -> memref<64xi32, #tpu.memory_space<vmem>>
    %dma_wait3A_485 = tpu.memref_slice %arg4[%add3A_480] : memref<327680xi32, #tpu.memory_space<hbm>> -> memref<64xi32, #tpu.memory_space<hbm>>
    %dma_wait3A_486 = arith.constant 0 : i32
    %dma_wait3A_487 = tpu.memref_slice %arg7[%dma_wait3A_481, %dma_wait3A_486] : memref<4x64xi32, #tpu.memory_space<vmem>> -> memref<1x64xi32, #tpu.memory_space<vmem>>
    %dma_wait3A_488 = tpu.memref_squeeze %dma_wait3A_487 : memref<1x64xi32, #tpu.memory_space<vmem>> -> memref<64xi32, #tpu.memory_space<vmem>>
    %dma_wait3A_489 = tpu.memref_slice %arg4[%add3A_480] : memref<327680xi32, #tpu.memory_space<hbm>> -> memref<64xi32, #tpu.memory_space<hbm>>
    tpu.wait_dma2 semaphore(%arg11 : memref<!tpu.dma_semaphore, #tpu.memory_space<semaphore_mem>>) src(%dma_wait3A_489 : memref<64xi32, #tpu.memory_space<hbm>>) dst(%dma_wait3A_488 : memref<64xi32, #tpu.memory_space<vmem>>)
    %dma_start3A_490 = arith.constant 1 : i32
    %dma_start3A_491 = arith.constant 1 : i32
    %dma_start3A_492 = arith.constant 0 : i32
    %dma_start3A_493 = arith.constant 0 : i32
    %dma_start3A_494 = tpu.memref_slice %arg8[%dma_start3A_491, %dma_start3A_492, %dma_start3A_493] : memref<4x64x128xf32, #tpu.memory_space<vmem>> -> memref<1x64x128xf32, #tpu.memory_space<vmem>>
    %dma_start3A_495 = tpu.memref_squeeze %dma_start3A_494 : memref<1x64x128xf32, #tpu.memory_space<vmem>> -> memref<64x128xf32, #tpu.memory_space<vmem>>
    %dma_start3A_496 = arith.constant 0 : i32
    %dma_start3A_497 = tpu.memref_slice %arg6[%dma_start3A_490, %dma_start3A_496] : memref<4x64xi32, #tpu.memory_space<vmem>> -> memref<1x64xi32, #tpu.memory_space<vmem>>
    %dma_start3A_498 = tpu.memref_squeeze %dma_start3A_497 : memref<1x64xi32, #tpu.memory_space<vmem>> -> memref<64xi32, #tpu.memory_space<vmem>>
    %dma_start3A_499 = arith.constant 0 : i32
    %dma_start3A_500 = arith.constant 0 : i32
    %dma_start3A_501 = tpu.memref_slice %arg2[%dma_start3A_499, %dma_start3A_500] : memref<10000x128xf32, #tpu.memory_space<hbm>> -> memref<10000x128xf32, #tpu.memory_space<hbm>>
    tpu.enqueue_indirect_dma source(%dma_start3A_501 : memref<10000x128xf32, #tpu.memory_space<hbm>>) target(%dma_start3A_495 : memref<64x128xf32, #tpu.memory_space<vmem>>) offsets(%dma_start3A_498 : memref<64xi32, #tpu.memory_space<vmem>>) semaphore(%arg15 : memref<!tpu.dma_semaphore, #tpu.memory_space<semaphore_mem>>)
    %add3A_502 = arith.constant 128 : i32
    %add3A_503 = arith.addi %mul3A_345, %add3A_502 : i32
    %dma_wait3A_504 = arith.constant 2 : i32
    %dma_wait3A_505 = arith.constant 0 : i32
    %dma_wait3A_506 = tpu.memref_slice %arg6[%dma_wait3A_504, %dma_wait3A_505] : memref<4x64xi32, #tpu.memory_space<vmem>> -> memref<1x64xi32, #tpu.memory_space<vmem>>
    %dma_wait3A_507 = tpu.memref_squeeze %dma_wait3A_506 : memref<1x64xi32, #tpu.memory_space<vmem>> -> memref<64xi32, #tpu.memory_space<vmem>>
    %dma_wait3A_508 = tpu.memref_slice %arg3[%add3A_503] : memref<327680xi32, #tpu.memory_space<hbm>> -> memref<64xi32, #tpu.memory_space<hbm>>
    %dma_wait3A_509 = arith.constant 0 : i32
    %dma_wait3A_510 = tpu.memref_slice %arg6[%dma_wait3A_504, %dma_wait3A_509] : memref<4x64xi32, #tpu.memory_space<vmem>> -> memref<1x64xi32, #tpu.memory_space<vmem>>
    %dma_wait3A_511 = tpu.memref_squeeze %dma_wait3A_510 : memref<1x64xi32, #tpu.memory_space<vmem>> -> memref<64xi32, #tpu.memory_space<vmem>>
    %dma_wait3A_512 = tpu.memref_slice %arg3[%add3A_503] : memref<327680xi32, #tpu.memory_space<hbm>> -> memref<64xi32, #tpu.memory_space<hbm>>
    tpu.wait_dma2 semaphore(%arg12 : memref<!tpu.dma_semaphore, #tpu.memory_space<semaphore_mem>>) src(%dma_wait3A_512 : memref<64xi32, #tpu.memory_space<hbm>>) dst(%dma_wait3A_511 : memref<64xi32, #tpu.memory_space<vmem>>)
    %add3A_513 = arith.constant 128 : i32
    %add3A_514 = arith.addi %mul3A_345, %add3A_513 : i32
    %dma_wait3A_515 = arith.constant 2 : i32
    %dma_wait3A_516 = arith.constant 0 : i32
    %dma_wait3A_517 = tpu.memref_slice %arg7[%dma_wait3A_515, %dma_wait3A_516] : memref<4x64xi32, #tpu.memory_space<vmem>> -> memref<1x64xi32, #tpu.memory_space<vmem>>
    %dma_wait3A_518 = tpu.memref_squeeze %dma_wait3A_517 : memref<1x64xi32, #tpu.memory_space<vmem>> -> memref<64xi32, #tpu.memory_space<vmem>>
    %dma_wait3A_519 = tpu.memref_slice %arg4[%add3A_514] : memref<327680xi32, #tpu.memory_space<hbm>> -> memref<64xi32, #tpu.memory_space<hbm>>
    %dma_wait3A_520 = arith.constant 0 : i32
    %dma_wait3A_521 = tpu.memref_slice %arg7[%dma_wait3A_515, %dma_wait3A_520] : memref<4x64xi32, #tpu.memory_space<vmem>> -> memref<1x64xi32, #tpu.memory_space<vmem>>
    %dma_wait3A_522 = tpu.memref_squeeze %dma_wait3A_521 : memref<1x64xi32, #tpu.memory_space<vmem>> -> memref<64xi32, #tpu.memory_space<vmem>>
    %dma_wait3A_523 = tpu.memref_slice %arg4[%add3A_514] : memref<327680xi32, #tpu.memory_space<hbm>> -> memref<64xi32, #tpu.memory_space<hbm>>
    tpu.wait_dma2 semaphore(%arg12 : memref<!tpu.dma_semaphore, #tpu.memory_space<semaphore_mem>>) src(%dma_wait3A_523 : memref<64xi32, #tpu.memory_space<hbm>>) dst(%dma_wait3A_522 : memref<64xi32, #tpu.memory_space<vmem>>)
    %dma_start3A_524 = arith.constant 2 : i32
    %dma_start3A_525 = arith.constant 2 : i32
    %dma_start3A_526 = arith.constant 0 : i32
    %dma_start3A_527 = arith.constant 0 : i32
    %dma_start3A_528 = tpu.memref_slice %arg8[%dma_start3A_525, %dma_start3A_526, %dma_start3A_527] : memref<4x64x128xf32, #tpu.memory_space<vmem>> -> memref<1x64x128xf32, #tpu.memory_space<vmem>>
    %dma_start3A_529 = tpu.memref_squeeze %dma_start3A_528 : memref<1x64x128xf32, #tpu.memory_space<vmem>> -> memref<64x128xf32, #tpu.memory_space<vmem>>
    %dma_start3A_530 = arith.constant 0 : i32
    %dma_start3A_531 = tpu.memref_slice %arg6[%dma_start3A_524, %dma_start3A_530] : memref<4x64xi32, #tpu.memory_space<vmem>> -> memref<1x64xi32, #tpu.memory_space<vmem>>
    %dma_start3A_532 = tpu.memref_squeeze %dma_start3A_531 : memref<1x64xi32, #tpu.memory_space<vmem>> -> memref<64xi32, #tpu.memory_space<vmem>>
    %dma_start3A_533 = arith.constant 0 : i32
    %dma_start3A_534 = arith.constant 0 : i32
    %dma_start3A_535 = tpu.memref_slice %arg2[%dma_start3A_533, %dma_start3A_534] : memref<10000x128xf32, #tpu.memory_space<hbm>> -> memref<10000x128xf32, #tpu.memory_space<hbm>>
    tpu.enqueue_indirect_dma source(%dma_start3A_535 : memref<10000x128xf32, #tpu.memory_space<hbm>>) target(%dma_start3A_529 : memref<64x128xf32, #tpu.memory_space<vmem>>) offsets(%dma_start3A_532 : memref<64xi32, #tpu.memory_space<vmem>>) semaphore(%arg16 : memref<!tpu.dma_semaphore, #tpu.memory_space<semaphore_mem>>)
    %add3A_536 = arith.constant 192 : i32
    %add3A_537 = arith.addi %mul3A_345, %add3A_536 : i32
    %dma_wait3A_538 = arith.constant 3 : i32
    %dma_wait3A_539 = arith.constant 0 : i32
    %dma_wait3A_540 = tpu.memref_slice %arg6[%dma_wait3A_538, %dma_wait3A_539] : memref<4x64xi32, #tpu.memory_space<vmem>> -> memref<1x64xi32, #tpu.memory_space<vmem>>
    %dma_wait3A_541 = tpu.memref_squeeze %dma_wait3A_540 : memref<1x64xi32, #tpu.memory_space<vmem>> -> memref<64xi32, #tpu.memory_space<vmem>>
    %dma_wait3A_542 = tpu.memref_slice %arg3[%add3A_537] : memref<327680xi32, #tpu.memory_space<hbm>> -> memref<64xi32, #tpu.memory_space<hbm>>
    %dma_wait3A_543 = arith.constant 0 : i32
    %dma_wait3A_544 = tpu.memref_slice %arg6[%dma_wait3A_538, %dma_wait3A_543] : memref<4x64xi32, #tpu.memory_space<vmem>> -> memref<1x64xi32, #tpu.memory_space<vmem>>
    %dma_wait3A_545 = tpu.memref_squeeze %dma_wait3A_544 : memref<1x64xi32, #tpu.memory_space<vmem>> -> memref<64xi32, #tpu.memory_space<vmem>>
    %dma_wait3A_546 = tpu.memref_slice %arg3[%add3A_537] : memref<327680xi32, #tpu.memory_space<hbm>> -> memref<64xi32, #tpu.memory_space<hbm>>
    tpu.wait_dma2 semaphore(%arg13 : memref<!tpu.dma_semaphore, #tpu.memory_space<semaphore_mem>>) src(%dma_wait3A_546 : memref<64xi32, #tpu.memory_space<hbm>>) dst(%dma_wait3A_545 : memref<64xi32, #tpu.memory_space<vmem>>)
    %add3A_547 = arith.constant 192 : i32
    %add3A_548 = arith.addi %mul3A_345, %add3A_547 : i32
    %dma_wait3A_549 = arith.constant 3 : i32
    %dma_wait3A_550 = arith.constant 0 : i32
    %dma_wait3A_551 = tpu.memref_slice %arg7[%dma_wait3A_549, %dma_wait3A_550] : memref<4x64xi32, #tpu.memory_space<vmem>> -> memref<1x64xi32, #tpu.memory_space<vmem>>
    %dma_wait3A_552 = tpu.memref_squeeze %dma_wait3A_551 : memref<1x64xi32, #tpu.memory_space<vmem>> -> memref<64xi32, #tpu.memory_space<vmem>>
    %dma_wait3A_553 = tpu.memref_slice %arg4[%add3A_548] : memref<327680xi32, #tpu.memory_space<hbm>> -> memref<64xi32, #tpu.memory_space<hbm>>
    %dma_wait3A_554 = arith.constant 0 : i32
    %dma_wait3A_555 = tpu.memref_slice %arg7[%dma_wait3A_549, %dma_wait3A_554] : memref<4x64xi32, #tpu.memory_space<vmem>> -> memref<1x64xi32, #tpu.memory_space<vmem>>
    %dma_wait3A_556 = tpu.memref_squeeze %dma_wait3A_555 : memref<1x64xi32, #tpu.memory_space<vmem>> -> memref<64xi32, #tpu.memory_space<vmem>>
    %dma_wait3A_557 = tpu.memref_slice %arg4[%add3A_548] : memref<327680xi32, #tpu.memory_space<hbm>> -> memref<64xi32, #tpu.memory_space<hbm>>
    tpu.wait_dma2 semaphore(%arg13 : memref<!tpu.dma_semaphore, #tpu.memory_space<semaphore_mem>>) src(%dma_wait3A_557 : memref<64xi32, #tpu.memory_space<hbm>>) dst(%dma_wait3A_556 : memref<64xi32, #tpu.memory_space<vmem>>)
    %dma_start3A_558 = arith.constant 3 : i32
    %dma_start3A_559 = arith.constant 3 : i32
    %dma_start3A_560 = arith.constant 0 : i32
    %dma_start3A_561 = arith.constant 0 : i32
    %dma_start3A_562 = tpu.memref_slice %arg8[%dma_start3A_559, %dma_start3A_560, %dma_start3A_561] : memref<4x64x128xf32, #tpu.memory_space<vmem>> -> memref<1x64x128xf32, #tpu.memory_space<vmem>>
    %dma_start3A_563 = tpu.memref_squeeze %dma_start3A_562 : memref<1x64x128xf32, #tpu.memory_space<vmem>> -> memref<64x128xf32, #tpu.memory_space<vmem>>
    %dma_start3A_564 = arith.constant 0 : i32
    %dma_start3A_565 = tpu.memref_slice %arg6[%dma_start3A_558, %dma_start3A_564] : memref<4x64xi32, #tpu.memory_space<vmem>> -> memref<1x64xi32, #tpu.memory_space<vmem>>
    %dma_start3A_566 = tpu.memref_squeeze %dma_start3A_565 : memref<1x64xi32, #tpu.memory_space<vmem>> -> memref<64xi32, #tpu.memory_space<vmem>>
    %dma_start3A_567 = arith.constant 0 : i32
    %dma_start3A_568 = arith.constant 0 : i32
    %dma_start3A_569 = tpu.memref_slice %arg2[%dma_start3A_567, %dma_start3A_568] : memref<10000x128xf32, #tpu.memory_space<hbm>> -> memref<10000x128xf32, #tpu.memory_space<hbm>>
    tpu.enqueue_indirect_dma source(%dma_start3A_569 : memref<10000x128xf32, #tpu.memory_space<hbm>>) target(%dma_start3A_563 : memref<64x128xf32, #tpu.memory_space<vmem>>) offsets(%dma_start3A_566 : memref<64xi32, #tpu.memory_space<vmem>>) semaphore(%arg17 : memref<!tpu.dma_semaphore, #tpu.memory_space<semaphore_mem>>)
    %scan3A_570 = arith.constant 0 : i32
    %scan3A_571 = arith.constant 0 : i32
    %scan3A_572 = arith.constant 40 : i32
    %scan3A_573 = arith.addi %scan3A_571, %scan3A_572 : i32
    %scan3A_574 = arith.constant 1 : i32
    scf.for %scan3A_631 = %scan3A_571 to %scan3A_573 step %scan3A_574  : i32 {
      %dma_wait3A_632 = arith.constant 0 : i32
      %dma_wait3A_633 = arith.constant 0 : i32
      %dma_wait3A_634 = arith.constant 0 : i32
      %dma_wait3A_635 = arith.constant 0 : i32
      %dma_wait3A_636 = tpu.memref_slice %arg8[%dma_wait3A_633, %dma_wait3A_634, %dma_wait3A_635] : memref<4x64x128xf32, #tpu.memory_space<vmem>> -> memref<1x64x128xf32, #tpu.memory_space<vmem>>
      %dma_wait3A_637 = tpu.memref_squeeze %dma_wait3A_636 : memref<1x64x128xf32, #tpu.memory_space<vmem>> -> memref<64x128xf32, #tpu.memory_space<vmem>>
      %dma_wait3A_638 = arith.constant 0 : i32
      %dma_wait3A_639 = tpu.memref_slice %arg6[%dma_wait3A_632, %dma_wait3A_638] : memref<4x64xi32, #tpu.memory_space<vmem>> -> memref<1x64xi32, #tpu.memory_space<vmem>>
      %dma_wait3A_640 = tpu.memref_squeeze %dma_wait3A_639 : memref<1x64xi32, #tpu.memory_space<vmem>> -> memref<64xi32, #tpu.memory_space<vmem>>
      %dma_wait3A_641 = arith.constant 0 : i32
      %dma_wait3A_642 = arith.constant 0 : i32
      %dma_wait3A_643 = tpu.memref_slice %arg2[%dma_wait3A_641, %dma_wait3A_642] : memref<10000x128xf32, #tpu.memory_space<hbm>> -> memref<10000x128xf32, #tpu.memory_space<hbm>>
      tpu.wait_indirect_dma semaphore(%arg14 : memref<!tpu.dma_semaphore, #tpu.memory_space<semaphore_mem>>) src(%dma_wait3A_643 : memref<10000x128xf32, #tpu.memory_space<hbm>>) dst(%dma_wait3A_637 : memref<64x128xf32, #tpu.memory_space<vmem>>)
      %dma_start3A_644 = arith.constant 0 : i32
      %dma_start3A_645 = arith.constant 0 : i32
      %dma_start3A_646 = arith.constant 0 : i32
      %dma_start3A_647 = arith.constant 0 : i32
      %dma_start3A_648 = tpu.memref_slice %arg8[%dma_start3A_644, %dma_start3A_646, %dma_start3A_647] : memref<4x64x128xf32, #tpu.memory_space<vmem>> -> memref<1x64x128xf32, #tpu.memory_space<vmem>>
      %dma_start3A_649 = tpu.memref_squeeze %dma_start3A_648 : memref<1x64x128xf32, #tpu.memory_space<vmem>> -> memref<64x128xf32, #tpu.memory_space<vmem>>
      %dma_start3A_650 = arith.constant 0 : i32
      %dma_start3A_651 = tpu.memref_slice %arg7[%dma_start3A_645, %dma_start3A_650] : memref<4x64xi32, #tpu.memory_space<vmem>> -> memref<1x64xi32, #tpu.memory_space<vmem>>
      %dma_start3A_652 = tpu.memref_squeeze %dma_start3A_651 : memref<1x64xi32, #tpu.memory_space<vmem>> -> memref<64xi32, #tpu.memory_space<vmem>>
      %dma_start3A_653 = arith.constant 0 : i32
      %dma_start3A_654 = arith.constant 0 : i32
      %dma_start3A_655 = tpu.memref_slice %arg9[%dma_start3A_653, %dma_start3A_654] : memref<10240x128xf32, #tpu.memory_space<vmem_shared>> -> memref<10240x128xf32, #tpu.memory_space<vmem_shared>>
      tpu.enqueue_indirect_dma source(%dma_start3A_649 : memref<64x128xf32, #tpu.memory_space<vmem>>) target(%dma_start3A_655 : memref<10240x128xf32, #tpu.memory_space<vmem_shared>>) offsets(%dma_start3A_652 : memref<64xi32, #tpu.memory_space<vmem>>) semaphore(%arg18 : memref<!tpu.dma_semaphore, #tpu.memory_space<semaphore_mem>>) {add = true}
      %dma_wait3A_656 = arith.constant 1 : i32
      %dma_wait3A_657 = arith.constant 1 : i32
      %dma_wait3A_658 = arith.constant 0 : i32
      %dma_wait3A_659 = arith.constant 0 : i32
      %dma_wait3A_660 = tpu.memref_slice %arg8[%dma_wait3A_657, %dma_wait3A_658, %dma_wait3A_659] : memref<4x64x128xf32, #tpu.memory_space<vmem>> -> memref<1x64x128xf32, #tpu.memory_space<vmem>>
      %dma_wait3A_661 = tpu.memref_squeeze %dma_wait3A_660 : memref<1x64x128xf32, #tpu.memory_space<vmem>> -> memref<64x128xf32, #tpu.memory_space<vmem>>
      %dma_wait3A_662 = arith.constant 0 : i32
      %dma_wait3A_663 = tpu.memref_slice %arg6[%dma_wait3A_656, %dma_wait3A_662] : memref<4x64xi32, #tpu.memory_space<vmem>> -> memref<1x64xi32, #tpu.memory_space<vmem>>
      %dma_wait3A_664 = tpu.memref_squeeze %dma_wait3A_663 : memref<1x64xi32, #tpu.memory_space<vmem>> -> memref<64xi32, #tpu.memory_space<vmem>>
      %dma_wait3A_665 = arith.constant 0 : i32
      %dma_wait3A_666 = arith.constant 0 : i32
      %dma_wait3A_667 = tpu.memref_slice %arg2[%dma_wait3A_665, %dma_wait3A_666] : memref<10000x128xf32, #tpu.memory_space<hbm>> -> memref<10000x128xf32, #tpu.memory_space<hbm>>
      tpu.wait_indirect_dma semaphore(%arg15 : memref<!tpu.dma_semaphore, #tpu.memory_space<semaphore_mem>>) src(%dma_wait3A_667 : memref<10000x128xf32, #tpu.memory_space<hbm>>) dst(%dma_wait3A_661 : memref<64x128xf32, #tpu.memory_space<vmem>>)
      %dma_start3A_668 = arith.constant 1 : i32
      %dma_start3A_669 = arith.constant 1 : i32
      %dma_start3A_670 = arith.constant 0 : i32
      %dma_start3A_671 = arith.constant 0 : i32
      %dma_start3A_672 = tpu.memref_slice %arg8[%dma_start3A_668, %dma_start3A_670, %dma_start3A_671] : memref<4x64x128xf32, #tpu.memory_space<vmem>> -> memref<1x64x128xf32, #tpu.memory_space<vmem>>
      %dma_start3A_673 = tpu.memref_squeeze %dma_start3A_672 : memref<1x64x128xf32, #tpu.memory_space<vmem>> -> memref<64x128xf32, #tpu.memory_space<vmem>>
      %dma_start3A_674 = arith.constant 0 : i32
      %dma_start3A_675 = tpu.memref_slice %arg7[%dma_start3A_669, %dma_start3A_674] : memref<4x64xi32, #tpu.memory_space<vmem>> -> memref<1x64xi32, #tpu.memory_space<vmem>>
      %dma_start3A_676 = tpu.memref_squeeze %dma_start3A_675 : memref<1x64xi32, #tpu.memory_space<vmem>> -> memref<64xi32, #tpu.memory_space<vmem>>
      %dma_start3A_677 = arith.constant 0 : i32
      %dma_start3A_678 = arith.constant 0 : i32
      %dma_start3A_679 = tpu.memref_slice %arg9[%dma_start3A_677, %dma_start3A_678] : memref<10240x128xf32, #tpu.memory_space<vmem_shared>> -> memref<10240x128xf32, #tpu.memory_space<vmem_shared>>
      tpu.enqueue_indirect_dma source(%dma_start3A_673 : memref<64x128xf32, #tpu.memory_space<vmem>>) target(%dma_start3A_679 : memref<10240x128xf32, #tpu.memory_space<vmem_shared>>) offsets(%dma_start3A_676 : memref<64xi32, #tpu.memory_space<vmem>>) semaphore(%arg19 : memref<!tpu.dma_semaphore, #tpu.memory_space<semaphore_mem>>) {add = true}
      %dma_wait3A_680 = arith.constant 2 : i32
      %dma_wait3A_681 = arith.constant 2 : i32
      %dma_wait3A_682 = arith.constant 0 : i32
      %dma_wait3A_683 = arith.constant 0 : i32
      %dma_wait3A_684 = tpu.memref_slice %arg8[%dma_wait3A_681, %dma_wait3A_682, %dma_wait3A_683] : memref<4x64x128xf32, #tpu.memory_space<vmem>> -> memref<1x64x128xf32, #tpu.memory_space<vmem>>
      %dma_wait3A_685 = tpu.memref_squeeze %dma_wait3A_684 : memref<1x64x128xf32, #tpu.memory_space<vmem>> -> memref<64x128xf32, #tpu.memory_space<vmem>>
      %dma_wait3A_686 = arith.constant 0 : i32
      %dma_wait3A_687 = tpu.memref_slice %arg6[%dma_wait3A_680, %dma_wait3A_686] : memref<4x64xi32, #tpu.memory_space<vmem>> -> memref<1x64xi32, #tpu.memory_space<vmem>>
      %dma_wait3A_688 = tpu.memref_squeeze %dma_wait3A_687 : memref<1x64xi32, #tpu.memory_space<vmem>> -> memref<64xi32, #tpu.memory_space<vmem>>
      %dma_wait3A_689 = arith.constant 0 : i32
      %dma_wait3A_690 = arith.constant 0 : i32
      %dma_wait3A_691 = tpu.memref_slice %arg2[%dma_wait3A_689, %dma_wait3A_690] : memref<10000x128xf32, #tpu.memory_space<hbm>> -> memref<10000x128xf32, #tpu.memory_space<hbm>>
      tpu.wait_indirect_dma semaphore(%arg16 : memref<!tpu.dma_semaphore, #tpu.memory_space<semaphore_mem>>) src(%dma_wait3A_691 : memref<10000x128xf32, #tpu.memory_space<hbm>>) dst(%dma_wait3A_685 : memref<64x128xf32, #tpu.memory_space<vmem>>)
      %dma_start3A_692 = arith.constant 2 : i32
      %dma_start3A_693 = arith.constant 2 : i32
      %dma_start3A_694 = arith.constant 0 : i32
      %dma_start3A_695 = arith.constant 0 : i32
      %dma_start3A_696 = tpu.memref_slice %arg8[%dma_start3A_692, %dma_start3A_694, %dma_start3A_695] : memref<4x64x128xf32, #tpu.memory_space<vmem>> -> memref<1x64x128xf32, #tpu.memory_space<vmem>>
      %dma_start3A_697 = tpu.memref_squeeze %dma_start3A_696 : memref<1x64x128xf32, #tpu.memory_space<vmem>> -> memref<64x128xf32, #tpu.memory_space<vmem>>
      %dma_start3A_698 = arith.constant 0 : i32
      %dma_start3A_699 = tpu.memref_slice %arg7[%dma_start3A_693, %dma_start3A_698] : memref<4x64xi32, #tpu.memory_space<vmem>> -> memref<1x64xi32, #tpu.memory_space<vmem>>
      %dma_start3A_700 = tpu.memref_squeeze %dma_start3A_699 : memref<1x64xi32, #tpu.memory_space<vmem>> -> memref<64xi32, #tpu.memory_space<vmem>>
      %dma_start3A_701 = arith.constant 0 : i32
      %dma_start3A_702 = arith.constant 0 : i32
      %dma_start3A_703 = tpu.memref_slice %arg9[%dma_start3A_701, %dma_start3A_702] : memref<10240x128xf32, #tpu.memory_space<vmem_shared>> -> memref<10240x128xf32, #tpu.memory_space<vmem_shared>>
      tpu.enqueue_indirect_dma source(%dma_start3A_697 : memref<64x128xf32, #tpu.memory_space<vmem>>) target(%dma_start3A_703 : memref<10240x128xf32, #tpu.memory_space<vmem_shared>>) offsets(%dma_start3A_700 : memref<64xi32, #tpu.memory_space<vmem>>) semaphore(%arg20 : memref<!tpu.dma_semaphore, #tpu.memory_space<semaphore_mem>>) {add = true}
      %dma_wait3A_704 = arith.constant 3 : i32
      %dma_wait3A_705 = arith.constant 3 : i32
      %dma_wait3A_706 = arith.constant 0 : i32
      %dma_wait3A_707 = arith.constant 0 : i32
      %dma_wait3A_708 = tpu.memref_slice %arg8[%dma_wait3A_705, %dma_wait3A_706, %dma_wait3A_707] : memref<4x64x128xf32, #tpu.memory_space<vmem>> -> memref<1x64x128xf32, #tpu.memory_space<vmem>>
      %dma_wait3A_709 = tpu.memref_squeeze %dma_wait3A_708 : memref<1x64x128xf32, #tpu.memory_space<vmem>> -> memref<64x128xf32, #tpu.memory_space<vmem>>
      %dma_wait3A_710 = arith.constant 0 : i32
      %dma_wait3A_711 = tpu.memref_slice %arg6[%dma_wait3A_704, %dma_wait3A_710] : memref<4x64xi32, #tpu.memory_space<vmem>> -> memref<1x64xi32, #tpu.memory_space<vmem>>
      %dma_wait3A_712 = tpu.memref_squeeze %dma_wait3A_711 : memref<1x64xi32, #tpu.memory_space<vmem>> -> memref<64xi32, #tpu.memory_space<vmem>>
      %dma_wait3A_713 = arith.constant 0 : i32
      %dma_wait3A_714 = arith.constant 0 : i32
      %dma_wait3A_715 = tpu.memref_slice %arg2[%dma_wait3A_713, %dma_wait3A_714] : memref<10000x128xf32, #tpu.memory_space<hbm>> -> memref<10000x128xf32, #tpu.memory_space<hbm>>
      tpu.wait_indirect_dma semaphore(%arg17 : memref<!tpu.dma_semaphore, #tpu.memory_space<semaphore_mem>>) src(%dma_wait3A_715 : memref<10000x128xf32, #tpu.memory_space<hbm>>) dst(%dma_wait3A_709 : memref<64x128xf32, #tpu.memory_space<vmem>>)
      %dma_start3A_716 = arith.constant 3 : i32
      %dma_start3A_717 = arith.constant 3 : i32
      %dma_start3A_718 = arith.constant 0 : i32
      %dma_start3A_719 = arith.constant 0 : i32
      %dma_start3A_720 = tpu.memref_slice %arg8[%dma_start3A_716, %dma_start3A_718, %dma_start3A_719] : memref<4x64x128xf32, #tpu.memory_space<vmem>> -> memref<1x64x128xf32, #tpu.memory_space<vmem>>
      %dma_start3A_721 = tpu.memref_squeeze %dma_start3A_720 : memref<1x64x128xf32, #tpu.memory_space<vmem>> -> memref<64x128xf32, #tpu.memory_space<vmem>>
      %dma_start3A_722 = arith.constant 0 : i32
      %dma_start3A_723 = tpu.memref_slice %arg7[%dma_start3A_717, %dma_start3A_722] : memref<4x64xi32, #tpu.memory_space<vmem>> -> memref<1x64xi32, #tpu.memory_space<vmem>>
      %dma_start3A_724 = tpu.memref_squeeze %dma_start3A_723 : memref<1x64xi32, #tpu.memory_space<vmem>> -> memref<64xi32, #tpu.memory_space<vmem>>
      %dma_start3A_725 = arith.constant 0 : i32
      %dma_start3A_726 = arith.constant 0 : i32
      %dma_start3A_727 = tpu.memref_slice %arg9[%dma_start3A_725, %dma_start3A_726] : memref<10240x128xf32, #tpu.memory_space<vmem_shared>> -> memref<10240x128xf32, #tpu.memory_space<vmem_shared>>
      tpu.enqueue_indirect_dma source(%dma_start3A_721 : memref<64x128xf32, #tpu.memory_space<vmem>>) target(%dma_start3A_727 : memref<10240x128xf32, #tpu.memory_space<vmem_shared>>) offsets(%dma_start3A_724 : memref<64xi32, #tpu.memory_space<vmem>>) semaphore(%arg21 : memref<!tpu.dma_semaphore, #tpu.memory_space<semaphore_mem>>) {add = true}
      %add3A_728 = arith.constant 1 : i32
      %add3A_729 = arith.addi %scan3A_631, %add3A_728 : i32
      %mul3A_730 = arith.constant 4 : i32
      %mul3A_731 = arith.muli %add3A_729, %mul3A_730 : i32
      %add3A_732 = arith.constant 0 : i32
      %add3A_733 = arith.addi %mul3A_731, %add3A_732 : i32
      %lt3A = arith.constant 160 : i32
      %lt3A_734 = arith.cmpi slt, %add3A_733, %lt3A : i32
      %convert_element_type3A_735 = arith.extui %lt3A_734 : i1 to i32
      %cond3A_736 = arith.constant 0 : i32
      %cond3A_737 = arith.cmpi ne, %convert_element_type3A_735, %cond3A_736 : i32
      scf.if %cond3A_737 {
        %dma_wait3A_771 = arith.constant 0 : i32
        %dma_wait3A_772 = arith.constant 0 : i32
        %dma_wait3A_773 = arith.constant 0 : i32
        %dma_wait3A_774 = arith.constant 0 : i32
        %dma_wait3A_775 = tpu.memref_slice %arg8[%dma_wait3A_771, %dma_wait3A_773, %dma_wait3A_774] : memref<4x64x128xf32, #tpu.memory_space<vmem>> -> memref<1x64x128xf32, #tpu.memory_space<vmem>>
        %dma_wait3A_776 = tpu.memref_squeeze %dma_wait3A_775 : memref<1x64x128xf32, #tpu.memory_space<vmem>> -> memref<64x128xf32, #tpu.memory_space<vmem>>
        %dma_wait3A_777 = arith.constant 0 : i32
        %dma_wait3A_778 = tpu.memref_slice %arg7[%dma_wait3A_772, %dma_wait3A_777] : memref<4x64xi32, #tpu.memory_space<vmem>> -> memref<1x64xi32, #tpu.memory_space<vmem>>
        %dma_wait3A_779 = tpu.memref_squeeze %dma_wait3A_778 : memref<1x64xi32, #tpu.memory_space<vmem>> -> memref<64xi32, #tpu.memory_space<vmem>>
        %dma_wait3A_780 = arith.constant 0 : i32
        %dma_wait3A_781 = arith.constant 0 : i32
        %dma_wait3A_782 = tpu.memref_slice %arg9[%dma_wait3A_780, %dma_wait3A_781] : memref<10240x128xf32, #tpu.memory_space<vmem_shared>> -> memref<10240x128xf32, #tpu.memory_space<vmem_shared>>
        tpu.wait_indirect_dma semaphore(%arg18 : memref<!tpu.dma_semaphore, #tpu.memory_space<semaphore_mem>>) src(%dma_wait3A_776 : memref<64x128xf32, #tpu.memory_space<vmem>>) dst(%dma_wait3A_782 : memref<10240x128xf32, #tpu.memory_space<vmem_shared>>)
        %mul3A_783 = arith.constant 64 : i32
        %mul3A_784 = arith.muli %add3A_733, %mul3A_783 : i32
        %add3A_785 = arith.addi %mul3A_345, %mul3A_784 : i32
        %dma_start3A_786 = arith.constant 0 : i32
        %dma_start3A_787 = arith.constant 0 : i32
        %dma_start3A_788 = tpu.memref_slice %arg6[%dma_start3A_786, %dma_start3A_787] : memref<4x64xi32, #tpu.memory_space<vmem>> -> memref<1x64xi32, #tpu.memory_space<vmem>>
        %dma_start3A_789 = tpu.memref_squeeze %dma_start3A_788 : memref<1x64xi32, #tpu.memory_space<vmem>> -> memref<64xi32, #tpu.memory_space<vmem>>
        %dma_start3A_790 = tpu.memref_slice %arg3[%add3A_785] : memref<327680xi32, #tpu.memory_space<hbm>> -> memref<64xi32, #tpu.memory_space<hbm>>
        %dma_start3A_791 = arith.constant 0 : i32
        %dma_start3A_792 = tpu.memref_slice %arg6[%dma_start3A_786, %dma_start3A_791] : memref<4x64xi32, #tpu.memory_space<vmem>> -> memref<1x64xi32, #tpu.memory_space<vmem>>
        %dma_start3A_793 = tpu.memref_squeeze %dma_start3A_792 : memref<1x64xi32, #tpu.memory_space<vmem>> -> memref<64xi32, #tpu.memory_space<vmem>>
        %dma_start3A_794 = tpu.memref_slice %arg3[%add3A_785] : memref<327680xi32, #tpu.memory_space<hbm>> -> memref<64xi32, #tpu.memory_space<hbm>>
        tpu.enqueue_dma source(%dma_start3A_794 : memref<64xi32, #tpu.memory_space<hbm>>) target(%dma_start3A_793 : memref<64xi32, #tpu.memory_space<vmem>>) target_semaphore(%arg10 : memref<!tpu.dma_semaphore, #tpu.memory_space<semaphore_mem>>)
        %mul3A_795 = arith.constant 64 : i32
        %mul3A_796 = arith.muli %add3A_733, %mul3A_795 : i32
        %add3A_797 = arith.addi %mul3A_345, %mul3A_796 : i32
        %dma_start3A_798 = arith.constant 0 : i32
        %dma_start3A_799 = arith.constant 0 : i32
        %dma_start3A_800 = tpu.memref_slice %arg7[%dma_start3A_798, %dma_start3A_799] : memref<4x64xi32, #tpu.memory_space<vmem>> -> memref<1x64xi32, #tpu.memory_space<vmem>>
        %dma_start3A_801 = tpu.memref_squeeze %dma_start3A_800 : memref<1x64xi32, #tpu.memory_space<vmem>> -> memref<64xi32, #tpu.memory_space<vmem>>
        %dma_start3A_802 = tpu.memref_slice %arg4[%add3A_797] : memref<327680xi32, #tpu.memory_space<hbm>> -> memref<64xi32, #tpu.memory_space<hbm>>
        %dma_start3A_803 = arith.constant 0 : i32
        %dma_start3A_804 = tpu.memref_slice %arg7[%dma_start3A_798, %dma_start3A_803] : memref<4x64xi32, #tpu.memory_space<vmem>> -> memref<1x64xi32, #tpu.memory_space<vmem>>
        %dma_start3A_805 = tpu.memref_squeeze %dma_start3A_804 : memref<1x64xi32, #tpu.memory_space<vmem>> -> memref<64xi32, #tpu.memory_space<vmem>>
        %dma_start3A_806 = tpu.memref_slice %arg4[%add3A_797] : memref<327680xi32, #tpu.memory_space<hbm>> -> memref<64xi32, #tpu.memory_space<hbm>>
        tpu.enqueue_dma source(%dma_start3A_806 : memref<64xi32, #tpu.memory_space<hbm>>) target(%dma_start3A_805 : memref<64xi32, #tpu.memory_space<vmem>>) target_semaphore(%arg10 : memref<!tpu.dma_semaphore, #tpu.memory_space<semaphore_mem>>)
        %mul3A_807 = arith.constant 64 : i32
        %mul3A_808 = arith.muli %add3A_733, %mul3A_807 : i32
        %add3A_809 = arith.addi %mul3A_345, %mul3A_808 : i32
        %dma_wait3A_810 = arith.constant 0 : i32
        %dma_wait3A_811 = arith.constant 0 : i32
        %dma_wait3A_812 = tpu.memref_slice %arg6[%dma_wait3A_810, %dma_wait3A_811] : memref<4x64xi32, #tpu.memory_space<vmem>> -> memref<1x64xi32, #tpu.memory_space<vmem>>
        %dma_wait3A_813 = tpu.memref_squeeze %dma_wait3A_812 : memref<1x64xi32, #tpu.memory_space<vmem>> -> memref<64xi32, #tpu.memory_space<vmem>>
        %dma_wait3A_814 = tpu.memref_slice %arg3[%add3A_809] : memref<327680xi32, #tpu.memory_space<hbm>> -> memref<64xi32, #tpu.memory_space<hbm>>
        %dma_wait3A_815 = arith.constant 0 : i32
        %dma_wait3A_816 = tpu.memref_slice %arg6[%dma_wait3A_810, %dma_wait3A_815] : memref<4x64xi32, #tpu.memory_space<vmem>> -> memref<1x64xi32, #tpu.memory_space<vmem>>
        %dma_wait3A_817 = tpu.memref_squeeze %dma_wait3A_816 : memref<1x64xi32, #tpu.memory_space<vmem>> -> memref<64xi32, #tpu.memory_space<vmem>>
        %dma_wait3A_818 = tpu.memref_slice %arg3[%add3A_809] : memref<327680xi32, #tpu.memory_space<hbm>> -> memref<64xi32, #tpu.memory_space<hbm>>
        tpu.wait_dma2 semaphore(%arg10 : memref<!tpu.dma_semaphore, #tpu.memory_space<semaphore_mem>>) src(%dma_wait3A_818 : memref<64xi32, #tpu.memory_space<hbm>>) dst(%dma_wait3A_817 : memref<64xi32, #tpu.memory_space<vmem>>)
        %mul3A_819 = arith.constant 64 : i32
        %mul3A_820 = arith.muli %add3A_733, %mul3A_819 : i32
        %add3A_821 = arith.addi %mul3A_345, %mul3A_820 : i32
        %dma_wait3A_822 = arith.constant 0 : i32
        %dma_wait3A_823 = arith.constant 0 : i32
        %dma_wait3A_824 = tpu.memref_slice %arg7[%dma_wait3A_822, %dma_wait3A_823] : memref<4x64xi32, #tpu.memory_space<vmem>> -> memref<1x64xi32, #tpu.memory_space<vmem>>
        %dma_wait3A_825 = tpu.memref_squeeze %dma_wait3A_824 : memref<1x64xi32, #tpu.memory_space<vmem>> -> memref<64xi32, #tpu.memory_space<vmem>>
        %dma_wait3A_826 = tpu.memref_slice %arg4[%add3A_821] : memref<327680xi32, #tpu.memory_space<hbm>> -> memref<64xi32, #tpu.memory_space<hbm>>
        %dma_wait3A_827 = arith.constant 0 : i32
        %dma_wait3A_828 = tpu.memref_slice %arg7[%dma_wait3A_822, %dma_wait3A_827] : memref<4x64xi32, #tpu.memory_space<vmem>> -> memref<1x64xi32, #tpu.memory_space<vmem>>
        %dma_wait3A_829 = tpu.memref_squeeze %dma_wait3A_828 : memref<1x64xi32, #tpu.memory_space<vmem>> -> memref<64xi32, #tpu.memory_space<vmem>>
        %dma_wait3A_830 = tpu.memref_slice %arg4[%add3A_821] : memref<327680xi32, #tpu.memory_space<hbm>> -> memref<64xi32, #tpu.memory_space<hbm>>
        tpu.wait_dma2 semaphore(%arg10 : memref<!tpu.dma_semaphore, #tpu.memory_space<semaphore_mem>>) src(%dma_wait3A_830 : memref<64xi32, #tpu.memory_space<hbm>>) dst(%dma_wait3A_829 : memref<64xi32, #tpu.memory_space<vmem>>)
        %dma_start3A_831 = arith.constant 0 : i32
        %dma_start3A_832 = arith.constant 0 : i32
        %dma_start3A_833 = arith.constant 0 : i32
        %dma_start3A_834 = arith.constant 0 : i32
        %dma_start3A_835 = tpu.memref_slice %arg8[%dma_start3A_832, %dma_start3A_833, %dma_start3A_834] : memref<4x64x128xf32, #tpu.memory_space<vmem>> -> memref<1x64x128xf32, #tpu.memory_space<vmem>>
        %dma_start3A_836 = tpu.memref_squeeze %dma_start3A_835 : memref<1x64x128xf32, #tpu.memory_space<vmem>> -> memref<64x128xf32, #tpu.memory_space<vmem>>
        %dma_start3A_837 = arith.constant 0 : i32
        %dma_start3A_838 = tpu.memref_slice %arg6[%dma_start3A_831, %dma_start3A_837] : memref<4x64xi32, #tpu.memory_space<vmem>> -> memref<1x64xi32, #tpu.memory_space<vmem>>
        %dma_start3A_839 = tpu.memref_squeeze %dma_start3A_838 : memref<1x64xi32, #tpu.memory_space<vmem>> -> memref<64xi32, #tpu.memory_space<vmem>>
        %dma_start3A_840 = arith.constant 0 : i32
        %dma_start3A_841 = arith.constant 0 : i32
        %dma_start3A_842 = tpu.memref_slice %arg2[%dma_start3A_840, %dma_start3A_841] : memref<10000x128xf32, #tpu.memory_space<hbm>> -> memref<10000x128xf32, #tpu.memory_space<hbm>>
        tpu.enqueue_indirect_dma source(%dma_start3A_842 : memref<10000x128xf32, #tpu.memory_space<hbm>>) target(%dma_start3A_836 : memref<64x128xf32, #tpu.memory_space<vmem>>) offsets(%dma_start3A_839 : memref<64xi32, #tpu.memory_space<vmem>>) semaphore(%arg14 : memref<!tpu.dma_semaphore, #tpu.memory_space<semaphore_mem>>)
      } else {
      }
      %add3A_738 = arith.constant 1 : i32
      %add3A_739 = arith.addi %scan3A_631, %add3A_738 : i32
      %mul3A_740 = arith.constant 4 : i32
      %mul3A_741 = arith.muli %add3A_739, %mul3A_740 : i32
      %add3A_742 = arith.constant 1 : i32
      %add3A_743 = arith.addi %mul3A_741, %add3A_742 : i32
      %lt3A_744 = arith.constant 160 : i32
      %lt3A_745 = arith.cmpi slt, %add3A_743, %lt3A_744 : i32
      %convert_element_type3A_746 = arith.extui %lt3A_745 : i1 to i32
      %cond3A_747 = arith.constant 0 : i32
      %cond3A_748 = arith.cmpi ne, %convert_element_type3A_746, %cond3A_747 : i32
      scf.if %cond3A_748 {
        %dma_wait3A_771 = arith.constant 1 : i32
        %dma_wait3A_772 = arith.constant 1 : i32
        %dma_wait3A_773 = arith.constant 0 : i32
        %dma_wait3A_774 = arith.constant 0 : i32
        %dma_wait3A_775 = tpu.memref_slice %arg8[%dma_wait3A_771, %dma_wait3A_773, %dma_wait3A_774] : memref<4x64x128xf32, #tpu.memory_space<vmem>> -> memref<1x64x128xf32, #tpu.memory_space<vmem>>
        %dma_wait3A_776 = tpu.memref_squeeze %dma_wait3A_775 : memref<1x64x128xf32, #tpu.memory_space<vmem>> -> memref<64x128xf32, #tpu.memory_space<vmem>>
        %dma_wait3A_777 = arith.constant 0 : i32
        %dma_wait3A_778 = tpu.memref_slice %arg7[%dma_wait3A_772, %dma_wait3A_777] : memref<4x64xi32, #tpu.memory_space<vmem>> -> memref<1x64xi32, #tpu.memory_space<vmem>>
        %dma_wait3A_779 = tpu.memref_squeeze %dma_wait3A_778 : memref<1x64xi32, #tpu.memory_space<vmem>> -> memref<64xi32, #tpu.memory_space<vmem>>
        %dma_wait3A_780 = arith.constant 0 : i32
        %dma_wait3A_781 = arith.constant 0 : i32
        %dma_wait3A_782 = tpu.memref_slice %arg9[%dma_wait3A_780, %dma_wait3A_781] : memref<10240x128xf32, #tpu.memory_space<vmem_shared>> -> memref<10240x128xf32, #tpu.memory_space<vmem_shared>>
        tpu.wait_indirect_dma semaphore(%arg19 : memref<!tpu.dma_semaphore, #tpu.memory_space<semaphore_mem>>) src(%dma_wait3A_776 : memref<64x128xf32, #tpu.memory_space<vmem>>) dst(%dma_wait3A_782 : memref<10240x128xf32, #tpu.memory_space<vmem_shared>>)
        %mul3A_783 = arith.constant 64 : i32
        %mul3A_784 = arith.muli %add3A_743, %mul3A_783 : i32
        %add3A_785 = arith.addi %mul3A_345, %mul3A_784 : i32
        %dma_start3A_786 = arith.constant 1 : i32
        %dma_start3A_787 = arith.constant 0 : i32
        %dma_start3A_788 = tpu.memref_slice %arg6[%dma_start3A_786, %dma_start3A_787] : memref<4x64xi32, #tpu.memory_space<vmem>> -> memref<1x64xi32, #tpu.memory_space<vmem>>
        %dma_start3A_789 = tpu.memref_squeeze %dma_start3A_788 : memref<1x64xi32, #tpu.memory_space<vmem>> -> memref<64xi32, #tpu.memory_space<vmem>>
        %dma_start3A_790 = tpu.memref_slice %arg3[%add3A_785] : memref<327680xi32, #tpu.memory_space<hbm>> -> memref<64xi32, #tpu.memory_space<hbm>>
        %dma_start3A_791 = arith.constant 0 : i32
        %dma_start3A_792 = tpu.memref_slice %arg6[%dma_start3A_786, %dma_start3A_791] : memref<4x64xi32, #tpu.memory_space<vmem>> -> memref<1x64xi32, #tpu.memory_space<vmem>>
        %dma_start3A_793 = tpu.memref_squeeze %dma_start3A_792 : memref<1x64xi32, #tpu.memory_space<vmem>> -> memref<64xi32, #tpu.memory_space<vmem>>
        %dma_start3A_794 = tpu.memref_slice %arg3[%add3A_785] : memref<327680xi32, #tpu.memory_space<hbm>> -> memref<64xi32, #tpu.memory_space<hbm>>
        tpu.enqueue_dma source(%dma_start3A_794 : memref<64xi32, #tpu.memory_space<hbm>>) target(%dma_start3A_793 : memref<64xi32, #tpu.memory_space<vmem>>) target_semaphore(%arg11 : memref<!tpu.dma_semaphore, #tpu.memory_space<semaphore_mem>>)
        %mul3A_795 = arith.constant 64 : i32
        %mul3A_796 = arith.muli %add3A_743, %mul3A_795 : i32
        %add3A_797 = arith.addi %mul3A_345, %mul3A_796 : i32
        %dma_start3A_798 = arith.constant 1 : i32
        %dma_start3A_799 = arith.constant 0 : i32
        %dma_start3A_800 = tpu.memref_slice %arg7[%dma_start3A_798, %dma_start3A_799] : memref<4x64xi32, #tpu.memory_space<vmem>> -> memref<1x64xi32, #tpu.memory_space<vmem>>
        %dma_start3A_801 = tpu.memref_squeeze %dma_start3A_800 : memref<1x64xi32, #tpu.memory_space<vmem>> -> memref<64xi32, #tpu.memory_space<vmem>>
        %dma_start3A_802 = tpu.memref_slice %arg4[%add3A_797] : memref<327680xi32, #tpu.memory_space<hbm>> -> memref<64xi32, #tpu.memory_space<hbm>>
        %dma_start3A_803 = arith.constant 0 : i32
        %dma_start3A_804 = tpu.memref_slice %arg7[%dma_start3A_798, %dma_start3A_803] : memref<4x64xi32, #tpu.memory_space<vmem>> -> memref<1x64xi32, #tpu.memory_space<vmem>>
        %dma_start3A_805 = tpu.memref_squeeze %dma_start3A_804 : memref<1x64xi32, #tpu.memory_space<vmem>> -> memref<64xi32, #tpu.memory_space<vmem>>
        %dma_start3A_806 = tpu.memref_slice %arg4[%add3A_797] : memref<327680xi32, #tpu.memory_space<hbm>> -> memref<64xi32, #tpu.memory_space<hbm>>
        tpu.enqueue_dma source(%dma_start3A_806 : memref<64xi32, #tpu.memory_space<hbm>>) target(%dma_start3A_805 : memref<64xi32, #tpu.memory_space<vmem>>) target_semaphore(%arg11 : memref<!tpu.dma_semaphore, #tpu.memory_space<semaphore_mem>>)
        %mul3A_807 = arith.constant 64 : i32
        %mul3A_808 = arith.muli %add3A_743, %mul3A_807 : i32
        %add3A_809 = arith.addi %mul3A_345, %mul3A_808 : i32
        %dma_wait3A_810 = arith.constant 1 : i32
        %dma_wait3A_811 = arith.constant 0 : i32
        %dma_wait3A_812 = tpu.memref_slice %arg6[%dma_wait3A_810, %dma_wait3A_811] : memref<4x64xi32, #tpu.memory_space<vmem>> -> memref<1x64xi32, #tpu.memory_space<vmem>>
        %dma_wait3A_813 = tpu.memref_squeeze %dma_wait3A_812 : memref<1x64xi32, #tpu.memory_space<vmem>> -> memref<64xi32, #tpu.memory_space<vmem>>
        %dma_wait3A_814 = tpu.memref_slice %arg3[%add3A_809] : memref<327680xi32, #tpu.memory_space<hbm>> -> memref<64xi32, #tpu.memory_space<hbm>>
        %dma_wait3A_815 = arith.constant 0 : i32
        %dma_wait3A_816 = tpu.memref_slice %arg6[%dma_wait3A_810, %dma_wait3A_815] : memref<4x64xi32, #tpu.memory_space<vmem>> -> memref<1x64xi32, #tpu.memory_space<vmem>>
        %dma_wait3A_817 = tpu.memref_squeeze %dma_wait3A_816 : memref<1x64xi32, #tpu.memory_space<vmem>> -> memref<64xi32, #tpu.memory_space<vmem>>
        %dma_wait3A_818 = tpu.memref_slice %arg3[%add3A_809] : memref<327680xi32, #tpu.memory_space<hbm>> -> memref<64xi32, #tpu.memory_space<hbm>>
        tpu.wait_dma2 semaphore(%arg11 : memref<!tpu.dma_semaphore, #tpu.memory_space<semaphore_mem>>) src(%dma_wait3A_818 : memref<64xi32, #tpu.memory_space<hbm>>) dst(%dma_wait3A_817 : memref<64xi32, #tpu.memory_space<vmem>>)
        %mul3A_819 = arith.constant 64 : i32
        %mul3A_820 = arith.muli %add3A_743, %mul3A_819 : i32
        %add3A_821 = arith.addi %mul3A_345, %mul3A_820 : i32
        %dma_wait3A_822 = arith.constant 1 : i32
        %dma_wait3A_823 = arith.constant 0 : i32
        %dma_wait3A_824 = tpu.memref_slice %arg7[%dma_wait3A_822, %dma_wait3A_823] : memref<4x64xi32, #tpu.memory_space<vmem>> -> memref<1x64xi32, #tpu.memory_space<vmem>>
        %dma_wait3A_825 = tpu.memref_squeeze %dma_wait3A_824 : memref<1x64xi32, #tpu.memory_space<vmem>> -> memref<64xi32, #tpu.memory_space<vmem>>
        %dma_wait3A_826 = tpu.memref_slice %arg4[%add3A_821] : memref<327680xi32, #tpu.memory_space<hbm>> -> memref<64xi32, #tpu.memory_space<hbm>>
        %dma_wait3A_827 = arith.constant 0 : i32
        %dma_wait3A_828 = tpu.memref_slice %arg7[%dma_wait3A_822, %dma_wait3A_827] : memref<4x64xi32, #tpu.memory_space<vmem>> -> memref<1x64xi32, #tpu.memory_space<vmem>>
        %dma_wait3A_829 = tpu.memref_squeeze %dma_wait3A_828 : memref<1x64xi32, #tpu.memory_space<vmem>> -> memref<64xi32, #tpu.memory_space<vmem>>
        %dma_wait3A_830 = tpu.memref_slice %arg4[%add3A_821] : memref<327680xi32, #tpu.memory_space<hbm>> -> memref<64xi32, #tpu.memory_space<hbm>>
        tpu.wait_dma2 semaphore(%arg11 : memref<!tpu.dma_semaphore, #tpu.memory_space<semaphore_mem>>) src(%dma_wait3A_830 : memref<64xi32, #tpu.memory_space<hbm>>) dst(%dma_wait3A_829 : memref<64xi32, #tpu.memory_space<vmem>>)
        %dma_start3A_831 = arith.constant 1 : i32
        %dma_start3A_832 = arith.constant 1 : i32
        %dma_start3A_833 = arith.constant 0 : i32
        %dma_start3A_834 = arith.constant 0 : i32
        %dma_start3A_835 = tpu.memref_slice %arg8[%dma_start3A_832, %dma_start3A_833, %dma_start3A_834] : memref<4x64x128xf32, #tpu.memory_space<vmem>> -> memref<1x64x128xf32, #tpu.memory_space<vmem>>
        %dma_start3A_836 = tpu.memref_squeeze %dma_start3A_835 : memref<1x64x128xf32, #tpu.memory_space<vmem>> -> memref<64x128xf32, #tpu.memory_space<vmem>>
        %dma_start3A_837 = arith.constant 0 : i32
        %dma_start3A_838 = tpu.memref_slice %arg6[%dma_start3A_831, %dma_start3A_837] : memref<4x64xi32, #tpu.memory_space<vmem>> -> memref<1x64xi32, #tpu.memory_space<vmem>>
        %dma_start3A_839 = tpu.memref_squeeze %dma_start3A_838 : memref<1x64xi32, #tpu.memory_space<vmem>> -> memref<64xi32, #tpu.memory_space<vmem>>
        %dma_start3A_840 = arith.constant 0 : i32
        %dma_start3A_841 = arith.constant 0 : i32
        %dma_start3A_842 = tpu.memref_slice %arg2[%dma_start3A_840, %dma_start3A_841] : memref<10000x128xf32, #tpu.memory_space<hbm>> -> memref<10000x128xf32, #tpu.memory_space<hbm>>
        tpu.enqueue_indirect_dma source(%dma_start3A_842 : memref<10000x128xf32, #tpu.memory_space<hbm>>) target(%dma_start3A_836 : memref<64x128xf32, #tpu.memory_space<vmem>>) offsets(%dma_start3A_839 : memref<64xi32, #tpu.memory_space<vmem>>) semaphore(%arg15 : memref<!tpu.dma_semaphore, #tpu.memory_space<semaphore_mem>>)
      } else {
      }
      %add3A_749 = arith.constant 1 : i32
      %add3A_750 = arith.addi %scan3A_631, %add3A_749 : i32
      %mul3A_751 = arith.constant 4 : i32
      %mul3A_752 = arith.muli %add3A_750, %mul3A_751 : i32
      %add3A_753 = arith.constant 2 : i32
      %add3A_754 = arith.addi %mul3A_752, %add3A_753 : i32
      %lt3A_755 = arith.constant 160 : i32
      %lt3A_756 = arith.cmpi slt, %add3A_754, %lt3A_755 : i32
      %convert_element_type3A_757 = arith.extui %lt3A_756 : i1 to i32
      %cond3A_758 = arith.constant 0 : i32
      %cond3A_759 = arith.cmpi ne, %convert_element_type3A_757, %cond3A_758 : i32
      scf.if %cond3A_759 {
        %dma_wait3A_771 = arith.constant 2 : i32
        %dma_wait3A_772 = arith.constant 2 : i32
        %dma_wait3A_773 = arith.constant 0 : i32
        %dma_wait3A_774 = arith.constant 0 : i32
        %dma_wait3A_775 = tpu.memref_slice %arg8[%dma_wait3A_771, %dma_wait3A_773, %dma_wait3A_774] : memref<4x64x128xf32, #tpu.memory_space<vmem>> -> memref<1x64x128xf32, #tpu.memory_space<vmem>>
        %dma_wait3A_776 = tpu.memref_squeeze %dma_wait3A_775 : memref<1x64x128xf32, #tpu.memory_space<vmem>> -> memref<64x128xf32, #tpu.memory_space<vmem>>
        %dma_wait3A_777 = arith.constant 0 : i32
        %dma_wait3A_778 = tpu.memref_slice %arg7[%dma_wait3A_772, %dma_wait3A_777] : memref<4x64xi32, #tpu.memory_space<vmem>> -> memref<1x64xi32, #tpu.memory_space<vmem>>
        %dma_wait3A_779 = tpu.memref_squeeze %dma_wait3A_778 : memref<1x64xi32, #tpu.memory_space<vmem>> -> memref<64xi32, #tpu.memory_space<vmem>>
        %dma_wait3A_780 = arith.constant 0 : i32
        %dma_wait3A_781 = arith.constant 0 : i32
        %dma_wait3A_782 = tpu.memref_slice %arg9[%dma_wait3A_780, %dma_wait3A_781] : memref<10240x128xf32, #tpu.memory_space<vmem_shared>> -> memref<10240x128xf32, #tpu.memory_space<vmem_shared>>
        tpu.wait_indirect_dma semaphore(%arg20 : memref<!tpu.dma_semaphore, #tpu.memory_space<semaphore_mem>>) src(%dma_wait3A_776 : memref<64x128xf32, #tpu.memory_space<vmem>>) dst(%dma_wait3A_782 : memref<10240x128xf32, #tpu.memory_space<vmem_shared>>)
        %mul3A_783 = arith.constant 64 : i32
        %mul3A_784 = arith.muli %add3A_754, %mul3A_783 : i32
        %add3A_785 = arith.addi %mul3A_345, %mul3A_784 : i32
        %dma_start3A_786 = arith.constant 2 : i32
        %dma_start3A_787 = arith.constant 0 : i32
        %dma_start3A_788 = tpu.memref_slice %arg6[%dma_start3A_786, %dma_start3A_787] : memref<4x64xi32, #tpu.memory_space<vmem>> -> memref<1x64xi32, #tpu.memory_space<vmem>>
        %dma_start3A_789 = tpu.memref_squeeze %dma_start3A_788 : memref<1x64xi32, #tpu.memory_space<vmem>> -> memref<64xi32, #tpu.memory_space<vmem>>
        %dma_start3A_790 = tpu.memref_slice %arg3[%add3A_785] : memref<327680xi32, #tpu.memory_space<hbm>> -> memref<64xi32, #tpu.memory_space<hbm>>
        %dma_start3A_791 = arith.constant 0 : i32
        %dma_start3A_792 = tpu.memref_slice %arg6[%dma_start3A_786, %dma_start3A_791] : memref<4x64xi32, #tpu.memory_space<vmem>> -> memref<1x64xi32, #tpu.memory_space<vmem>>
        %dma_start3A_793 = tpu.memref_squeeze %dma_start3A_792 : memref<1x64xi32, #tpu.memory_space<vmem>> -> memref<64xi32, #tpu.memory_space<vmem>>
        %dma_start3A_794 = tpu.memref_slice %arg3[%add3A_785] : memref<327680xi32, #tpu.memory_space<hbm>> -> memref<64xi32, #tpu.memory_space<hbm>>
        tpu.enqueue_dma source(%dma_start3A_794 : memref<64xi32, #tpu.memory_space<hbm>>) target(%dma_start3A_793 : memref<64xi32, #tpu.memory_space<vmem>>) target_semaphore(%arg12 : memref<!tpu.dma_semaphore, #tpu.memory_space<semaphore_mem>>)
        %mul3A_795 = arith.constant 64 : i32
        %mul3A_796 = arith.muli %add3A_754, %mul3A_795 : i32
        %add3A_797 = arith.addi %mul3A_345, %mul3A_796 : i32
        %dma_start3A_798 = arith.constant 2 : i32
        %dma_start3A_799 = arith.constant 0 : i32
        %dma_start3A_800 = tpu.memref_slice %arg7[%dma_start3A_798, %dma_start3A_799] : memref<4x64xi32, #tpu.memory_space<vmem>> -> memref<1x64xi32, #tpu.memory_space<vmem>>
        %dma_start3A_801 = tpu.memref_squeeze %dma_start3A_800 : memref<1x64xi32, #tpu.memory_space<vmem>> -> memref<64xi32, #tpu.memory_space<vmem>>
        %dma_start3A_802 = tpu.memref_slice %arg4[%add3A_797] : memref<327680xi32, #tpu.memory_space<hbm>> -> memref<64xi32, #tpu.memory_space<hbm>>
        %dma_start3A_803 = arith.constant 0 : i32
        %dma_start3A_804 = tpu.memref_slice %arg7[%dma_start3A_798, %dma_start3A_803] : memref<4x64xi32, #tpu.memory_space<vmem>> -> memref<1x64xi32, #tpu.memory_space<vmem>>
        %dma_start3A_805 = tpu.memref_squeeze %dma_start3A_804 : memref<1x64xi32, #tpu.memory_space<vmem>> -> memref<64xi32, #tpu.memory_space<vmem>>
        %dma_start3A_806 = tpu.memref_slice %arg4[%add3A_797] : memref<327680xi32, #tpu.memory_space<hbm>> -> memref<64xi32, #tpu.memory_space<hbm>>
        tpu.enqueue_dma source(%dma_start3A_806 : memref<64xi32, #tpu.memory_space<hbm>>) target(%dma_start3A_805 : memref<64xi32, #tpu.memory_space<vmem>>) target_semaphore(%arg12 : memref<!tpu.dma_semaphore, #tpu.memory_space<semaphore_mem>>)
        %mul3A_807 = arith.constant 64 : i32
        %mul3A_808 = arith.muli %add3A_754, %mul3A_807 : i32
        %add3A_809 = arith.addi %mul3A_345, %mul3A_808 : i32
        %dma_wait3A_810 = arith.constant 2 : i32
        %dma_wait3A_811 = arith.constant 0 : i32
        %dma_wait3A_812 = tpu.memref_slice %arg6[%dma_wait3A_810, %dma_wait3A_811] : memref<4x64xi32, #tpu.memory_space<vmem>> -> memref<1x64xi32, #tpu.memory_space<vmem>>
        %dma_wait3A_813 = tpu.memref_squeeze %dma_wait3A_812 : memref<1x64xi32, #tpu.memory_space<vmem>> -> memref<64xi32, #tpu.memory_space<vmem>>
        %dma_wait3A_814 = tpu.memref_slice %arg3[%add3A_809] : memref<327680xi32, #tpu.memory_space<hbm>> -> memref<64xi32, #tpu.memory_space<hbm>>
        %dma_wait3A_815 = arith.constant 0 : i32
        %dma_wait3A_816 = tpu.memref_slice %arg6[%dma_wait3A_810, %dma_wait3A_815] : memref<4x64xi32, #tpu.memory_space<vmem>> -> memref<1x64xi32, #tpu.memory_space<vmem>>
        %dma_wait3A_817 = tpu.memref_squeeze %dma_wait3A_816 : memref<1x64xi32, #tpu.memory_space<vmem>> -> memref<64xi32, #tpu.memory_space<vmem>>
        %dma_wait3A_818 = tpu.memref_slice %arg3[%add3A_809] : memref<327680xi32, #tpu.memory_space<hbm>> -> memref<64xi32, #tpu.memory_space<hbm>>
        tpu.wait_dma2 semaphore(%arg12 : memref<!tpu.dma_semaphore, #tpu.memory_space<semaphore_mem>>) src(%dma_wait3A_818 : memref<64xi32, #tpu.memory_space<hbm>>) dst(%dma_wait3A_817 : memref<64xi32, #tpu.memory_space<vmem>>)
        %mul3A_819 = arith.constant 64 : i32
        %mul3A_820 = arith.muli %add3A_754, %mul3A_819 : i32
        %add3A_821 = arith.addi %mul3A_345, %mul3A_820 : i32
        %dma_wait3A_822 = arith.constant 2 : i32
        %dma_wait3A_823 = arith.constant 0 : i32
        %dma_wait3A_824 = tpu.memref_slice %arg7[%dma_wait3A_822, %dma_wait3A_823] : memref<4x64xi32, #tpu.memory_space<vmem>> -> memref<1x64xi32, #tpu.memory_space<vmem>>
        %dma_wait3A_825 = tpu.memref_squeeze %dma_wait3A_824 : memref<1x64xi32, #tpu.memory_space<vmem>> -> memref<64xi32, #tpu.memory_space<vmem>>
        %dma_wait3A_826 = tpu.memref_slice %arg4[%add3A_821] : memref<327680xi32, #tpu.memory_space<hbm>> -> memref<64xi32, #tpu.memory_space<hbm>>
        %dma_wait3A_827 = arith.constant 0 : i32
        %dma_wait3A_828 = tpu.memref_slice %arg7[%dma_wait3A_822, %dma_wait3A_827] : memref<4x64xi32, #tpu.memory_space<vmem>> -> memref<1x64xi32, #tpu.memory_space<vmem>>
        %dma_wait3A_829 = tpu.memref_squeeze %dma_wait3A_828 : memref<1x64xi32, #tpu.memory_space<vmem>> -> memref<64xi32, #tpu.memory_space<vmem>>
        %dma_wait3A_830 = tpu.memref_slice %arg4[%add3A_821] : memref<327680xi32, #tpu.memory_space<hbm>> -> memref<64xi32, #tpu.memory_space<hbm>>
        tpu.wait_dma2 semaphore(%arg12 : memref<!tpu.dma_semaphore, #tpu.memory_space<semaphore_mem>>) src(%dma_wait3A_830 : memref<64xi32, #tpu.memory_space<hbm>>) dst(%dma_wait3A_829 : memref<64xi32, #tpu.memory_space<vmem>>)
        %dma_start3A_831 = arith.constant 2 : i32
        %dma_start3A_832 = arith.constant 2 : i32
        %dma_start3A_833 = arith.constant 0 : i32
        %dma_start3A_834 = arith.constant 0 : i32
        %dma_start3A_835 = tpu.memref_slice %arg8[%dma_start3A_832, %dma_start3A_833, %dma_start3A_834] : memref<4x64x128xf32, #tpu.memory_space<vmem>> -> memref<1x64x128xf32, #tpu.memory_space<vmem>>
        %dma_start3A_836 = tpu.memref_squeeze %dma_start3A_835 : memref<1x64x128xf32, #tpu.memory_space<vmem>> -> memref<64x128xf32, #tpu.memory_space<vmem>>
        %dma_start3A_837 = arith.constant 0 : i32
        %dma_start3A_838 = tpu.memref_slice %arg6[%dma_start3A_831, %dma_start3A_837] : memref<4x64xi32, #tpu.memory_space<vmem>> -> memref<1x64xi32, #tpu.memory_space<vmem>>
        %dma_start3A_839 = tpu.memref_squeeze %dma_start3A_838 : memref<1x64xi32, #tpu.memory_space<vmem>> -> memref<64xi32, #tpu.memory_space<vmem>>
        %dma_start3A_840 = arith.constant 0 : i32
        %dma_start3A_841 = arith.constant 0 : i32
        %dma_start3A_842 = tpu.memref_slice %arg2[%dma_start3A_840, %dma_start3A_841] : memref<10000x128xf32, #tpu.memory_space<hbm>> -> memref<10000x128xf32, #tpu.memory_space<hbm>>
        tpu.enqueue_indirect_dma source(%dma_start3A_842 : memref<10000x128xf32, #tpu.memory_space<hbm>>) target(%dma_start3A_836 : memref<64x128xf32, #tpu.memory_space<vmem>>) offsets(%dma_start3A_839 : memref<64xi32, #tpu.memory_space<vmem>>) semaphore(%arg16 : memref<!tpu.dma_semaphore, #tpu.memory_space<semaphore_mem>>)
      } else {
      }
      %add3A_760 = arith.constant 1 : i32
      %add3A_761 = arith.addi %scan3A_631, %add3A_760 : i32
      %mul3A_762 = arith.constant 4 : i32
      %mul3A_763 = arith.muli %add3A_761, %mul3A_762 : i32
      %add3A_764 = arith.constant 3 : i32
      %add3A_765 = arith.addi %mul3A_763, %add3A_764 : i32
      %lt3A_766 = arith.constant 160 : i32
      %lt3A_767 = arith.cmpi slt, %add3A_765, %lt3A_766 : i32
      %convert_element_type3A_768 = arith.extui %lt3A_767 : i1 to i32
      %cond3A_769 = arith.constant 0 : i32
      %cond3A_770 = arith.cmpi ne, %convert_element_type3A_768, %cond3A_769 : i32
      scf.if %cond3A_770 {
        %dma_wait3A_771 = arith.constant 3 : i32
        %dma_wait3A_772 = arith.constant 3 : i32
        %dma_wait3A_773 = arith.constant 0 : i32
        %dma_wait3A_774 = arith.constant 0 : i32
        %dma_wait3A_775 = tpu.memref_slice %arg8[%dma_wait3A_771, %dma_wait3A_773, %dma_wait3A_774] : memref<4x64x128xf32, #tpu.memory_space<vmem>> -> memref<1x64x128xf32, #tpu.memory_space<vmem>>
        %dma_wait3A_776 = tpu.memref_squeeze %dma_wait3A_775 : memref<1x64x128xf32, #tpu.memory_space<vmem>> -> memref<64x128xf32, #tpu.memory_space<vmem>>
        %dma_wait3A_777 = arith.constant 0 : i32
        %dma_wait3A_778 = tpu.memref_slice %arg7[%dma_wait3A_772, %dma_wait3A_777] : memref<4x64xi32, #tpu.memory_space<vmem>> -> memref<1x64xi32, #tpu.memory_space<vmem>>
        %dma_wait3A_779 = tpu.memref_squeeze %dma_wait3A_778 : memref<1x64xi32, #tpu.memory_space<vmem>> -> memref<64xi32, #tpu.memory_space<vmem>>
        %dma_wait3A_780 = arith.constant 0 : i32
        %dma_wait3A_781 = arith.constant 0 : i32
        %dma_wait3A_782 = tpu.memref_slice %arg9[%dma_wait3A_780, %dma_wait3A_781] : memref<10240x128xf32, #tpu.memory_space<vmem_shared>> -> memref<10240x128xf32, #tpu.memory_space<vmem_shared>>
        tpu.wait_indirect_dma semaphore(%arg21 : memref<!tpu.dma_semaphore, #tpu.memory_space<semaphore_mem>>) src(%dma_wait3A_776 : memref<64x128xf32, #tpu.memory_space<vmem>>) dst(%dma_wait3A_782 : memref<10240x128xf32, #tpu.memory_space<vmem_shared>>)
        %mul3A_783 = arith.constant 64 : i32
        %mul3A_784 = arith.muli %add3A_765, %mul3A_783 : i32
        %add3A_785 = arith.addi %mul3A_345, %mul3A_784 : i32
        %dma_start3A_786 = arith.constant 3 : i32
        %dma_start3A_787 = arith.constant 0 : i32
        %dma_start3A_788 = tpu.memref_slice %arg6[%dma_start3A_786, %dma_start3A_787] : memref<4x64xi32, #tpu.memory_space<vmem>> -> memref<1x64xi32, #tpu.memory_space<vmem>>
        %dma_start3A_789 = tpu.memref_squeeze %dma_start3A_788 : memref<1x64xi32, #tpu.memory_space<vmem>> -> memref<64xi32, #tpu.memory_space<vmem>>
        %dma_start3A_790 = tpu.memref_slice %arg3[%add3A_785] : memref<327680xi32, #tpu.memory_space<hbm>> -> memref<64xi32, #tpu.memory_space<hbm>>
        %dma_start3A_791 = arith.constant 0 : i32
        %dma_start3A_792 = tpu.memref_slice %arg6[%dma_start3A_786, %dma_start3A_791] : memref<4x64xi32, #tpu.memory_space<vmem>> -> memref<1x64xi32, #tpu.memory_space<vmem>>
        %dma_start3A_793 = tpu.memref_squeeze %dma_start3A_792 : memref<1x64xi32, #tpu.memory_space<vmem>> -> memref<64xi32, #tpu.memory_space<vmem>>
        %dma_start3A_794 = tpu.memref_slice %arg3[%add3A_785] : memref<327680xi32, #tpu.memory_space<hbm>> -> memref<64xi32, #tpu.memory_space<hbm>>
        tpu.enqueue_dma source(%dma_start3A_794 : memref<64xi32, #tpu.memory_space<hbm>>) target(%dma_start3A_793 : memref<64xi32, #tpu.memory_space<vmem>>) target_semaphore(%arg13 : memref<!tpu.dma_semaphore, #tpu.memory_space<semaphore_mem>>)
        %mul3A_795 = arith.constant 64 : i32
        %mul3A_796 = arith.muli %add3A_765, %mul3A_795 : i32
        %add3A_797 = arith.addi %mul3A_345, %mul3A_796 : i32
        %dma_start3A_798 = arith.constant 3 : i32
        %dma_start3A_799 = arith.constant 0 : i32
        %dma_start3A_800 = tpu.memref_slice %arg7[%dma_start3A_798, %dma_start3A_799] : memref<4x64xi32, #tpu.memory_space<vmem>> -> memref<1x64xi32, #tpu.memory_space<vmem>>
        %dma_start3A_801 = tpu.memref_squeeze %dma_start3A_800 : memref<1x64xi32, #tpu.memory_space<vmem>> -> memref<64xi32, #tpu.memory_space<vmem>>
        %dma_start3A_802 = tpu.memref_slice %arg4[%add3A_797] : memref<327680xi32, #tpu.memory_space<hbm>> -> memref<64xi32, #tpu.memory_space<hbm>>
        %dma_start3A_803 = arith.constant 0 : i32
        %dma_start3A_804 = tpu.memref_slice %arg7[%dma_start3A_798, %dma_start3A_803] : memref<4x64xi32, #tpu.memory_space<vmem>> -> memref<1x64xi32, #tpu.memory_space<vmem>>
        %dma_start3A_805 = tpu.memref_squeeze %dma_start3A_804 : memref<1x64xi32, #tpu.memory_space<vmem>> -> memref<64xi32, #tpu.memory_space<vmem>>
        %dma_start3A_806 = tpu.memref_slice %arg4[%add3A_797] : memref<327680xi32, #tpu.memory_space<hbm>> -> memref<64xi32, #tpu.memory_space<hbm>>
        tpu.enqueue_dma source(%dma_start3A_806 : memref<64xi32, #tpu.memory_space<hbm>>) target(%dma_start3A_805 : memref<64xi32, #tpu.memory_space<vmem>>) target_semaphore(%arg13 : memref<!tpu.dma_semaphore, #tpu.memory_space<semaphore_mem>>)
        %mul3A_807 = arith.constant 64 : i32
        %mul3A_808 = arith.muli %add3A_765, %mul3A_807 : i32
        %add3A_809 = arith.addi %mul3A_345, %mul3A_808 : i32
        %dma_wait3A_810 = arith.constant 3 : i32
        %dma_wait3A_811 = arith.constant 0 : i32
        %dma_wait3A_812 = tpu.memref_slice %arg6[%dma_wait3A_810, %dma_wait3A_811] : memref<4x64xi32, #tpu.memory_space<vmem>> -> memref<1x64xi32, #tpu.memory_space<vmem>>
        %dma_wait3A_813 = tpu.memref_squeeze %dma_wait3A_812 : memref<1x64xi32, #tpu.memory_space<vmem>> -> memref<64xi32, #tpu.memory_space<vmem>>
        %dma_wait3A_814 = tpu.memref_slice %arg3[%add3A_809] : memref<327680xi32, #tpu.memory_space<hbm>> -> memref<64xi32, #tpu.memory_space<hbm>>
        %dma_wait3A_815 = arith.constant 0 : i32
        %dma_wait3A_816 = tpu.memref_slice %arg6[%dma_wait3A_810, %dma_wait3A_815] : memref<4x64xi32, #tpu.memory_space<vmem>> -> memref<1x64xi32, #tpu.memory_space<vmem>>
        %dma_wait3A_817 = tpu.memref_squeeze %dma_wait3A_816 : memref<1x64xi32, #tpu.memory_space<vmem>> -> memref<64xi32, #tpu.memory_space<vmem>>
        %dma_wait3A_818 = tpu.memref_slice %arg3[%add3A_809] : memref<327680xi32, #tpu.memory_space<hbm>> -> memref<64xi32, #tpu.memory_space<hbm>>
        tpu.wait_dma2 semaphore(%arg13 : memref<!tpu.dma_semaphore, #tpu.memory_space<semaphore_mem>>) src(%dma_wait3A_818 : memref<64xi32, #tpu.memory_space<hbm>>) dst(%dma_wait3A_817 : memref<64xi32, #tpu.memory_space<vmem>>)
        %mul3A_819 = arith.constant 64 : i32
        %mul3A_820 = arith.muli %add3A_765, %mul3A_819 : i32
        %add3A_821 = arith.addi %mul3A_345, %mul3A_820 : i32
        %dma_wait3A_822 = arith.constant 3 : i32
        %dma_wait3A_823 = arith.constant 0 : i32
        %dma_wait3A_824 = tpu.memref_slice %arg7[%dma_wait3A_822, %dma_wait3A_823] : memref<4x64xi32, #tpu.memory_space<vmem>> -> memref<1x64xi32, #tpu.memory_space<vmem>>
        %dma_wait3A_825 = tpu.memref_squeeze %dma_wait3A_824 : memref<1x64xi32, #tpu.memory_space<vmem>> -> memref<64xi32, #tpu.memory_space<vmem>>
        %dma_wait3A_826 = tpu.memref_slice %arg4[%add3A_821] : memref<327680xi32, #tpu.memory_space<hbm>> -> memref<64xi32, #tpu.memory_space<hbm>>
        %dma_wait3A_827 = arith.constant 0 : i32
        %dma_wait3A_828 = tpu.memref_slice %arg7[%dma_wait3A_822, %dma_wait3A_827] : memref<4x64xi32, #tpu.memory_space<vmem>> -> memref<1x64xi32, #tpu.memory_space<vmem>>
        %dma_wait3A_829 = tpu.memref_squeeze %dma_wait3A_828 : memref<1x64xi32, #tpu.memory_space<vmem>> -> memref<64xi32, #tpu.memory_space<vmem>>
        %dma_wait3A_830 = tpu.memref_slice %arg4[%add3A_821] : memref<327680xi32, #tpu.memory_space<hbm>> -> memref<64xi32, #tpu.memory_space<hbm>>
        tpu.wait_dma2 semaphore(%arg13 : memref<!tpu.dma_semaphore, #tpu.memory_space<semaphore_mem>>) src(%dma_wait3A_830 : memref<64xi32, #tpu.memory_space<hbm>>) dst(%dma_wait3A_829 : memref<64xi32, #tpu.memory_space<vmem>>)
        %dma_start3A_831 = arith.constant 3 : i32
        %dma_start3A_832 = arith.constant 3 : i32
        %dma_start3A_833 = arith.constant 0 : i32
        %dma_start3A_834 = arith.constant 0 : i32
        %dma_start3A_835 = tpu.memref_slice %arg8[%dma_start3A_832, %dma_start3A_833, %dma_start3A_834] : memref<4x64x128xf32, #tpu.memory_space<vmem>> -> memref<1x64x128xf32, #tpu.memory_space<vmem>>
        %dma_start3A_836 = tpu.memref_squeeze %dma_start3A_835 : memref<1x64x128xf32, #tpu.memory_space<vmem>> -> memref<64x128xf32, #tpu.memory_space<vmem>>
        %dma_start3A_837 = arith.constant 0 : i32
        %dma_start3A_838 = tpu.memref_slice %arg6[%dma_start3A_831, %dma_start3A_837] : memref<4x64xi32, #tpu.memory_space<vmem>> -> memref<1x64xi32, #tpu.memory_space<vmem>>
        %dma_start3A_839 = tpu.memref_squeeze %dma_start3A_838 : memref<1x64xi32, #tpu.memory_space<vmem>> -> memref<64xi32, #tpu.memory_space<vmem>>
        %dma_start3A_840 = arith.constant 0 : i32
        %dma_start3A_841 = arith.constant 0 : i32
        %dma_start3A_842 = tpu.memref_slice %arg2[%dma_start3A_840, %dma_start3A_841] : memref<10000x128xf32, #tpu.memory_space<hbm>> -> memref<10000x128xf32, #tpu.memory_space<hbm>>
        tpu.enqueue_indirect_dma source(%dma_start3A_842 : memref<10000x128xf32, #tpu.memory_space<hbm>>) target(%dma_start3A_836 : memref<64x128xf32, #tpu.memory_space<vmem>>) offsets(%dma_start3A_839 : memref<64xi32, #tpu.memory_space<vmem>>) semaphore(%arg17 : memref<!tpu.dma_semaphore, #tpu.memory_space<semaphore_mem>>)
      } else {
      }
    }
    %scan3A_575 = arith.constant 40 : i32
    %dma_wait3A_576 = arith.constant 0 : i32
    %dma_wait3A_577 = arith.constant 0 : i32
    %dma_wait3A_578 = arith.constant 0 : i32
    %dma_wait3A_579 = arith.constant 0 : i32
    %dma_wait3A_580 = tpu.memref_slice %arg8[%dma_wait3A_576, %dma_wait3A_578, %dma_wait3A_579] : memref<4x64x128xf32, #tpu.memory_space<vmem>> -> memref<1x64x128xf32, #tpu.memory_space<vmem>>
    %dma_wait3A_581 = tpu.memref_squeeze %dma_wait3A_580 : memref<1x64x128xf32, #tpu.memory_space<vmem>> -> memref<64x128xf32, #tpu.memory_space<vmem>>
    %dma_wait3A_582 = arith.constant 0 : i32
    %dma_wait3A_583 = tpu.memref_slice %arg7[%dma_wait3A_577, %dma_wait3A_582] : memref<4x64xi32, #tpu.memory_space<vmem>> -> memref<1x64xi32, #tpu.memory_space<vmem>>
    %dma_wait3A_584 = tpu.memref_squeeze %dma_wait3A_583 : memref<1x64xi32, #tpu.memory_space<vmem>> -> memref<64xi32, #tpu.memory_space<vmem>>
    %dma_wait3A_585 = arith.constant 0 : i32
    %dma_wait3A_586 = arith.constant 0 : i32
    %dma_wait3A_587 = tpu.memref_slice %arg9[%dma_wait3A_585, %dma_wait3A_586] : memref<10240x128xf32, #tpu.memory_space<vmem_shared>> -> memref<10240x128xf32, #tpu.memory_space<vmem_shared>>
    tpu.wait_indirect_dma semaphore(%arg18 : memref<!tpu.dma_semaphore, #tpu.memory_space<semaphore_mem>>) src(%dma_wait3A_581 : memref<64x128xf32, #tpu.memory_space<vmem>>) dst(%dma_wait3A_587 : memref<10240x128xf32, #tpu.memory_space<vmem_shared>>)
    %dma_wait3A_588 = arith.constant 1 : i32
    %dma_wait3A_589 = arith.constant 1 : i32
    %dma_wait3A_590 = arith.constant 0 : i32
    %dma_wait3A_591 = arith.constant 0 : i32
    %dma_wait3A_592 = tpu.memref_slice %arg8[%dma_wait3A_588, %dma_wait3A_590, %dma_wait3A_591] : memref<4x64x128xf32, #tpu.memory_space<vmem>> -> memref<1x64x128xf32, #tpu.memory_space<vmem>>
    %dma_wait3A_593 = tpu.memref_squeeze %dma_wait3A_592 : memref<1x64x128xf32, #tpu.memory_space<vmem>> -> memref<64x128xf32, #tpu.memory_space<vmem>>
    %dma_wait3A_594 = arith.constant 0 : i32
    %dma_wait3A_595 = tpu.memref_slice %arg7[%dma_wait3A_589, %dma_wait3A_594] : memref<4x64xi32, #tpu.memory_space<vmem>> -> memref<1x64xi32, #tpu.memory_space<vmem>>
    %dma_wait3A_596 = tpu.memref_squeeze %dma_wait3A_595 : memref<1x64xi32, #tpu.memory_space<vmem>> -> memref<64xi32, #tpu.memory_space<vmem>>
    %dma_wait3A_597 = arith.constant 0 : i32
    %dma_wait3A_598 = arith.constant 0 : i32
    %dma_wait3A_599 = tpu.memref_slice %arg9[%dma_wait3A_597, %dma_wait3A_598] : memref<10240x128xf32, #tpu.memory_space<vmem_shared>> -> memref<10240x128xf32, #tpu.memory_space<vmem_shared>>
    tpu.wait_indirect_dma semaphore(%arg19 : memref<!tpu.dma_semaphore, #tpu.memory_space<semaphore_mem>>) src(%dma_wait3A_593 : memref<64x128xf32, #tpu.memory_space<vmem>>) dst(%dma_wait3A_599 : memref<10240x128xf32, #tpu.memory_space<vmem_shared>>)
    %dma_wait3A_600 = arith.constant 2 : i32
    %dma_wait3A_601 = arith.constant 2 : i32
    %dma_wait3A_602 = arith.constant 0 : i32
    %dma_wait3A_603 = arith.constant 0 : i32
    %dma_wait3A_604 = tpu.memref_slice %arg8[%dma_wait3A_600, %dma_wait3A_602, %dma_wait3A_603] : memref<4x64x128xf32, #tpu.memory_space<vmem>> -> memref<1x64x128xf32, #tpu.memory_space<vmem>>
    %dma_wait3A_605 = tpu.memref_squeeze %dma_wait3A_604 : memref<1x64x128xf32, #tpu.memory_space<vmem>> -> memref<64x128xf32, #tpu.memory_space<vmem>>
    %dma_wait3A_606 = arith.constant 0 : i32
    %dma_wait3A_607 = tpu.memref_slice %arg7[%dma_wait3A_601, %dma_wait3A_606] : memref<4x64xi32, #tpu.memory_space<vmem>> -> memref<1x64xi32, #tpu.memory_space<vmem>>
    %dma_wait3A_608 = tpu.memref_squeeze %dma_wait3A_607 : memref<1x64xi32, #tpu.memory_space<vmem>> -> memref<64xi32, #tpu.memory_space<vmem>>
    %dma_wait3A_609 = arith.constant 0 : i32
    %dma_wait3A_610 = arith.constant 0 : i32
    %dma_wait3A_611 = tpu.memref_slice %arg9[%dma_wait3A_609, %dma_wait3A_610] : memref<10240x128xf32, #tpu.memory_space<vmem_shared>> -> memref<10240x128xf32, #tpu.memory_space<vmem_shared>>
    tpu.wait_indirect_dma semaphore(%arg20 : memref<!tpu.dma_semaphore, #tpu.memory_space<semaphore_mem>>) src(%dma_wait3A_605 : memref<64x128xf32, #tpu.memory_space<vmem>>) dst(%dma_wait3A_611 : memref<10240x128xf32, #tpu.memory_space<vmem_shared>>)
    %dma_wait3A_612 = arith.constant 3 : i32
    %dma_wait3A_613 = arith.constant 3 : i32
    %dma_wait3A_614 = arith.constant 0 : i32
    %dma_wait3A_615 = arith.constant 0 : i32
    %dma_wait3A_616 = tpu.memref_slice %arg8[%dma_wait3A_612, %dma_wait3A_614, %dma_wait3A_615] : memref<4x64x128xf32, #tpu.memory_space<vmem>> -> memref<1x64x128xf32, #tpu.memory_space<vmem>>
    %dma_wait3A_617 = tpu.memref_squeeze %dma_wait3A_616 : memref<1x64x128xf32, #tpu.memory_space<vmem>> -> memref<64x128xf32, #tpu.memory_space<vmem>>
    %dma_wait3A_618 = arith.constant 0 : i32
    %dma_wait3A_619 = tpu.memref_slice %arg7[%dma_wait3A_613, %dma_wait3A_618] : memref<4x64xi32, #tpu.memory_space<vmem>> -> memref<1x64xi32, #tpu.memory_space<vmem>>
    %dma_wait3A_620 = tpu.memref_squeeze %dma_wait3A_619 : memref<1x64xi32, #tpu.memory_space<vmem>> -> memref<64xi32, #tpu.memory_space<vmem>>
    %dma_wait3A_621 = arith.constant 0 : i32
    %dma_wait3A_622 = arith.constant 0 : i32
    %dma_wait3A_623 = tpu.memref_slice %arg9[%dma_wait3A_621, %dma_wait3A_622] : memref<10240x128xf32, #tpu.memory_space<vmem_shared>> -> memref<10240x128xf32, #tpu.memory_space<vmem_shared>>
    tpu.wait_indirect_dma semaphore(%arg21 : memref<!tpu.dma_semaphore, #tpu.memory_space<semaphore_mem>>) src(%dma_wait3A_617 : memref<64x128xf32, #tpu.memory_space<vmem>>) dst(%dma_wait3A_623 : memref<10240x128xf32, #tpu.memory_space<vmem_shared>>)
    %barrier3A_624 = arith.constant 0 : index
    tpu.barrier barrier_id(%barrier3A_624)
    %mul3A_625 = arith.constant 624 : i32
    %mul3A_626 = arith.muli %arg1, %mul3A_625 : i32
    %mul3A_627 = arith.constant 624 : i32
    %mul3A_628 = arith.muli %arg1, %mul3A_627 : i32
    "tpu.region"() ({
      %run_scoped3A = tpu.sem_alloc : memref<!tpu.dma_semaphore, #tpu.memory_space<semaphore_mem>>
      %dma_start3A_631 = arith.constant 0 : i32
      %dma_start3A_632 = tpu.memref_slice %arg5[%arg0, %mul3A_628, %dma_start3A_631] : memref<2x10000x128xf32, #tpu.memory_space<hbm>> -> memref<1x624x128xf32, #tpu.memory_space<hbm>>
      %dma_start3A_633 = tpu.memref_squeeze %dma_start3A_632 : memref<1x624x128xf32, #tpu.memory_space<hbm>> -> memref<624x128xf32, #tpu.memory_space<hbm>>
      %dma_start3A_634 = arith.constant 0 : i32
      %dma_start3A_635 = tpu.memref_slice %arg9[%mul3A_626, %dma_start3A_634] : memref<10240x128xf32, #tpu.memory_space<vmem_shared>> -> memref<624x128xf32, #tpu.memory_space<vmem_shared>>
      tpu.enqueue_dma source(%dma_start3A_635 : memref<624x128xf32, #tpu.memory_space<vmem_shared>>) target(%dma_start3A_633 : memref<624x128xf32, #tpu.memory_space<hbm>>) target_semaphore(%run_scoped3A : memref<!tpu.dma_semaphore, #tpu.memory_space<semaphore_mem>>)
      %dma_wait3A_636 = arith.constant 0 : i32
      %dma_wait3A_637 = tpu.memref_slice %arg5[%arg0, %mul3A_628, %dma_wait3A_636] : memref<2x10000x128xf32, #tpu.memory_space<hbm>> -> memref<1x624x128xf32, #tpu.memory_space<hbm>>
      %dma_wait3A_638 = tpu.memref_squeeze %dma_wait3A_637 : memref<1x624x128xf32, #tpu.memory_space<hbm>> -> memref<624x128xf32, #tpu.memory_space<hbm>>
      %dma_wait3A_639 = arith.constant 0 : i32
      %dma_wait3A_640 = tpu.memref_slice %arg9[%mul3A_626, %dma_wait3A_639] : memref<10240x128xf32, #tpu.memory_space<vmem_shared>> -> memref<624x128xf32, #tpu.memory_space<vmem_shared>>
      tpu.wait_dma2 semaphore(%run_scoped3A : memref<!tpu.dma_semaphore, #tpu.memory_space<semaphore_mem>>) src(%dma_wait3A_640 : memref<624x128xf32, #tpu.memory_space<vmem_shared>>) dst(%dma_wait3A_638 : memref<624x128xf32, #tpu.memory_space<hbm>>)
      tpu.yield
    }) : () -> ()
    %eq3A = arith.constant 15 : i32
    %eq3A_629 = arith.cmpi eq, %arg1, %eq3A : i32
    %convert_element_type3A = arith.extui %eq3A_629 : i1 to i32
    %cond3A = arith.constant 0 : i32
    %cond3A_630 = arith.cmpi ne, %convert_element_type3A, %cond3A : i32
    scf.if %cond3A_630 {
      "tpu.region"() ({
        %run_scoped3A = tpu.sem_alloc : memref<!tpu.dma_semaphore, #tpu.memory_space<semaphore_mem>>
        %dma_start3A_631 = arith.constant 9984 : i32
        %dma_start3A_632 = arith.constant 0 : i32
        %dma_start3A_633 = tpu.memref_slice %arg5[%arg0, %dma_start3A_631, %dma_start3A_632] : memref<2x10000x128xf32, #tpu.memory_space<hbm>> -> memref<1x16x128xf32, #tpu.memory_space<hbm>>
        %dma_start3A_634 = tpu.memref_squeeze %dma_start3A_633 : memref<1x16x128xf32, #tpu.memory_space<hbm>> -> memref<16x128xf32, #tpu.memory_space<hbm>>
        %dma_start3A_635 = arith.constant 9984 : i32
        %dma_start3A_636 = arith.constant 0 : i32
        %dma_start3A_637 = tpu.memref_slice %arg9[%dma_start3A_635, %dma_start3A_636] : memref<10240x128xf32, #tpu.memory_space<vmem_shared>> -> memref<16x128xf32, #tpu.memory_space<vmem_shared>>
        tpu.enqueue_dma source(%dma_start3A_637 : memref<16x128xf32, #tpu.memory_space<vmem_shared>>) target(%dma_start3A_634 : memref<16x128xf32, #tpu.memory_space<hbm>>) target_semaphore(%run_scoped3A : memref<!tpu.dma_semaphore, #tpu.memory_space<semaphore_mem>>)
        %dma_wait3A_638 = arith.constant 9984 : i32
        %dma_wait3A_639 = arith.constant 0 : i32
        %dma_wait3A_640 = tpu.memref_slice %arg5[%arg0, %dma_wait3A_638, %dma_wait3A_639] : memref<2x10000x128xf32, #tpu.memory_space<hbm>> -> memref<1x16x128xf32, #tpu.memory_space<hbm>>
        %dma_wait3A_641 = tpu.memref_squeeze %dma_wait3A_640 : memref<1x16x128xf32, #tpu.memory_space<hbm>> -> memref<16x128xf32, #tpu.memory_space<hbm>>
        %dma_wait3A_642 = arith.constant 9984 : i32
        %dma_wait3A_643 = arith.constant 0 : i32
        %dma_wait3A_644 = tpu.memref_slice %arg9[%dma_wait3A_642, %dma_wait3A_643] : memref<10240x128xf32, #tpu.memory_space<vmem_shared>> -> memref<16x128xf32, #tpu.memory_space<vmem_shared>>
        tpu.wait_dma2 semaphore(%run_scoped3A : memref<!tpu.dma_semaphore, #tpu.memory_space<semaphore_mem>>) src(%dma_wait3A_644 : memref<16x128xf32, #tpu.memory_space<vmem_shared>>) dst(%dma_wait3A_641 : memref<16x128xf32, #tpu.memory_space<hbm>>)
        tpu.yield
      }) : () -> ()
    } else {
    }
    return
  }
}

module attributes {stable_mosaic.version = 14 : i64} {
  func.func @_tc1_body(%arg0: i32, %arg1: memref<1000x128xf32, #tpu.memory_space<vmem>>, %arg2: memref<128x128xf32, #tpu.memory_space<vmem>>, %arg3: memref<2x1000x1xf32, #tpu.memory_space<vmem>>, %arg4: memref<1000x128xf32, #tpu.memory_space<vmem>>, %arg5: memref<1000x128xf32, #tpu.memory_space<vmem>>, %arg6: memref<1000x1xf32, #tpu.memory_space<vmem>>) attributes {dimension_semantics = [#tpu.dimension_semantics<arbitrary>], iteration_bounds = array<i64: 10>, scalar_prefetch = 0 : i64, scratch_operands = 0 : i64, tpu.core_type = #tpu.core_type<tc>, window_params = [{transform_indices = @transform_0, window_bounds = array<i64: 1000, 128>}, {pipeline_mode = #tpu.pipeline_mode<synchronous>, transform_indices = @transform_1, window_bounds = array<i64: 128, 128>}, {transform_indices = @transform_2, window_bounds = array<i64: 2, 1000, 1>}, {transform_indices = @transform_3, window_bounds = array<i64: 1000, 128>}, {transform_indices = @transform_4, window_bounds = array<i64: 1000, 128>}, {transform_indices = @transform_5, window_bounds = array<i64: 1000, 1>}]} {
    %get3A = arith.constant 0 : index
    %get3A_0 = arith.constant 0 : index
    %get3A_1 = arith.constant 0 : index
    %get3A_2 = vector.load %arg3[%get3A, %get3A_0, %get3A_1] : memref<2x1000x1xf32, #tpu.memory_space<vmem>>, vector<2x1000x1xf32>
    %slice3A = vector.extract_strided_slice %get3A_2 {offsets = [0, 0, 0], sizes = [1, 1000, 1], strides = [1, 1, 1]} : vector<2x1000x1xf32> to vector<1x1000x1xf32>
    %squeeze3A = vector.shape_cast %slice3A : vector<1x1000x1xf32> to vector<1000x1xf32>
    %add3A = arith.constant 1.000000e+00 : f32
    %add3A_3 = vector.broadcast %add3A : f32 to vector<1000x1xf32>
    %add3A_4 = arith.addf %add3A_3, %squeeze3A : vector<1000x1xf32>
    %slice3A_5 = vector.extract_strided_slice %get3A_2 {offsets = [1, 0, 0], sizes = [1, 1000, 1], strides = [1, 1, 1]} : vector<2x1000x1xf32> to vector<1x1000x1xf32>
    %squeeze3A_6 = vector.shape_cast %slice3A_5 : vector<1x1000x1xf32> to vector<1000x1xf32>
    %add3A_7 = arith.addf %add3A_4, %squeeze3A_6 : vector<1000x1xf32>
    %rsqrt3A = math.rsqrt %add3A_7 : vector<1000x1xf32>
    %get3A_8 = arith.constant 0 : index
    %get3A_9 = arith.constant 0 : index
    %get3A_10 = vector.load %arg1[%get3A_8, %get3A_9] : memref<1000x128xf32, #tpu.memory_space<vmem>>, vector<1000x128xf32>
    %get3A_11 = arith.constant 0 : index
    %get3A_12 = arith.constant 0 : index
    %get3A_13 = vector.load %arg2[%get3A_11, %get3A_12] : memref<128x128xf32, #tpu.memory_space<vmem>>, vector<128x128xf32>
    %dot_general3A = arith.constant dense<0.000000e+00> : vector<1000x128xf32>
    %dot_general3A_14 = tpu.matmul %get3A_10, %get3A_13, %dot_general3A {dimension_numbers = #tpu.dot_dimension_numbers<[1], [0], [0], [1], [0, 0, 1, 1], [], []>, transpose_lhs_hint = false} : vector<1000x128xf32>, vector<128x128xf32>, vector<1000x128xf32> -> vector<1000x128xf32>
    %swap3A = arith.constant 0 : index
    %swap3A_15 = arith.constant 0 : index
    %swap3A_16 = vector.load %arg4[%swap3A, %swap3A_15] : memref<1000x128xf32, #tpu.memory_space<vmem>>, vector<1000x128xf32>
    tpu.vector_store %arg4[%swap3A, %swap3A_15], %dot_general3A_14 {strides = array<i32>} : memref<1000x128xf32, #tpu.memory_space<vmem>>, vector<1000x128xf32>,
    %mul3A = vector.broadcast %rsqrt3A : vector<1000x1xf32> to vector<1000x128xf32>
    %mul3A_17 = arith.mulf %dot_general3A_14, %mul3A : vector<1000x128xf32>
    %swap3A_18 = arith.constant 0 : index
    %swap3A_19 = arith.constant 0 : index
    %swap3A_20 = vector.load %arg5[%swap3A_18, %swap3A_19] : memref<1000x128xf32, #tpu.memory_space<vmem>>, vector<1000x128xf32>
    tpu.vector_store %arg5[%swap3A_18, %swap3A_19], %mul3A_17 {strides = array<i32>} : memref<1000x128xf32, #tpu.memory_space<vmem>>, vector<1000x128xf32>,
    %swap3A_21 = arith.constant 0 : index
    %swap3A_22 = arith.constant 0 : index
    %swap3A_23 = vector.load %arg6[%swap3A_21, %swap3A_22] : memref<1000x1xf32, #tpu.memory_space<vmem>>, vector<1000x1xf32>
    tpu.vector_store %arg6[%swap3A_21, %swap3A_22], %rsqrt3A {strides = array<i32>} : memref<1000x1xf32, #tpu.memory_space<vmem>>, vector<1000x1xf32>,
    return
  }
  func.func @transform_0(%arg0: i32) -> (i32, i32) {
    %c0_i32 = arith.constant 0 : i32
    %c0_i32_0 = arith.constant 0 : i32
    return %arg0, %c0_i32 : i32, i32
  }
  func.func @transform_1(%arg0: i32) -> (i32, i32) {
    %c0_i32 = arith.constant 0 : i32
    %c0_i32_0 = arith.constant 0 : i32
    %c0_i32_1 = arith.constant 0 : i32
    return %c0_i32, %c0_i32_0 : i32, i32
  }
  func.func @transform_2(%arg0: i32) -> (i32, i32, i32) {
    %c0_i32 = arith.constant 0 : i32
    %c0_i32_0 = arith.constant 0 : i32
    %c0_i32_1 = arith.constant 0 : i32
    return %c0_i32, %arg0, %c0_i32_0 : i32, i32, i32
  }
  func.func @transform_3(%arg0: i32) -> (i32, i32) {
    %c0_i32 = arith.constant 0 : i32
    %c0_i32_0 = arith.constant 0 : i32
    return %arg0, %c0_i32 : i32, i32
  }
  func.func @transform_4(%arg0: i32) -> (i32, i32) {
    %c0_i32 = arith.constant 0 : i32
    %c0_i32_0 = arith.constant 0 : i32
    return %arg0, %c0_i32 : i32, i32
  }
  func.func @transform_5(%arg0: i32) -> (i32, i32) {
    %c0_i32 = arith.constant 0 : i32
    %c0_i32_0 = arith.constant 0 : i32
    return %arg0, %c0_i32 : i32, i32
  }
}

module attributes {stable_mosaic.version = 14 : i64} {
  func.func @_tc3_body(%arg0: i32, %arg1: memref<2x1000x128xf32, #tpu.memory_space<vmem>>, %arg2: memref<1000x128xf32, #tpu.memory_space<vmem>>, %arg3: memref<1000x1xf32, #tpu.memory_space<vmem>>, %arg4: memref<1x128xf32, #tpu.memory_space<vmem>>, %arg5: memref<128x128xf32, #tpu.memory_space<vmem>>, %arg6: memref<1x128xf32, #tpu.memory_space<vmem>>, %arg7: memref<128x128xf32, #tpu.memory_space<vmem>>, %arg8: memref<1x128xf32, #tpu.memory_space<vmem>>, %arg9: memref<1000x128xf32, #tpu.memory_space<vmem>>) attributes {dimension_semantics = [#tpu.dimension_semantics<arbitrary>], iteration_bounds = array<i64: 10>, scalar_prefetch = 0 : i64, scratch_operands = 0 : i64, tpu.core_type = #tpu.core_type<tc>, window_params = [{transform_indices = @transform_0, window_bounds = array<i64: 2, 1000, 128>}, {transform_indices = @transform_1, window_bounds = array<i64: 1000, 128>}, {transform_indices = @transform_2, window_bounds = array<i64: 1000, 1>}, {pipeline_mode = #tpu.pipeline_mode<synchronous>, transform_indices = @transform_3, window_bounds = array<i64: 1, 128>}, {pipeline_mode = #tpu.pipeline_mode<synchronous>, transform_indices = @transform_4, window_bounds = array<i64: 128, 128>}, {pipeline_mode = #tpu.pipeline_mode<synchronous>, transform_indices = @transform_5, window_bounds = array<i64: 1, 128>}, {pipeline_mode = #tpu.pipeline_mode<synchronous>, transform_indices = @transform_6, window_bounds = array<i64: 128, 128>}, {pipeline_mode = #tpu.pipeline_mode<synchronous>, transform_indices = @transform_7, window_bounds = array<i64: 1, 128>}, {transform_indices = @transform_8, window_bounds = array<i64: 1000, 128>}]} {
    %get3A = arith.constant 0 : index
    %get3A_0 = arith.constant 0 : index
    %get3A_1 = vector.load %arg3[%get3A, %get3A_0] : memref<1000x1xf32, #tpu.memory_space<vmem>>, vector<1000x1xf32>
    %get3A_2 = arith.constant 0 : index
    %get3A_3 = arith.constant 0 : index
    %get3A_4 = arith.constant 0 : index
    %get3A_5 = vector.load %arg1[%get3A_2, %get3A_3, %get3A_4] : memref<2x1000x128xf32, #tpu.memory_space<vmem>>, vector<1x1000x128xf32>
    %get3A_6 = vector.shape_cast %get3A_5 : vector<1x1000x128xf32> to vector<1000x128xf32>
    %get3A_7 = arith.constant 1 : index
    %get3A_8 = arith.constant 0 : index
    %get3A_9 = arith.constant 0 : index
    %get3A_10 = vector.load %arg1[%get3A_7, %get3A_8, %get3A_9] : memref<2x1000x128xf32, #tpu.memory_space<vmem>>, vector<1x1000x128xf32>
    %get3A_11 = vector.shape_cast %get3A_10 : vector<1x1000x128xf32> to vector<1000x128xf32>
    %add3A = arith.addf %get3A_6, %get3A_11 : vector<1000x128xf32>
    %mul3A = vector.broadcast %get3A_1 : vector<1000x1xf32> to vector<1000x128xf32>
    %mul3A_12 = arith.mulf %add3A, %mul3A : vector<1000x128xf32>
    %get3A_13 = arith.constant 0 : index
    %get3A_14 = arith.constant 0 : index
    %get3A_15 = vector.load %arg2[%get3A_13, %get3A_14] : memref<1000x128xf32, #tpu.memory_space<vmem>>, vector<1000x128xf32>
    %mul3A_16 = arith.mulf %get3A_1, %get3A_1 : vector<1000x1xf32>
    %mul3A_17 = vector.broadcast %mul3A_16 : vector<1000x1xf32> to vector<1000x128xf32>
    %mul3A_18 = arith.mulf %get3A_15, %mul3A_17 : vector<1000x128xf32>
    %add3A_19 = arith.addf %mul3A_12, %mul3A_18 : vector<1000x128xf32>
    %get3A_20 = arith.constant 0 : index
    %get3A_21 = arith.constant 0 : index
    %get3A_22 = vector.load %arg4[%get3A_20, %get3A_21] : memref<1x128xf32, #tpu.memory_space<vmem>>, vector<1x128xf32>
    %add3A_23 = vector.broadcast %get3A_22 : vector<1x128xf32> to vector<1000x128xf32>
    %add3A_24 = arith.addf %add3A_19, %add3A_23 : vector<1000x128xf32>
    %max3A = arith.constant 0.000000e+00 : f32
    %max3A_25 = vector.broadcast %max3A : f32 to vector<1000x128xf32>
    %max3A_26 = arith.maximumf %add3A_24, %max3A_25 : vector<1000x128xf32>
    %get3A_27 = arith.constant 0 : index
    %get3A_28 = arith.constant 0 : index
    %get3A_29 = vector.load %arg5[%get3A_27, %get3A_28] : memref<128x128xf32, #tpu.memory_space<vmem>>, vector<128x128xf32>
    %dot_general3A = arith.constant dense<0.000000e+00> : vector<1000x128xf32>
    %dot_general3A_30 = tpu.matmul %max3A_26, %get3A_29, %dot_general3A {dimension_numbers = #tpu.dot_dimension_numbers<[1], [0], [0], [1], [0, 0, 1, 1], [], []>, transpose_lhs_hint = false} : vector<1000x128xf32>, vector<128x128xf32>, vector<1000x128xf32> -> vector<1000x128xf32>
    %get3A_31 = arith.constant 0 : index
    %get3A_32 = arith.constant 0 : index
    %get3A_33 = vector.load %arg6[%get3A_31, %get3A_32] : memref<1x128xf32, #tpu.memory_space<vmem>>, vector<1x128xf32>
    %add3A_34 = vector.broadcast %get3A_33 : vector<1x128xf32> to vector<1000x128xf32>
    %add3A_35 = arith.addf %dot_general3A_30, %add3A_34 : vector<1000x128xf32>
    %max3A_36 = arith.constant 0.000000e+00 : f32
    %max3A_37 = vector.broadcast %max3A_36 : f32 to vector<1000x128xf32>
    %max3A_38 = arith.maximumf %add3A_35, %max3A_37 : vector<1000x128xf32>
    %get3A_39 = arith.constant 0 : index
    %get3A_40 = arith.constant 0 : index
    %get3A_41 = vector.load %arg7[%get3A_39, %get3A_40] : memref<128x128xf32, #tpu.memory_space<vmem>>, vector<128x128xf32>
    %dot_general3A_42 = arith.constant dense<0.000000e+00> : vector<1000x128xf32>
    %dot_general3A_43 = tpu.matmul %max3A_38, %get3A_41, %dot_general3A_42 {dimension_numbers = #tpu.dot_dimension_numbers<[1], [0], [0], [1], [0, 0, 1, 1], [], []>, transpose_lhs_hint = false} : vector<1000x128xf32>, vector<128x128xf32>, vector<1000x128xf32> -> vector<1000x128xf32>
    %get3A_44 = arith.constant 0 : index
    %get3A_45 = arith.constant 0 : index
    %get3A_46 = vector.load %arg8[%get3A_44, %get3A_45] : memref<1x128xf32, #tpu.memory_space<vmem>>, vector<1x128xf32>
    %add3A_47 = vector.broadcast %get3A_46 : vector<1x128xf32> to vector<1000x128xf32>
    %add3A_48 = arith.addf %dot_general3A_43, %add3A_47 : vector<1000x128xf32>
    %swap3A = arith.constant 0 : index
    %swap3A_49 = arith.constant 0 : index
    %swap3A_50 = vector.load %arg9[%swap3A, %swap3A_49] : memref<1000x128xf32, #tpu.memory_space<vmem>>, vector<1000x128xf32>
    tpu.vector_store %arg9[%swap3A, %swap3A_49], %add3A_48 {strides = array<i32>} : memref<1000x128xf32, #tpu.memory_space<vmem>>, vector<1000x128xf32>,
    return
  }
  func.func @transform_0(%arg0: i32) -> (i32, i32, i32) {
    %c0_i32 = arith.constant 0 : i32
    %c0_i32_0 = arith.constant 0 : i32
    %c0_i32_1 = arith.constant 0 : i32
    return %c0_i32, %arg0, %c0_i32_0 : i32, i32, i32
  }
  func.func @transform_1(%arg0: i32) -> (i32, i32) {
    %c0_i32 = arith.constant 0 : i32
    %c0_i32_0 = arith.constant 0 : i32
    return %arg0, %c0_i32 : i32, i32
  }
  func.func @transform_2(%arg0: i32) -> (i32, i32) {
    %c0_i32 = arith.constant 0 : i32
    %c0_i32_0 = arith.constant 0 : i32
    return %arg0, %c0_i32 : i32, i32
  }
  func.func @transform_3(%arg0: i32) -> (i32, i32) {
    %c0_i32 = arith.constant 0 : i32
    %c0_i32_0 = arith.constant 0 : i32
    %c0_i32_1 = arith.constant 0 : i32
    return %c0_i32, %c0_i32_0 : i32, i32
  }
  func.func @transform_4(%arg0: i32) -> (i32, i32) {
    %c0_i32 = arith.constant 0 : i32
    %c0_i32_0 = arith.constant 0 : i32
    %c0_i32_1 = arith.constant 0 : i32
    return %c0_i32, %c0_i32_0 : i32, i32
  }
  func.func @transform_5(%arg0: i32) -> (i32, i32) {
    %c0_i32 = arith.constant 0 : i32
    %c0_i32_0 = arith.constant 0 : i32
    %c0_i32_1 = arith.constant 0 : i32
    return %c0_i32, %c0_i32_0 : i32, i32
  }
  func.func @transform_6(%arg0: i32) -> (i32, i32) {
    %c0_i32 = arith.constant 0 : i32
    %c0_i32_0 = arith.constant 0 : i32
    %c0_i32_1 = arith.constant 0 : i32
    return %c0_i32, %c0_i32_0 : i32, i32
  }
  func.func @transform_7(%arg0: i32) -> (i32, i32) {
    %c0_i32 = arith.constant 0 : i32
    %c0_i32_0 = arith.constant 0 : i32
    %c0_i32_1 = arith.constant 0 : i32
    return %c0_i32, %c0_i32_0 : i32, i32
  }
  func.func @transform_8(%arg0: i32) -> (i32, i32) {
    %c0_i32 = arith.constant 0 : i32
    %c0_i32_0 = arith.constant 0 : i32
    return %arg0, %c0_i32 : i32, i32
  }
}

module attributes {stable_mosaic.version = 14 : i64} {
  func.func @_tc2_body(%arg0: i32, %arg1: memref<2x1000x128xf32, #tpu.memory_space<vmem>>, %arg2: memref<1000x128xf32, #tpu.memory_space<vmem>>, %arg3: memref<1000x1xf32, #tpu.memory_space<vmem>>, %arg4: memref<1x128xf32, #tpu.memory_space<vmem>>, %arg5: memref<128x128xf32, #tpu.memory_space<vmem>>, %arg6: memref<1000x128xf32, #tpu.memory_space<vmem>>, %arg7: memref<1000x128xf32, #tpu.memory_space<vmem>>) attributes {dimension_semantics = [#tpu.dimension_semantics<arbitrary>], iteration_bounds = array<i64: 10>, scalar_prefetch = 0 : i64, scratch_operands = 0 : i64, tpu.core_type = #tpu.core_type<tc>, window_params = [{transform_indices = @transform_0, window_bounds = array<i64: 2, 1000, 128>}, {transform_indices = @transform_1, window_bounds = array<i64: 1000, 128>}, {transform_indices = @transform_2, window_bounds = array<i64: 1000, 1>}, {pipeline_mode = #tpu.pipeline_mode<synchronous>, transform_indices = @transform_3, window_bounds = array<i64: 1, 128>}, {pipeline_mode = #tpu.pipeline_mode<synchronous>, transform_indices = @transform_4, window_bounds = array<i64: 128, 128>}, {transform_indices = @transform_5, window_bounds = array<i64: 1000, 128>}, {transform_indices = @transform_6, window_bounds = array<i64: 1000, 128>}]} {
    %get3A = arith.constant 0 : index
    %get3A_0 = arith.constant 0 : index
    %get3A_1 = vector.load %arg3[%get3A, %get3A_0] : memref<1000x1xf32, #tpu.memory_space<vmem>>, vector<1000x1xf32>
    %get3A_2 = arith.constant 0 : index
    %get3A_3 = arith.constant 0 : index
    %get3A_4 = arith.constant 0 : index
    %get3A_5 = vector.load %arg1[%get3A_2, %get3A_3, %get3A_4] : memref<2x1000x128xf32, #tpu.memory_space<vmem>>, vector<1x1000x128xf32>
    %get3A_6 = vector.shape_cast %get3A_5 : vector<1x1000x128xf32> to vector<1000x128xf32>
    %get3A_7 = arith.constant 1 : index
    %get3A_8 = arith.constant 0 : index
    %get3A_9 = arith.constant 0 : index
    %get3A_10 = vector.load %arg1[%get3A_7, %get3A_8, %get3A_9] : memref<2x1000x128xf32, #tpu.memory_space<vmem>>, vector<1x1000x128xf32>
    %get3A_11 = vector.shape_cast %get3A_10 : vector<1x1000x128xf32> to vector<1000x128xf32>
    %add3A = arith.addf %get3A_6, %get3A_11 : vector<1000x128xf32>
    %mul3A = vector.broadcast %get3A_1 : vector<1000x1xf32> to vector<1000x128xf32>
    %mul3A_12 = arith.mulf %add3A, %mul3A : vector<1000x128xf32>
    %get3A_13 = arith.constant 0 : index
    %get3A_14 = arith.constant 0 : index
    %get3A_15 = vector.load %arg2[%get3A_13, %get3A_14] : memref<1000x128xf32, #tpu.memory_space<vmem>>, vector<1000x128xf32>
    %mul3A_16 = arith.mulf %get3A_1, %get3A_1 : vector<1000x1xf32>
    %mul3A_17 = vector.broadcast %mul3A_16 : vector<1000x1xf32> to vector<1000x128xf32>
    %mul3A_18 = arith.mulf %get3A_15, %mul3A_17 : vector<1000x128xf32>
    %add3A_19 = arith.addf %mul3A_12, %mul3A_18 : vector<1000x128xf32>
    %get3A_20 = arith.constant 0 : index
    %get3A_21 = arith.constant 0 : index
    %get3A_22 = vector.load %arg4[%get3A_20, %get3A_21] : memref<1x128xf32, #tpu.memory_space<vmem>>, vector<1x128xf32>
    %add3A_23 = vector.broadcast %get3A_22 : vector<1x128xf32> to vector<1000x128xf32>
    %add3A_24 = arith.addf %add3A_19, %add3A_23 : vector<1000x128xf32>
    %max3A = arith.constant 0.000000e+00 : f32
    %max3A_25 = vector.broadcast %max3A : f32 to vector<1000x128xf32>
    %max3A_26 = arith.maximumf %add3A_24, %max3A_25 : vector<1000x128xf32>
    %get3A_27 = arith.constant 0 : index
    %get3A_28 = arith.constant 0 : index
    %get3A_29 = vector.load %arg5[%get3A_27, %get3A_28] : memref<128x128xf32, #tpu.memory_space<vmem>>, vector<128x128xf32>
    %dot_general3A = arith.constant dense<0.000000e+00> : vector<1000x128xf32>
    %dot_general3A_30 = tpu.matmul %max3A_26, %get3A_29, %dot_general3A {dimension_numbers = #tpu.dot_dimension_numbers<[1], [0], [0], [1], [0, 0, 1, 1], [], []>, transpose_lhs_hint = false} : vector<1000x128xf32>, vector<128x128xf32>, vector<1000x128xf32> -> vector<1000x128xf32>
    %swap3A = arith.constant 0 : index
    %swap3A_31 = arith.constant 0 : index
    %swap3A_32 = vector.load %arg6[%swap3A, %swap3A_31] : memref<1000x128xf32, #tpu.memory_space<vmem>>, vector<1000x128xf32>
    tpu.vector_store %arg6[%swap3A, %swap3A_31], %dot_general3A_30 {strides = array<i32>} : memref<1000x128xf32, #tpu.memory_space<vmem>>, vector<1000x128xf32>,
    %mul3A_33 = vector.broadcast %get3A_1 : vector<1000x1xf32> to vector<1000x128xf32>
    %mul3A_34 = arith.mulf %dot_general3A_30, %mul3A_33 : vector<1000x128xf32>
    %swap3A_35 = arith.constant 0 : index
    %swap3A_36 = arith.constant 0 : index
    %swap3A_37 = vector.load %arg7[%swap3A_35, %swap3A_36] : memref<1000x128xf32, #tpu.memory_space<vmem>>, vector<1000x128xf32>
    tpu.vector_store %arg7[%swap3A_35, %swap3A_36], %mul3A_34 {strides = array<i32>} : memref<1000x128xf32, #tpu.memory_space<vmem>>, vector<1000x128xf32>,
    return
  }
  func.func @transform_0(%arg0: i32) -> (i32, i32, i32) {
    %c0_i32 = arith.constant 0 : i32
    %c0_i32_0 = arith.constant 0 : i32
    %c0_i32_1 = arith.constant 0 : i32
    return %c0_i32, %arg0, %c0_i32_0 : i32, i32, i32
  }
  func.func @transform_1(%arg0: i32) -> (i32, i32) {
    %c0_i32 = arith.constant 0 : i32
    %c0_i32_0 = arith.constant 0 : i32
    return %arg0, %c0_i32 : i32, i32
  }
  func.func @transform_2(%arg0: i32) -> (i32, i32) {
    %c0_i32 = arith.constant 0 : i32
    %c0_i32_0 = arith.constant 0 : i32
    return %arg0, %c0_i32 : i32, i32
  }
  func.func @transform_3(%arg0: i32) -> (i32, i32) {
    %c0_i32 = arith.constant 0 : i32
    %c0_i32_0 = arith.constant 0 : i32
    %c0_i32_1 = arith.constant 0 : i32
    return %c0_i32, %c0_i32_0 : i32, i32
  }
  func.func @transform_4(%arg0: i32) -> (i32, i32) {
    %c0_i32 = arith.constant 0 : i32
    %c0_i32_0 = arith.constant 0 : i32
    %c0_i32_1 = arith.constant 0 : i32
    return %c0_i32, %c0_i32_0 : i32, i32
  }
  func.func @transform_5(%arg0: i32) -> (i32, i32) {
    %c0_i32 = arith.constant 0 : i32
    %c0_i32_0 = arith.constant 0 : i32
    return %arg0, %c0_i32 : i32, i32
  }
  func.func @transform_6(%arg0: i32) -> (i32, i32) {
    %c0_i32 = arith.constant 0 : i32
    %c0_i32_0 = arith.constant 0 : i32
    return %arg0, %c0_i32 : i32, i32
  }
}

</mosaic_0001>

<sc_bundles>
// kernel: kernel.11.cloned.1.call-start
scs
__scs_entry_jumppad:
0x0: {  	(pc) =	sbr.rel $0x88, $3  }
0x1: {  	(tag) =	ssettag $0x0;
	lr =	simm.s32 $0x1  }
0x2: {  	[smem:$0x3F97] =	sst lr;
	_ =	strace $0xD0000000  }
0x3: {  	_ = 	snop  }
0x4: {  	_ = 	snop  }
0x5: {  	_ = 	snop  }
0x6: {  	_ = 	snop  }
0x7: {  	_ = 	snop  }
__scs_overlays_trampoline_lowered:
0x8: {  	[smem:$0x3FA6] =	sst s0  }
0x9: {  	[smem:$0x3FA7] =	sst s1  }
0xa: {  	[smem:$0x3FA8] =	sst s2  }
0xb: {  	[smem:$0x3FA9] =	sst s3  }
0xc: {  	[smem:$0x3FAA] =	sst s4  }
0xd: {  	[smem:$0x3FAB] =	sst s5  }
0xe: {  	[smem:$0x3FAC] =	sst s6  }
0xf: {  	[smem:$0x3FAD] =	sst s7  }
0x10: {  	[smem:$0x3FAE] =	sst s8  }
0x11: {  	[smem:$0x3FAF] =	sst s9;
	s0 =	simm.s32 @!p0 $0x0  }
0x12: {  	s1 =	sld [smem:$0x3F95];
	s0 =	simm.s32 @p0 $0x1  }
0x13: {  	[smem:$0x3FB0] =	sst s0;
	s0 =	simm.s32 @!p1 $0x0  }
0x14: {  	s2 =	sld [smem:$0x3F94];
	s0 =	simm.s32 @p1 $0x1  }
0x15: {  	[smem:$0x3FB1] =	sst s0;
	s0 =	simm.s32 @!p2 $0x0  }
0x16: {  	s3 =	sld [smem:$0x3FDB];
	s0 =	simm.s32 @p2 $0x1  }
0x17: {  	s4 =	simm.s32 $0x1BF5;
	[smem:$0x3FB3] =	sst s0  }
0x18: {  	s0 =	sld [smem:$0x3F96];
	_ =	swait.ge [sflag:s4], $0x0  }
0x19: {  	s7 =	sld [smem:$0x3F97]  }
0x1a: {  	s8 =	sadd.s32 $0xFFFFE003, lr  }
0x1b: {  	s9 =	sadd.s32 $0xFFFFFEF7, lr;
	s5 =	simm.s32 $0xFFFFFFFF;
	p2 =	slt.u32 s8, $0xFFFFF086  }
0x1c: {  	p1 =	slt.u32 s9, $0xF7A;
	s5 =	simm.s32 @!p2 $0x0  }
0x1d: {  	s5 =	simm.s32 @p1 $0x1;
	p0 =	seq.s32 s7, s2  }
0x1e: {  	s7 =	smul.u32 @!p0 $0xF7A, s2;
	p2 =	seq.s32 @!p0 s5, $0x0  }
0x1f: {  	s9 =	smul.u32 $0xF7A, s1;
	s8 =	simm.s32 @!p0 $0x1BF5;
	p2 =	por !p2, p0  }
0x20: {  	[sflag:s8] =	ssyncset.s32 @!p0 $0xFFFFF086;
	s6 =	sadd.s32 @!p0 s3, s7;
	s7 =	simm.s32 @!p0 $0x108  }
0x21: {  	s3 =	sadd.s32 s3, s9;
	s6 =	sadd.s32 @!p0 $0x88, s6;
	s7 =	simm.s32 @p2 $0x1082  }
0x22: {  	[simem:s7], [sflag:s8] =	dma.local @!p0 [hbm:s6], $0xF7A  }
0x23: {  	s9 =	sor.u32 $0xD0000000, s2;
	s6 =	simm.s32 $0x108;
	_ =	swait.ge @!p0 [sflag:s8], $0x0  }
0x24: {  	s3 =	sadd.s32 $0x88, s3;
	s6 =	simm.s32 @!p1 $0x1082;
	[sflag:s4] =	ssyncset.s32 $0xFFFFF086  }
0x25: {  	[simem:s6], [sflag:s4] =	dma.local [hbm:s3], $0xF7A  }
0x26: {  	[smem:$0x3F97] =	sst s1;
	(tag) =	ssettag s2;
	_ =	strace s9  }
0x27: {  	s1 =	sld [smem:$0x3FA7]  }
0x28: {  	s2 =	sld [smem:$0x3FA8]  }
0x29: {  	s4 =	sld [smem:$0x3FAA]  }
0x2a: {  	p0 =	seq.s32 s5, $0x0;
	s5 =	sld [smem:$0x3FAB]  }
0x2b: {  	s6 =	sld [smem:$0x3FAC]  }
0x2c: {  	s7 =	sld [smem:$0x3FAD]  }
0x2d: {  	s3 =	simm.s32 $0x108;
	s8 =	sld [smem:$0x3FAE]  }
0x2e: {  	s3 =	simm.s32 @!p0 $0x1082;
	s9 =	sld [smem:$0x3FAF]  }
0x2f: {  	lr =	sadd.s32 s0, s3;
	s0 =	sld [smem:$0x3FA6]  }
0x30: {  	s3 =	sld [smem:$0x3FA9]  }
0x31: {  	[smem:$0x3FB2] =	sst s10  }
0x32: {  	s10 =	sld [smem:$0x3FB0];
	_ =	sdelay $0x3  }
0x33: {  	p0 =	seq.s32 s10, $0x1;
	s10 =	sld [smem:$0x3FB2];
	_ =	sdelay $0x3  }
0x34: {  	[smem:$0x3FB2] =	sst s10  }
0x35: {  	s10 =	sld [smem:$0x3FB1];
	_ =	sdelay $0x3  }
0x36: {  	p1 =	seq.s32 s10, $0x1;
	s10 =	sld [smem:$0x3FB2];
	_ =	sdelay $0x3  }
0x37: {  	[smem:$0x3FB2] =	sst s10  }
0x38: {  	s10 =	sld [smem:$0x3FB3]  }
0x39: {  	_ = 	snop;
	(pc) =	sbr.ind lr, $3  }
0x3a: {  	_ = 	snop  }
0x3b: {  	_ = 	snop  }
0x3c: {  	p2 =	seq.s32 s10, $0x1;
	s10 =	sld [smem:$0x3FB2]  }
0x3d: {  	_ =	shalt  }
0x3e: {  	_ =	shalt  }
0x3f: {  	_ =	shalt  }
0x40: {  	_ =	shalt  }
0x41: {  	_ =	shalt  }
0x42: {  	_ =	shalt  }
0x43: {  	_ =	shalt  }
0x44: {  	_ =	shalt  }
0x45: {  	_ =	shalt  }
0x46: {  	_ =	shalt  }
0x47: {  	_ =	shalt  }
0x48: {  	_ =	shalt  }
0x49: {  	_ =	shalt  }
0x4a: {  	_ =	shalt  }
0x4b: {  	_ =	shalt  }
0x4c: {  	_ =	shalt  }
0x4d: {  	_ =	shalt  }
0x4e: {  	_ =	shalt  }
0x4f: {  	_ =	shalt  }
0x50: {  	_ =	shalt  }
0x51: {  	_ =	shalt  }
0x52: {  	_ =	shalt  }
0x53: {  	_ =	shalt  }
0x54: {  	_ =	shalt  }
0x55: {  	_ =	shalt  }
0x56: {  	_ =	shalt  }
0x57: {  	_ =	shalt  }
0x58: {  	_ =	shalt  }
0x59: {  	_ =	shalt  }
0x5a: {  	_ =	shalt  }
0x5b: {  	_ =	shalt  }
0x5c: {  	_ =	shalt  }
0x5d: {  	_ =	shalt  }
0x5e: {  	_ =	shalt  }
0x5f: {  	_ =	shalt  }
0x60: {  	_ =	shalt  }
0x61: {  	_ =	shalt  }
0x62: {  	_ =	shalt  }
0x63: {  	_ =	shalt  }
0x64: {  	_ =	shalt  }
0x65: {  	_ =	shalt  }
0x66: {  	_ =	shalt  }
0x67: {  	_ =	shalt  }
0x68: {  	_ =	shalt  }
0x69: {  	_ =	shalt  }
0x6a: {  	_ =	shalt  }
0x6b: {  	_ =	shalt  }
0x6c: {  	_ =	shalt  }
0x6d: {  	_ =	shalt  }
0x6e: {  	_ =	shalt  }
0x6f: {  	_ =	shalt  }
0x70: {  	_ =	shalt  }
0x71: {  	_ =	shalt  }
0x72: {  	_ =	shalt  }
0x73: {  	_ =	shalt  }
0x74: {  	_ =	shalt  }
0x75: {  	_ =	shalt  }
0x76: {  	_ =	shalt  }
0x77: {  	_ =	shalt  }
0x78: {  	_ =	shalt  }
0x79: {  	_ =	shalt  }
0x7a: {  	_ =	shalt  }
0x7b: {  	_ =	shalt  }
0x7c: {  	_ =	shalt  }
0x7d: {  	_ =	shalt  }
0x7e: {  	_ =	shalt  }
0x7f: {  	_ =	shalt  }
0x80: {  	_ =	shalt  }
0x81: {  	_ =	shalt  }
0x82: {  	_ =	shalt  }
0x83: {  	_ =	shalt  }
0x84: {  	_ =	shalt  }
0x85: {  	_ =	shalt  }
0x86: {  	_ =	shalt  }
0x87: {  	_ =	shalt  }
.Lfunc_end0:
.L_simem_size_0:
called_computation.1_lowered:
.L_overlay_start_0:
0x88: {  	s2 =	sld [smem:$0x3FD9]  }
0x89: {  	s3 =	sld [smem:$0x3FFE];
	_ =	sdelay $0x1  }
0x8a: {  	s1 =	srdreg.scid  }
0x8b: {  	s0 =	sand.u32 $0x1, s1  }
0x8c: {  	s17 =	sshll.u32 s0, $0xA;
	s2 =	sadd.s32 s3, s2  }
0x8d: {  	s2 =	sadd.s32 s2, s17  }
0x8e: {  	[smem:$0x3FBE] =	sst s2  }
0x8f: {  	_ = 	snop  }
0x90: {  	s2 =	sld [smem:$0x3FD0];
	(tm) =	ssettm $0x1  }
0x91: {  	s18 =	sld [smem:$0x3FFB];
	_ =	sdelay $0x3  }
0x92: {  	_ =	strace s18  }
0x93: {  	s3 =	sld [smem:$0x3FFC];
	_ =	sdelay $0x3  }
0x94: {  	_ =	strace s3  }
0x95: {  	s3 =	sld [smem:$0x3FFD];
	_ =	sdelay $0x3  }
0x96: {  	_ =	strace s3  }
0x97: {  	_ =	strace $0x8FFFFFFF  }
0x98: {  	s19 =	sld [smem:$0x3FDB];
	_ =	sdelay $0x1  }
0x99: {  	s4 =	simm.s32 $_scs_section_size  }
0x9a: {  	s5 =	simm.s32 $_size__tile_overlayer_lowered;
	s6 =	simm.s32 $_tile_overlayer_lowered  }
0x9b: {  	s22 =	simm.s32 $0x1BFF;
	s21 =	sshll.u32 s6, $0x1;
	s3 =	sadd.s32 s4, s19  }
0x9c: {  	s7 =	simm.s32 $0x0;
	s20 =	sshll.u32 s5, $0x1;
	s5 =	sadd.s32 s21, s3  }
0x9d: {  	[timem:s7], [sflag:s22] =	dma.local [hbm:s5], s20  }
0x9e: {  	_ =	swait.ge [sflag:s22], s20  }
0x9f: {  	s4 =	ssub.s32 $0x0, s20;
	[sflag:s22] =	ssyncset.done $0x0  }
0xa0: {  	[sflag:s22] =	ssyncadd.s32 s4;
	_ =	sdelay $0x1  }
0xa1: {  	s23 =	simm.s32 $0x1B8B  }
0xa2: {  	_ =	swait.ge [sflag:s23], $0x1  }
0xa3: {  	[sflag:s23] =	ssyncset.done $0x0  }
0xa4: {  	s25 =	simm.s32 $0x1B8E;
	s24 =	sld [smem:$0x3FFE];
	[sflag:s23] =	ssyncadd.s32 $0xFFFFFFFF  }
0xa5: {  	s26 =	simm.s32 $execute0_lowered;
	[smem:$0x3FD2] =	sst s25  }
0xa6: {  	s5 =	sshll.u32 s26, $0x1;
	_ =	strace $0x80000049;
	[dreg:$0x1] =	wrdreg $0xFFFFFFFF  }
0xa7: {  	s28 =	simm.s32 $_size_execute0_lowered;
	s3 =	sadd.s32 s3, s5;
	[dreg:$0x0] =	wrdreg $0x0  }
0xa8: {  	s5 =	sshll.u32 s28, $0x1;
	[dreg:$0x2] =	wrdreg s3  }
0xa9: {  	[dreg:$0x3] =	wrdreg s5  }
0xaa: {  	[dreg:$0x4] =	wrdreg $0xC0  }
0xab: {  	_ =	task [dreg:s7], $0x5FFFF  }
0xac: {  	[dreg:$0x1] =	wrdreg $0xFFFFFFFF  }
0xad: {  	[dreg:$0x0] =	wrdreg $0x60  }
0xae: {  	[dreg:$0x2] =	wrdreg s2  }
0xaf: {  	[dreg:$0x3] =	wrdreg s24  }
0xb0: {  	[dreg:$0x4] =	wrdreg $0x84000  }
0xb1: {  	[dreg:$0x5] =	wrdreg $0x9  }
0xb2: {  	_ =	task.clear_ibuf [dreg:s7], $0x6FFFF;
	_ =	strace $0x90000049  }
0xb3: {  	s29 =	simm.s32 $0x9;
	_ =	strace $0x8000004B  }
0xb4: {  	_ =	swait.ge [sflag:s29], $0x1  }
0xb5: {  	[sflag:s29] =	ssyncadd.s32 $0xFFFFFFFF  }
0xb6: {  	_ =	strace $0x9000004B  }
0xb7: {  	_ =	sfence  }
0xb8: {  	s30 =	sld [smem:$0x0];
	_ =	sdelay $0x2  }
0xb9: {  	s31 =	sshll.u32 s1, $0xD;
	s1 =	sshrl.u32 s1, $0x2  }
0xba: {  	s3 =	sand.u32 $0x4000, s31;
	s1 =	sadd.s32 s1, s30  }
0xbb: {  	s0 =	sor.u32 s3, s0;
	s1 =	sshll.u32 s1, $0x11  }
0xbc: {  	s0 =	sor.u32 s1, s0  }
0xbd: {  	s0 =	sadd.s32 $0x8F2B, s0  }
0xbe: {  	[sflag:s0] =	ssyncadd.remote.s32 $0x1  }
0xbf: {  	_ =	sfence.sel $0xFFFF  }
0xc0: {  	[dreg:$0x0] =	wrdreg $0xFFFFFFFF;
	(pc) =	sbr.abs _section_cstart, $3  }
0xc1: {  	[dreg:$0x1] =	wrdreg $0xFFFFFFFF  }
0xc2: {  	_ =	task.clear_ibuf [dreg:s7], $0x2FFFF;
	_ =	strace $0x9FFFFFFF  }
0xc3: {  	(tm) =	ssettm $0x7FFFFFFF  }
tec
execute0_lowered:
.L_overlay_start_1:
0x0: {  	(tag) =	ssettag $0x1  }
0x1: {  	s2 =	rddreg [dreg:$0x0]  }
0x2: {  	s0 =	rddreg [dreg:$0x1]  }
0x3: {  	s3 =	rddreg [dreg:$0x2]  }
0x4: {  	s1 =	srdreg.scid;
	s22 =	stileid.u32;
	s4 =	simm.s32 $0x0  }
0x5: {  	s1 =	sand.u32 $0x1, s1;
	s5 =	sshll.u32 s22, $0x1;
	s10 =	smul.u32 $0x50000, s22  }
0x6: {  	s6 =	sadd.s32 $0xC800, s0;
	s7 =	sadd.s32 $0x2800, s0;
	s12 =	smul.u32 $0x13800, s22  }
0x7: {  	s0 =	sadd.s32 $0x16800, s0;
	s17 =	smul.u32 $0x5000, s22;
	[smem:$0x7FF] =	sst s4  }
0x8: {  	p0 =	sne.s32 s22, $0xF;
	s8 =	ssub.s32 $0x2, s1;
	s31 =	smul.u32 $0x138800, s1  }
0x9: {  	s5 =	sor.u32 s1, s5;
	s1 =	smul.u32 $0x2800, s1;
	s9 =	sshrl.u32 s8, $0x1  }
0xa: {  	s5 =	smul.u32 $0x2800, s5;
	s8 =	ssub.s32 s8, s9;
	s20 =	sadd.s32 s12, s31  }
0xb: {  	s1 =	sadd.s32 s1, s17;
	s24 =	sshrl.u32 s31, $0x3;
	s31 =	smul.u32 $0x4E000, s22  }
0xc: {  	s5 =	sshrl.u32 s5, $0x3;
	s21 =	sshrl.u32 s20, $0x3;
	s23 =	sor.u32 $0x1C0, s1  }
0xd: {  	s26 =	sor.u32 $0x180, s1;
	s29 =	sor.u32 $0x140, s1;
	s1 =	sor.u32 $0x100, s1  }
0xe: {  	s11 =	sadd.s32 s6, s5;
	s15 =	sor.u32 $0x8, s5;
	s13 =	sadd.s32 s7, s5  }
0xf: {  	s18 =	sor.u32 $0x10, s5;
	s5 =	sor.u32 $0x18, s5;
	[dreg:$0x4] =	wrdreg s11  }
0x10: {  	s25 =	sshrl.u32 s23, $0x3;
	[dreg:$0x5] =	wrdreg s13;
	s16 =	sadd.s32 s6, s15  }
0x11: {  	s9 =	sshrl.u32 s29, $0x3;
	s11 =	sadd.s32 s7, s15;
	[dreg:$0x6] =	wrdreg s16  }
0x12: {  	s1 =	sshrl.u32 s1, $0x3;
	s14 =	sadd.s32 s6, s18;
	[dreg:$0x7] =	wrdreg s11  }
0x13: {  	s19 =	sadd.s32 s6, s5;
	s5 =	sadd.s32 s7, s5;
	[dreg:$0x8] =	wrdreg s14  }
0x14: {  	s15 =	sadd.s32 s25, s6;
	s20 =	sadd.s32 s1, s7;
	[dreg:$0xa] =	wrdreg s19  }
0x15: {  	s11 =	sadd.s32 s7, s18;
	[dreg:$0xb] =	wrdreg s5;
	s5 =	sadd.s32 s0, s21  }
0x16: {  	s0 =	sadd.s32 s0, s24;
	s18 =	sadd.s32 s9, s7;
	s19 =	sadd.s32 s9, s6  }
0x17: {  	s21 =	sadd.s32 s1, s6;
	s9 =	sshrl.u32 s31, $0x2;
	[dreg:$0x9] =	wrdreg s11  }
0x18: {  	[dreg:$0xc] =	wrdreg s5;
	s5 =	sshrl.u32 s26, $0x3;
	s1 =	sadd.s32 s9, s3  }
0x19: {  	s0 =	sadd.s32 $0x27000, s0;
	s17 =	sadd.s32 s5, s6;
	s6 =	sshrl.u32 s10, $0x2  }
0x1a: {  	_ =	strace $0x8000004A;
	[dreg:$0xe] =	wrdreg s0;
	s10 =	smax.u32 s8, $0x1  }
0x1b: {  	s11 =	sshrl.u32 s1, $0x3;
	s0 =	sadd.s32 $0x138000, s3;
	[dreg:$0xf] =	wrdreg s10  }
0x1c: {  	s14 =	sadd.s32 s25, s7;
	[dreg:$0x10] =	wrdreg s11;
	s0 =	sshrl.u32 @!p0 s0, $0x3  }
0x1d: {  	s16 =	sadd.s32 s5, s7;
	s7 =	sadd.s32 s6, s3;
	[dreg:$0x11] =	wrdreg s0  }
0x1e: {  	s28 =	simm.s32 $0x40;
	s12 =	sadd.s32 $0x2000, s7;
	[dreg:$0xd] =	wrdreg s7  }
0x1f: {  	s30 =	simm.s32 $0x2400;
	s13 =	sadd.s32 $0x4000, s7;
	[dreg:$0x12] =	wrdreg s12  }
0x20: {  	s9 =	simm.s32 $0xD;
	s22 =	sadd.s32 $0x6000, s7;
	[dreg:$0x13] =	wrdreg s13  }
0x21: {  	s8 =	simm.s32 $0x400;
	s23 =	sadd.s32 $0x8000, s7;
	[dreg:$0x14] =	wrdreg s22  }
0x22: {  	s5 =	simm.s32 $0x6400;
	s24 =	sadd.s32 $0xA000, s7;
	[dreg:$0x15] =	wrdreg s23  }
0x23: {  	s10 =	simm.s32 $0x200;
	s25 =	sadd.s32 $0xC000, s7;
	[dreg:$0x16] =	wrdreg s24  }
0x24: {  	s6 =	simm.s32 $0x5;
	s26 =	sadd.s32 $0xE000, s7;
	[dreg:$0x17] =	wrdreg s25  }
0x25: {  	s11 =	simm.s32 $0x6;
	s29 =	sadd.s32 $0x10000, s7;
	[dreg:$0x18] =	wrdreg s26  }
0x26: {  	s31 =	sadd.s32 $0x12000, s7;
	s0 =	simm.s32 $0x4400;
	[dreg:$0x19] =	wrdreg s29  }
0x27: {  	s7 =	simm.s32 $0x7;
	[dreg:$0x1a] =	wrdreg s31;
	s12 =	simm.s32 $0x280  }
0x28: {  	v0 =	vimm.f32 $0.0e+00;
	s23 =	simm.s32 $0x300;
	s25 =	simm.s32 $0x380;
	s13 =	simm.s32 $0x8  }
.LBB2_1:
0x29: {  	s22 =	simm.s32 $0x0;
	s24 =	simm.s32 $0x200  }
.LBB2_2:
0x2a: {  	p1 =	sne.s32 s24, $0x7E00;
	[tilespmem:s22+$0x470] =	vst v0  }
0x2b: {  	[tilespmem:s22+$0x400] =	vst v0  }
0x2c: {  	[tilespmem:s22+$0x410] =	vst v0  }
.Ltmp0:
0x2d: {  	[tilespmem:s22+$0x420] =	vst v0;
	(pc) =	sbr.rel @p1 .LBB2_2-.Ltmp0, $4  }
0x2e: {  	[tilespmem:s22+$0x430] =	vst v0  }
0x2f: {  	[tilespmem:s22+$0x440] =	vst v0  }
0x30: {  	[tilespmem:s22+$0x450] =	vst v0  }
0x31: {  	[tilespmem:s22+$0x460] =	vst v0;
	s22 =	sshra.s32 s24, $0x2;
	s24 =	sadd.s32 $0x200, s24  }
0x32: {  	[tilespmem:s22+$0x470] =	vst v0  }
0x33: {  	[tilespmem:s22+$0x400] =	vst v0  }
0x34: {  	[tilespmem:s22+$0x410] =	vst v0  }
0x35: {  	[tilespmem:s22+$0x420] =	vst v0  }
0x36: {  	[tilespmem:s22+$0x430] =	vst v0  }
0x37: {  	[tilespmem:s22+$0x440] =	vst v0  }
0x38: {  	[tilespmem:s22+$0x450] =	vst v0  }
0x39: {  	[tilespmem:s22+$0x460] =	vst v0;
	s1 =	rddreg [dreg:$0xd]  }
0x3a: {  	[spmem:s1] =	stream.linear.scatter [tilespmem:s8], [sflag:$0xD], $0x2000, $0x38;
	[tilespmem:$0x1C400] =	vst v63  }
0x3b: {  	s22 =	rddreg [dreg:$0x12]  }
0x3c: {  	[spmem:s22] =	stream.linear.scatter [tilespmem:s8], [sflag:$0xD], $0x2000, $0x38;
	[tilespmem:$0x1C400] =	vst v63  }
0x3d: {  	s24 =	rddreg [dreg:$0x13]  }
0x3e: {  	[spmem:s24] =	stream.linear.scatter [tilespmem:s8], [sflag:$0xD], $0x2000, $0x38;
	[tilespmem:$0x1C400] =	vst v63  }
0x3f: {  	s26 =	rddreg [dreg:$0x14]  }
0x40: {  	[spmem:s26] =	stream.linear.scatter [tilespmem:s8], [sflag:$0xD], $0x2000, $0x38;
	[tilespmem:$0x1C400] =	vst v63  }
0x41: {  	s29 =	rddreg [dreg:$0x15]  }
0x42: {  	[spmem:s29] =	stream.linear.scatter [tilespmem:s8], [sflag:$0xD], $0x2000, $0x38;
	[tilespmem:$0x1C400] =	vst v63  }
0x43: {  	s31 =	rddreg [dreg:$0x16]  }
0x44: {  	[spmem:s31] =	stream.linear.scatter [tilespmem:s8], [sflag:$0xD], $0x2000, $0x38;
	[tilespmem:$0x1C400] =	vst v63  }
0x45: {  	s22 =	rddreg [dreg:$0x17]  }
0x46: {  	[spmem:s22] =	stream.linear.scatter [tilespmem:s8], [sflag:$0xD], $0x2000, $0x38;
	[tilespmem:$0x1C400] =	vst v63  }
0x47: {  	s24 =	rddreg [dreg:$0x18]  }
0x48: {  	[spmem:s24] =	stream.linear.scatter [tilespmem:s8], [sflag:$0xD], $0x2000, $0x38;
	[tilespmem:$0x1C400] =	vst v63  }
0x49: {  	s26 =	rddreg [dreg:$0x19]  }
0x4a: {  	[spmem:s26] =	stream.linear.scatter [tilespmem:s8], [sflag:$0xD], $0x2000, $0x38;
	[tilespmem:$0x1C400] =	vst v63  }
0x4b: {  	s29 =	rddreg [dreg:$0x1a]  }
0x4c: {  	[spmem:s29] =	stream.linear.scatter [tilespmem:s8], [sflag:$0xD], $0x2000, $0x38;
	[tilespmem:$0x1C400] =	vst v63  }
0x4d: {  	_ =	swait.ge [sflag:s9], $0x2000  }
0x4e: {  	[sflag:s9] =	ssyncset.done $0x0  }
0x4f: {  	[sflag:s9] =	ssyncadd.s32 $0xFFFFE000  }
0x50: {  	_ =	swait.ge [sflag:s9], $0x2000  }
0x51: {  	[sflag:s9] =	ssyncset.done $0x0  }
0x52: {  	[sflag:s9] =	ssyncadd.s32 $0xFFFFE000  }
0x53: {  	_ =	swait.ge [sflag:s9], $0x2000  }
0x54: {  	[sflag:s9] =	ssyncset.done $0x0  }
0x55: {  	[sflag:s9] =	ssyncadd.s32 $0xFFFFE000  }
0x56: {  	_ =	swait.ge [sflag:s9], $0x2000  }
0x57: {  	[sflag:s9] =	ssyncset.done $0x0  }
0x58: {  	[sflag:s9] =	ssyncadd.s32 $0xFFFFE000  }
0x59: {  	_ =	swait.ge [sflag:s9], $0x2000  }
0x5a: {  	[sflag:s9] =	ssyncset.done $0x0  }
0x5b: {  	[sflag:s9] =	ssyncadd.s32 $0xFFFFE000  }
0x5c: {  	_ =	swait.ge [sflag:s9], $0x2000  }
0x5d: {  	[sflag:s9] =	ssyncset.done $0x0  }
0x5e: {  	[sflag:s9] =	ssyncadd.s32 $0xFFFFE000  }
0x5f: {  	_ =	swait.ge [sflag:s9], $0x2000  }
0x60: {  	[sflag:s9] =	ssyncset.done $0x0  }
0x61: {  	[sflag:s9] =	ssyncadd.s32 $0xFFFFE000  }
0x62: {  	_ =	swait.ge [sflag:s9], $0x2000  }
0x63: {  	[sflag:s9] =	ssyncset.done $0x0  }
0x64: {  	[sflag:s9] =	ssyncadd.s32 $0xFFFFE000  }
0x65: {  	_ =	swait.ge [sflag:s9], $0x2000  }
0x66: {  	[sflag:s9] =	ssyncset.done $0x0  }
0x67: {  	[sflag:s9] =	ssyncadd.s32 $0xFFFFE000  }
0x68: {  	_ =	swait.ge [sflag:s9], $0x2000  }
0x69: {  	[sflag:s9] =	ssyncset.done $0x0  }
0x6a: {  	[sflag:s9] =	ssyncadd.s32 $0xFFFFE000  }
0x6b: {  	[bflag:$0x0] =	sbarrier.arrive $0xFFFF  }
0x6c: {  	s22 =	simm.s32 $0x0;
	s31 =	rddreg [dreg:$0x4]  }
0x6d: {  	[tilespmem:s22], [sflag:$0x1] =	stream.linear.gather [hbm4b:s31+s22], $0x40, $0x38;
	[tilespmem:$0x1C400] =	vst v63  }
0x6e: {  	s24 =	rddreg [dreg:$0x5]  }
0x6f: {  	[tilespmem:s10], [sflag:$0x1] =	stream.linear.gather [hbm4b:s24+s22], $0x40, $0x38;
	[tilespmem:$0x1C400] =	vst v63  }
0x70: {  	s26 =	rddreg [dreg:$0x6];
	s24 =	simm.s32 $0x80  }
0x71: {  	[tilespmem:s24], [sflag:$0x2] =	stream.linear.gather [hbm4b:s26+s22], $0x40, $0x38;
	[tilespmem:$0x1C400] =	vst v63  }
0x72: {  	s29 =	rddreg [dreg:$0x7]  }
0x73: {  	[tilespmem:s12], [sflag:$0x2] =	stream.linear.gather [hbm4b:s29+s22], $0x40, $0x38;
	[tilespmem:$0x1C400] =	vst v63  }
0x74: {  	s31 =	rddreg [dreg:$0x8];
	s26 =	simm.s32 $0x100  }
0x75: {  	[tilespmem:s26], [sflag:$0x3] =	stream.linear.gather [hbm4b:s31+s22], $0x40, $0x38;
	[tilespmem:$0x1C400] =	vst v63  }
0x76: {  	s29 =	rddreg [dreg:$0x9]  }
0x77: {  	[tilespmem:s23], [sflag:$0x3] =	stream.linear.gather [hbm4b:s29+s22], $0x40, $0x38;
	[tilespmem:$0x1C400] =	vst v63  }
0x78: {  	s31 =	rddreg [dreg:$0xa];
	s29 =	simm.s32 $0x180  }
0x79: {  	[tilespmem:s29], [sflag:$0x4] =	stream.linear.gather [hbm4b:s31+s22], $0x40, $0x38;
	[tilespmem:$0x1C400] =	vst v63  }
0x7a: {  	s31 =	rddreg [dreg:$0xb]  }
0x7b: {  	[tilespmem:s25], [sflag:$0x4] =	stream.linear.gather [hbm4b:s31+s22], $0x40, $0x38;
	[tilespmem:$0x1C400] =	vst v63  }
0x7c: {  	s31 =	simm.s32 $0x1  }
0x7d: {  	_ =	swait.ge [sflag:s31], $0x40  }
0x7e: {  	[sflag:s31] =	ssyncset.done $0x0  }
0x7f: {  	[sflag:s31] =	ssyncadd.s32 $0xFFFFFFC0  }
0x80: {  	_ =	swait.ge [sflag:s31], $0x40  }
0x81: {  	[sflag:s31] =	ssyncset.done $0x0  }
0x82: {  	[sflag:s31] =	ssyncadd.s32 $0xFFFFFFC0;
	s31 =	simm.s32 $0x2  }
0x83: {  	[tilespmem:s8], [sflag:$0x5] =	stream.indirect.gather [hbm4b:s2+s28], $0x80, s22, s28, $0xb8;
	[tilespmem:$0x1C400] =	vst v63  }
0x84: {  	_ =	swait.ge [sflag:s31], $0x40  }
0x85: {  	[sflag:s31] =	ssyncset.done $0x0  }
0x86: {  	[sflag:s31] =	ssyncadd.s32 $0xFFFFFFC0  }
0x87: {  	_ =	swait.ge [sflag:s31], $0x40  }
0x88: {  	[sflag:s31] =	ssyncset.done $0x0  }
0x89: {  	[sflag:s31] =	ssyncadd.s32 $0xFFFFFFC0  }
0x8a: {  	[tilespmem:s30], [sflag:$0x6] =	stream.indirect.gather [hbm4b:s2+s28], $0x80, s24, s28, $0xb8;
	[tilespmem:$0x1C400] =	vst v63  }
0x8b: {  	s24 =	simm.s32 $0x3  }
0x8c: {  	_ =	swait.ge [sflag:s24], $0x40  }
0x8d: {  	[sflag:s24] =	ssyncset.done $0x0  }
0x8e: {  	[sflag:s24] =	ssyncadd.s32 $0xFFFFFFC0  }
0x8f: {  	_ =	swait.ge [sflag:s24], $0x40  }
0x90: {  	[sflag:s24] =	ssyncset.done $0x0  }
0x91: {  	s31 =	simm.s32 $0x4;
	[sflag:s24] =	ssyncadd.s32 $0xFFFFFFC0  }
0x92: {  	[tilespmem:s0], [sflag:$0x7] =	stream.indirect.gather [hbm4b:s2+s28], $0x80, s26, s28, $0xb8;
	[tilespmem:$0x1C400] =	vst v63  }
0x93: {  	_ =	swait.ge [sflag:s31], $0x40  }
0x94: {  	[sflag:s31] =	ssyncset.done $0x0  }
0x95: {  	[sflag:s31] =	ssyncadd.s32 $0xFFFFFFC0  }
0x96: {  	_ =	swait.ge [sflag:s31], $0x40  }
0x97: {  	[sflag:s31] =	ssyncset.done $0x0  }
0x98: {  	[sflag:s31] =	ssyncadd.s32 $0xFFFFFFC0  }
0x99: {  	[tilespmem:s5], [sflag:$0x8] =	stream.indirect.gather [hbm4b:s2+s28], $0x80, s29, s28, $0xb8;
	[tilespmem:$0x1C400] =	vst v63  }
.LBB2_4:
0x9a: {  	_ =	swait.ge [sflag:s6], $0x2000  }
0x9b: {  	[sflag:s6] =	ssyncset.done $0x0  }
0x9c: {  	[sflag:s6] =	ssyncadd.s32 $0xFFFFE000  }
0x9d: {  	[spmem:s3] =	stream.indirect.scatter.add.f32 [tilespmem:s8], [sflag:$0x9], $0x80, s10, s28, $0xb8;
	[tilespmem:$0x1C400] =	vst v63  }
0x9e: {  	_ =	swait.ge [sflag:s11], $0x2000  }
0x9f: {  	[sflag:s11] =	ssyncset.done $0x0  }
0xa0: {  	[sflag:s11] =	ssyncadd.s32 $0xFFFFE000  }
0xa1: {  	[spmem:s3] =	stream.indirect.scatter.add.f32 [tilespmem:s30], [sflag:$0xA], $0x80, s12, s28, $0xb8;
	[tilespmem:$0x1C400] =	vst v63  }
0xa2: {  	_ =	swait.ge [sflag:s7], $0x2000  }
0xa3: {  	[sflag:s7] =	ssyncset.done $0x0  }
0xa4: {  	[sflag:s7] =	ssyncadd.s32 $0xFFFFE000  }
0xa5: {  	[spmem:s3] =	stream.indirect.scatter.add.f32 [tilespmem:s0], [sflag:$0xB], $0x80, s23, s28, $0xb8;
	[tilespmem:$0x1C400] =	vst v63  }
0xa6: {  	_ =	swait.ge [sflag:s13], $0x2000  }
0xa7: {  	p1 =	seq.s32 s22, $0x4E0;
	[sflag:s13] =	ssyncset.done $0x0  }
0xa8: {  	s24 =	simm.s32 @!p1 $0x9;
	[sflag:s13] =	ssyncadd.s32 $0xFFFFE000  }
0xa9: {  	[spmem:s3] =	stream.indirect.scatter.add.f32 [tilespmem:s5], [sflag:$0xC], $0x80, s25, s28, $0xb8;
	[tilespmem:$0x1C400] =	vst v63  }
0xaa: {  	_ =	swait.ge @!p1 [sflag:s24], $0x2000  }
0xab: {  	[sflag:s24] =	ssyncset.done @!p1 $0x0  }
0xac: {  	s26 =	simm.s32 @!p1 $0x0;
	[sflag:s24] =	ssyncadd.s32 @!p1 $0xFFFFE000;
	s24 =	sadd.s32 @!p1 s22, s21  }
0xad: {  	[tilespmem:s26], [sflag:$0x1] =	stream.linear.gather @!p1 [hbm4b:s24+s26], $0x40, $0x38;
	[tilespmem:$0x1C400] =	vst v63  }
0xae: {  	s29 =	simm.s32 @!p1 $0x200;
	s24 =	sadd.s32 @!p1 s22, s20  }
0xaf: {  	[tilespmem:s29], [sflag:$0x1] =	stream.linear.gather @!p1 [hbm4b:s24+s26], $0x40, $0x38;
	[tilespmem:$0x1C400] =	vst v63  }
0xb0: {  	s24 =	simm.s32 @!p1 $0x1  }
0xb1: {  	_ =	swait.ge @!p1 [sflag:s24], $0x40  }
0xb2: {  	[sflag:s24] =	ssyncset.done @!p1 $0x0  }
0xb3: {  	[sflag:s24] =	ssyncadd.s32 @!p1 $0xFFFFFFC0  }
0xb4: {  	_ =	swait.ge @!p1 [sflag:s24], $0x40  }
0xb5: {  	[sflag:s24] =	ssyncset.done @!p1 $0x0  }
0xb6: {  	s29 =	simm.s32 @!p1 $0x400;
	[sflag:s24] =	ssyncadd.s32 @!p1 $0xFFFFFFC0;
	s24 =	simm.s32 @!p1 $0x40  }
0xb7: {  	[tilespmem:s29], [sflag:$0x5] =	stream.indirect.gather @!p1 [hbm4b:s2+s24], $0x80, s26, s24, $0xb8;
	[tilespmem:$0x1C400] =	vst v63  }
0xb8: {  	s29 =	simm.s32 @!p1 $0xA  }
0xb9: {  	_ =	swait.ge @!p1 [sflag:s29], $0x2000  }
0xba: {  	[sflag:s29] =	ssyncset.done @!p1 $0x0  }
0xbb: {  	s31 =	simm.s32 @!p1 $0x80;
	[sflag:s29] =	ssyncadd.s32 @!p1 $0xFFFFE000;
	s29 =	sadd.s32 @!p1 s22, s19  }
0xbc: {  	[tilespmem:s31], [sflag:$0x2] =	stream.linear.gather @!p1 [hbm4b:s29+s26], $0x40, $0x38;
	[tilespmem:$0x1C400] =	vst v63  }
0xbd: {  	s1 =	simm.s32 @!p1 $0x280;
	s29 =	sadd.s32 @!p1 s22, s18  }
0xbe: {  	[tilespmem:s1], [sflag:$0x2] =	stream.linear.gather @!p1 [hbm4b:s29+s26], $0x40, $0x38;
	[tilespmem:$0x1C400] =	vst v63  }
0xbf: {  	s1 =	simm.s32 @!p1 $0x2  }
0xc0: {  	_ =	swait.ge @!p1 [sflag:s1], $0x40  }
0xc1: {  	[sflag:s1] =	ssyncset.done @!p1 $0x0  }
0xc2: {  	[sflag:s1] =	ssyncadd.s32 @!p1 $0xFFFFFFC0  }
0xc3: {  	_ =	swait.ge @!p1 [sflag:s1], $0x40  }
0xc4: {  	[sflag:s1] =	ssyncset.done @!p1 $0x0  }
0xc5: {  	[sflag:s1] =	ssyncadd.s32 @!p1 $0xFFFFFFC0;
	s1 =	simm.s32 @!p1 $0x2400  }
0xc6: {  	[tilespmem:s1], [sflag:$0x6] =	stream.indirect.gather @!p1 [hbm4b:s2+s24], $0x80, s31, s24, $0xb8;
	[tilespmem:$0x1C400] =	vst v63  }
0xc7: {  	s1 =	simm.s32 @!p1 $0xB  }
0xc8: {  	_ =	swait.ge @!p1 [sflag:s1], $0x2000  }
0xc9: {  	[sflag:s1] =	ssyncset.done @!p1 $0x0  }
0xca: {  	s29 =	simm.s32 @!p1 $0x100;
	[sflag:s1] =	ssyncadd.s32 @!p1 $0xFFFFE000;
	s1 =	sadd.s32 @!p1 s22, s17  }
0xcb: {  	[tilespmem:s29], [sflag:$0x3] =	stream.linear.gather @!p1 [hbm4b:s1+s26], $0x40, $0x38;
	[tilespmem:$0x1C400] =	vst v63  }
0xcc: {  	s31 =	simm.s32 @!p1 $0x300;
	s1 =	sadd.s32 @!p1 s22, s16  }
0xcd: {  	[tilespmem:s31], [sflag:$0x3] =	stream.linear.gather @!p1 [hbm4b:s1+s26], $0x40, $0x38;
	[tilespmem:$0x1C400] =	vst v63  }
0xce: {  	s1 =	simm.s32 @!p1 $0x3  }
0xcf: {  	_ =	swait.ge @!p1 [sflag:s1], $0x40  }
0xd0: {  	[sflag:s1] =	ssyncset.done @!p1 $0x0  }
0xd1: {  	[sflag:s1] =	ssyncadd.s32 @!p1 $0xFFFFFFC0  }
0xd2: {  	_ =	swait.ge @!p1 [sflag:s1], $0x40  }
0xd3: {  	[sflag:s1] =	ssyncset.done @!p1 $0x0  }
0xd4: {  	[sflag:s1] =	ssyncadd.s32 @!p1 $0xFFFFFFC0;
	s1 =	simm.s32 @!p1 $0x4400  }
0xd5: {  	[tilespmem:s1], [sflag:$0x7] =	stream.indirect.gather @!p1 [hbm4b:s2+s24], $0x80, s29, s24, $0xb8;
	[tilespmem:$0x1C400] =	vst v63  }
0xd6: {  	s1 =	simm.s32 @!p1 $0xC  }
0xd7: {  	_ =	swait.ge @!p1 [sflag:s1], $0x2000  }
0xd8: {  	[sflag:s1] =	ssyncset.done @!p1 $0x0  }
0xd9: {  	s29 =	simm.s32 @!p1 $0x180;
	[sflag:s1] =	ssyncadd.s32 @!p1 $0xFFFFE000;
	s1 =	sadd.s32 @!p1 s22, s15  }
0xda: {  	[tilespmem:s29], [sflag:$0x4] =	stream.linear.gather @!p1 [hbm4b:s1+s26], $0x40, $0x38;
	[tilespmem:$0x1C400] =	vst v63  }
0xdb: {  	s31 =	simm.s32 @!p1 $0x380;
	s1 =	sadd.s32 @!p1 s22, s14  }
0xdc: {  	[tilespmem:s31], [sflag:$0x4] =	stream.linear.gather @!p1 [hbm4b:s1+s26], $0x40, $0x38;
	[tilespmem:$0x1C400] =	vst v63  }
0xdd: {  	s1 =	simm.s32 @!p1 $0x4  }
0xde: {  	_ =	swait.ge @!p1 [sflag:s1], $0x40  }
0xdf: {  	[sflag:s1] =	ssyncset.done @!p1 $0x0  }
0xe0: {  	[sflag:s1] =	ssyncadd.s32 @!p1 $0xFFFFFFC0  }
0xe1: {  	_ =	swait.ge @!p1 [sflag:s1], $0x40  }
0xe2: {  	s22 =	sadd.s32 @!p1 $0x20, s22;
	[sflag:s1] =	ssyncset.done @!p1 $0x0  }
0xe3: {  	p2 =	sne.s32 @!p1 s22, $0x500;
	[sflag:s1] =	ssyncadd.s32 @!p1 $0xFFFFFFC0;
	s1 =	simm.s32 @!p1 $0x6400  }
0xe4: {  	[tilespmem:s1], [sflag:$0x8] =	stream.indirect.gather @!p1 [hbm4b:s2+s24], $0x80, s29, s24, $0xb8;
	[tilespmem:$0x1C400] =	vst v63  }
0xe5: {  	p1 =	por p1, !p2  }
.Ltmp1:
0xe6: {  	_ = 	snop;
	(pc) =	sbr.rel @!p1 .LBB2_4-.Ltmp1, $1  }
0xe7: {  	_ =	sdelay $0x3  }
0xe8: {  	s1 =	simm.s32 $0x9  }
0xe9: {  	_ =	swait.ge [sflag:s1], $0x2000  }
0xea: {  	[sflag:s1] =	ssyncset.done $0x0  }
0xeb: {  	s31 =	simm.s32 $0xA;
	[sflag:s1] =	ssyncadd.s32 $0xFFFFE000  }
0xec: {  	_ =	swait.ge [sflag:s31], $0x2000  }
0xed: {  	[sflag:s31] =	ssyncset.done $0x0  }
0xee: {  	s22 =	simm.s32 $0xB;
	[sflag:s31] =	ssyncadd.s32 $0xFFFFE000  }
0xef: {  	_ =	swait.ge [sflag:s22], $0x2000  }
0xf0: {  	[sflag:s22] =	ssyncset.done $0x0  }
0xf1: {  	s24 =	simm.s32 $0xC;
	[sflag:s22] =	ssyncadd.s32 $0xFFFFE000  }
0xf2: {  	_ =	swait.ge [sflag:s24], $0x2000  }
0xf3: {  	[sflag:s24] =	ssyncset.done $0x0  }
0xf4: {  	[sflag:s24] =	ssyncadd.s32 $0xFFFFE000  }
0xf5: {  	s26 =	stileid.u32;
	[bflag:$0x0] =	sbarrier.arrive $0xFFFF  }
0xf6: {  	s1 =	sshll.u32 s26, $0x6;
	s22 =	rddreg [dreg:$0xc]  }
0xf7: {  	s29 =	simm.s32 $0xE;
	s1 =	sor.u32 $0x1C0E, s1;
	s24 =	rddreg [dreg:$0x10]  }
0xf8: {  	[hbm:s22], [sflag:s1] =	dma.local [spmem:s24], $0x2700  }
0xf9: {  	_ =	swait.ge [sflag:s29], $0x2700  }
0xfa: {  	[sflag:s29] =	ssyncset.done $0x0;
	s22 =	rddreg [dreg:$0xe]  }
0xfb: {  	s24 =	rddreg [dreg:$0x11];
	[sflag:s29] =	ssyncadd.s32 $0xFFFFD900  }
0xfc: {  	[hbm:s22], [sflag:s1] =	dma.local @!p0 [spmem:s24], $0x100  }
0xfd: {  	s1 =	simm.s32 @!p0 $0xE  }
0xfe: {  	_ =	swait.ge @!p0 [sflag:s1], $0x100  }
0xff: {  	s4 =	sadd.s32 $0x1, s4;
	s31 =	rddreg [dreg:$0xf]  }
0x100: {  	p1 =	sne.s32 s4, s31  }
.Ltmp2:
0x101: {  	_ = 	snop;
	(pc) =	sbr.rel @p1 .LBB2_1-.Ltmp2, $3  }
0x102: {  	_ =	sdelay $0x1  }
0x103: {  	[sflag:s1] =	ssyncset.done @!p0 $0x0  }
0x104: {  	[sflag:s1] =	ssyncadd.s32 @!p0 $0xFFFFFF00  }
0x105: {  	_ =	sfence.sel $0x180000  }
0x106: {  	[bflag:$0x0] =	sbarrier.arrive $0xFFFF  }
0x107: {  	_ =	strace $0x9000004A  }
0x108: {  	s0 =	stileid.u32;
	[bflag:$0x2] =	sbarrier.arrive $0xFFFF  }
0x109: {  	p0 =	sne.s32 s0, $0x0;
	s0 =	rddreg [dreg:$0x3]  }
0x10a: {  	s0 =	sadd.s32 @!p0 $0x100000, s0  }
0x10b: {  	[sflag:s0] =	ssyncadd.tile.s32 @!p0 $0x1;
	_ =	shalt  }
.Lfunc_end2:
_tile_overlayer_lowered:
.L_overlay_start_2:
0x10c: {  	(tag) =	ssettag $0x2  }
0x10d: {  	s0 =	rddreg [dreg:$0x0];
	s2 =	stileid.u32  }
0x10e: {  	s1 =	rddreg [dreg:$0x1];
	p0 =	sne.s32 s2, $0x0  }
0x10f: {  	s3 =	rddreg [dreg:$0x2];
	[bflag:$0x3] =	sbarrier.arrive $0xFFFF;
	s2 =	simm.s32 @!p0 $0x1C0E  }
0x110: {  	[timem:s3], [sflag:s2] =	dma.local @!p0 [hbm:s0], s1  }
0x111: {  	s0 =	simm.s32 @!p0 $0xE  }
0x112: {  	_ =	swait.ge @!p0 [sflag:s0], s1  }
0x113: {  	s1 =	ssub.s32 @!p0 $0x0, s1;
	[sflag:s0] =	ssyncset.done @!p0 $0x0  }
0x114: {  	[sflag:s0] =	ssyncadd.s32 @!p0 s1  }
0x115: {  	[bflag:$0x3] =	sbarrier.arrive $0xFFFF  }
0x116: {  	_ =	shalt  }

// kernel: kernel.14.cloned.1.call-start
scs
__scs_entry_jumppad:
0x0: {  	(pc) =	sbr.rel $0x88, $3  }
0x1: {  	(tag) =	ssettag $0x0;
	lr =	simm.s32 $0x1  }
0x2: {  	[smem:$0x3F97] =	sst lr;
	_ =	strace $0xD0000000  }
0x3: {  	_ = 	snop  }
0x4: {  	_ = 	snop  }
0x5: {  	_ = 	snop  }
0x6: {  	_ = 	snop  }
0x7: {  	_ = 	snop  }
__scs_overlays_trampoline_lowered:
0x8: {  	[smem:$0x3FA6] =	sst s0  }
0x9: {  	[smem:$0x3FA7] =	sst s1  }
0xa: {  	[smem:$0x3FA8] =	sst s2  }
0xb: {  	[smem:$0x3FA9] =	sst s3  }
0xc: {  	[smem:$0x3FAA] =	sst s4  }
0xd: {  	[smem:$0x3FAB] =	sst s5  }
0xe: {  	[smem:$0x3FAC] =	sst s6  }
0xf: {  	[smem:$0x3FAD] =	sst s7  }
0x10: {  	[smem:$0x3FAE] =	sst s8  }
0x11: {  	[smem:$0x3FAF] =	sst s9;
	s0 =	simm.s32 @!p0 $0x0  }
0x12: {  	s1 =	sld [smem:$0x3F95];
	s0 =	simm.s32 @p0 $0x1  }
0x13: {  	[smem:$0x3FB0] =	sst s0;
	s0 =	simm.s32 @!p1 $0x0  }
0x14: {  	s2 =	sld [smem:$0x3F94];
	s0 =	simm.s32 @p1 $0x1  }
0x15: {  	[smem:$0x3FB1] =	sst s0;
	s0 =	simm.s32 @!p2 $0x0  }
0x16: {  	s3 =	sld [smem:$0x3FDB];
	s0 =	simm.s32 @p2 $0x1  }
0x17: {  	s4 =	simm.s32 $0x1BF5;
	[smem:$0x3FB3] =	sst s0  }
0x18: {  	s0 =	sld [smem:$0x3F96];
	_ =	swait.ge [sflag:s4], $0x0  }
0x19: {  	s7 =	sld [smem:$0x3F97]  }
0x1a: {  	s8 =	sadd.s32 $0xFFFFE003, lr  }
0x1b: {  	s9 =	sadd.s32 $0xFFFFFEF7, lr;
	s5 =	simm.s32 $0xFFFFFFFF;
	p2 =	slt.u32 s8, $0xFFFFF086  }
0x1c: {  	p1 =	slt.u32 s9, $0xF7A;
	s5 =	simm.s32 @!p2 $0x0  }
0x1d: {  	s5 =	simm.s32 @p1 $0x1;
	p0 =	seq.s32 s7, s2  }
0x1e: {  	s7 =	smul.u32 @!p0 $0xF7A, s2;
	p2 =	seq.s32 @!p0 s5, $0x0  }
0x1f: {  	s9 =	smul.u32 $0xF7A, s1;
	s8 =	simm.s32 @!p0 $0x1BF5;
	p2 =	por !p2, p0  }
0x20: {  	[sflag:s8] =	ssyncset.s32 @!p0 $0xFFFFF086;
	s6 =	sadd.s32 @!p0 s3, s7;
	s7 =	simm.s32 @!p0 $0x108  }
0x21: {  	s3 =	sadd.s32 s3, s9;
	s6 =	sadd.s32 @!p0 $0x88, s6;
	s7 =	simm.s32 @p2 $0x1082  }
0x22: {  	[simem:s7], [sflag:s8] =	dma.local @!p0 [hbm:s6], $0xF7A  }
0x23: {  	s9 =	sor.u32 $0xD0000000, s2;
	s6 =	simm.s32 $0x108;
	_ =	swait.ge @!p0 [sflag:s8], $0x0  }
0x24: {  	s3 =	sadd.s32 $0x88, s3;
	s6 =	simm.s32 @!p1 $0x1082;
	[sflag:s4] =	ssyncset.s32 $0xFFFFF086  }
0x25: {  	[simem:s6], [sflag:s4] =	dma.local [hbm:s3], $0xF7A  }
0x26: {  	[smem:$0x3F97] =	sst s1;
	(tag) =	ssettag s2;
	_ =	strace s9  }
0x27: {  	s1 =	sld [smem:$0x3FA7]  }
0x28: {  	s2 =	sld [smem:$0x3FA8]  }
0x29: {  	s4 =	sld [smem:$0x3FAA]  }
0x2a: {  	p0 =	seq.s32 s5, $0x0;
	s5 =	sld [smem:$0x3FAB]  }
0x2b: {  	s6 =	sld [smem:$0x3FAC]  }
0x2c: {  	s7 =	sld [smem:$0x3FAD]  }
0x2d: {  	s3 =	simm.s32 $0x108;
	s8 =	sld [smem:$0x3FAE]  }
0x2e: {  	s3 =	simm.s32 @!p0 $0x1082;
	s9 =	sld [smem:$0x3FAF]  }
0x2f: {  	lr =	sadd.s32 s0, s3;
	s0 =	sld [smem:$0x3FA6]  }
0x30: {  	s3 =	sld [smem:$0x3FA9]  }
0x31: {  	[smem:$0x3FB2] =	sst s10  }
0x32: {  	s10 =	sld [smem:$0x3FB0];
	_ =	sdelay $0x3  }
0x33: {  	p0 =	seq.s32 s10, $0x1;
	s10 =	sld [smem:$0x3FB2];
	_ =	sdelay $0x3  }
0x34: {  	[smem:$0x3FB2] =	sst s10  }
0x35: {  	s10 =	sld [smem:$0x3FB1];
	_ =	sdelay $0x3  }
0x36: {  	p1 =	seq.s32 s10, $0x1;
	s10 =	sld [smem:$0x3FB2];
	_ =	sdelay $0x3  }
0x37: {  	[smem:$0x3FB2] =	sst s10  }
0x38: {  	s10 =	sld [smem:$0x3FB3]  }
0x39: {  	_ = 	snop;
	(pc) =	sbr.ind lr, $3  }
0x3a: {  	_ = 	snop  }
0x3b: {  	_ = 	snop  }
0x3c: {  	p2 =	seq.s32 s10, $0x1;
	s10 =	sld [smem:$0x3FB2]  }
0x3d: {  	_ =	shalt  }
0x3e: {  	_ =	shalt  }
0x3f: {  	_ =	shalt  }
0x40: {  	_ =	shalt  }
0x41: {  	_ =	shalt  }
0x42: {  	_ =	shalt  }
0x43: {  	_ =	shalt  }
0x44: {  	_ =	shalt  }
0x45: {  	_ =	shalt  }
0x46: {  	_ =	shalt  }
0x47: {  	_ =	shalt  }
0x48: {  	_ =	shalt  }
0x49: {  	_ =	shalt  }
0x4a: {  	_ =	shalt  }
0x4b: {  	_ =	shalt  }
0x4c: {  	_ =	shalt  }
0x4d: {  	_ =	shalt  }
0x4e: {  	_ =	shalt  }
0x4f: {  	_ =	shalt  }
0x50: {  	_ =	shalt  }
0x51: {  	_ =	shalt  }
0x52: {  	_ =	shalt  }
0x53: {  	_ =	shalt  }
0x54: {  	_ =	shalt  }
0x55: {  	_ =	shalt  }
0x56: {  	_ =	shalt  }
0x57: {  	_ =	shalt  }
0x58: {  	_ =	shalt  }
0x59: {  	_ =	shalt  }
0x5a: {  	_ =	shalt  }
0x5b: {  	_ =	shalt  }
0x5c: {  	_ =	shalt  }
0x5d: {  	_ =	shalt  }
0x5e: {  	_ =	shalt  }
0x5f: {  	_ =	shalt  }
0x60: {  	_ =	shalt  }
0x61: {  	_ =	shalt  }
0x62: {  	_ =	shalt  }
0x63: {  	_ =	shalt  }
0x64: {  	_ =	shalt  }
0x65: {  	_ =	shalt  }
0x66: {  	_ =	shalt  }
0x67: {  	_ =	shalt  }
0x68: {  	_ =	shalt  }
0x69: {  	_ =	shalt  }
0x6a: {  	_ =	shalt  }
0x6b: {  	_ =	shalt  }
0x6c: {  	_ =	shalt  }
0x6d: {  	_ =	shalt  }
0x6e: {  	_ =	shalt  }
0x6f: {  	_ =	shalt  }
0x70: {  	_ =	shalt  }
0x71: {  	_ =	shalt  }
0x72: {  	_ =	shalt  }
0x73: {  	_ =	shalt  }
0x74: {  	_ =	shalt  }
0x75: {  	_ =	shalt  }
0x76: {  	_ =	shalt  }
0x77: {  	_ =	shalt  }
0x78: {  	_ =	shalt  }
0x79: {  	_ =	shalt  }
0x7a: {  	_ =	shalt  }
0x7b: {  	_ =	shalt  }
0x7c: {  	_ =	shalt  }
0x7d: {  	_ =	shalt  }
0x7e: {  	_ =	shalt  }
0x7f: {  	_ =	shalt  }
0x80: {  	_ =	shalt  }
0x81: {  	_ =	shalt  }
0x82: {  	_ =	shalt  }
0x83: {  	_ =	shalt  }
0x84: {  	_ =	shalt  }
0x85: {  	_ =	shalt  }
0x86: {  	_ =	shalt  }
0x87: {  	_ =	shalt  }
.Lfunc_end0:
.L_simem_size_0:
called_computation.2_lowered:
.L_overlay_start_0:
0x88: {  	s2 =	sld [smem:$0x3FD9]  }
0x89: {  	s3 =	sld [smem:$0x3FFE];
	_ =	sdelay $0x1  }
0x8a: {  	s1 =	srdreg.scid  }
0x8b: {  	s0 =	sand.u32 $0x1, s1  }
0x8c: {  	s17 =	sshll.u32 s0, $0xA;
	s2 =	sadd.s32 s3, s2  }
0x8d: {  	s2 =	sadd.s32 s2, s17  }
0x8e: {  	[smem:$0x3FBE] =	sst s2  }
0x8f: {  	_ = 	snop  }
0x90: {  	s2 =	sld [smem:$0x3FD0];
	(tm) =	ssettm $0x1  }
0x91: {  	s18 =	sld [smem:$0x3FFB];
	_ =	sdelay $0x3  }
0x92: {  	_ =	strace s18  }
0x93: {  	s3 =	sld [smem:$0x3FFC];
	_ =	sdelay $0x3  }
0x94: {  	_ =	strace s3  }
0x95: {  	s3 =	sld [smem:$0x3FFD];
	_ =	sdelay $0x3  }
0x96: {  	_ =	strace s3  }
0x97: {  	_ =	strace $0x8FFFFFFF  }
0x98: {  	s19 =	sld [smem:$0x3FDB];
	_ =	sdelay $0x1  }
0x99: {  	s4 =	simm.s32 $_scs_section_size  }
0x9a: {  	s5 =	simm.s32 $_size__tile_overlayer_lowered;
	s6 =	simm.s32 $_tile_overlayer_lowered  }
0x9b: {  	s22 =	simm.s32 $0x1BFF;
	s21 =	sshll.u32 s6, $0x1;
	s3 =	sadd.s32 s4, s19  }
0x9c: {  	s7 =	simm.s32 $0x0;
	s20 =	sshll.u32 s5, $0x1;
	s5 =	sadd.s32 s21, s3  }
0x9d: {  	[timem:s7], [sflag:s22] =	dma.local [hbm:s5], s20  }
0x9e: {  	_ =	swait.ge [sflag:s22], s20  }
0x9f: {  	s4 =	ssub.s32 $0x0, s20;
	[sflag:s22] =	ssyncset.done $0x0  }
0xa0: {  	[sflag:s22] =	ssyncadd.s32 s4;
	_ =	sdelay $0x1  }
0xa1: {  	s23 =	simm.s32 $0x1B8B  }
0xa2: {  	_ =	swait.ge [sflag:s23], $0x1  }
0xa3: {  	[sflag:s23] =	ssyncset.done $0x0  }
0xa4: {  	s25 =	simm.s32 $0x1B8E;
	s24 =	sld [smem:$0x3FFE];
	[sflag:s23] =	ssyncadd.s32 $0xFFFFFFFF  }
0xa5: {  	s26 =	simm.s32 $execute0_lowered;
	[smem:$0x3FD2] =	sst s25  }
0xa6: {  	s5 =	sshll.u32 s26, $0x1;
	_ =	strace $0x8000004C;
	[dreg:$0x1] =	wrdreg $0xFFFFFFFF  }
0xa7: {  	s28 =	simm.s32 $_size_execute0_lowered;
	s3 =	sadd.s32 s3, s5;
	[dreg:$0x0] =	wrdreg $0x0  }
0xa8: {  	s5 =	sshll.u32 s28, $0x1;
	[dreg:$0x2] =	wrdreg s3  }
0xa9: {  	[dreg:$0x3] =	wrdreg s5  }
0xaa: {  	[dreg:$0x4] =	wrdreg $0xC0  }
0xab: {  	_ =	task [dreg:s7], $0x5FFFF  }
0xac: {  	[dreg:$0x1] =	wrdreg $0xFFFFFFFF  }
0xad: {  	[dreg:$0x0] =	wrdreg $0x60  }
0xae: {  	[dreg:$0x2] =	wrdreg s2  }
0xaf: {  	[dreg:$0x3] =	wrdreg s24  }
0xb0: {  	[dreg:$0x4] =	wrdreg $0x84000  }
0xb1: {  	[dreg:$0x5] =	wrdreg $0x9  }
0xb2: {  	_ =	task.clear_ibuf [dreg:s7], $0x6FFFF;
	_ =	strace $0x9000004C  }
0xb3: {  	s29 =	simm.s32 $0x9;
	_ =	strace $0x8000004E  }
0xb4: {  	_ =	swait.ge [sflag:s29], $0x1  }
0xb5: {  	[sflag:s29] =	ssyncadd.s32 $0xFFFFFFFF  }
0xb6: {  	_ =	strace $0x9000004E  }
0xb7: {  	_ =	sfence  }
0xb8: {  	s30 =	sld [smem:$0x0];
	_ =	sdelay $0x2  }
0xb9: {  	s31 =	sshll.u32 s1, $0xD;
	s1 =	sshrl.u32 s1, $0x2  }
0xba: {  	s3 =	sand.u32 $0x4000, s31;
	s1 =	sadd.s32 s1, s30  }
0xbb: {  	s0 =	sor.u32 s3, s0;
	s1 =	sshll.u32 s1, $0x11  }
0xbc: {  	s0 =	sor.u32 s1, s0  }
0xbd: {  	s0 =	sadd.s32 $0x8F2B, s0  }
0xbe: {  	[sflag:s0] =	ssyncadd.remote.s32 $0x1  }
0xbf: {  	_ =	sfence.sel $0xFFFF  }
0xc0: {  	[dreg:$0x0] =	wrdreg $0xFFFFFFFF;
	(pc) =	sbr.abs _section_cstart, $3  }
0xc1: {  	[dreg:$0x1] =	wrdreg $0xFFFFFFFF  }
0xc2: {  	_ =	task.clear_ibuf [dreg:s7], $0x2FFFF;
	_ =	strace $0x9FFFFFFF  }
0xc3: {  	(tm) =	ssettm $0x7FFFFFFF  }
tec
execute0_lowered:
.L_overlay_start_1:
0x0: {  	(tag) =	ssettag $0x1  }
0x1: {  	s2 =	rddreg [dreg:$0x0]  }
0x2: {  	s0 =	rddreg [dreg:$0x1]  }
0x3: {  	s3 =	rddreg [dreg:$0x2]  }
0x4: {  	s1 =	srdreg.scid;
	s22 =	stileid.u32;
	s4 =	simm.s32 $0x0  }
0x5: {  	s1 =	sand.u32 $0x1, s1;
	s5 =	sshll.u32 s22, $0x1;
	s10 =	smul.u32 $0x50000, s22  }
0x6: {  	s6 =	sadd.s32 $0xC800, s0;
	s7 =	sadd.s32 $0x2800, s0;
	s12 =	smul.u32 $0x13800, s22  }
0x7: {  	s0 =	sadd.s32 $0x16800, s0;
	s17 =	smul.u32 $0x5000, s22;
	[smem:$0x7FF] =	sst s4  }
0x8: {  	p0 =	sne.s32 s22, $0xF;
	s8 =	ssub.s32 $0x2, s1;
	s31 =	smul.u32 $0x138800, s1  }
0x9: {  	s5 =	sor.u32 s1, s5;
	s1 =	smul.u32 $0x2800, s1;
	s9 =	sshrl.u32 s8, $0x1  }
0xa: {  	s5 =	smul.u32 $0x2800, s5;
	s8 =	ssub.s32 s8, s9;
	s20 =	sadd.s32 s12, s31  }
0xb: {  	s1 =	sadd.s32 s1, s17;
	s24 =	sshrl.u32 s31, $0x3;
	s31 =	smul.u32 $0x4E000, s22  }
0xc: {  	s5 =	sshrl.u32 s5, $0x3;
	s21 =	sshrl.u32 s20, $0x3;
	s23 =	sor.u32 $0x1C0, s1  }
0xd: {  	s26 =	sor.u32 $0x180, s1;
	s29 =	sor.u32 $0x140, s1;
	s1 =	sor.u32 $0x100, s1  }
0xe: {  	s11 =	sadd.s32 s6, s5;
	s15 =	sor.u32 $0x8, s5;
	s13 =	sadd.s32 s7, s5  }
0xf: {  	s18 =	sor.u32 $0x10, s5;
	s5 =	sor.u32 $0x18, s5;
	[dreg:$0x4] =	wrdreg s11  }
0x10: {  	s25 =	sshrl.u32 s23, $0x3;
	[dreg:$0x5] =	wrdreg s13;
	s16 =	sadd.s32 s6, s15  }
0x11: {  	s9 =	sshrl.u32 s29, $0x3;
	s11 =	sadd.s32 s7, s15;
	[dreg:$0x6] =	wrdreg s16  }
0x12: {  	s1 =	sshrl.u32 s1, $0x3;
	s14 =	sadd.s32 s6, s18;
	[dreg:$0x7] =	wrdreg s11  }
0x13: {  	s19 =	sadd.s32 s6, s5;
	s5 =	sadd.s32 s7, s5;
	[dreg:$0x8] =	wrdreg s14  }
0x14: {  	s15 =	sadd.s32 s25, s6;
	s20 =	sadd.s32 s1, s7;
	[dreg:$0xa] =	wrdreg s19  }
0x15: {  	s11 =	sadd.s32 s7, s18;
	[dreg:$0xb] =	wrdreg s5;
	s5 =	sadd.s32 s0, s21  }
0x16: {  	s0 =	sadd.s32 s0, s24;
	s18 =	sadd.s32 s9, s7;
	s19 =	sadd.s32 s9, s6  }
0x17: {  	s21 =	sadd.s32 s1, s6;
	s9 =	sshrl.u32 s31, $0x2;
	[dreg:$0x9] =	wrdreg s11  }
0x18: {  	[dreg:$0xc] =	wrdreg s5;
	s5 =	sshrl.u32 s26, $0x3;
	s1 =	sadd.s32 s9, s3  }
0x19: {  	s0 =	sadd.s32 $0x27000, s0;
	s17 =	sadd.s32 s5, s6;
	s6 =	sshrl.u32 s10, $0x2  }
0x1a: {  	_ =	strace $0x8000004D;
	[dreg:$0xe] =	wrdreg s0;
	s10 =	smax.u32 s8, $0x1  }
0x1b: {  	s11 =	sshrl.u32 s1, $0x3;
	s0 =	sadd.s32 $0x138000, s3;
	[dreg:$0xf] =	wrdreg s10  }
0x1c: {  	s14 =	sadd.s32 s25, s7;
	[dreg:$0x10] =	wrdreg s11;
	s0 =	sshrl.u32 @!p0 s0, $0x3  }
0x1d: {  	s16 =	sadd.s32 s5, s7;
	s7 =	sadd.s32 s6, s3;
	[dreg:$0x11] =	wrdreg s0  }
0x1e: {  	s28 =	simm.s32 $0x40;
	s12 =	sadd.s32 $0x2000, s7;
	[dreg:$0xd] =	wrdreg s7  }
0x1f: {  	s30 =	simm.s32 $0x2400;
	s13 =	sadd.s32 $0x4000, s7;
	[dreg:$0x12] =	wrdreg s12  }
0x20: {  	s9 =	simm.s32 $0xD;
	s22 =	sadd.s32 $0x6000, s7;
	[dreg:$0x13] =	wrdreg s13  }
0x21: {  	s8 =	simm.s32 $0x400;
	s23 =	sadd.s32 $0x8000, s7;
	[dreg:$0x14] =	wrdreg s22  }
0x22: {  	s5 =	simm.s32 $0x6400;
	s24 =	sadd.s32 $0xA000, s7;
	[dreg:$0x15] =	wrdreg s23  }
0x23: {  	s10 =	simm.s32 $0x200;
	s25 =	sadd.s32 $0xC000, s7;
	[dreg:$0x16] =	wrdreg s24  }
0x24: {  	s6 =	simm.s32 $0x5;
	s26 =	sadd.s32 $0xE000, s7;
	[dreg:$0x17] =	wrdreg s25  }
0x25: {  	s11 =	simm.s32 $0x6;
	s29 =	sadd.s32 $0x10000, s7;
	[dreg:$0x18] =	wrdreg s26  }
0x26: {  	s31 =	sadd.s32 $0x12000, s7;
	s0 =	simm.s32 $0x4400;
	[dreg:$0x19] =	wrdreg s29  }
0x27: {  	s7 =	simm.s32 $0x7;
	[dreg:$0x1a] =	wrdreg s31;
	s12 =	simm.s32 $0x280  }
0x28: {  	v0 =	vimm.f32 $0.0e+00;
	s23 =	simm.s32 $0x300;
	s25 =	simm.s32 $0x380;
	s13 =	simm.s32 $0x8  }
.LBB2_1:
0x29: {  	s22 =	simm.s32 $0x0;
	s24 =	simm.s32 $0x200  }
.LBB2_2:
0x2a: {  	p1 =	sne.s32 s24, $0x7E00;
	[tilespmem:s22+$0x470] =	vst v0  }
0x2b: {  	[tilespmem:s22+$0x400] =	vst v0  }
0x2c: {  	[tilespmem:s22+$0x410] =	vst v0  }
.Ltmp0:
0x2d: {  	[tilespmem:s22+$0x420] =	vst v0;
	(pc) =	sbr.rel @p1 .LBB2_2-.Ltmp0, $4  }
0x2e: {  	[tilespmem:s22+$0x430] =	vst v0  }
0x2f: {  	[tilespmem:s22+$0x440] =	vst v0  }
0x30: {  	[tilespmem:s22+$0x450] =	vst v0  }
0x31: {  	[tilespmem:s22+$0x460] =	vst v0;
	s22 =	sshra.s32 s24, $0x2;
	s24 =	sadd.s32 $0x200, s24  }
0x32: {  	[tilespmem:s22+$0x470] =	vst v0  }
0x33: {  	[tilespmem:s22+$0x400] =	vst v0  }
0x34: {  	[tilespmem:s22+$0x410] =	vst v0  }
0x35: {  	[tilespmem:s22+$0x420] =	vst v0  }
0x36: {  	[tilespmem:s22+$0x430] =	vst v0  }
0x37: {  	[tilespmem:s22+$0x440] =	vst v0  }
0x38: {  	[tilespmem:s22+$0x450] =	vst v0  }
0x39: {  	[tilespmem:s22+$0x460] =	vst v0;
	s1 =	rddreg [dreg:$0xd]  }
0x3a: {  	[spmem:s1] =	stream.linear.scatter [tilespmem:s8], [sflag:$0xD], $0x2000, $0x38;
	[tilespmem:$0x1C400] =	vst v63  }
0x3b: {  	s22 =	rddreg [dreg:$0x12]  }
0x3c: {  	[spmem:s22] =	stream.linear.scatter [tilespmem:s8], [sflag:$0xD], $0x2000, $0x38;
	[tilespmem:$0x1C400] =	vst v63  }
0x3d: {  	s24 =	rddreg [dreg:$0x13]  }
0x3e: {  	[spmem:s24] =	stream.linear.scatter [tilespmem:s8], [sflag:$0xD], $0x2000, $0x38;
	[tilespmem:$0x1C400] =	vst v63  }
0x3f: {  	s26 =	rddreg [dreg:$0x14]  }
0x40: {  	[spmem:s26] =	stream.linear.scatter [tilespmem:s8], [sflag:$0xD], $0x2000, $0x38;
	[tilespmem:$0x1C400] =	vst v63  }
0x41: {  	s29 =	rddreg [dreg:$0x15]  }
0x42: {  	[spmem:s29] =	stream.linear.scatter [tilespmem:s8], [sflag:$0xD], $0x2000, $0x38;
	[tilespmem:$0x1C400] =	vst v63  }
0x43: {  	s31 =	rddreg [dreg:$0x16]  }
0x44: {  	[spmem:s31] =	stream.linear.scatter [tilespmem:s8], [sflag:$0xD], $0x2000, $0x38;
	[tilespmem:$0x1C400] =	vst v63  }
0x45: {  	s22 =	rddreg [dreg:$0x17]  }
0x46: {  	[spmem:s22] =	stream.linear.scatter [tilespmem:s8], [sflag:$0xD], $0x2000, $0x38;
	[tilespmem:$0x1C400] =	vst v63  }
0x47: {  	s24 =	rddreg [dreg:$0x18]  }
0x48: {  	[spmem:s24] =	stream.linear.scatter [tilespmem:s8], [sflag:$0xD], $0x2000, $0x38;
	[tilespmem:$0x1C400] =	vst v63  }
0x49: {  	s26 =	rddreg [dreg:$0x19]  }
0x4a: {  	[spmem:s26] =	stream.linear.scatter [tilespmem:s8], [sflag:$0xD], $0x2000, $0x38;
	[tilespmem:$0x1C400] =	vst v63  }
0x4b: {  	s29 =	rddreg [dreg:$0x1a]  }
0x4c: {  	[spmem:s29] =	stream.linear.scatter [tilespmem:s8], [sflag:$0xD], $0x2000, $0x38;
	[tilespmem:$0x1C400] =	vst v63  }
0x4d: {  	_ =	swait.ge [sflag:s9], $0x2000  }
0x4e: {  	[sflag:s9] =	ssyncset.done $0x0  }
0x4f: {  	[sflag:s9] =	ssyncadd.s32 $0xFFFFE000  }
0x50: {  	_ =	swait.ge [sflag:s9], $0x2000  }
0x51: {  	[sflag:s9] =	ssyncset.done $0x0  }
0x52: {  	[sflag:s9] =	ssyncadd.s32 $0xFFFFE000  }
0x53: {  	_ =	swait.ge [sflag:s9], $0x2000  }
0x54: {  	[sflag:s9] =	ssyncset.done $0x0  }
0x55: {  	[sflag:s9] =	ssyncadd.s32 $0xFFFFE000  }
0x56: {  	_ =	swait.ge [sflag:s9], $0x2000  }
0x57: {  	[sflag:s9] =	ssyncset.done $0x0  }
0x58: {  	[sflag:s9] =	ssyncadd.s32 $0xFFFFE000  }
0x59: {  	_ =	swait.ge [sflag:s9], $0x2000  }
0x5a: {  	[sflag:s9] =	ssyncset.done $0x0  }
0x5b: {  	[sflag:s9] =	ssyncadd.s32 $0xFFFFE000  }
0x5c: {  	_ =	swait.ge [sflag:s9], $0x2000  }
0x5d: {  	[sflag:s9] =	ssyncset.done $0x0  }
0x5e: {  	[sflag:s9] =	ssyncadd.s32 $0xFFFFE000  }
0x5f: {  	_ =	swait.ge [sflag:s9], $0x2000  }
0x60: {  	[sflag:s9] =	ssyncset.done $0x0  }
0x61: {  	[sflag:s9] =	ssyncadd.s32 $0xFFFFE000  }
0x62: {  	_ =	swait.ge [sflag:s9], $0x2000  }
0x63: {  	[sflag:s9] =	ssyncset.done $0x0  }
0x64: {  	[sflag:s9] =	ssyncadd.s32 $0xFFFFE000  }
0x65: {  	_ =	swait.ge [sflag:s9], $0x2000  }
0x66: {  	[sflag:s9] =	ssyncset.done $0x0  }
0x67: {  	[sflag:s9] =	ssyncadd.s32 $0xFFFFE000  }
0x68: {  	_ =	swait.ge [sflag:s9], $0x2000  }
0x69: {  	[sflag:s9] =	ssyncset.done $0x0  }
0x6a: {  	[sflag:s9] =	ssyncadd.s32 $0xFFFFE000  }
0x6b: {  	[bflag:$0x0] =	sbarrier.arrive $0xFFFF  }
0x6c: {  	s22 =	simm.s32 $0x0;
	s31 =	rddreg [dreg:$0x4]  }
0x6d: {  	[tilespmem:s22], [sflag:$0x1] =	stream.linear.gather [hbm4b:s31+s22], $0x40, $0x38;
	[tilespmem:$0x1C400] =	vst v63  }
0x6e: {  	s24 =	rddreg [dreg:$0x5]  }
0x6f: {  	[tilespmem:s10], [sflag:$0x1] =	stream.linear.gather [hbm4b:s24+s22], $0x40, $0x38;
	[tilespmem:$0x1C400] =	vst v63  }
0x70: {  	s26 =	rddreg [dreg:$0x6];
	s24 =	simm.s32 $0x80  }
0x71: {  	[tilespmem:s24], [sflag:$0x2] =	stream.linear.gather [hbm4b:s26+s22], $0x40, $0x38;
	[tilespmem:$0x1C400] =	vst v63  }
0x72: {  	s29 =	rddreg [dreg:$0x7]  }
0x73: {  	[tilespmem:s12], [sflag:$0x2] =	stream.linear.gather [hbm4b:s29+s22], $0x40, $0x38;
	[tilespmem:$0x1C400] =	vst v63  }
0x74: {  	s31 =	rddreg [dreg:$0x8];
	s26 =	simm.s32 $0x100  }
0x75: {  	[tilespmem:s26], [sflag:$0x3] =	stream.linear.gather [hbm4b:s31+s22], $0x40, $0x38;
	[tilespmem:$0x1C400] =	vst v63  }
0x76: {  	s29 =	rddreg [dreg:$0x9]  }
0x77: {  	[tilespmem:s23], [sflag:$0x3] =	stream.linear.gather [hbm4b:s29+s22], $0x40, $0x38;
	[tilespmem:$0x1C400] =	vst v63  }
0x78: {  	s31 =	rddreg [dreg:$0xa];
	s29 =	simm.s32 $0x180  }
0x79: {  	[tilespmem:s29], [sflag:$0x4] =	stream.linear.gather [hbm4b:s31+s22], $0x40, $0x38;
	[tilespmem:$0x1C400] =	vst v63  }
0x7a: {  	s31 =	rddreg [dreg:$0xb]  }
0x7b: {  	[tilespmem:s25], [sflag:$0x4] =	stream.linear.gather [hbm4b:s31+s22], $0x40, $0x38;
	[tilespmem:$0x1C400] =	vst v63  }
0x7c: {  	s31 =	simm.s32 $0x1  }
0x7d: {  	_ =	swait.ge [sflag:s31], $0x40  }
0x7e: {  	[sflag:s31] =	ssyncset.done $0x0  }
0x7f: {  	[sflag:s31] =	ssyncadd.s32 $0xFFFFFFC0  }
0x80: {  	_ =	swait.ge [sflag:s31], $0x40  }
0x81: {  	[sflag:s31] =	ssyncset.done $0x0  }
0x82: {  	[sflag:s31] =	ssyncadd.s32 $0xFFFFFFC0;
	s31 =	simm.s32 $0x2  }
0x83: {  	[tilespmem:s8], [sflag:$0x5] =	stream.indirect.gather [hbm4b:s2+s28], $0x80, s22, s28, $0xb8;
	[tilespmem:$0x1C400] =	vst v63  }
0x84: {  	_ =	swait.ge [sflag:s31], $0x40  }
0x85: {  	[sflag:s31] =	ssyncset.done $0x0  }
0x86: {  	[sflag:s31] =	ssyncadd.s32 $0xFFFFFFC0  }
0x87: {  	_ =	swait.ge [sflag:s31], $0x40  }
0x88: {  	[sflag:s31] =	ssyncset.done $0x0  }
0x89: {  	[sflag:s31] =	ssyncadd.s32 $0xFFFFFFC0  }
0x8a: {  	[tilespmem:s30], [sflag:$0x6] =	stream.indirect.gather [hbm4b:s2+s28], $0x80, s24, s28, $0xb8;
	[tilespmem:$0x1C400] =	vst v63  }
0x8b: {  	s24 =	simm.s32 $0x3  }
0x8c: {  	_ =	swait.ge [sflag:s24], $0x40  }
0x8d: {  	[sflag:s24] =	ssyncset.done $0x0  }
0x8e: {  	[sflag:s24] =	ssyncadd.s32 $0xFFFFFFC0  }
0x8f: {  	_ =	swait.ge [sflag:s24], $0x40  }
0x90: {  	[sflag:s24] =	ssyncset.done $0x0  }
0x91: {  	s31 =	simm.s32 $0x4;
	[sflag:s24] =	ssyncadd.s32 $0xFFFFFFC0  }
0x92: {  	[tilespmem:s0], [sflag:$0x7] =	stream.indirect.gather [hbm4b:s2+s28], $0x80, s26, s28, $0xb8;
	[tilespmem:$0x1C400] =	vst v63  }
0x93: {  	_ =	swait.ge [sflag:s31], $0x40  }
0x94: {  	[sflag:s31] =	ssyncset.done $0x0  }
0x95: {  	[sflag:s31] =	ssyncadd.s32 $0xFFFFFFC0  }
0x96: {  	_ =	swait.ge [sflag:s31], $0x40  }
0x97: {  	[sflag:s31] =	ssyncset.done $0x0  }
0x98: {  	[sflag:s31] =	ssyncadd.s32 $0xFFFFFFC0  }
0x99: {  	[tilespmem:s5], [sflag:$0x8] =	stream.indirect.gather [hbm4b:s2+s28], $0x80, s29, s28, $0xb8;
	[tilespmem:$0x1C400] =	vst v63  }
.LBB2_4:
0x9a: {  	_ =	swait.ge [sflag:s6], $0x2000  }
0x9b: {  	[sflag:s6] =	ssyncset.done $0x0  }
0x9c: {  	[sflag:s6] =	ssyncadd.s32 $0xFFFFE000  }
0x9d: {  	[spmem:s3] =	stream.indirect.scatter.add.f32 [tilespmem:s8], [sflag:$0x9], $0x80, s10, s28, $0xb8;
	[tilespmem:$0x1C400] =	vst v63  }
0x9e: {  	_ =	swait.ge [sflag:s11], $0x2000  }
0x9f: {  	[sflag:s11] =	ssyncset.done $0x0  }
0xa0: {  	[sflag:s11] =	ssyncadd.s32 $0xFFFFE000  }
0xa1: {  	[spmem:s3] =	stream.indirect.scatter.add.f32 [tilespmem:s30], [sflag:$0xA], $0x80, s12, s28, $0xb8;
	[tilespmem:$0x1C400] =	vst v63  }
0xa2: {  	_ =	swait.ge [sflag:s7], $0x2000  }
0xa3: {  	[sflag:s7] =	ssyncset.done $0x0  }
0xa4: {  	[sflag:s7] =	ssyncadd.s32 $0xFFFFE000  }
0xa5: {  	[spmem:s3] =	stream.indirect.scatter.add.f32 [tilespmem:s0], [sflag:$0xB], $0x80, s23, s28, $0xb8;
	[tilespmem:$0x1C400] =	vst v63  }
0xa6: {  	_ =	swait.ge [sflag:s13], $0x2000  }
0xa7: {  	p1 =	seq.s32 s22, $0x4E0;
	[sflag:s13] =	ssyncset.done $0x0  }
0xa8: {  	s24 =	simm.s32 @!p1 $0x9;
	[sflag:s13] =	ssyncadd.s32 $0xFFFFE000  }
0xa9: {  	[spmem:s3] =	stream.indirect.scatter.add.f32 [tilespmem:s5], [sflag:$0xC], $0x80, s25, s28, $0xb8;
	[tilespmem:$0x1C400] =	vst v63  }
0xaa: {  	_ =	swait.ge @!p1 [sflag:s24], $0x2000  }
0xab: {  	[sflag:s24] =	ssyncset.done @!p1 $0x0  }
0xac: {  	s26 =	simm.s32 @!p1 $0x0;
	[sflag:s24] =	ssyncadd.s32 @!p1 $0xFFFFE000;
	s24 =	sadd.s32 @!p1 s22, s21  }
0xad: {  	[tilespmem:s26], [sflag:$0x1] =	stream.linear.gather @!p1 [hbm4b:s24+s26], $0x40, $0x38;
	[tilespmem:$0x1C400] =	vst v63  }
0xae: {  	s29 =	simm.s32 @!p1 $0x200;
	s24 =	sadd.s32 @!p1 s22, s20  }
0xaf: {  	[tilespmem:s29], [sflag:$0x1] =	stream.linear.gather @!p1 [hbm4b:s24+s26], $0x40, $0x38;
	[tilespmem:$0x1C400] =	vst v63  }
0xb0: {  	s24 =	simm.s32 @!p1 $0x1  }
0xb1: {  	_ =	swait.ge @!p1 [sflag:s24], $0x40  }
0xb2: {  	[sflag:s24] =	ssyncset.done @!p1 $0x0  }
0xb3: {  	[sflag:s24] =	ssyncadd.s32 @!p1 $0xFFFFFFC0  }
0xb4: {  	_ =	swait.ge @!p1 [sflag:s24], $0x40  }
0xb5: {  	[sflag:s24] =	ssyncset.done @!p1 $0x0  }
0xb6: {  	s29 =	simm.s32 @!p1 $0x400;
	[sflag:s24] =	ssyncadd.s32 @!p1 $0xFFFFFFC0;
	s24 =	simm.s32 @!p1 $0x40  }
0xb7: {  	[tilespmem:s29], [sflag:$0x5] =	stream.indirect.gather @!p1 [hbm4b:s2+s24], $0x80, s26, s24, $0xb8;
	[tilespmem:$0x1C400] =	vst v63  }
0xb8: {  	s29 =	simm.s32 @!p1 $0xA  }
0xb9: {  	_ =	swait.ge @!p1 [sflag:s29], $0x2000  }
0xba: {  	[sflag:s29] =	ssyncset.done @!p1 $0x0  }
0xbb: {  	s31 =	simm.s32 @!p1 $0x80;
	[sflag:s29] =	ssyncadd.s32 @!p1 $0xFFFFE000;
	s29 =	sadd.s32 @!p1 s22, s19  }
0xbc: {  	[tilespmem:s31], [sflag:$0x2] =	stream.linear.gather @!p1 [hbm4b:s29+s26], $0x40, $0x38;
	[tilespmem:$0x1C400] =	vst v63  }
0xbd: {  	s1 =	simm.s32 @!p1 $0x280;
	s29 =	sadd.s32 @!p1 s22, s18  }
0xbe: {  	[tilespmem:s1], [sflag:$0x2] =	stream.linear.gather @!p1 [hbm4b:s29+s26], $0x40, $0x38;
	[tilespmem:$0x1C400] =	vst v63  }
0xbf: {  	s1 =	simm.s32 @!p1 $0x2  }
0xc0: {  	_ =	swait.ge @!p1 [sflag:s1], $0x40  }
0xc1: {  	[sflag:s1] =	ssyncset.done @!p1 $0x0  }
0xc2: {  	[sflag:s1] =	ssyncadd.s32 @!p1 $0xFFFFFFC0  }
0xc3: {  	_ =	swait.ge @!p1 [sflag:s1], $0x40  }
0xc4: {  	[sflag:s1] =	ssyncset.done @!p1 $0x0  }
0xc5: {  	[sflag:s1] =	ssyncadd.s32 @!p1 $0xFFFFFFC0;
	s1 =	simm.s32 @!p1 $0x2400  }
0xc6: {  	[tilespmem:s1], [sflag:$0x6] =	stream.indirect.gather @!p1 [hbm4b:s2+s24], $0x80, s31, s24, $0xb8;
	[tilespmem:$0x1C400] =	vst v63  }
0xc7: {  	s1 =	simm.s32 @!p1 $0xB  }
0xc8: {  	_ =	swait.ge @!p1 [sflag:s1], $0x2000  }
0xc9: {  	[sflag:s1] =	ssyncset.done @!p1 $0x0  }
0xca: {  	s29 =	simm.s32 @!p1 $0x100;
	[sflag:s1] =	ssyncadd.s32 @!p1 $0xFFFFE000;
	s1 =	sadd.s32 @!p1 s22, s17  }
0xcb: {  	[tilespmem:s29], [sflag:$0x3] =	stream.linear.gather @!p1 [hbm4b:s1+s26], $0x40, $0x38;
	[tilespmem:$0x1C400] =	vst v63  }
0xcc: {  	s31 =	simm.s32 @!p1 $0x300;
	s1 =	sadd.s32 @!p1 s22, s16  }
0xcd: {  	[tilespmem:s31], [sflag:$0x3] =	stream.linear.gather @!p1 [hbm4b:s1+s26], $0x40, $0x38;
	[tilespmem:$0x1C400] =	vst v63  }
0xce: {  	s1 =	simm.s32 @!p1 $0x3  }
0xcf: {  	_ =	swait.ge @!p1 [sflag:s1], $0x40  }
0xd0: {  	[sflag:s1] =	ssyncset.done @!p1 $0x0  }
0xd1: {  	[sflag:s1] =	ssyncadd.s32 @!p1 $0xFFFFFFC0  }
0xd2: {  	_ =	swait.ge @!p1 [sflag:s1], $0x40  }
0xd3: {  	[sflag:s1] =	ssyncset.done @!p1 $0x0  }
0xd4: {  	[sflag:s1] =	ssyncadd.s32 @!p1 $0xFFFFFFC0;
	s1 =	simm.s32 @!p1 $0x4400  }
0xd5: {  	[tilespmem:s1], [sflag:$0x7] =	stream.indirect.gather @!p1 [hbm4b:s2+s24], $0x80, s29, s24, $0xb8;
	[tilespmem:$0x1C400] =	vst v63  }
0xd6: {  	s1 =	simm.s32 @!p1 $0xC  }
0xd7: {  	_ =	swait.ge @!p1 [sflag:s1], $0x2000  }
0xd8: {  	[sflag:s1] =	ssyncset.done @!p1 $0x0  }
0xd9: {  	s29 =	simm.s32 @!p1 $0x180;
	[sflag:s1] =	ssyncadd.s32 @!p1 $0xFFFFE000;
	s1 =	sadd.s32 @!p1 s22, s15  }
0xda: {  	[tilespmem:s29], [sflag:$0x4] =	stream.linear.gather @!p1 [hbm4b:s1+s26], $0x40, $0x38;
	[tilespmem:$0x1C400] =	vst v63  }
0xdb: {  	s31 =	simm.s32 @!p1 $0x380;
	s1 =	sadd.s32 @!p1 s22, s14  }
0xdc: {  	[tilespmem:s31], [sflag:$0x4] =	stream.linear.gather @!p1 [hbm4b:s1+s26], $0x40, $0x38;
	[tilespmem:$0x1C400] =	vst v63  }
0xdd: {  	s1 =	simm.s32 @!p1 $0x4  }
0xde: {  	_ =	swait.ge @!p1 [sflag:s1], $0x40  }
0xdf: {  	[sflag:s1] =	ssyncset.done @!p1 $0x0  }
0xe0: {  	[sflag:s1] =	ssyncadd.s32 @!p1 $0xFFFFFFC0  }
0xe1: {  	_ =	swait.ge @!p1 [sflag:s1], $0x40  }
0xe2: {  	s22 =	sadd.s32 @!p1 $0x20, s22;
	[sflag:s1] =	ssyncset.done @!p1 $0x0  }
0xe3: {  	p2 =	sne.s32 @!p1 s22, $0x500;
	[sflag:s1] =	ssyncadd.s32 @!p1 $0xFFFFFFC0;
	s1 =	simm.s32 @!p1 $0x6400  }
0xe4: {  	[tilespmem:s1], [sflag:$0x8] =	stream.indirect.gather @!p1 [hbm4b:s2+s24], $0x80, s29, s24, $0xb8;
	[tilespmem:$0x1C400] =	vst v63  }
0xe5: {  	p1 =	por p1, !p2  }
.Ltmp1:
0xe6: {  	_ = 	snop;
	(pc) =	sbr.rel @!p1 .LBB2_4-.Ltmp1, $1  }
0xe7: {  	_ =	sdelay $0x3  }
0xe8: {  	s1 =	simm.s32 $0x9  }
0xe9: {  	_ =	swait.ge [sflag:s1], $0x2000  }
0xea: {  	[sflag:s1] =	ssyncset.done $0x0  }
0xeb: {  	s31 =	simm.s32 $0xA;
	[sflag:s1] =	ssyncadd.s32 $0xFFFFE000  }
0xec: {  	_ =	swait.ge [sflag:s31], $0x2000  }
0xed: {  	[sflag:s31] =	ssyncset.done $0x0  }
0xee: {  	s22 =	simm.s32 $0xB;
	[sflag:s31] =	ssyncadd.s32 $0xFFFFE000  }
0xef: {  	_ =	swait.ge [sflag:s22], $0x2000  }
0xf0: {  	[sflag:s22] =	ssyncset.done $0x0  }
0xf1: {  	s24 =	simm.s32 $0xC;
	[sflag:s22] =	ssyncadd.s32 $0xFFFFE000  }
0xf2: {  	_ =	swait.ge [sflag:s24], $0x2000  }
0xf3: {  	[sflag:s24] =	ssyncset.done $0x0  }
0xf4: {  	[sflag:s24] =	ssyncadd.s32 $0xFFFFE000  }
0xf5: {  	s26 =	stileid.u32;
	[bflag:$0x0] =	sbarrier.arrive $0xFFFF  }
0xf6: {  	s1 =	sshll.u32 s26, $0x6;
	s22 =	rddreg [dreg:$0xc]  }
0xf7: {  	s29 =	simm.s32 $0xE;
	s1 =	sor.u32 $0x1C0E, s1;
	s24 =	rddreg [dreg:$0x10]  }
0xf8: {  	[hbm:s22], [sflag:s1] =	dma.local [spmem:s24], $0x2700  }
0xf9: {  	_ =	swait.ge [sflag:s29], $0x2700  }
0xfa: {  	[sflag:s29] =	ssyncset.done $0x0;
	s22 =	rddreg [dreg:$0xe]  }
0xfb: {  	s24 =	rddreg [dreg:$0x11];
	[sflag:s29] =	ssyncadd.s32 $0xFFFFD900  }
0xfc: {  	[hbm:s22], [sflag:s1] =	dma.local @!p0 [spmem:s24], $0x100  }
0xfd: {  	s1 =	simm.s32 @!p0 $0xE  }
0xfe: {  	_ =	swait.ge @!p0 [sflag:s1], $0x100  }
0xff: {  	s4 =	sadd.s32 $0x1, s4;
	s31 =	rddreg [dreg:$0xf]  }
0x100: {  	p1 =	sne.s32 s4, s31  }
.Ltmp2:
0x101: {  	_ = 	snop;
	(pc) =	sbr.rel @p1 .LBB2_1-.Ltmp2, $3  }
0x102: {  	_ =	sdelay $0x1  }
0x103: {  	[sflag:s1] =	ssyncset.done @!p0 $0x0  }
0x104: {  	[sflag:s1] =	ssyncadd.s32 @!p0 $0xFFFFFF00  }
0x105: {  	_ =	sfence.sel $0x180000  }
0x106: {  	[bflag:$0x0] =	sbarrier.arrive $0xFFFF  }
0x107: {  	_ =	strace $0x9000004D  }
0x108: {  	s0 =	stileid.u32;
	[bflag:$0x2] =	sbarrier.arrive $0xFFFF  }
0x109: {  	p0 =	sne.s32 s0, $0x0;
	s0 =	rddreg [dreg:$0x3]  }
0x10a: {  	s0 =	sadd.s32 @!p0 $0x100000, s0  }
0x10b: {  	[sflag:s0] =	ssyncadd.tile.s32 @!p0 $0x1;
	_ =	shalt  }
.Lfunc_end2:
_tile_overlayer_lowered:
.L_overlay_start_2:
0x10c: {  	(tag) =	ssettag $0x2  }
0x10d: {  	s0 =	rddreg [dreg:$0x0];
	s2 =	stileid.u32  }
0x10e: {  	s1 =	rddreg [dreg:$0x1];
	p0 =	sne.s32 s2, $0x0  }
0x10f: {  	s3 =	rddreg [dreg:$0x2];
	[bflag:$0x3] =	sbarrier.arrive $0xFFFF;
	s2 =	simm.s32 @!p0 $0x1C0E  }
0x110: {  	[timem:s3], [sflag:s2] =	dma.local @!p0 [hbm:s0], s1  }
0x111: {  	s0 =	simm.s32 @!p0 $0xE  }
0x112: {  	_ =	swait.ge @!p0 [sflag:s0], s1  }
0x113: {  	s1 =	ssub.s32 @!p0 $0x0, s1;
	[sflag:s0] =	ssyncset.done @!p0 $0x0  }
0x114: {  	[sflag:s0] =	ssyncadd.s32 @!p0 s1  }
0x115: {  	[bflag:$0x3] =	sbarrier.arrive $0xFFFF  }
0x116: {  	_ =	shalt  }

// kernel: kernel.8.cloned.1.call-start
scs
__scs_entry_jumppad:
0x0: {  	(pc) =	sbr.rel $0x88, $3  }
0x1: {  	(tag) =	ssettag $0x0;
	lr =	simm.s32 $0x1  }
0x2: {  	[smem:$0x3F97] =	sst lr;
	_ =	strace $0xD0000000  }
0x3: {  	_ = 	snop  }
0x4: {  	_ = 	snop  }
0x5: {  	_ = 	snop  }
0x6: {  	_ = 	snop  }
0x7: {  	_ = 	snop  }
__scs_overlays_trampoline_lowered:
0x8: {  	[smem:$0x3FA6] =	sst s0  }
0x9: {  	[smem:$0x3FA7] =	sst s1  }
0xa: {  	[smem:$0x3FA8] =	sst s2  }
0xb: {  	[smem:$0x3FA9] =	sst s3  }
0xc: {  	[smem:$0x3FAA] =	sst s4  }
0xd: {  	[smem:$0x3FAB] =	sst s5  }
0xe: {  	[smem:$0x3FAC] =	sst s6  }
0xf: {  	[smem:$0x3FAD] =	sst s7  }
0x10: {  	[smem:$0x3FAE] =	sst s8  }
0x11: {  	[smem:$0x3FAF] =	sst s9;
	s0 =	simm.s32 @!p0 $0x0  }
0x12: {  	s1 =	sld [smem:$0x3F95];
	s0 =	simm.s32 @p0 $0x1  }
0x13: {  	[smem:$0x3FB0] =	sst s0;
	s0 =	simm.s32 @!p1 $0x0  }
0x14: {  	s2 =	sld [smem:$0x3F94];
	s0 =	simm.s32 @p1 $0x1  }
0x15: {  	[smem:$0x3FB1] =	sst s0;
	s0 =	simm.s32 @!p2 $0x0  }
0x16: {  	s3 =	sld [smem:$0x3FDB];
	s0 =	simm.s32 @p2 $0x1  }
0x17: {  	s4 =	simm.s32 $0x1BF5;
	[smem:$0x3FB3] =	sst s0  }
0x18: {  	s0 =	sld [smem:$0x3F96];
	_ =	swait.ge [sflag:s4], $0x0  }
0x19: {  	s7 =	sld [smem:$0x3F97]  }
0x1a: {  	s8 =	sadd.s32 $0xFFFFE003, lr  }
0x1b: {  	s9 =	sadd.s32 $0xFFFFFEF7, lr;
	s5 =	simm.s32 $0xFFFFFFFF;
	p2 =	slt.u32 s8, $0xFFFFF086  }
0x1c: {  	p1 =	slt.u32 s9, $0xF7A;
	s5 =	simm.s32 @!p2 $0x0  }
0x1d: {  	s5 =	simm.s32 @p1 $0x1;
	p0 =	seq.s32 s7, s2  }
0x1e: {  	s7 =	smul.u32 @!p0 $0xF7A, s2;
	p2 =	seq.s32 @!p0 s5, $0x0  }
0x1f: {  	s9 =	smul.u32 $0xF7A, s1;
	s8 =	simm.s32 @!p0 $0x1BF5;
	p2 =	por !p2, p0  }
0x20: {  	[sflag:s8] =	ssyncset.s32 @!p0 $0xFFFFF086;
	s6 =	sadd.s32 @!p0 s3, s7;
	s7 =	simm.s32 @!p0 $0x108  }
0x21: {  	s3 =	sadd.s32 s3, s9;
	s6 =	sadd.s32 @!p0 $0x88, s6;
	s7 =	simm.s32 @p2 $0x1082  }
0x22: {  	[simem:s7], [sflag:s8] =	dma.local @!p0 [hbm:s6], $0xF7A  }
0x23: {  	s9 =	sor.u32 $0xD0000000, s2;
	s6 =	simm.s32 $0x108;
	_ =	swait.ge @!p0 [sflag:s8], $0x0  }
0x24: {  	s3 =	sadd.s32 $0x88, s3;
	s6 =	simm.s32 @!p1 $0x1082;
	[sflag:s4] =	ssyncset.s32 $0xFFFFF086  }
0x25: {  	[simem:s6], [sflag:s4] =	dma.local [hbm:s3], $0xF7A  }
0x26: {  	[smem:$0x3F97] =	sst s1;
	(tag) =	ssettag s2;
	_ =	strace s9  }
0x27: {  	s1 =	sld [smem:$0x3FA7]  }
0x28: {  	s2 =	sld [smem:$0x3FA8]  }
0x29: {  	s4 =	sld [smem:$0x3FAA]  }
0x2a: {  	p0 =	seq.s32 s5, $0x0;
	s5 =	sld [smem:$0x3FAB]  }
0x2b: {  	s6 =	sld [smem:$0x3FAC]  }
0x2c: {  	s7 =	sld [smem:$0x3FAD]  }
0x2d: {  	s3 =	simm.s32 $0x108;
	s8 =	sld [smem:$0x3FAE]  }
0x2e: {  	s3 =	simm.s32 @!p0 $0x1082;
	s9 =	sld [smem:$0x3FAF]  }
0x2f: {  	lr =	sadd.s32 s0, s3;
	s0 =	sld [smem:$0x3FA6]  }
0x30: {  	s3 =	sld [smem:$0x3FA9]  }
0x31: {  	[smem:$0x3FB2] =	sst s10  }
0x32: {  	s10 =	sld [smem:$0x3FB0];
	_ =	sdelay $0x3  }
0x33: {  	p0 =	seq.s32 s10, $0x1;
	s10 =	sld [smem:$0x3FB2];
	_ =	sdelay $0x3  }
0x34: {  	[smem:$0x3FB2] =	sst s10  }
0x35: {  	s10 =	sld [smem:$0x3FB1];
	_ =	sdelay $0x3  }
0x36: {  	p1 =	seq.s32 s10, $0x1;
	s10 =	sld [smem:$0x3FB2];
	_ =	sdelay $0x3  }
0x37: {  	[smem:$0x3FB2] =	sst s10  }
0x38: {  	s10 =	sld [smem:$0x3FB3]  }
0x39: {  	_ = 	snop;
	(pc) =	sbr.ind lr, $3  }
0x3a: {  	_ = 	snop  }
0x3b: {  	_ = 	snop  }
0x3c: {  	p2 =	seq.s32 s10, $0x1;
	s10 =	sld [smem:$0x3FB2]  }
0x3d: {  	_ =	shalt  }
0x3e: {  	_ =	shalt  }
0x3f: {  	_ =	shalt  }
0x40: {  	_ =	shalt  }
0x41: {  	_ =	shalt  }
0x42: {  	_ =	shalt  }
0x43: {  	_ =	shalt  }
0x44: {  	_ =	shalt  }
0x45: {  	_ =	shalt  }
0x46: {  	_ =	shalt  }
0x47: {  	_ =	shalt  }
0x48: {  	_ =	shalt  }
0x49: {  	_ =	shalt  }
0x4a: {  	_ =	shalt  }
0x4b: {  	_ =	shalt  }
0x4c: {  	_ =	shalt  }
0x4d: {  	_ =	shalt  }
0x4e: {  	_ =	shalt  }
0x4f: {  	_ =	shalt  }
0x50: {  	_ =	shalt  }
0x51: {  	_ =	shalt  }
0x52: {  	_ =	shalt  }
0x53: {  	_ =	shalt  }
0x54: {  	_ =	shalt  }
0x55: {  	_ =	shalt  }
0x56: {  	_ =	shalt  }
0x57: {  	_ =	shalt  }
0x58: {  	_ =	shalt  }
0x59: {  	_ =	shalt  }
0x5a: {  	_ =	shalt  }
0x5b: {  	_ =	shalt  }
0x5c: {  	_ =	shalt  }
0x5d: {  	_ =	shalt  }
0x5e: {  	_ =	shalt  }
0x5f: {  	_ =	shalt  }
0x60: {  	_ =	shalt  }
0x61: {  	_ =	shalt  }
0x62: {  	_ =	shalt  }
0x63: {  	_ =	shalt  }
0x64: {  	_ =	shalt  }
0x65: {  	_ =	shalt  }
0x66: {  	_ =	shalt  }
0x67: {  	_ =	shalt  }
0x68: {  	_ =	shalt  }
0x69: {  	_ =	shalt  }
0x6a: {  	_ =	shalt  }
0x6b: {  	_ =	shalt  }
0x6c: {  	_ =	shalt  }
0x6d: {  	_ =	shalt  }
0x6e: {  	_ =	shalt  }
0x6f: {  	_ =	shalt  }
0x70: {  	_ =	shalt  }
0x71: {  	_ =	shalt  }
0x72: {  	_ =	shalt  }
0x73: {  	_ =	shalt  }
0x74: {  	_ =	shalt  }
0x75: {  	_ =	shalt  }
0x76: {  	_ =	shalt  }
0x77: {  	_ =	shalt  }
0x78: {  	_ =	shalt  }
0x79: {  	_ =	shalt  }
0x7a: {  	_ =	shalt  }
0x7b: {  	_ =	shalt  }
0x7c: {  	_ =	shalt  }
0x7d: {  	_ =	shalt  }
0x7e: {  	_ =	shalt  }
0x7f: {  	_ =	shalt  }
0x80: {  	_ =	shalt  }
0x81: {  	_ =	shalt  }
0x82: {  	_ =	shalt  }
0x83: {  	_ =	shalt  }
0x84: {  	_ =	shalt  }
0x85: {  	_ =	shalt  }
0x86: {  	_ =	shalt  }
0x87: {  	_ =	shalt  }
.Lfunc_end0:
.L_simem_size_0:
called_computation_lowered:
.L_overlay_start_0:
0x88: {  	s2 =	sld [smem:$0x3FD9]  }
0x89: {  	s3 =	sld [smem:$0x3FFE];
	_ =	sdelay $0x1  }
0x8a: {  	s1 =	srdreg.scid  }
0x8b: {  	s0 =	sand.u32 $0x1, s1  }
0x8c: {  	s17 =	sshll.u32 s0, $0xA;
	s2 =	sadd.s32 s3, s2  }
0x8d: {  	s2 =	sadd.s32 s2, s17  }
0x8e: {  	[smem:$0x3FBE] =	sst s2  }
0x8f: {  	_ = 	snop  }
0x90: {  	s2 =	sld [smem:$0x3FD0];
	(tm) =	ssettm $0x1  }
0x91: {  	s18 =	sld [smem:$0x3FFB];
	_ =	sdelay $0x3  }
0x92: {  	_ =	strace s18  }
0x93: {  	s3 =	sld [smem:$0x3FFC];
	_ =	sdelay $0x3  }
0x94: {  	_ =	strace s3  }
0x95: {  	s3 =	sld [smem:$0x3FFD];
	_ =	sdelay $0x3  }
0x96: {  	_ =	strace s3  }
0x97: {  	_ =	strace $0x8FFFFFFF  }
0x98: {  	s19 =	sld [smem:$0x3FDB];
	_ =	sdelay $0x1  }
0x99: {  	s4 =	simm.s32 $_scs_section_size  }
0x9a: {  	s5 =	simm.s32 $_size__tile_overlayer_lowered;
	s6 =	simm.s32 $_tile_overlayer_lowered  }
0x9b: {  	s22 =	simm.s32 $0x1BFF;
	s21 =	sshll.u32 s6, $0x1;
	s3 =	sadd.s32 s4, s19  }
0x9c: {  	s7 =	simm.s32 $0x0;
	s20 =	sshll.u32 s5, $0x1;
	s5 =	sadd.s32 s21, s3  }
0x9d: {  	[timem:s7], [sflag:s22] =	dma.local [hbm:s5], s20  }
0x9e: {  	_ =	swait.ge [sflag:s22], s20  }
0x9f: {  	s4 =	ssub.s32 $0x0, s20;
	[sflag:s22] =	ssyncset.done $0x0  }
0xa0: {  	[sflag:s22] =	ssyncadd.s32 s4;
	_ =	sdelay $0x1  }
0xa1: {  	s23 =	simm.s32 $0x1B8B  }
0xa2: {  	_ =	swait.ge [sflag:s23], $0x1  }
0xa3: {  	[sflag:s23] =	ssyncset.done $0x0  }
0xa4: {  	s25 =	simm.s32 $0x1B8E;
	s24 =	sld [smem:$0x3FFE];
	[sflag:s23] =	ssyncadd.s32 $0xFFFFFFFF  }
0xa5: {  	s26 =	simm.s32 $execute0_lowered;
	[smem:$0x3FD2] =	sst s25  }
0xa6: {  	s5 =	sshll.u32 s26, $0x1;
	_ =	strace $0x80000046;
	[dreg:$0x1] =	wrdreg $0xFFFFFFFF  }
0xa7: {  	s28 =	simm.s32 $_size_execute0_lowered;
	s3 =	sadd.s32 s3, s5;
	[dreg:$0x0] =	wrdreg $0x0  }
0xa8: {  	s5 =	sshll.u32 s28, $0x1;
	[dreg:$0x2] =	wrdreg s3  }
0xa9: {  	[dreg:$0x3] =	wrdreg s5  }
0xaa: {  	[dreg:$0x4] =	wrdreg $0xC0  }
0xab: {  	_ =	task [dreg:s7], $0x5FFFF  }
0xac: {  	[dreg:$0x1] =	wrdreg $0xFFFFFFFF  }
0xad: {  	[dreg:$0x0] =	wrdreg $0x60  }
0xae: {  	[dreg:$0x2] =	wrdreg s24  }
0xaf: {  	[dreg:$0x3] =	wrdreg s2  }
0xb0: {  	[dreg:$0x4] =	wrdreg $0x7A800  }
0xb1: {  	[dreg:$0x5] =	wrdreg $0x9  }
0xb2: {  	_ =	task.clear_ibuf [dreg:s7], $0x6FFFF;
	_ =	strace $0x90000046  }
0xb3: {  	s29 =	simm.s32 $0x9;
	_ =	strace $0x80000048  }
0xb4: {  	_ =	swait.ge [sflag:s29], $0x1  }
0xb5: {  	[sflag:s29] =	ssyncadd.s32 $0xFFFFFFFF  }
0xb6: {  	_ =	strace $0x90000048  }
0xb7: {  	_ =	sfence  }
0xb8: {  	s30 =	sld [smem:$0x0];
	_ =	sdelay $0x2  }
0xb9: {  	s31 =	sshll.u32 s1, $0xD;
	s1 =	sshrl.u32 s1, $0x2  }
0xba: {  	s3 =	sand.u32 $0x4000, s31;
	s1 =	sadd.s32 s1, s30  }
0xbb: {  	s0 =	sor.u32 s3, s0;
	s1 =	sshll.u32 s1, $0x11  }
0xbc: {  	s0 =	sor.u32 s1, s0  }
0xbd: {  	s0 =	sadd.s32 $0x8F2B, s0  }
0xbe: {  	[sflag:s0] =	ssyncadd.remote.s32 $0x1  }
0xbf: {  	_ =	sfence.sel $0xFFFF  }
0xc0: {  	[dreg:$0x0] =	wrdreg $0xFFFFFFFF;
	(pc) =	sbr.abs _section_cstart, $3  }
0xc1: {  	[dreg:$0x1] =	wrdreg $0xFFFFFFFF  }
0xc2: {  	_ =	task.clear_ibuf [dreg:s7], $0x2FFFF;
	_ =	strace $0x9FFFFFFF  }
0xc3: {  	(tm) =	ssettm $0x7FFFFFFF  }
tec
execute0_lowered:
.L_overlay_start_1:
0x0: {  	(tag) =	ssettag $0x1  }
0x1: {  	s0 =	rddreg [dreg:$0x0]  }
0x2: {  	s1 =	srdreg.scid;
	s2 =	rddreg [dreg:$0x1]  }
0x3: {  	s10 =	stileid.u32;
	s4 =	rddreg [dreg:$0x2]  }
0x4: {  	s1 =	sand.u32 $0x1, s1;
	s3 =	sshll.u32 s10, $0x1;
	s5 =	sshrl.u32 s10, $0x3  }
0x5: {  	s8 =	simm.s32 $0x0;
	s3 =	sor.u32 s1, s3;
	s7 =	smul.u32 $0x50000, s5  }
0x6: {  	[smem:$0x7FF] =	sst s8;
	s3 =	smul.u32 $0x500, s3  }
0x7: {  	s9 =	smul.u32 $0x5000, s10;
	s8 =	sshll.u32 s10, $0x7;
	_ =	strace $0x80000047  }
0x8: {  	s11 =	sand.u32 $0x380, s8;
	s7 =	sshrl.u32 s7, $0x2;
	s0 =	sadd.s32 s3, s0  }
0x9: {  	s10 =	sshrl.u32 s9, $0x2;
	s7 =	sadd.s32 s7, s4;
	s0 =	sadd.s32 $0x2800, s0  }
0xa: {  	s3 =	sadd.s32 s10, s4;
	s12 =	sadd.s32 s11, s7;
	[dreg:$0x4] =	wrdreg s0  }
0xb: {  	s13 =	sadd.s32 $0x80, s3;
	[dreg:$0x5] =	wrdreg s12  }
0xc: {  	s14 =	sadd.s32 $0x100, s3;
	[dreg:$0x6] =	wrdreg s13  }
0xd: {  	s15 =	sadd.s32 $0x180, s3;
	[dreg:$0x7] =	wrdreg s14  }
0xe: {  	s17 =	sadd.s32 $0x200, s3;
	[dreg:$0x8] =	wrdreg s15  }
0xf: {  	s18 =	sadd.s32 $0x280, s3;
	[dreg:$0x9] =	wrdreg s17  }
0x10: {  	s4 =	sadd.s32 $0x300, s3;
	[dreg:$0xa] =	wrdreg s18  }
0x11: {  	s20 =	sadd.s32 $0x380, s3;
	[dreg:$0xb] =	wrdreg s4  }
0x12: {  	s21 =	sadd.s32 $0x14000, s3;
	[dreg:$0xc] =	wrdreg s20  }
0x13: {  	s22 =	sadd.s32 $0x14080, s3;
	[dreg:$0xd] =	wrdreg s21  }
0x14: {  	s23 =	sadd.s32 $0x14100, s3;
	[dreg:$0xe] =	wrdreg s22  }
0x15: {  	s6 =	ssub.s32 $0x2, s1;
	s24 =	sadd.s32 $0x14180, s3;
	[dreg:$0xf] =	wrdreg s23  }
0x16: {  	s26 =	sshrl.u32 s6, $0x1;
	s25 =	sadd.s32 $0x14200, s3;
	[dreg:$0x10] =	wrdreg s24  }
0x17: {  	s6 =	ssub.s32 s6, s26;
	s26 =	sadd.s32 $0x14280, s3;
	[dreg:$0x11] =	wrdreg s25  }
0x18: {  	s19 =	smul.u32 $0x1400, s5;
	s5 =	sadd.s32 $0x14380, s3;
	[dreg:$0x12] =	wrdreg s26  }
0x19: {  	s7 =	smax.u32 s6, $0x1;
	[dreg:$0x14] =	wrdreg s5  }
0x1a: {  	s8 =	sadd.s32 $0x400, s3;
	[dreg:$0x16] =	wrdreg s7  }
0x1b: {  	s9 =	sadd.s32 $0x800, s3;
	[dreg:$0x17] =	wrdreg s8  }
0x1c: {  	s10 =	sadd.s32 $0xC00, s3;
	[dreg:$0x18] =	wrdreg s9  }
0x1d: {  	s16 =	smul.u32 $0x2800, s1;
	s1 =	sadd.s32 $0x1200, s3;
	[dreg:$0x19] =	wrdreg s10  }
0x1e: {  	s6 =	sadd.s32 $0x1280, s3;
	[smem:$0x7E5] =	sst s1  }
0x1f: {  	s4 =	sadd.s32 $0x14300, s3;
	[smem:$0x7E9] =	sst s6  }
0x20: {  	s12 =	sadd.s32 $0x480, s3;
	[dreg:$0x13] =	wrdreg s4  }
0x21: {  	s13 =	sadd.s32 $0x880, s3;
	[dreg:$0x1b] =	wrdreg s12  }
0x22: {  	s14 =	sadd.s32 $0xC80, s3;
	[dreg:$0x1c] =	wrdreg s13  }
0x23: {  	s15 =	sadd.s32 $0x1080, s3;
	[dreg:$0x1d] =	wrdreg s14  }
0x24: {  	s0 =	sadd.s32 s16, s19;
	s16 =	sadd.s32 $0x500, s3;
	[dreg:$0x1e] =	wrdreg s15  }
0x25: {  	s17 =	sadd.s32 $0x900, s3;
	[dreg:$0x1f] =	wrdreg s16  }
0x26: {  	s18 =	sadd.s32 $0xD00, s3;
	[smem:$0x7DB] =	sst s17  }
0x27: {  	s19 =	sadd.s32 $0x1100, s3;
	[smem:$0x7DC] =	sst s18  }
0x28: {  	s20 =	sadd.s32 $0x580, s3;
	[smem:$0x7DD] =	sst s19  }
0x29: {  	s21 =	sadd.s32 $0x980, s3;
	[smem:$0x7DE] =	sst s20  }
0x2a: {  	s22 =	sadd.s32 $0xD80, s3;
	[smem:$0x7DF] =	sst s21  }
0x2b: {  	s23 =	sadd.s32 $0x1180, s3;
	[smem:$0x7E0] =	sst s22  }
0x2c: {  	s24 =	sadd.s32 $0x600, s3;
	[smem:$0x7E1] =	sst s23  }
0x2d: {  	s25 =	sadd.s32 $0xA00, s3;
	[smem:$0x7E2] =	sst s24  }
0x2e: {  	s26 =	sadd.s32 $0xE00, s3;
	[smem:$0x7E3] =	sst s25  }
0x2f: {  	s5 =	sadd.s32 $0xE80, s3;
	[smem:$0x7E4] =	sst s26  }
0x30: {  	s7 =	sadd.s32 $0x700, s3;
	[smem:$0x7E8] =	sst s5  }
0x31: {  	s8 =	sadd.s32 $0xB00, s3;
	[smem:$0x7EA] =	sst s7  }
0x32: {  	s9 =	sadd.s32 $0xF00, s3;
	[smem:$0x7EB] =	sst s8  }
0x33: {  	s10 =	sadd.s32 $0x1300, s3;
	[smem:$0x7EC] =	sst s9  }
0x34: {  	s0 =	sor.u32 s11, s0;
	s11 =	sadd.s32 $0x1000, s3;
	[smem:$0x7ED] =	sst s10  }
0x35: {  	s4 =	sadd.s32 $0xA80, s3;
	[dreg:$0x1a] =	wrdreg s11  }
0x36: {  	s12 =	sadd.s32 $0xB80, s3;
	[smem:$0x7E7] =	sst s4  }
0x37: {  	s13 =	sadd.s32 $0xF80, s3;
	[smem:$0x7EF] =	sst s12  }
0x38: {  	s14 =	sadd.s32 $0x1380, s3;
	[smem:$0x7F0] =	sst s13  }
0x39: {  	s15 =	sadd.s32 $0x14400, s3;
	[smem:$0x7F1] =	sst s14  }
0x3a: {  	s16 =	sadd.s32 $0x14800, s3;
	[smem:$0x7F2] =	sst s15  }
0x3b: {  	s17 =	sadd.s32 $0x14C00, s3;
	[smem:$0x7F3] =	sst s16  }
0x3c: {  	s28 =	simm.s32 $0x1;
	s18 =	sadd.s32 $0x15000, s3;
	[smem:$0x7F4] =	sst s17  }
0x3d: {  	s29 =	simm.s32 $0x2800;
	s19 =	sadd.s32 $0x14480, s3;
	[smem:$0x7F5] =	sst s18  }
0x3e: {  	s30 =	simm.s32 $0x80;
	s20 =	sadd.s32 $0x14880, s3;
	[smem:$0x7F6] =	sst s19  }
0x3f: {  	s31 =	simm.s32 $0x400;
	s21 =	sadd.s32 $0x14C80, s3;
	[smem:$0x7F7] =	sst s20  }
0x40: {  	s1 =	simm.s32 $0x0;
	s22 =	sadd.s32 $0x15080, s3;
	[smem:$0x7F8] =	sst s21  }
0x41: {  	s23 =	sadd.s32 $0x14500, s3;
	s24 =	sadd.s32 $0x14900, s3;
	[smem:$0x7F9] =	sst s22  }
0x42: {  	s25 =	sadd.s32 $0x14D00, s3;
	s26 =	sadd.s32 $0x15100, s3;
	[smem:$0x7FA] =	sst s23  }
0x43: {  	s7 =	sadd.s32 $0x14580, s3;
	s8 =	sadd.s32 $0x14980, s3;
	[smem:$0x7FB] =	sst s24  }
0x44: {  	s9 =	sadd.s32 $0x14D80, s3;
	s10 =	sadd.s32 $0x15180, s3;
	[smem:$0x7FC] =	sst s25  }
0x45: {  	s0 =	sshrl.u32 s0, $0x3;
	s11 =	sadd.s32 $0x780, s3;
	[smem:$0x7FD] =	sst s26  }
0x46: {  	s12 =	sadd.s32 $0x14A00, s3;
	s13 =	sadd.s32 $0x14E00, s3;
	s14 =	sadd.s32 $0x15200, s3  }
0x47: {  	s15 =	sadd.s32 $0x14680, s3;
	s16 =	sadd.s32 $0x14A80, s3;
	s17 =	sadd.s32 $0x14E80, s3  }
0x48: {  	s18 =	sadd.s32 $0x15280, s3;
	s19 =	sadd.s32 $0x14700, s3;
	s20 =	sadd.s32 $0x14B00, s3  }
0x49: {  	s21 =	sadd.s32 $0x14F00, s3;
	s22 =	sadd.s32 $0x15300, s3;
	s23 =	sadd.s32 $0x14780, s3  }
0x4a: {  	s24 =	sadd.s32 $0x14B80, s3;
	s0 =	sadd.s32 s2, s0;
	[smem:$0x7EE] =	sst s11  }
0x4b: {  	s25 =	sadd.s32 $0x14F80, s3;
	s2 =	sadd.s32 $0x680, s3;
	[dreg:$0x15] =	wrdreg s0  }
0x4c: {  	v0 =	vimm.f32 $0.0e+00;
	v1 =	vimm.f32 $1.000000000e+00;
	s26 =	sadd.s32 $0x15380, s3;
	s11 =	sadd.s32 $0x14600, s3;
	[smem:$0x7E6] =	sst s2  }
.LBB2_1:
0x4d: {  	s0 =	simm.s32 $0x0;
	s2 =	rddreg [dreg:$0x4]  }
0x4e: {  	[tilespmem:s0], [sflag:$0x1] =	stream.linear.gather [hbm4b:s2+s0], $0x2800, $0x38;
	[tilespmem:$0xA280] =	vst v63  }
0x4f: {  	_ =	swait.ge [sflag:s28], $0x2800  }
0x50: {  	[sflag:s28] =	ssyncset.done $0x0  }
0x51: {  	s0 =	simm.s32 $0x0;
	[sflag:s28] =	ssyncadd.s32 $0xFFFFD800  }
.LBB2_2:
0x52: {  	p0 =	sne.s32 s0, $0x9FC0  }
.Ltmp0:
0x53: {  	_ = 	snop;
	(pc) =	sbr.rel @p0 .LBB2_2-.Ltmp0, $3  }
0x54: {  	_ =	sdelay $0x1  }
0x55: {  	s2 =	sshra.s32 s0, $0x2  }
0x56: {  	s0 =	sadd.s32 $0x40, s0;
	[tilespmem:s2+$0x2800] =	vst v0  }
0x57: {  	s0 =	simm.s32 $0x0  }
.LBB2_4:
0x58: {  	s2 =	sshra.s32 s0, $0x2  }
0x59: {  	v2 =	vld [tilespmem:s2+$0x0];
	_ =	sdelay $0x7  }
0x5a: {  	[tilespmem:v2+s29+$0x0] =	vst.idx.add.f32.msk $0xffff, v1  }
0x5b: {  	v2 =	vld [tilespmem:s2+$0x10];
	_ =	sdelay $0x7  }
0x5c: {  	[tilespmem:v2+s29+$0x0] =	vst.idx.add.f32.msk $0xffff, v1  }
0x5d: {  	v2 =	vld [tilespmem:s2+$0x20];
	_ =	sdelay $0x7  }
0x5e: {  	[tilespmem:v2+s29+$0x0] =	vst.idx.add.f32.msk $0xffff, v1  }
0x5f: {  	v2 =	vld [tilespmem:s2+$0x30];
	_ =	sdelay $0x2  }
0x60: {  	p0 =	sne.s32 s0, $0x9F00  }
.Ltmp1:
0x61: {  	_ = 	snop;
	(pc) =	sbr.rel @p0 .LBB2_4-.Ltmp1, $2  }
0x62: {  	_ =	sdelay $0x2  }
0x63: {  	s0 =	sadd.s32 $0x100, s0;
	[tilespmem:v2+s29+$0x0] =	vst.idx.add.f32.msk $0xffff, v1  }
0x64: {  	s0 =	rddreg [dreg:$0x5]  }
0x65: {  	[spmem:s0] =	stream.strided.scatter [tilespmem:s29], [sflag:$0x1], $0x2800, s31, s30, $0x38;
	[tilespmem:$0xA280] =	vst v63  }
0x66: {  	_ =	swait.ge [sflag:s28], $0x2800  }
0x67: {  	[sflag:s28] =	ssyncset.done $0x0  }
0x68: {  	[sflag:s28] =	ssyncadd.s32 $0xFFFFD800  }
0x69: {  	s2 =	simm.s32 $0x5000;
	[bflag:$0x0] =	sbarrier.arrive $0xFFFF  }
0x6a: {  	[tilespmem:s2], [sflag:$0x1] =	stream.linear.gather [spmem:s3], $0x80, $0x38;
	[tilespmem:$0xA280] =	vst v63  }
0x6b: {  	s4 =	rddreg [dreg:$0x17];
	s2 =	simm.s32 $0x5400  }
0x6c: {  	[tilespmem:s2], [sflag:$0x1] =	stream.linear.gather [spmem:s4], $0x80, $0x38;
	[tilespmem:$0xA280] =	vst v63  }
0x6d: {  	s6 =	simm.s32 $0x5800;
	s5 =	rddreg [dreg:$0x18]  }
0x6e: {  	[tilespmem:s6], [sflag:$0x1] =	stream.linear.gather [spmem:s5], $0x80, $0x38;
	[tilespmem:$0xA280] =	vst v63  }
0x6f: {  	s2 =	rddreg [dreg:$0x19];
	s4 =	simm.s32 $0x5C00  }
0x70: {  	[tilespmem:s4], [sflag:$0x1] =	stream.linear.gather [spmem:s2], $0x80, $0x38;
	[tilespmem:$0xA280] =	vst v63  }
0x71: {  	s5 =	rddreg [dreg:$0x1a];
	s6 =	simm.s32 $0x6000  }
0x72: {  	[tilespmem:s6], [sflag:$0x1] =	stream.linear.gather [spmem:s5], $0x80, $0x38;
	[tilespmem:$0xA280] =	vst v63  }
0x73: {  	_ =	swait.ge [sflag:s28], $0x280  }
0x74: {  	[sflag:s28] =	ssyncset.done $0x0  }
0x75: {  	s4 =	simm.s32 $0x5080;
	s2 =	rddreg [dreg:$0x6];
	[sflag:s28] =	ssyncadd.s32 $0xFFFFFD80  }
0x76: {  	[tilespmem:s4], [sflag:$0x1] =	stream.linear.gather [spmem:s2], $0x80, $0x38;
	[tilespmem:$0xA280] =	vst v63  }
0x77: {  	s6 =	simm.s32 $0x5480;
	s5 =	rddreg [dreg:$0x1b]  }
0x78: {  	[tilespmem:s6], [sflag:$0x1] =	stream.linear.gather [spmem:s5], $0x80, $0x38;
	[tilespmem:$0xA280] =	vst v63  }
0x79: {  	s2 =	rddreg [dreg:$0x1c];
	s4 =	simm.s32 $0x5880  }
0x7a: {  	[tilespmem:s4], [sflag:$0x1] =	stream.linear.gather [spmem:s2], $0x80, $0x38;
	[tilespmem:$0xA280] =	vst v63  }
0x7b: {  	s5 =	rddreg [dreg:$0x1d];
	s6 =	simm.s32 $0x5C80  }
0x7c: {  	[tilespmem:s6], [sflag:$0x1] =	stream.linear.gather [spmem:s5], $0x80, $0x38;
	[tilespmem:$0xA280] =	vst v63  }
0x7d: {  	s2 =	rddreg [dreg:$0x1e];
	s4 =	simm.s32 $0x6080  }
0x7e: {  	[tilespmem:s4], [sflag:$0x1] =	stream.linear.gather [spmem:s2], $0x80, $0x38;
	[tilespmem:$0xA280] =	vst v63  }
0x7f: {  	_ =	swait.ge [sflag:s28], $0x280  }
0x80: {  	[sflag:s28] =	ssyncset.done $0x0;
	s5 =	rddreg [dreg:$0x7]  }
0x81: {  	s6 =	simm.s32 $0x5100;
	s2 =	rddreg [dreg:$0x1f];
	[sflag:s28] =	ssyncadd.s32 $0xFFFFFD80  }
0x82: {  	[tilespmem:s6], [sflag:$0x1] =	stream.linear.gather [spmem:s5], $0x80, $0x38;
	[tilespmem:$0xA280] =	vst v63  }
0x83: {  	s4 =	simm.s32 $0x5500;
	s5 =	sld [smem:$0x7DB]  }
0x84: {  	[tilespmem:s4], [sflag:$0x1] =	stream.linear.gather [spmem:s2], $0x80, $0x38;
	[tilespmem:$0xA280] =	vst v63  }
0x85: {  	s6 =	simm.s32 $0x5900;
	s2 =	sld [smem:$0x7DC]  }
0x86: {  	[tilespmem:s6], [sflag:$0x1] =	stream.linear.gather [spmem:s5], $0x80, $0x38;
	[tilespmem:$0xA280] =	vst v63  }
0x87: {  	s4 =	simm.s32 $0x5D00;
	s5 =	sld [smem:$0x7DD]  }
0x88: {  	[tilespmem:s4], [sflag:$0x1] =	stream.linear.gather [spmem:s2], $0x80, $0x38;
	[tilespmem:$0xA280] =	vst v63  }
0x89: {  	s6 =	simm.s32 $0x6100  }
0x8a: {  	[tilespmem:s6], [sflag:$0x1] =	stream.linear.gather [spmem:s5], $0x80, $0x38;
	[tilespmem:$0xA280] =	vst v63  }
0x8b: {  	_ =	swait.ge [sflag:s28], $0x280  }
0x8c: {  	[sflag:s28] =	ssyncset.done $0x0;
	s2 =	rddreg [dreg:$0x8]  }
0x8d: {  	s4 =	simm.s32 $0x5180;
	s5 =	sld [smem:$0x7DE];
	[sflag:s28] =	ssyncadd.s32 $0xFFFFFD80  }
0x8e: {  	[tilespmem:s4], [sflag:$0x1] =	stream.linear.gather [spmem:s2], $0x80, $0x38;
	[tilespmem:$0xA280] =	vst v63  }
0x8f: {  	s6 =	simm.s32 $0x5580;
	s2 =	sld [smem:$0x7DF]  }
0x90: {  	[tilespmem:s6], [sflag:$0x1] =	stream.linear.gather [spmem:s5], $0x80, $0x38;
	[tilespmem:$0xA280] =	vst v63  }
0x91: {  	s4 =	simm.s32 $0x5980;
	s5 =	sld [smem:$0x7E0]  }
0x92: {  	[tilespmem:s4], [sflag:$0x1] =	stream.linear.gather [spmem:s2], $0x80, $0x38;
	[tilespmem:$0xA280] =	vst v63  }
0x93: {  	s6 =	simm.s32 $0x5D80;
	s2 =	sld [smem:$0x7E1]  }
0x94: {  	[tilespmem:s6], [sflag:$0x1] =	stream.linear.gather [spmem:s5], $0x80, $0x38;
	[tilespmem:$0xA280] =	vst v63  }
0x95: {  	s4 =	simm.s32 $0x6180  }
0x96: {  	[tilespmem:s4], [sflag:$0x1] =	stream.linear.gather [spmem:s2], $0x80, $0x38;
	[tilespmem:$0xA280] =	vst v63  }
0x97: {  	_ =	swait.ge [sflag:s28], $0x280  }
0x98: {  	[sflag:s28] =	ssyncset.done $0x0;
	s5 =	rddreg [dreg:$0x9]  }
0x99: {  	s6 =	simm.s32 $0x5200;
	s2 =	sld [smem:$0x7E2];
	[sflag:s28] =	ssyncadd.s32 $0xFFFFFD80  }
0x9a: {  	[tilespmem:s6], [sflag:$0x1] =	stream.linear.gather [spmem:s5], $0x80, $0x38;
	[tilespmem:$0xA280] =	vst v63  }
0x9b: {  	s4 =	simm.s32 $0x5600;
	s5 =	sld [smem:$0x7E3]  }
0x9c: {  	[tilespmem:s4], [sflag:$0x1] =	stream.linear.gather [spmem:s2], $0x80, $0x38;
	[tilespmem:$0xA280] =	vst v63  }
0x9d: {  	s6 =	simm.s32 $0x5A00;
	s2 =	sld [smem:$0x7E4]  }
0x9e: {  	[tilespmem:s6], [sflag:$0x1] =	stream.linear.gather [spmem:s5], $0x80, $0x38;
	[tilespmem:$0xA280] =	vst v63  }
0x9f: {  	s4 =	simm.s32 $0x5E00;
	s5 =	sld [smem:$0x7E5]  }
0xa0: {  	[tilespmem:s4], [sflag:$0x1] =	stream.linear.gather [spmem:s2], $0x80, $0x38;
	[tilespmem:$0xA280] =	vst v63  }
0xa1: {  	s6 =	simm.s32 $0x6200  }
0xa2: {  	[tilespmem:s6], [sflag:$0x1] =	stream.linear.gather [spmem:s5], $0x80, $0x38;
	[tilespmem:$0xA280] =	vst v63  }
0xa3: {  	_ =	swait.ge [sflag:s28], $0x280  }
0xa4: {  	[sflag:s28] =	ssyncset.done $0x0;
	s2 =	rddreg [dreg:$0xa]  }
0xa5: {  	s4 =	simm.s32 $0x5280;
	s5 =	sld [smem:$0x7E6];
	[sflag:s28] =	ssyncadd.s32 $0xFFFFFD80  }
0xa6: {  	[tilespmem:s4], [sflag:$0x1] =	stream.linear.gather [spmem:s2], $0x80, $0x38;
	[tilespmem:$0xA280] =	vst v63  }
0xa7: {  	s6 =	simm.s32 $0x5680;
	s2 =	sld [smem:$0x7E7]  }
0xa8: {  	[tilespmem:s6], [sflag:$0x1] =	stream.linear.gather [spmem:s5], $0x80, $0x38;
	[tilespmem:$0xA280] =	vst v63  }
0xa9: {  	s4 =	simm.s32 $0x5A80;
	s5 =	sld [smem:$0x7E8]  }
0xaa: {  	[tilespmem:s4], [sflag:$0x1] =	stream.linear.gather [spmem:s2], $0x80, $0x38;
	[tilespmem:$0xA280] =	vst v63  }
0xab: {  	s6 =	simm.s32 $0x5E80;
	s2 =	sld [smem:$0x7E9]  }
0xac: {  	[tilespmem:s6], [sflag:$0x1] =	stream.linear.gather [spmem:s5], $0x80, $0x38;
	[tilespmem:$0xA280] =	vst v63  }
0xad: {  	s4 =	simm.s32 $0x6280  }
0xae: {  	[tilespmem:s4], [sflag:$0x1] =	stream.linear.gather [spmem:s2], $0x80, $0x38;
	[tilespmem:$0xA280] =	vst v63  }
0xaf: {  	_ =	swait.ge [sflag:s28], $0x280  }
0xb0: {  	[sflag:s28] =	ssyncset.done $0x0;
	s5 =	rddreg [dreg:$0xb]  }
0xb1: {  	s6 =	simm.s32 $0x5300;
	s2 =	sld [smem:$0x7EA];
	[sflag:s28] =	ssyncadd.s32 $0xFFFFFD80  }
0xb2: {  	[tilespmem:s6], [sflag:$0x1] =	stream.linear.gather [spmem:s5], $0x80, $0x38;
	[tilespmem:$0xA280] =	vst v63  }
0xb3: {  	s4 =	simm.s32 $0x5700;
	s5 =	sld [smem:$0x7EB]  }
0xb4: {  	[tilespmem:s4], [sflag:$0x1] =	stream.linear.gather [spmem:s2], $0x80, $0x38;
	[tilespmem:$0xA280] =	vst v63  }
0xb5: {  	s6 =	simm.s32 $0x5B00;
	s2 =	sld [smem:$0x7EC]  }
0xb6: {  	[tilespmem:s6], [sflag:$0x1] =	stream.linear.gather [spmem:s5], $0x80, $0x38;
	[tilespmem:$0xA280] =	vst v63  }
0xb7: {  	s4 =	simm.s32 $0x5F00;
	s5 =	sld [smem:$0x7ED]  }
0xb8: {  	[tilespmem:s4], [sflag:$0x1] =	stream.linear.gather [spmem:s2], $0x80, $0x38;
	[tilespmem:$0xA280] =	vst v63  }
0xb9: {  	s6 =	simm.s32 $0x6300  }
0xba: {  	[tilespmem:s6], [sflag:$0x1] =	stream.linear.gather [spmem:s5], $0x80, $0x38;
	[tilespmem:$0xA280] =	vst v63  }
0xbb: {  	_ =	swait.ge [sflag:s28], $0x280  }
0xbc: {  	[sflag:s28] =	ssyncset.done $0x0;
	s2 =	rddreg [dreg:$0xc]  }
0xbd: {  	s4 =	simm.s32 $0x5380;
	s5 =	sld [smem:$0x7EE];
	[sflag:s28] =	ssyncadd.s32 $0xFFFFFD80  }
0xbe: {  	[tilespmem:s4], [sflag:$0x1] =	stream.linear.gather [spmem:s2], $0x80, $0x38;
	[tilespmem:$0xA280] =	vst v63  }
0xbf: {  	s6 =	simm.s32 $0x5780;
	s2 =	sld [smem:$0x7EF]  }
0xc0: {  	[tilespmem:s6], [sflag:$0x1] =	stream.linear.gather [spmem:s5], $0x80, $0x38;
	[tilespmem:$0xA280] =	vst v63  }
0xc1: {  	s4 =	simm.s32 $0x5B80;
	s5 =	sld [smem:$0x7F0]  }
0xc2: {  	[tilespmem:s4], [sflag:$0x1] =	stream.linear.gather [spmem:s2], $0x80, $0x38;
	[tilespmem:$0xA280] =	vst v63  }
0xc3: {  	s6 =	simm.s32 $0x5F80;
	s2 =	sld [smem:$0x7F1]  }
0xc4: {  	[tilespmem:s6], [sflag:$0x1] =	stream.linear.gather [spmem:s5], $0x80, $0x38;
	[tilespmem:$0xA280] =	vst v63  }
0xc5: {  	s4 =	simm.s32 $0x6380  }
0xc6: {  	[tilespmem:s4], [sflag:$0x1] =	stream.linear.gather [spmem:s2], $0x80, $0x38;
	[tilespmem:$0xA280] =	vst v63  }
0xc7: {  	_ =	swait.ge [sflag:s28], $0x280  }
0xc8: {  	[sflag:s28] =	ssyncset.done $0x0;
	s5 =	rddreg [dreg:$0xd]  }
0xc9: {  	s6 =	simm.s32 $0x6400;
	s2 =	sld [smem:$0x7F2];
	[sflag:s28] =	ssyncadd.s32 $0xFFFFFD80  }
0xca: {  	[tilespmem:s6], [sflag:$0x1] =	stream.linear.gather [spmem:s5], $0x80, $0x38;
	[tilespmem:$0xA280] =	vst v63  }
0xcb: {  	s4 =	simm.s32 $0x6800;
	s5 =	sld [smem:$0x7F3]  }
0xcc: {  	[tilespmem:s4], [sflag:$0x1] =	stream.linear.gather [spmem:s2], $0x80, $0x38;
	[tilespmem:$0xA280] =	vst v63  }
0xcd: {  	s6 =	simm.s32 $0x6C00;
	s2 =	sld [smem:$0x7F4]  }
0xce: {  	[tilespmem:s6], [sflag:$0x1] =	stream.linear.gather [spmem:s5], $0x80, $0x38;
	[tilespmem:$0xA280] =	vst v63  }
0xcf: {  	s4 =	simm.s32 $0x7000;
	s5 =	sld [smem:$0x7F5]  }
0xd0: {  	[tilespmem:s4], [sflag:$0x1] =	stream.linear.gather [spmem:s2], $0x80, $0x38;
	[tilespmem:$0xA280] =	vst v63  }
0xd1: {  	s6 =	simm.s32 $0x7400  }
0xd2: {  	[tilespmem:s6], [sflag:$0x1] =	stream.linear.gather [spmem:s5], $0x80, $0x38;
	[tilespmem:$0xA280] =	vst v63  }
0xd3: {  	_ =	swait.ge [sflag:s28], $0x280  }
0xd4: {  	[sflag:s28] =	ssyncset.done $0x0;
	s2 =	rddreg [dreg:$0xe]  }
0xd5: {  	s4 =	simm.s32 $0x6480;
	s5 =	sld [smem:$0x7F6];
	[sflag:s28] =	ssyncadd.s32 $0xFFFFFD80  }
0xd6: {  	[tilespmem:s4], [sflag:$0x1] =	stream.linear.gather [spmem:s2], $0x80, $0x38;
	[tilespmem:$0xA280] =	vst v63  }
0xd7: {  	s6 =	simm.s32 $0x6880;
	s2 =	sld [smem:$0x7F7]  }
0xd8: {  	[tilespmem:s6], [sflag:$0x1] =	stream.linear.gather [spmem:s5], $0x80, $0x38;
	[tilespmem:$0xA280] =	vst v63  }
0xd9: {  	s4 =	simm.s32 $0x6C80;
	s5 =	sld [smem:$0x7F8]  }
0xda: {  	[tilespmem:s4], [sflag:$0x1] =	stream.linear.gather [spmem:s2], $0x80, $0x38;
	[tilespmem:$0xA280] =	vst v63  }
0xdb: {  	s6 =	simm.s32 $0x7080;
	s2 =	sld [smem:$0x7F9]  }
0xdc: {  	[tilespmem:s6], [sflag:$0x1] =	stream.linear.gather [spmem:s5], $0x80, $0x38;
	[tilespmem:$0xA280] =	vst v63  }
0xdd: {  	s4 =	simm.s32 $0x7480  }
0xde: {  	[tilespmem:s4], [sflag:$0x1] =	stream.linear.gather [spmem:s2], $0x80, $0x38;
	[tilespmem:$0xA280] =	vst v63  }
0xdf: {  	_ =	swait.ge [sflag:s28], $0x280  }
0xe0: {  	[sflag:s28] =	ssyncset.done $0x0;
	s5 =	rddreg [dreg:$0xf]  }
0xe1: {  	s6 =	simm.s32 $0x6500;
	s2 =	sld [smem:$0x7FA];
	[sflag:s28] =	ssyncadd.s32 $0xFFFFFD80  }
0xe2: {  	[tilespmem:s6], [sflag:$0x1] =	stream.linear.gather [spmem:s5], $0x80, $0x38;
	[tilespmem:$0xA280] =	vst v63  }
0xe3: {  	s4 =	simm.s32 $0x6900;
	s5 =	sld [smem:$0x7FB]  }
0xe4: {  	[tilespmem:s4], [sflag:$0x1] =	stream.linear.gather [spmem:s2], $0x80, $0x38;
	[tilespmem:$0xA280] =	vst v63  }
0xe5: {  	s6 =	simm.s32 $0x6D00;
	s2 =	sld [smem:$0x7FC]  }
0xe6: {  	[tilespmem:s6], [sflag:$0x1] =	stream.linear.gather [spmem:s5], $0x80, $0x38;
	[tilespmem:$0xA280] =	vst v63  }
0xe7: {  	s4 =	simm.s32 $0x7100;
	s5 =	sld [smem:$0x7FD]  }
0xe8: {  	[tilespmem:s4], [sflag:$0x1] =	stream.linear.gather [spmem:s2], $0x80, $0x38;
	[tilespmem:$0xA280] =	vst v63  }
0xe9: {  	s6 =	simm.s32 $0x7500  }
0xea: {  	[tilespmem:s6], [sflag:$0x1] =	stream.linear.gather [spmem:s5], $0x80, $0x38;
	[tilespmem:$0xA280] =	vst v63  }
0xeb: {  	_ =	swait.ge [sflag:s28], $0x280  }
0xec: {  	[sflag:s28] =	ssyncset.done $0x0  }
0xed: {  	s4 =	simm.s32 $0x6580;
	s2 =	rddreg [dreg:$0x10];
	[sflag:s28] =	ssyncadd.s32 $0xFFFFFD80  }
0xee: {  	[tilespmem:s4], [sflag:$0x1] =	stream.linear.gather [spmem:s2], $0x80, $0x38;
	[tilespmem:$0xA280] =	vst v63  }
0xef: {  	s5 =	simm.s32 $0x6980  }
0xf0: {  	[tilespmem:s5], [sflag:$0x1] =	stream.linear.gather [spmem:s7], $0x80, $0x38;
	[tilespmem:$0xA280] =	vst v63  }
0xf1: {  	s6 =	simm.s32 $0x6D80  }
0xf2: {  	[tilespmem:s6], [sflag:$0x1] =	stream.linear.gather [spmem:s8], $0x80, $0x38;
	[tilespmem:$0xA280] =	vst v63  }
0xf3: {  	s2 =	simm.s32 $0x7180  }
0xf4: {  	[tilespmem:s2], [sflag:$0x1] =	stream.linear.gather [spmem:s9], $0x80, $0x38;
	[tilespmem:$0xA280] =	vst v63  }
0xf5: {  	s4 =	simm.s32 $0x7580  }
0xf6: {  	[tilespmem:s4], [sflag:$0x1] =	stream.linear.gather [spmem:s10], $0x80, $0x38;
	[tilespmem:$0xA280] =	vst v63  }
0xf7: {  	_ =	swait.ge [sflag:s28], $0x280  }
0xf8: {  	[sflag:s28] =	ssyncset.done $0x0  }
0xf9: {  	s6 =	simm.s32 $0x6600;
	s5 =	rddreg [dreg:$0x11];
	[sflag:s28] =	ssyncadd.s32 $0xFFFFFD80  }
0xfa: {  	[tilespmem:s6], [sflag:$0x1] =	stream.linear.gather [spmem:s5], $0x80, $0x38;
	[tilespmem:$0xA280] =	vst v63  }
0xfb: {  	s2 =	simm.s32 $0x6A00  }
0xfc: {  	[tilespmem:s2], [sflag:$0x1] =	stream.linear.gather [spmem:s11], $0x80, $0x38;
	[tilespmem:$0xA280] =	vst v63  }
0xfd: {  	s4 =	simm.s32 $0x6E00  }
0xfe: {  	[tilespmem:s4], [sflag:$0x1] =	stream.linear.gather [spmem:s12], $0x80, $0x38;
	[tilespmem:$0xA280] =	vst v63  }
0xff: {  	s5 =	simm.s32 $0x7200  }
0x100: {  	[tilespmem:s5], [sflag:$0x1] =	stream.linear.gather [spmem:s13], $0x80, $0x38;
	[tilespmem:$0xA280] =	vst v63  }
0x101: {  	s6 =	simm.s32 $0x7600  }
0x102: {  	[tilespmem:s6], [sflag:$0x1] =	stream.linear.gather [spmem:s14], $0x80, $0x38;
	[tilespmem:$0xA280] =	vst v63  }
0x103: {  	_ =	swait.ge [sflag:s28], $0x280  }
0x104: {  	[sflag:s28] =	ssyncset.done $0x0  }
0x105: {  	s4 =	simm.s32 $0x6680;
	s2 =	rddreg [dreg:$0x12];
	[sflag:s28] =	ssyncadd.s32 $0xFFFFFD80  }
0x106: {  	[tilespmem:s4], [sflag:$0x1] =	stream.linear.gather [spmem:s2], $0x80, $0x38;
	[tilespmem:$0xA280] =	vst v63  }
0x107: {  	s5 =	simm.s32 $0x6A80  }
0x108: {  	[tilespmem:s5], [sflag:$0x1] =	stream.linear.gather [spmem:s15], $0x80, $0x38;
	[tilespmem:$0xA280] =	vst v63  }
0x109: {  	s6 =	simm.s32 $0x6E80  }
0x10a: {  	[tilespmem:s6], [sflag:$0x1] =	stream.linear.gather [spmem:s16], $0x80, $0x38;
	[tilespmem:$0xA280] =	vst v63  }
0x10b: {  	s2 =	simm.s32 $0x7280  }
0x10c: {  	[tilespmem:s2], [sflag:$0x1] =	stream.linear.gather [spmem:s17], $0x80, $0x38;
	[tilespmem:$0xA280] =	vst v63  }
0x10d: {  	s4 =	simm.s32 $0x7680  }
0x10e: {  	[tilespmem:s4], [sflag:$0x1] =	stream.linear.gather [spmem:s18], $0x80, $0x38;
	[tilespmem:$0xA280] =	vst v63  }
0x10f: {  	_ =	swait.ge [sflag:s28], $0x280  }
0x110: {  	[sflag:s28] =	ssyncset.done $0x0  }
0x111: {  	s6 =	simm.s32 $0x6700;
	s5 =	rddreg [dreg:$0x13];
	[sflag:s28] =	ssyncadd.s32 $0xFFFFFD80  }
0x112: {  	[tilespmem:s6], [sflag:$0x1] =	stream.linear.gather [spmem:s5], $0x80, $0x38;
	[tilespmem:$0xA280] =	vst v63  }
0x113: {  	s2 =	simm.s32 $0x6B00  }
0x114: {  	[tilespmem:s2], [sflag:$0x1] =	stream.linear.gather [spmem:s19], $0x80, $0x38;
	[tilespmem:$0xA280] =	vst v63  }
0x115: {  	s4 =	simm.s32 $0x6F00  }
0x116: {  	[tilespmem:s4], [sflag:$0x1] =	stream.linear.gather [spmem:s20], $0x80, $0x38;
	[tilespmem:$0xA280] =	vst v63  }
0x117: {  	s5 =	simm.s32 $0x7300  }
0x118: {  	[tilespmem:s5], [sflag:$0x1] =	stream.linear.gather [spmem:s21], $0x80, $0x38;
	[tilespmem:$0xA280] =	vst v63  }
0x119: {  	s6 =	simm.s32 $0x7700  }
0x11a: {  	[tilespmem:s6], [sflag:$0x1] =	stream.linear.gather [spmem:s22], $0x80, $0x38;
	[tilespmem:$0xA280] =	vst v63  }
0x11b: {  	_ =	swait.ge [sflag:s28], $0x280  }
0x11c: {  	[sflag:s28] =	ssyncset.done $0x0  }
0x11d: {  	s4 =	simm.s32 $0x6780;
	s2 =	rddreg [dreg:$0x14];
	[sflag:s28] =	ssyncadd.s32 $0xFFFFFD80  }
0x11e: {  	[tilespmem:s4], [sflag:$0x1] =	stream.linear.gather [spmem:s2], $0x80, $0x38;
	[tilespmem:$0xA280] =	vst v63  }
0x11f: {  	s5 =	simm.s32 $0x6B80  }
0x120: {  	[tilespmem:s5], [sflag:$0x1] =	stream.linear.gather [spmem:s23], $0x80, $0x38;
	[tilespmem:$0xA280] =	vst v63  }
0x121: {  	s6 =	simm.s32 $0x6F80  }
0x122: {  	[tilespmem:s6], [sflag:$0x1] =	stream.linear.gather [spmem:s24], $0x80, $0x38;
	[tilespmem:$0xA280] =	vst v63  }
0x123: {  	s2 =	simm.s32 $0x7380  }
0x124: {  	[tilespmem:s2], [sflag:$0x1] =	stream.linear.gather [spmem:s25], $0x80, $0x38;
	[tilespmem:$0xA280] =	vst v63  }
0x125: {  	s4 =	simm.s32 $0x7780  }
0x126: {  	[tilespmem:s4], [sflag:$0x1] =	stream.linear.gather [spmem:s26], $0x80, $0x38;
	[tilespmem:$0xA280] =	vst v63  }
0x127: {  	s5 =	simm.s32 $0x0;
	_ =	swait.ge [sflag:s28], $0x280  }
0x128: {  	s0 =	sand.u32 $0x1C00, s5;
	s6 =	sand.u32 $0x70, s5;
	[sflag:s28] =	ssyncset.done $0x0  }
0x129: {  	s0 =	sor.u32 s6, s0;
	[sflag:s28] =	ssyncadd.s32 $0xFFFFFD80  }
0x12a: {  	v2 =	vld [tilespmem:s0+$0x5000];
	_ =	sdelay $0x1  }
0x12b: {  	v3 =	vld [tilespmem:s0+$0x5080];
	_ =	sdelay $0x1  }
0x12c: {  	v4 =	vld [tilespmem:s0+$0x5100]  }
0x12d: {  	v2 =	vadd.f32 $0.0e+00, v2  }
0x12e: {  	v5 =	vld [tilespmem:s0+$0x5180]  }
0x12f: {  	v2 =	vadd.f32 v3, v2  }
0x130: {  	v3 =	vld [tilespmem:s0+$0x5200]  }
0x131: {  	v2 =	vadd.f32 v4, v2  }
0x132: {  	v56 =	vld [tilespmem:s0+$0x5280]  }
0x133: {  	v2 =	vadd.f32 v5, v2  }
0x134: {  	v57 =	vld [tilespmem:s0+$0x5300]  }
0x135: {  	v2 =	vadd.f32 v3, v2  }
0x136: {  	v3 =	vld [tilespmem:s0+$0x5380]  }
0x137: {  	v2 =	vadd.f32 v56, v2  }
0x138: {  	v58 =	vld [tilespmem:s0+$0x6400]  }
0x139: {  	v2 =	vadd.f32 v57, v2  }
0x13a: {  	v59 =	vld [tilespmem:s0+$0x6480]  }
0x13b: {  	v2 =	vadd.f32 v3, v2  }
0x13c: {  	v3 =	vld [tilespmem:s0+$0x6500]  }
0x13d: {  	v2 =	vadd.f32 v58, v2  }
0x13e: {  	v60 =	vld [tilespmem:s0+$0x6580]  }
0x13f: {  	v2 =	vadd.f32 v59, v2  }
0x140: {  	v61 =	vld [tilespmem:s0+$0x6600]  }
0x141: {  	v2 =	vadd.f32 v3, v2  }
0x142: {  	v3 =	vld [tilespmem:s0+$0x6680]  }
0x143: {  	v2 =	vadd.f32 v60, v2  }
0x144: {  	v62 =	vld [tilespmem:s0+$0x6700]  }
0x145: {  	v2 =	vadd.f32 v61, v2  }
0x146: {  	v63 =	vld [tilespmem:s0+$0x6780]  }
0x147: {  	v2 =	vadd.f32 v3, v2;
	_ =	sdelay $0x1  }
0x148: {  	v2 =	vadd.f32 v62, v2  }
0x149: {  	s2 =	simm.s32 $0x80  }
0x14a: {  	s6 =	sand.u32 $0x1C00, s2;
	s4 =	simm.s32 $0x10;
	v2 =	vadd.f32 v63, v2  }
0x14b: {  	s5 =	sand.u32 $0x70, s4;
	s4 =	simm.s32 $0x20;
	s0 =	simm.s32 $0x7800  }
.LBB2_6:
0x14c: {  	p0 =	sne.s32 s4, $0x270;
	s5 =	sor.u32 s5, s6;
	[tilespmem:s0+$0x0] =	vst v2  }
0x14d: {  	v2 =	vld [tilespmem:s5+$0x5000];
	_ =	sdelay $0x1  }
0x14e: {  	v3 =	vld [tilespmem:s5+$0x5080];
	_ =	sdelay $0x1  }
0x14f: {  	v4 =	vld [tilespmem:s5+$0x5100]  }
0x150: {  	v2 =	vadd.f32 $0.0e+00, v2  }
0x151: {  	v5 =	vld [tilespmem:s5+$0x5180]  }
0x152: {  	v2 =	vadd.f32 v3, v2  }
0x153: {  	v3 =	vld [tilespmem:s5+$0x5200]  }
0x154: {  	v2 =	vadd.f32 v4, v2  }
0x155: {  	v4 =	vld [tilespmem:s5+$0x5280]  }
0x156: {  	v2 =	vadd.f32 v5, v2  }
0x157: {  	v5 =	vld [tilespmem:s5+$0x5300]  }
0x158: {  	v2 =	vadd.f32 v3, v2  }
0x159: {  	v3 =	vld [tilespmem:s5+$0x5380]  }
0x15a: {  	v2 =	vadd.f32 v4, v2  }
0x15b: {  	v4 =	vld [tilespmem:s5+$0x6400]  }
0x15c: {  	v2 =	vadd.f32 v5, v2  }
0x15d: {  	v5 =	vld [tilespmem:s5+$0x6480]  }
0x15e: {  	v2 =	vadd.f32 v3, v2  }
0x15f: {  	v3 =	vld [tilespmem:s5+$0x6500]  }
0x160: {  	v2 =	vadd.f32 v4, v2  }
0x161: {  	v4 =	vld [tilespmem:s5+$0x6580]  }
0x162: {  	v2 =	vadd.f32 v5, v2  }
0x163: {  	v5 =	vld [tilespmem:s5+$0x6600]  }
0x164: {  	v2 =	vadd.f32 v3, v2  }
0x165: {  	v3 =	vld [tilespmem:s5+$0x6680]  }
0x166: {  	v2 =	vadd.f32 v4, v2  }
0x167: {  	v4 =	vld [tilespmem:s5+$0x6700]  }
0x168: {  	v2 =	vadd.f32 v5, v2  }
0x169: {  	v5 =	vld [tilespmem:s5+$0x6780]  }
0x16a: {  	v2 =	vadd.f32 v3, v2  }
.Ltmp2:
0x16b: {  	(pc) =	sbr.rel @p0 .LBB2_6-.Ltmp2, $3  }
0x16c: {  	v2 =	vadd.f32 v4, v2;
	_ =	sdelay $0x1  }
0x16d: {  	s2 =	sadd.s32 $0x80, s2;
	s0 =	sadd.s32 $0x10, s0;
	v2 =	vadd.f32 v5, v2  }
0x16e: {  	s6 =	sand.u32 $0x1C00, s2;
	s5 =	sand.u32 $0x70, s4;
	s4 =	sadd.s32 $0x10, s4  }
0x16f: {  	s2 =	sor.u32 s5, s6;
	[tilespmem:s0+$0x0] =	vst v2  }
0x170: {  	v2 =	vld [tilespmem:s2+$0x5000];
	_ =	sdelay $0x1  }
0x171: {  	v3 =	vld [tilespmem:s2+$0x5080];
	_ =	sdelay $0x1  }
0x172: {  	v4 =	vld [tilespmem:s2+$0x5100]  }
0x173: {  	v2 =	vadd.f32 $0.0e+00, v2  }
0x174: {  	v5 =	vld [tilespmem:s2+$0x5180]  }
0x175: {  	v2 =	vadd.f32 v3, v2  }
0x176: {  	v3 =	vld [tilespmem:s2+$0x5200]  }
0x177: {  	v2 =	vadd.f32 v4, v2  }
0x178: {  	v56 =	vld [tilespmem:s2+$0x5280]  }
0x179: {  	v2 =	vadd.f32 v5, v2  }
0x17a: {  	v57 =	vld [tilespmem:s2+$0x5300]  }
0x17b: {  	v2 =	vadd.f32 v3, v2  }
0x17c: {  	v3 =	vld [tilespmem:s2+$0x5380]  }
0x17d: {  	v2 =	vadd.f32 v56, v2  }
0x17e: {  	v58 =	vld [tilespmem:s2+$0x6400]  }
0x17f: {  	v2 =	vadd.f32 v57, v2  }
0x180: {  	v59 =	vld [tilespmem:s2+$0x6480]  }
0x181: {  	v2 =	vadd.f32 v3, v2  }
0x182: {  	v3 =	vld [tilespmem:s2+$0x6500]  }
0x183: {  	v2 =	vadd.f32 v58, v2  }
0x184: {  	v60 =	vld [tilespmem:s2+$0x6580]  }
0x185: {  	v2 =	vadd.f32 v59, v2  }
0x186: {  	v61 =	vld [tilespmem:s2+$0x6600]  }
0x187: {  	v2 =	vadd.f32 v3, v2  }
0x188: {  	v3 =	vld [tilespmem:s2+$0x6680]  }
0x189: {  	v2 =	vadd.f32 v60, v2  }
0x18a: {  	v62 =	vld [tilespmem:s2+$0x6700]  }
0x18b: {  	v2 =	vadd.f32 v61, v2  }
0x18c: {  	v63 =	vld [tilespmem:s2+$0x6780]  }
0x18d: {  	v2 =	vadd.f32 v3, v2;
	_ =	sdelay $0x1  }
0x18e: {  	v2 =	vadd.f32 v62, v2;
	_ =	sdelay $0x1  }
0x18f: {  	v2 =	vadd.f32 v63, v2  }
0x190: {  	s2 =	sadd.s32 $0x10, s0  }
0x191: {  	s4 =	rddreg [dreg:$0x15];
	s5 =	simm.s32 $0x7800;
	[tilespmem:s2+$0x0] =	vst v2  }
0x192: {  	[hbm4b:s4+s30] =	stream.strided.scatter [tilespmem:s5], [sflag:$0x1], $0x280, s31, s30, $0x38;
	[tilespmem:$0xA280] =	vst v63  }
0x193: {  	_ =	swait.ge [sflag:s28], $0x280  }
0x194: {  	s1 =	sadd.s32 $0x1, s1;
	s6 =	rddreg [dreg:$0x16]  }
0x195: {  	p0 =	sne.s32 s1, s6  }
.Ltmp3:
0x196: {  	_ = 	snop;
	(pc) =	sbr.rel @p0 .LBB2_1-.Ltmp3, $3  }
0x197: {  	_ =	sdelay $0x1  }
0x198: {  	[sflag:s28] =	ssyncset.done $0x0  }
0x199: {  	[sflag:s28] =	ssyncadd.s32 $0xFFFFFD80  }
0x19a: {  	_ =	sfence.sel $0x180000  }
0x19b: {  	[bflag:$0x0] =	sbarrier.arrive $0xFFFF  }
0x19c: {  	_ =	strace $0x90000047  }
0x19d: {  	s0 =	stileid.u32;
	[bflag:$0x2] =	sbarrier.arrive $0xFFFF  }
0x19e: {  	p0 =	sne.s32 s0, $0x0;
	s0 =	rddreg [dreg:$0x3]  }
0x19f: {  	s0 =	sadd.s32 @!p0 $0x100000, s0  }
0x1a0: {  	[sflag:s0] =	ssyncadd.tile.s32 @!p0 $0x1;
	_ =	shalt  }
.Lfunc_end2:
_tile_overlayer_lowered:
.L_overlay_start_2:
0x1a1: {  	(tag) =	ssettag $0x2  }
0x1a2: {  	s0 =	rddreg [dreg:$0x0];
	s2 =	stileid.u32  }
0x1a3: {  	s1 =	rddreg [dreg:$0x1];
	p0 =	sne.s32 s2, $0x0  }
0x1a4: {  	s3 =	rddreg [dreg:$0x2];
	[bflag:$0x3] =	sbarrier.arrive $0xFFFF;
	s2 =	simm.s32 @!p0 $0x1C01  }
0x1a5: {  	[timem:s3], [sflag:s2] =	dma.local @!p0 [hbm:s0], s1  }
0x1a6: {  	s0 =	simm.s32 @!p0 $0x1  }
0x1a7: {  	_ =	swait.ge @!p0 [sflag:s0], s1  }
0x1a8: {  	s1 =	ssub.s32 @!p0 $0x0, s1;
	[sflag:s0] =	ssyncset.done @!p0 $0x0  }
0x1a9: {  	[sflag:s0] =	ssyncadd.s32 @!p0 s1  }
0x1aa: {  	[bflag:$0x3] =	sbarrier.arrive $0xFFFF  }
0x1ab: {  	_ =	shalt  }

</sc_bundles>
